<compile_context>
chip_gen: v7x
topology: tpu7x:2x2x1
jax: 0.10.2.dev20260603
libtpu: 0.0.44.dev20260713+nightly
codegen_flags: <defaults>
</compile_context>

<pallas_src>
import functools

import jax
import jax.numpy as jnp
from jax import lax
from jax.experimental import pallas as pl
from jax.experimental.pallas import tpu as pltpu
from jax.experimental.pallas import tpu_sc as plsc

N = 10000
E = 160000
H = 128
STEPS = 5

NC = 2
NS = 16
NW = NC * NS
CHUNK = 128
NCHT = E // CHUNK
MAXK = -(-NCHT // NW)
RPT = 632
RPT_LAST = N - (NS - 1) * RPT

def _f32(shape):
  return jax.ShapeDtypeStruct(shape, jnp.float32)


@functools.cache
def _sc_kernels():
  mesh = plsc.VectorSubcoreMesh(
      core_axis_name="c", subcore_axis_name="s",
      num_cores=NC, num_subcores=NS)

  @functools.partial(
      pl.kernel,
      out_type=(_f32((E, H)), _f32((E, H))),
      mesh=mesh,
      scratch_types=[
          pltpu.VMEM((MAXK, CHUNK), jnp.int32),
          pltpu.VMEM((MAXK, CHUNK), jnp.int32),
          pltpu.VMEM((CHUNK, H), jnp.float32),
          pltpu.VMEM((CHUNK, H), jnp.float32),
          pltpu.SemaphoreType.DMA,
          pltpu.SemaphoreType.DMA,
      ],
  )
  def sc_gather(dst_hbm, src_hbm, pd_hbm, ps_hbm, gd_hbm, gs_hbm,
                idxd, idxs, bufd, bufs, semd, sems):
    wid = lax.axis_index("s") * NC + lax.axis_index("c")
    nk = jnp.where(wid < NCHT - (NCHT // NW) * NW, MAXK, NCHT // NW)

    def stage(k, _):
      off = pl.multiple_of((wid + k * NW) * CHUNK, CHUNK)
      pltpu.sync_copy(dst_hbm.at[pl.ds(off, CHUNK)], idxd.at[k])
      pltpu.sync_copy(src_hbm.at[pl.ds(off, CHUNK)], idxs.at[k])
      return 0

    lax.fori_loop(0, nk, stage, 0)

    def body(k, _):
      off = pl.multiple_of((wid + k * NW) * CHUNK, CHUNK)
      cd = pltpu.async_copy(pd_hbm.at[idxd.at[k]], bufd, semd)
      cs = pltpu.async_copy(ps_hbm.at[idxs.at[k]], bufs, sems)
      cd.wait()
      cs.wait()
      pltpu.sync_copy(bufd, gd_hbm.at[pl.ds(off, CHUNK)])
      pltpu.sync_copy(bufs, gs_hbm.at[pl.ds(off, CHUNK)])
      return 0

    lax.fori_loop(0, nk, body, 0)

  @functools.partial(
      pl.kernel,
      out_type=_f32((NC, N, H)),
      mesh=mesh,
      scratch_types=[
          pltpu.VMEM((MAXK, CHUNK), jnp.int32),
          pltpu.VMEM((CHUNK, H), jnp.float32),
          pltpu.VMEM_SHARED((N, H), jnp.float32),
          pltpu.SemaphoreType.DMA,
      ],
  )
  def sc_scatter(dst_hbm, e_hbm, zeros_hbm, out_hbm, idx, ebuf, acc, sem):
    c = lax.axis_index("c")
    s = lax.axis_index("s")
    wid = s * NC + c
    nk = jnp.where(wid < NCHT - (NCHT // NW) * NW, MAXK, NCHT // NW)

    @pl.when(s < NS - 1)
    def _():
      pltpu.sync_copy(zeros_hbm, acc.at[pl.ds(pl.multiple_of(s * RPT, 8), RPT)])

    @pl.when(s == NS - 1)
    def _():
      pltpu.sync_copy(zeros_hbm.at[pl.ds(0, RPT_LAST)],
                      acc.at[pl.ds((NS - 1) * RPT, RPT_LAST)])

    def stage(k, _):
      off = pl.multiple_of((wid + k * NW) * CHUNK, CHUNK)
      pltpu.sync_copy(dst_hbm.at[pl.ds(off, CHUNK)], idx.at[k])
      return 0

    lax.fori_loop(0, nk, stage, 0)
    plsc.subcore_barrier()

    def body(k, _):
      off = pl.multiple_of((wid + k * NW) * CHUNK, CHUNK)
      pltpu.async_copy(e_hbm.at[pl.ds(off, CHUNK)], ebuf, sem).wait()
      pltpu.sync_copy(ebuf, acc.at[idx.at[k]], add=True)
      return 0

    lax.fori_loop(0, nk, body, 0)
    plsc.subcore_barrier()

    @pl.when(s < NS - 1)
    def _():
      pltpu.sync_copy(acc.at[pl.ds(pl.multiple_of(s * RPT, 8), RPT)],
                      out_hbm.at[c, pl.ds(pl.multiple_of(s * RPT, 8), RPT)])

    @pl.when(s == NS - 1)
    def _():
      pltpu.sync_copy(acc.at[pl.ds((NS - 1) * RPT, RPT_LAST)],
                      out_hbm.at[c, pl.ds((NS - 1) * RPT, RPT_LAST)])

  return sc_gather, sc_scatter


def _ln(u, g, b):
  m = jnp.mean(u, axis=-1, keepdims=True)
  d = u - m
  var = jnp.mean(d * d, axis=-1, keepdims=True)
  return d / jnp.sqrt(var + 1e-5) * g + b


def _round_bf16(a):
  bi = lax.bitcast_convert_type(a, jnp.uint32)
  r = bi + jnp.uint32(0x7FFF) + ((bi >> jnp.uint32(16)) & jnp.uint32(1))
  return lax.bitcast_convert_type(r & jnp.uint32(0xFFFF0000), jnp.float32)


def _dot(a, b):
  return jnp.dot(_round_bf16(a), b, preferred_element_type=jnp.float32)


def _dotf(a, b):
  return jnp.dot(a, b, preferred_element_type=jnp.float32)


def _enc_node_body(x_ref, W0, b0, W1, b1, g, be, v_out):
  h = jnp.maximum(_dotf(x_ref[...], W0[...]) + b0[...], 0.0)
  u = jnp.maximum(_dot(h, W1[...]) + b1[...], 0.0)
  v_out[...] = _ln(u, g[...], be[...])


def _enc_edge_body(a_ref, W0, b0, W1, b1, g, be, e_out):
  h = jnp.maximum(_dotf(a_ref[...], W0[...]) + b0[...], 0.0)
  u = jnp.maximum(_dot(h, W1[...]) + b1[...], 0.0)
  e_out[...] = _ln(u, g[...], be[...])


def _edge_body(e_ref, vd_ref, vs_ref, W0, b0, W1, b1, g, be, e_out):
  cat = jnp.concatenate([e_ref[...], vd_ref[...], vs_ref[...]], axis=-1)
  t = _dot(cat, W0[...]) + b0[...]
  h = jnp.maximum(t, 0.0)
  u = jnp.maximum(_dot(h, W1[...]) + b1[...], 0.0)
  e_out[...] = _ln(u, g[...], be[...])


def _node_body(a0_ref, a1_ref, v_ref, W0, b0, W1, b1, g, be, v_out):
  agg = a0_ref[...] + a1_ref[...]
  cat = jnp.concatenate([agg, v_ref[...]], axis=-1)
  t = _dot(cat, W0[...]) + b0[...]
  h = jnp.maximum(t, 0.0)
  u = jnp.maximum(_dot(h, W1[...]) + b1[...], 0.0)
  v_out[...] = _ln(u, g[...], be[...])


def _dec_body(v_ref, W0, b0, W1, b1, Wf, bf, o_out):
  h = jnp.maximum(_dotf(v_ref[...], W0[...]) + b0[...], 0.0)
  u = jnp.maximum(_dot(h, W1[...]) + b1[...], 0.0)
  o_out[...] = _dot(u, Wf[...]) + bf[...]


def _full_spec(shape):
  nd = len(shape)
  return pl.BlockSpec(shape, lambda i, _n=nd: (0,) * _n)


def _row_spec(blk, width):
  return pl.BlockSpec((blk, width), lambda i: (i, 0))


NODE_BLK = 1000
EDGE_BLK = 2000


def kernel(x, edge_attr, edge_index,
           en_W0, en_b0, en_W1, en_b1, en_g, en_be,
           ee_W0, ee_b0, ee_W1, ee_b1, ee_g, ee_be,
           em_W0, em_b0, em_W1, em_b1, em_g, em_be,
           nm_W0, nm_b0, nm_W1, nm_b1, nm_g, nm_be,
           de_W0, de_b0, de_W1, de_b1, de_Wf, de_bf):
  r = lambda p: p.reshape(1, -1)
  src = edge_index[0]
  dst = edge_index[1]
  zeros = jnp.zeros((RPT, H), jnp.float32)

  node_grid = (N // NODE_BLK,)
  edge_grid = (E // EDGE_BLK,)
  nrow = _row_spec(NODE_BLK, H)
  erow = _row_spec(EDGE_BLK, H)

  v = pl.pallas_call(
      _enc_node_body,
      grid=node_grid,
      in_specs=[nrow] + [_full_spec(s) for s in
                         [(H, H), (1, H), (H, H), (1, H), (1, H), (1, H)]],
      out_specs=nrow,
      out_shape=_f32((N, H)),
  )(x, en_W0, r(en_b0), en_W1, r(en_b1), r(en_g), r(en_be))

  e = pl.pallas_call(
      _enc_edge_body,
      grid=edge_grid,
      in_specs=[_row_spec(EDGE_BLK, 4)] + [_full_spec(s) for s in
                [(4, H), (1, H), (H, H), (1, H), (1, H), (1, H)]],
      out_specs=erow,
      out_shape=_f32((E, H)),
  )(edge_attr, ee_W0, r(ee_b0), ee_W1, r(ee_b1), r(ee_g), r(ee_be))

  edge_call = pl.pallas_call(
      _edge_body,
      grid=edge_grid,
      in_specs=[erow, erow, erow] + [_full_spec(s) for s in
                [(3 * H, H), (1, H), (H, H), (1, H), (1, H), (1, H)]],
      out_specs=erow,
      out_shape=_f32((E, H)),
  )

  node_call = pl.pallas_call(
      _node_body,
      grid=node_grid,
      in_specs=[nrow, nrow, nrow] + [_full_spec(s) for s in
                [(2 * H, H), (1, H), (H, H), (1, H), (1, H), (1, H)]],
      out_specs=nrow,
      out_shape=_f32((N, H)),
  )

  sc_gather, sc_scatter = _sc_kernels()
  for _ in range(STEPS):
    vd, vs = sc_gather(dst, src, v, v)
    e = edge_call(e, vd, vs, em_W0, r(em_b0), em_W1,
                  r(em_b1), r(em_g), r(em_be))
    agg2 = sc_scatter(dst, e, zeros)
    v = node_call(agg2[0], agg2[1], v, nm_W0, r(nm_b0),
                  nm_W1, r(nm_b1), r(nm_g), r(nm_be))

  out = pl.pallas_call(
      _dec_body,
      grid=node_grid,
      in_specs=[nrow] + [_full_spec(s) for s in
                [(H, H), (1, H), (H, H), (1, H), (H, 4), (1, 4)]],
      out_specs=_row_spec(NODE_BLK, 4),
      out_shape=_f32((N, 4)),
  )(v, de_W0, r(de_b0), de_W1, r(de_b1), de_Wf, r(de_bf))
  return out

# --- scband reference (transcript-rebuilt; emitter-appended) ---
"""Pipeline reference for scband-graph-network-53455162966479 (READ-ONLY COPY).

The authoritative reference and input builder live on the scoring server;
editing this copy changes nothing except your own understanding.
"""

import jax, jax.numpy as jnp
import numpy as np

N = 10000
E = 160000
H = 128
ED = 4
XIN = 128
OUT = 4
STEPS = 5

def _lin(k, din, dout):
    W = jax.random.normal(k, (din, dout), jnp.float32) / np.sqrt(din)
    b = jnp.zeros((dout,), jnp.float32)
    return W, b

def setup_inputs(seed: int = 0) -> dict:
    key = jax.random.key(seed)
    ks = jax.random.split(key, 20)
    inp = {}
    inp['x'] = jax.random.normal(ks[0], (N, XIN), jnp.float32)
    inp['edge_attr'] = jax.random.normal(ks[1], (E, ED), jnp.float32)
    inp['edge_index'] = jax.random.randint(ks[2], (2, E), 0, N, jnp.int32)
    specs = [('en', XIN, H), ('ee', ED, H), ('em', 3 * H, H), ('nm', 2 * H, H), ('de', H, H)]
    i = 3
    for nm, din, h in specs:
        W0, b0 = _lin(ks[i], din, h); i += 1
        W1, b1 = _lin(ks[i], h, h); i += 1
        inp[nm + '_W0'] = W0; inp[nm + '_b0'] = b0
        inp[nm + '_W1'] = W1; inp[nm + '_b1'] = b1
        if nm != 'de':
            inp[nm + '_g'] = jnp.ones((h,), jnp.float32)
            inp[nm + '_be'] = jnp.zeros((h,), jnp.float32)
    Wf, bf = _lin(ks[i], H, OUT)
    inp['de_Wf'] = Wf; inp['de_bf'] = bf
    return inp

def _mlp(x, Ws, bs, activate_last):
    n = len(Ws)
    for i in range(n):
        x = x @ Ws[i] + bs[i]
        if i < n - 1 or activate_last:
            x = jax.nn.relu(x)
    return x

def _ln(x, g, b):
    m = jnp.mean(x, axis=-1, keepdims=True)
    v = jnp.var(x, axis=-1, keepdims=True)
    return (x - m) / jnp.sqrt(v + 1e-5) * g + b

def reference(x, edge_attr, edge_index, en_W0, en_b0, en_W1, en_b1, en_g, en_be, ee_W0, ee_b0, ee_W1, ee_b1, ee_g, ee_be, em_W0, em_b0, em_W1, em_b1, em_g, em_be, nm_W0, nm_b0, nm_W1, nm_b1, nm_g, nm_be, de_W0, de_b0, de_W1, de_b1, de_Wf, de_bf):
    # GraphEncoder: node_encoder / edge_encoder are NDenseBlocks with activate_last + layer_norm
    v = _ln(_mlp(x, [en_W0, en_W1], [en_b0, en_b1], True), en_g, en_be)
    e = _ln(_mlp(edge_attr, [ee_W0, ee_W1], [ee_b0, ee_b1], True), ee_g, ee_be)
    src = edge_index[0]
    dst = edge_index[1]
    # shared MetaLayer(EdgeModel, NodeModel) applied message_passing_steps times
    for _ in range(STEPS):
        # EdgeModel: mlp(e, dest, src) -> concat order (e, v[dst], v[src])
        e = _ln(_mlp(jnp.concatenate([e, v[dst], v[src]], axis=-1), [em_W0, em_W1], [em_b0, em_b1], True), em_g, em_be)
        # NodeModel: scatter_add(e, receiver, dim_size=N) then mlp(out, v)
        agg = jnp.zeros((v.shape[0], e.shape[1]), e.dtype).at[dst].add(e)
        v = _ln(_mlp(jnp.concatenate([agg, v], axis=-1), [nm_W0, nm_W1], [nm_b0, nm_b1], True), nm_g, nm_be)
    # GraphDecoder: NDenseBlock(h,h,n_dense, Linear(h, euclidean_dim), activate_last=True)
    out = _mlp(v, [de_W0, de_W1], [de_b0, de_b1], True) @ de_Wf + de_bf
    return out

if __name__ == "__main__":
    import jax
    _d = setup_inputs()
    print(jax.jit(kernel)(*tuple(_d.values())))

</pallas_src>

<mosaic_0001>
#map = affine_map<(d0, d1) -> (0)>
#map1 = affine_map<(d0, d1) -> (0, 0)>
#map2 = affine_map<(d0, d1) -> (0, 0, 0)>
module attributes {stable_mosaic.version = 14 : i64} {
  func.func @sc_scatter(%arg0: i32, %arg1: i32, %arg2: memref<160000xi32, #tpu.memory_space<hbm>>, %arg3: memref<160000x128xf32, #tpu.memory_space<hbm>>, %arg4: memref<632x128xf32, #tpu.memory_space<hbm>>, %arg5: memref<2x10000x128xf32, #tpu.memory_space<hbm>>, %arg6: memref<40x128xi32, #tpu.memory_space<vmem>>, %arg7: memref<128x128xf32, #tpu.memory_space<vmem>>, %arg8: memref<10000x128xf32, #tpu.memory_space<vmem_shared>>, %arg9: memref<!tpu.dma_semaphore, #tpu.memory_space<semaphore_mem>>) attributes {dimension_semantics = [#tpu.dimension_semantics<core_parallel>, #tpu.dimension_semantics<subcore_parallel>], iteration_bounds = array<i64: 2, 16>, scalar_prefetch = 0 : i64, scratch_operands = 4 : i64, tpu.core_type = #tpu.core_type<sc_vector_subcore>, window_params = [{transform_indices = #map}, {transform_indices = #map1}, {transform_indices = #map1}, {transform_indices = #map2}]} {
    %mul3A = arith.constant 2 : i32
    %mul3A_0 = arith.muli %arg1, %mul3A : i32
    %add3A = arith.addi %mul3A_0, %arg0 : i32
    %lt3A = arith.constant 2 : i32
    %lt3A_1 = arith.cmpi slt, %add3A, %lt3A : i32
    %jit3A = arith.constant 40 : i32
    %jit3A_2 = arith.constant 39 : i32
    %select_n3A = arith.select %lt3A_1, %jit3A, %jit3A_2 : i32
    %lt3A_3 = arith.constant 15 : i32
    %lt3A_4 = arith.cmpi slt, %arg1, %lt3A_3 : i32
    %convert_element_type3A = arith.extui %lt3A_4 : i1 to i32
    %cond3A = arith.constant 0 : i32
    %cond3A_5 = arith.cmpi ne, %convert_element_type3A, %cond3A : i32
    scf.if %cond3A_5 {
      %mul3A_44 = arith.constant 632 : i32
      %mul3A_45 = arith.muli %arg1, %mul3A_44 : i32
      %multiple_of3A = tpu.assume_multiple %mul3A_45, 8 : i32
      "tpu.region"() ({
        %run_scoped3A = tpu.sem_alloc : memref<!tpu.dma_semaphore, #tpu.memory_space<semaphore_mem>>
        %dma_start3A = arith.constant 0 : i32
        %dma_start3A_46 = tpu.memref_slice %arg8[%multiple_of3A, %dma_start3A] : memref<10000x128xf32, #tpu.memory_space<vmem_shared>> -> memref<632x128xf32, #tpu.memory_space<vmem_shared>>
        tpu.enqueue_dma source(%arg4 : memref<632x128xf32, #tpu.memory_space<hbm>>) target(%dma_start3A_46 : memref<632x128xf32, #tpu.memory_space<vmem_shared>>) target_semaphore(%run_scoped3A : memref<!tpu.dma_semaphore, #tpu.memory_space<semaphore_mem>>)
        %dma_wait3A = arith.constant 0 : i32
        %dma_wait3A_47 = tpu.memref_slice %arg8[%multiple_of3A, %dma_wait3A] : memref<10000x128xf32, #tpu.memory_space<vmem_shared>> -> memref<632x128xf32, #tpu.memory_space<vmem_shared>>
        tpu.wait_dma2 semaphore(%run_scoped3A : memref<!tpu.dma_semaphore, #tpu.memory_space<semaphore_mem>>) src(%arg4 : memref<632x128xf32, #tpu.memory_space<hbm>>) dst(%dma_wait3A_47 : memref<632x128xf32, #tpu.memory_space<vmem_shared>>)
        tpu.yield
      }) : () -> ()
    } else {
    }
    %eq3A = arith.constant 15 : i32
    %eq3A_6 = arith.cmpi eq, %arg1, %eq3A : i32
    %convert_element_type3A_7 = arith.extui %eq3A_6 : i1 to i32
    %cond3A_8 = arith.constant 0 : i32
    %cond3A_9 = arith.cmpi ne, %convert_element_type3A_7, %cond3A_8 : i32
    scf.if %cond3A_9 {
      "tpu.region"() ({
        %run_scoped3A = tpu.sem_alloc : memref<!tpu.dma_semaphore, #tpu.memory_space<semaphore_mem>>
        %dma_start3A = arith.constant 9480 : i32
        %dma_start3A_44 = arith.constant 0 : i32
        %dma_start3A_45 = tpu.memref_slice %arg8[%dma_start3A, %dma_start3A_44] : memref<10000x128xf32, #tpu.memory_space<vmem_shared>> -> memref<520x128xf32, #tpu.memory_space<vmem_shared>>
        %dma_start3A_46 = arith.constant 0 : i32
        %dma_start3A_47 = arith.constant 0 : i32
        %dma_start3A_48 = tpu.memref_slice %arg4[%dma_start3A_46, %dma_start3A_47] : memref<632x128xf32, #tpu.memory_space<hbm>> -> memref<520x128xf32, #tpu.memory_space<hbm>>
        tpu.enqueue_dma source(%dma_start3A_48 : memref<520x128xf32, #tpu.memory_space<hbm>>) target(%dma_start3A_45 : memref<520x128xf32, #tpu.memory_space<vmem_shared>>) target_semaphore(%run_scoped3A : memref<!tpu.dma_semaphore, #tpu.memory_space<semaphore_mem>>)
        %dma_wait3A = arith.constant 9480 : i32
        %dma_wait3A_49 = arith.constant 0 : i32
        %dma_wait3A_50 = tpu.memref_slice %arg8[%dma_wait3A, %dma_wait3A_49] : memref<10000x128xf32, #tpu.memory_space<vmem_shared>> -> memref<520x128xf32, #tpu.memory_space<vmem_shared>>
        %dma_wait3A_51 = arith.constant 0 : i32
        %dma_wait3A_52 = arith.constant 0 : i32
        %dma_wait3A_53 = tpu.memref_slice %arg4[%dma_wait3A_51, %dma_wait3A_52] : memref<632x128xf32, #tpu.memory_space<hbm>> -> memref<520x128xf32, #tpu.memory_space<hbm>>
        tpu.wait_dma2 semaphore(%run_scoped3A : memref<!tpu.dma_semaphore, #tpu.memory_space<semaphore_mem>>) src(%dma_wait3A_53 : memref<520x128xf32, #tpu.memory_space<hbm>>) dst(%dma_wait3A_50 : memref<520x128xf32, #tpu.memory_space<vmem_shared>>)
        tpu.yield
      }) : () -> ()
    } else {
    }
    %while3A = arith.constant 0 : i32
    %while3A_10 = arith.constant 0 : i32
    %while3A_11 = arith.subi %select_n3A, %while3A : i32
    %while3A_12 = arith.addi %while3A, %while3A_11 : i32
    %while3A_13 = arith.constant 1 : i32
    %while3A_14 = arith.divsi %while3A_11, %while3A_13 : i32
    %while3A_15 = arith.muli %while3A_14, %while3A_13 : i32
    %while3A_16 = arith.addi %while3A, %while3A_15 : i32
    %while3A_17 = arith.constant 1 : i32
    %while3A_18 = scf.for %while3A_44 = %while3A to %while3A_16 step %while3A_17 iter_args(%while3A_45 = %while3A_10) -> (i32)  : i32 {
      %mul3A_46 = arith.constant 32 : i32
      %mul3A_47 = arith.muli %while3A_44, %mul3A_46 : i32
      %add3A_48 = arith.addi %add3A, %mul3A_47 : i32
      %mul3A_49 = arith.constant 128 : i32
      %mul3A_50 = arith.muli %add3A_48, %mul3A_49 : i32
      %multiple_of3A = tpu.assume_multiple %mul3A_50, 128 : i32
      "tpu.region"() ({
        %run_scoped3A = tpu.sem_alloc : memref<!tpu.dma_semaphore, #tpu.memory_space<semaphore_mem>>
        %dma_start3A = arith.constant 0 : i32
        %dma_start3A_52 = tpu.memref_slice %arg6[%while3A_44, %dma_start3A] : memref<40x128xi32, #tpu.memory_space<vmem>> -> memref<1x128xi32, #tpu.memory_space<vmem>>
        %dma_start3A_53 = tpu.memref_squeeze %dma_start3A_52 : memref<1x128xi32, #tpu.memory_space<vmem>> -> memref<128xi32, #tpu.memory_space<vmem>>
        %dma_start3A_54 = tpu.memref_slice %arg2[%multiple_of3A] : memref<160000xi32, #tpu.memory_space<hbm>> -> memref<128xi32, #tpu.memory_space<hbm>>
        %dma_start3A_55 = arith.constant 0 : i32
        %dma_start3A_56 = tpu.memref_slice %arg6[%while3A_44, %dma_start3A_55] : memref<40x128xi32, #tpu.memory_space<vmem>> -> memref<1x128xi32, #tpu.memory_space<vmem>>
        %dma_start3A_57 = tpu.memref_squeeze %dma_start3A_56 : memref<1x128xi32, #tpu.memory_space<vmem>> -> memref<128xi32, #tpu.memory_space<vmem>>
        %dma_start3A_58 = tpu.memref_slice %arg2[%multiple_of3A] : memref<160000xi32, #tpu.memory_space<hbm>> -> memref<128xi32, #tpu.memory_space<hbm>>
        tpu.enqueue_dma source(%dma_start3A_58 : memref<128xi32, #tpu.memory_space<hbm>>) target(%dma_start3A_57 : memref<128xi32, #tpu.memory_space<vmem>>) target_semaphore(%run_scoped3A : memref<!tpu.dma_semaphore, #tpu.memory_space<semaphore_mem>>)
        %dma_wait3A = arith.constant 0 : i32
        %dma_wait3A_59 = tpu.memref_slice %arg6[%while3A_44, %dma_wait3A] : memref<40x128xi32, #tpu.memory_space<vmem>> -> memref<1x128xi32, #tpu.memory_space<vmem>>
        %dma_wait3A_60 = tpu.memref_squeeze %dma_wait3A_59 : memref<1x128xi32, #tpu.memory_space<vmem>> -> memref<128xi32, #tpu.memory_space<vmem>>
        %dma_wait3A_61 = tpu.memref_slice %arg2[%multiple_of3A] : memref<160000xi32, #tpu.memory_space<hbm>> -> memref<128xi32, #tpu.memory_space<hbm>>
        %dma_wait3A_62 = arith.constant 0 : i32
        %dma_wait3A_63 = tpu.memref_slice %arg6[%while3A_44, %dma_wait3A_62] : memref<40x128xi32, #tpu.memory_space<vmem>> -> memref<1x128xi32, #tpu.memory_space<vmem>>
        %dma_wait3A_64 = tpu.memref_squeeze %dma_wait3A_63 : memref<1x128xi32, #tpu.memory_space<vmem>> -> memref<128xi32, #tpu.memory_space<vmem>>
        %dma_wait3A_65 = tpu.memref_slice %arg2[%multiple_of3A] : memref<160000xi32, #tpu.memory_space<hbm>> -> memref<128xi32, #tpu.memory_space<hbm>>
        tpu.wait_dma2 semaphore(%run_scoped3A : memref<!tpu.dma_semaphore, #tpu.memory_space<semaphore_mem>>) src(%dma_wait3A_65 : memref<128xi32, #tpu.memory_space<hbm>>) dst(%dma_wait3A_64 : memref<128xi32, #tpu.memory_space<vmem>>)
        tpu.yield
      }) : () -> ()
      %while3A_51 = arith.constant 0 : i32
      scf.yield %while3A_51 : i32
    }
    %while3A_19 = arith.constant 1 : i32
    %while3A_20 = scf.for %while3A_44 = %while3A_16 to %while3A_12 step %while3A_19 iter_args(%while3A_45 = %while3A_18) -> (i32)  : i32 {
      %mul3A_46 = arith.constant 32 : i32
      %mul3A_47 = arith.muli %while3A_44, %mul3A_46 : i32
      %add3A_48 = arith.addi %add3A, %mul3A_47 : i32
      %mul3A_49 = arith.constant 128 : i32
      %mul3A_50 = arith.muli %add3A_48, %mul3A_49 : i32
      %multiple_of3A = tpu.assume_multiple %mul3A_50, 128 : i32
      "tpu.region"() ({
        %run_scoped3A = tpu.sem_alloc : memref<!tpu.dma_semaphore, #tpu.memory_space<semaphore_mem>>
        %dma_start3A = arith.constant 0 : i32
        %dma_start3A_52 = tpu.memref_slice %arg6[%while3A_44, %dma_start3A] : memref<40x128xi32, #tpu.memory_space<vmem>> -> memref<1x128xi32, #tpu.memory_space<vmem>>
        %dma_start3A_53 = tpu.memref_squeeze %dma_start3A_52 : memref<1x128xi32, #tpu.memory_space<vmem>> -> memref<128xi32, #tpu.memory_space<vmem>>
        %dma_start3A_54 = tpu.memref_slice %arg2[%multiple_of3A] : memref<160000xi32, #tpu.memory_space<hbm>> -> memref<128xi32, #tpu.memory_space<hbm>>
        %dma_start3A_55 = arith.constant 0 : i32
        %dma_start3A_56 = tpu.memref_slice %arg6[%while3A_44, %dma_start3A_55] : memref<40x128xi32, #tpu.memory_space<vmem>> -> memref<1x128xi32, #tpu.memory_space<vmem>>
        %dma_start3A_57 = tpu.memref_squeeze %dma_start3A_56 : memref<1x128xi32, #tpu.memory_space<vmem>> -> memref<128xi32, #tpu.memory_space<vmem>>
        %dma_start3A_58 = tpu.memref_slice %arg2[%multiple_of3A] : memref<160000xi32, #tpu.memory_space<hbm>> -> memref<128xi32, #tpu.memory_space<hbm>>
        tpu.enqueue_dma source(%dma_start3A_58 : memref<128xi32, #tpu.memory_space<hbm>>) target(%dma_start3A_57 : memref<128xi32, #tpu.memory_space<vmem>>) target_semaphore(%run_scoped3A : memref<!tpu.dma_semaphore, #tpu.memory_space<semaphore_mem>>)
        %dma_wait3A = arith.constant 0 : i32
        %dma_wait3A_59 = tpu.memref_slice %arg6[%while3A_44, %dma_wait3A] : memref<40x128xi32, #tpu.memory_space<vmem>> -> memref<1x128xi32, #tpu.memory_space<vmem>>
        %dma_wait3A_60 = tpu.memref_squeeze %dma_wait3A_59 : memref<1x128xi32, #tpu.memory_space<vmem>> -> memref<128xi32, #tpu.memory_space<vmem>>
        %dma_wait3A_61 = tpu.memref_slice %arg2[%multiple_of3A] : memref<160000xi32, #tpu.memory_space<hbm>> -> memref<128xi32, #tpu.memory_space<hbm>>
        %dma_wait3A_62 = arith.constant 0 : i32
        %dma_wait3A_63 = tpu.memref_slice %arg6[%while3A_44, %dma_wait3A_62] : memref<40x128xi32, #tpu.memory_space<vmem>> -> memref<1x128xi32, #tpu.memory_space<vmem>>
        %dma_wait3A_64 = tpu.memref_squeeze %dma_wait3A_63 : memref<1x128xi32, #tpu.memory_space<vmem>> -> memref<128xi32, #tpu.memory_space<vmem>>
        %dma_wait3A_65 = tpu.memref_slice %arg2[%multiple_of3A] : memref<160000xi32, #tpu.memory_space<hbm>> -> memref<128xi32, #tpu.memory_space<hbm>>
        tpu.wait_dma2 semaphore(%run_scoped3A : memref<!tpu.dma_semaphore, #tpu.memory_space<semaphore_mem>>) src(%dma_wait3A_65 : memref<128xi32, #tpu.memory_space<hbm>>) dst(%dma_wait3A_64 : memref<128xi32, #tpu.memory_space<vmem>>)
        tpu.yield
      }) : () -> ()
      %while3A_51 = arith.constant 0 : i32
      scf.yield %while3A_51 : i32
    }
    %barrier3A = arith.constant 0 : index
    tpu.barrier barrier_id(%barrier3A)
    %while3A_21 = arith.constant 0 : i32
    %while3A_22 = arith.constant 0 : i32
    %while3A_23 = arith.subi %select_n3A, %while3A_21 : i32
    %while3A_24 = arith.addi %while3A_21, %while3A_23 : i32
    %while3A_25 = arith.constant 1 : i32
    %while3A_26 = arith.divsi %while3A_23, %while3A_25 : i32
    %while3A_27 = arith.muli %while3A_26, %while3A_25 : i32
    %while3A_28 = arith.addi %while3A_21, %while3A_27 : i32
    %while3A_29 = arith.constant 1 : i32
    %while3A_30 = scf.for %while3A_44 = %while3A_21 to %while3A_28 step %while3A_29 iter_args(%while3A_45 = %while3A_22) -> (i32)  : i32 {
      %mul3A_46 = arith.constant 32 : i32
      %mul3A_47 = arith.muli %while3A_44, %mul3A_46 : i32
      %add3A_48 = arith.addi %add3A, %mul3A_47 : i32
      %mul3A_49 = arith.constant 128 : i32
      %mul3A_50 = arith.muli %add3A_48, %mul3A_49 : i32
      %multiple_of3A = tpu.assume_multiple %mul3A_50, 128 : i32
      %dma_start3A = arith.constant 0 : i32
      %dma_start3A_51 = tpu.memref_slice %arg3[%multiple_of3A, %dma_start3A] : memref<160000x128xf32, #tpu.memory_space<hbm>> -> memref<128x128xf32, #tpu.memory_space<hbm>>
      %dma_start3A_52 = arith.constant 0 : i32
      %dma_start3A_53 = tpu.memref_slice %arg3[%multiple_of3A, %dma_start3A_52] : memref<160000x128xf32, #tpu.memory_space<hbm>> -> memref<128x128xf32, #tpu.memory_space<hbm>>
      tpu.enqueue_dma source(%dma_start3A_53 : memref<128x128xf32, #tpu.memory_space<hbm>>) target(%arg7 : memref<128x128xf32, #tpu.memory_space<vmem>>) target_semaphore(%arg9 : memref<!tpu.dma_semaphore, #tpu.memory_space<semaphore_mem>>)
      %dma_wait3A = arith.constant 0 : i32
      %dma_wait3A_54 = tpu.memref_slice %arg3[%multiple_of3A, %dma_wait3A] : memref<160000x128xf32, #tpu.memory_space<hbm>> -> memref<128x128xf32, #tpu.memory_space<hbm>>
      %dma_wait3A_55 = arith.constant 0 : i32
      %dma_wait3A_56 = tpu.memref_slice %arg3[%multiple_of3A, %dma_wait3A_55] : memref<160000x128xf32, #tpu.memory_space<hbm>> -> memref<128x128xf32, #tpu.memory_space<hbm>>
      tpu.wait_dma2 semaphore(%arg9 : memref<!tpu.dma_semaphore, #tpu.memory_space<semaphore_mem>>) src(%dma_wait3A_56 : memref<128x128xf32, #tpu.memory_space<hbm>>) dst(%arg7 : memref<128x128xf32, #tpu.memory_space<vmem>>)
      "tpu.region"() ({
        %run_scoped3A = tpu.sem_alloc : memref<!tpu.dma_semaphore, #tpu.memory_space<semaphore_mem>>
        %dma_start3A_58 = arith.constant 0 : i32
        %dma_start3A_59 = tpu.memref_slice %arg6[%while3A_44, %dma_start3A_58] : memref<40x128xi32, #tpu.memory_space<vmem>> -> memref<1x128xi32, #tpu.memory_space<vmem>>
        %dma_start3A_60 = tpu.memref_squeeze %dma_start3A_59 : memref<1x128xi32, #tpu.memory_space<vmem>> -> memref<128xi32, #tpu.memory_space<vmem>>
        %dma_start3A_61 = arith.constant 0 : i32
        %dma_start3A_62 = arith.constant 0 : i32
        %dma_start3A_63 = tpu.memref_slice %arg8[%dma_start3A_61, %dma_start3A_62] : memref<10000x128xf32, #tpu.memory_space<vmem_shared>> -> memref<10000x128xf32, #tpu.memory_space<vmem_shared>>
        tpu.enqueue_indirect_dma source(%arg7 : memref<128x128xf32, #tpu.memory_space<vmem>>) target(%dma_start3A_63 : memref<10000x128xf32, #tpu.memory_space<vmem_shared>>) offsets(%dma_start3A_60 : memref<128xi32, #tpu.memory_space<vmem>>) semaphore(%run_scoped3A : memref<!tpu.dma_semaphore, #tpu.memory_space<semaphore_mem>>) {add = true}
        %dma_wait3A_64 = arith.constant 0 : i32
        %dma_wait3A_65 = tpu.memref_slice %arg6[%while3A_44, %dma_wait3A_64] : memref<40x128xi32, #tpu.memory_space<vmem>> -> memref<1x128xi32, #tpu.memory_space<vmem>>
        %dma_wait3A_66 = tpu.memref_squeeze %dma_wait3A_65 : memref<1x128xi32, #tpu.memory_space<vmem>> -> memref<128xi32, #tpu.memory_space<vmem>>
        %dma_wait3A_67 = arith.constant 0 : i32
        %dma_wait3A_68 = arith.constant 0 : i32
        %dma_wait3A_69 = tpu.memref_slice %arg8[%dma_wait3A_67, %dma_wait3A_68] : memref<10000x128xf32, #tpu.memory_space<vmem_shared>> -> memref<10000x128xf32, #tpu.memory_space<vmem_shared>>
        tpu.wait_indirect_dma semaphore(%run_scoped3A : memref<!tpu.dma_semaphore, #tpu.memory_space<semaphore_mem>>) src(%arg7 : memref<128x128xf32, #tpu.memory_space<vmem>>) dst(%dma_wait3A_69 : memref<10000x128xf32, #tpu.memory_space<vmem_shared>>)
        tpu.yield
      }) : () -> ()
      %while3A_57 = arith.constant 0 : i32
      scf.yield %while3A_57 : i32
    }
    %while3A_31 = arith.constant 1 : i32
    %while3A_32 = scf.for %while3A_44 = %while3A_28 to %while3A_24 step %while3A_31 iter_args(%while3A_45 = %while3A_30) -> (i32)  : i32 {
      %mul3A_46 = arith.constant 32 : i32
      %mul3A_47 = arith.muli %while3A_44, %mul3A_46 : i32
      %add3A_48 = arith.addi %add3A, %mul3A_47 : i32
      %mul3A_49 = arith.constant 128 : i32
      %mul3A_50 = arith.muli %add3A_48, %mul3A_49 : i32
      %multiple_of3A = tpu.assume_multiple %mul3A_50, 128 : i32
      %dma_start3A = arith.constant 0 : i32
      %dma_start3A_51 = tpu.memref_slice %arg3[%multiple_of3A, %dma_start3A] : memref<160000x128xf32, #tpu.memory_space<hbm>> -> memref<128x128xf32, #tpu.memory_space<hbm>>
      %dma_start3A_52 = arith.constant 0 : i32
      %dma_start3A_53 = tpu.memref_slice %arg3[%multiple_of3A, %dma_start3A_52] : memref<160000x128xf32, #tpu.memory_space<hbm>> -> memref<128x128xf32, #tpu.memory_space<hbm>>
      tpu.enqueue_dma source(%dma_start3A_53 : memref<128x128xf32, #tpu.memory_space<hbm>>) target(%arg7 : memref<128x128xf32, #tpu.memory_space<vmem>>) target_semaphore(%arg9 : memref<!tpu.dma_semaphore, #tpu.memory_space<semaphore_mem>>)
      %dma_wait3A = arith.constant 0 : i32
      %dma_wait3A_54 = tpu.memref_slice %arg3[%multiple_of3A, %dma_wait3A] : memref<160000x128xf32, #tpu.memory_space<hbm>> -> memref<128x128xf32, #tpu.memory_space<hbm>>
      %dma_wait3A_55 = arith.constant 0 : i32
      %dma_wait3A_56 = tpu.memref_slice %arg3[%multiple_of3A, %dma_wait3A_55] : memref<160000x128xf32, #tpu.memory_space<hbm>> -> memref<128x128xf32, #tpu.memory_space<hbm>>
      tpu.wait_dma2 semaphore(%arg9 : memref<!tpu.dma_semaphore, #tpu.memory_space<semaphore_mem>>) src(%dma_wait3A_56 : memref<128x128xf32, #tpu.memory_space<hbm>>) dst(%arg7 : memref<128x128xf32, #tpu.memory_space<vmem>>)
      "tpu.region"() ({
        %run_scoped3A = tpu.sem_alloc : memref<!tpu.dma_semaphore, #tpu.memory_space<semaphore_mem>>
        %dma_start3A_58 = arith.constant 0 : i32
        %dma_start3A_59 = tpu.memref_slice %arg6[%while3A_44, %dma_start3A_58] : memref<40x128xi32, #tpu.memory_space<vmem>> -> memref<1x128xi32, #tpu.memory_space<vmem>>
        %dma_start3A_60 = tpu.memref_squeeze %dma_start3A_59 : memref<1x128xi32, #tpu.memory_space<vmem>> -> memref<128xi32, #tpu.memory_space<vmem>>
        %dma_start3A_61 = arith.constant 0 : i32
        %dma_start3A_62 = arith.constant 0 : i32
        %dma_start3A_63 = tpu.memref_slice %arg8[%dma_start3A_61, %dma_start3A_62] : memref<10000x128xf32, #tpu.memory_space<vmem_shared>> -> memref<10000x128xf32, #tpu.memory_space<vmem_shared>>
        tpu.enqueue_indirect_dma source(%arg7 : memref<128x128xf32, #tpu.memory_space<vmem>>) target(%dma_start3A_63 : memref<10000x128xf32, #tpu.memory_space<vmem_shared>>) offsets(%dma_start3A_60 : memref<128xi32, #tpu.memory_space<vmem>>) semaphore(%run_scoped3A : memref<!tpu.dma_semaphore, #tpu.memory_space<semaphore_mem>>) {add = true}
        %dma_wait3A_64 = arith.constant 0 : i32
        %dma_wait3A_65 = tpu.memref_slice %arg6[%while3A_44, %dma_wait3A_64] : memref<40x128xi32, #tpu.memory_space<vmem>> -> memref<1x128xi32, #tpu.memory_space<vmem>>
        %dma_wait3A_66 = tpu.memref_squeeze %dma_wait3A_65 : memref<1x128xi32, #tpu.memory_space<vmem>> -> memref<128xi32, #tpu.memory_space<vmem>>
        %dma_wait3A_67 = arith.constant 0 : i32
        %dma_wait3A_68 = arith.constant 0 : i32
        %dma_wait3A_69 = tpu.memref_slice %arg8[%dma_wait3A_67, %dma_wait3A_68] : memref<10000x128xf32, #tpu.memory_space<vmem_shared>> -> memref<10000x128xf32, #tpu.memory_space<vmem_shared>>
        tpu.wait_indirect_dma semaphore(%run_scoped3A : memref<!tpu.dma_semaphore, #tpu.memory_space<semaphore_mem>>) src(%arg7 : memref<128x128xf32, #tpu.memory_space<vmem>>) dst(%dma_wait3A_69 : memref<10000x128xf32, #tpu.memory_space<vmem_shared>>)
        tpu.yield
      }) : () -> ()
      %while3A_57 = arith.constant 0 : i32
      scf.yield %while3A_57 : i32
    }
    %barrier3A_33 = arith.constant 0 : index
    tpu.barrier barrier_id(%barrier3A_33)
    %lt3A_34 = arith.constant 15 : i32
    %lt3A_35 = arith.cmpi slt, %arg1, %lt3A_34 : i32
    %convert_element_type3A_36 = arith.extui %lt3A_35 : i1 to i32
    %cond3A_37 = arith.constant 0 : i32
    %cond3A_38 = arith.cmpi ne, %convert_element_type3A_36, %cond3A_37 : i32
    scf.if %cond3A_38 {
      %mul3A_44 = arith.constant 632 : i32
      %mul3A_45 = arith.muli %arg1, %mul3A_44 : i32
      %multiple_of3A = tpu.assume_multiple %mul3A_45, 8 : i32
      %mul3A_46 = arith.constant 632 : i32
      %mul3A_47 = arith.muli %arg1, %mul3A_46 : i32
      %multiple_of3A_48 = tpu.assume_multiple %mul3A_47, 8 : i32
      "tpu.region"() ({
        %run_scoped3A = tpu.sem_alloc : memref<!tpu.dma_semaphore, #tpu.memory_space<semaphore_mem>>
        %dma_start3A = arith.constant 0 : i32
        %dma_start3A_49 = tpu.memref_slice %arg5[%arg0, %multiple_of3A_48, %dma_start3A] : memref<2x10000x128xf32, #tpu.memory_space<hbm>> -> memref<1x632x128xf32, #tpu.memory_space<hbm>>
        %dma_start3A_50 = tpu.memref_squeeze %dma_start3A_49 : memref<1x632x128xf32, #tpu.memory_space<hbm>> -> memref<632x128xf32, #tpu.memory_space<hbm>>
        %dma_start3A_51 = arith.constant 0 : i32
        %dma_start3A_52 = tpu.memref_slice %arg8[%multiple_of3A, %dma_start3A_51] : memref<10000x128xf32, #tpu.memory_space<vmem_shared>> -> memref<632x128xf32, #tpu.memory_space<vmem_shared>>
        tpu.enqueue_dma source(%dma_start3A_52 : memref<632x128xf32, #tpu.memory_space<vmem_shared>>) target(%dma_start3A_50 : memref<632x128xf32, #tpu.memory_space<hbm>>) target_semaphore(%run_scoped3A : memref<!tpu.dma_semaphore, #tpu.memory_space<semaphore_mem>>)
        %dma_wait3A = arith.constant 0 : i32
        %dma_wait3A_53 = tpu.memref_slice %arg5[%arg0, %multiple_of3A_48, %dma_wait3A] : memref<2x10000x128xf32, #tpu.memory_space<hbm>> -> memref<1x632x128xf32, #tpu.memory_space<hbm>>
        %dma_wait3A_54 = tpu.memref_squeeze %dma_wait3A_53 : memref<1x632x128xf32, #tpu.memory_space<hbm>> -> memref<632x128xf32, #tpu.memory_space<hbm>>
        %dma_wait3A_55 = arith.constant 0 : i32
        %dma_wait3A_56 = tpu.memref_slice %arg8[%multiple_of3A, %dma_wait3A_55] : memref<10000x128xf32, #tpu.memory_space<vmem_shared>> -> memref<632x128xf32, #tpu.memory_space<vmem_shared>>
        tpu.wait_dma2 semaphore(%run_scoped3A : memref<!tpu.dma_semaphore, #tpu.memory_space<semaphore_mem>>) src(%dma_wait3A_56 : memref<632x128xf32, #tpu.memory_space<vmem_shared>>) dst(%dma_wait3A_54 : memref<632x128xf32, #tpu.memory_space<hbm>>)
        tpu.yield
      }) : () -> ()
    } else {
    }
    %eq3A_39 = arith.constant 15 : i32
    %eq3A_40 = arith.cmpi eq, %arg1, %eq3A_39 : i32
    %convert_element_type3A_41 = arith.extui %eq3A_40 : i1 to i32
    %cond3A_42 = arith.constant 0 : i32
    %cond3A_43 = arith.cmpi ne, %convert_element_type3A_41, %cond3A_42 : i32
    scf.if %cond3A_43 {
      "tpu.region"() ({
        %run_scoped3A = tpu.sem_alloc : memref<!tpu.dma_semaphore, #tpu.memory_space<semaphore_mem>>
        %dma_start3A = arith.constant 9480 : i32
        %dma_start3A_44 = arith.constant 0 : i32
        %dma_start3A_45 = tpu.memref_slice %arg5[%arg0, %dma_start3A, %dma_start3A_44] : memref<2x10000x128xf32, #tpu.memory_space<hbm>> -> memref<1x520x128xf32, #tpu.memory_space<hbm>>
        %dma_start3A_46 = tpu.memref_squeeze %dma_start3A_45 : memref<1x520x128xf32, #tpu.memory_space<hbm>> -> memref<520x128xf32, #tpu.memory_space<hbm>>
        %dma_start3A_47 = arith.constant 9480 : i32
        %dma_start3A_48 = arith.constant 0 : i32
        %dma_start3A_49 = tpu.memref_slice %arg8[%dma_start3A_47, %dma_start3A_48] : memref<10000x128xf32, #tpu.memory_space<vmem_shared>> -> memref<520x128xf32, #tpu.memory_space<vmem_shared>>
        tpu.enqueue_dma source(%dma_start3A_49 : memref<520x128xf32, #tpu.memory_space<vmem_shared>>) target(%dma_start3A_46 : memref<520x128xf32, #tpu.memory_space<hbm>>) target_semaphore(%run_scoped3A : memref<!tpu.dma_semaphore, #tpu.memory_space<semaphore_mem>>)
        %dma_wait3A = arith.constant 9480 : i32
        %dma_wait3A_50 = arith.constant 0 : i32
        %dma_wait3A_51 = tpu.memref_slice %arg5[%arg0, %dma_wait3A, %dma_wait3A_50] : memref<2x10000x128xf32, #tpu.memory_space<hbm>> -> memref<1x520x128xf32, #tpu.memory_space<hbm>>
        %dma_wait3A_52 = tpu.memref_squeeze %dma_wait3A_51 : memref<1x520x128xf32, #tpu.memory_space<hbm>> -> memref<520x128xf32, #tpu.memory_space<hbm>>
        %dma_wait3A_53 = arith.constant 9480 : i32
        %dma_wait3A_54 = arith.constant 0 : i32
        %dma_wait3A_55 = tpu.memref_slice %arg8[%dma_wait3A_53, %dma_wait3A_54] : memref<10000x128xf32, #tpu.memory_space<vmem_shared>> -> memref<520x128xf32, #tpu.memory_space<vmem_shared>>
        tpu.wait_dma2 semaphore(%run_scoped3A : memref<!tpu.dma_semaphore, #tpu.memory_space<semaphore_mem>>) src(%dma_wait3A_55 : memref<520x128xf32, #tpu.memory_space<vmem_shared>>) dst(%dma_wait3A_52 : memref<520x128xf32, #tpu.memory_space<hbm>>)
        tpu.yield
      }) : () -> ()
    } else {
    }
    return
  }
}

#map = affine_map<(d0, d1) -> (0)>
#map1 = affine_map<(d0, d1) -> (0, 0)>
module attributes {stable_mosaic.version = 14 : i64} {
  func.func @sc_gather(%arg0: i32, %arg1: i32, %arg2: memref<160000xi32, #tpu.memory_space<hbm>>, %arg3: memref<160000xi32, #tpu.memory_space<hbm>>, %arg4: memref<10000x128xf32, #tpu.memory_space<hbm>>, %arg5: memref<10000x128xf32, #tpu.memory_space<hbm>>, %arg6: memref<160000x128xf32, #tpu.memory_space<hbm>>, %arg7: memref<160000x128xf32, #tpu.memory_space<hbm>>, %arg8: memref<40x128xi32, #tpu.memory_space<vmem>>, %arg9: memref<40x128xi32, #tpu.memory_space<vmem>>, %arg10: memref<128x128xf32, #tpu.memory_space<vmem>>, %arg11: memref<128x128xf32, #tpu.memory_space<vmem>>, %arg12: memref<!tpu.dma_semaphore, #tpu.memory_space<semaphore_mem>>, %arg13: memref<!tpu.dma_semaphore, #tpu.memory_space<semaphore_mem>>) attributes {dimension_semantics = [#tpu.dimension_semantics<core_parallel>, #tpu.dimension_semantics<subcore_parallel>], iteration_bounds = array<i64: 2, 16>, scalar_prefetch = 0 : i64, scratch_operands = 6 : i64, tpu.core_type = #tpu.core_type<sc_vector_subcore>, window_params = [{transform_indices = #map}, {transform_indices = #map}, {transform_indices = #map1}, {transform_indices = #map1}, {transform_indices = #map1}, {transform_indices = #map1}]} {
    %mul3A = arith.constant 2 : i32
    %mul3A_0 = arith.muli %arg1, %mul3A : i32
    %add3A = arith.addi %mul3A_0, %arg0 : i32
    %lt3A = arith.constant 2 : i32
    %lt3A_1 = arith.cmpi slt, %add3A, %lt3A : i32
    %jit3A = arith.constant 40 : i32
    %jit3A_2 = arith.constant 39 : i32
    %select_n3A = arith.select %lt3A_1, %jit3A, %jit3A_2 : i32
    %while3A = arith.constant 0 : i32
    %while3A_3 = arith.constant 0 : i32
    %while3A_4 = arith.subi %select_n3A, %while3A : i32
    %while3A_5 = arith.addi %while3A, %while3A_4 : i32
    %while3A_6 = arith.constant 1 : i32
    %while3A_7 = arith.divsi %while3A_4, %while3A_6 : i32
    %while3A_8 = arith.muli %while3A_7, %while3A_6 : i32
    %while3A_9 = arith.addi %while3A, %while3A_8 : i32
    %while3A_10 = arith.constant 1 : i32
    %while3A_11 = scf.for %while3A_26 = %while3A to %while3A_9 step %while3A_10 iter_args(%while3A_27 = %while3A_3) -> (i32)  : i32 {
      %mul3A_28 = arith.constant 32 : i32
      %mul3A_29 = arith.muli %while3A_26, %mul3A_28 : i32
      %add3A_30 = arith.addi %add3A, %mul3A_29 : i32
      %mul3A_31 = arith.constant 128 : i32
      %mul3A_32 = arith.muli %add3A_30, %mul3A_31 : i32
      %multiple_of3A = tpu.assume_multiple %mul3A_32, 128 : i32
      "tpu.region"() ({
        %run_scoped3A = tpu.sem_alloc : memref<!tpu.dma_semaphore, #tpu.memory_space<semaphore_mem>>
        %dma_start3A = arith.constant 0 : i32
        %dma_start3A_34 = tpu.memref_slice %arg8[%while3A_26, %dma_start3A] : memref<40x128xi32, #tpu.memory_space<vmem>> -> memref<1x128xi32, #tpu.memory_space<vmem>>
        %dma_start3A_35 = tpu.memref_squeeze %dma_start3A_34 : memref<1x128xi32, #tpu.memory_space<vmem>> -> memref<128xi32, #tpu.memory_space<vmem>>
        %dma_start3A_36 = tpu.memref_slice %arg2[%multiple_of3A] : memref<160000xi32, #tpu.memory_space<hbm>> -> memref<128xi32, #tpu.memory_space<hbm>>
        %dma_start3A_37 = arith.constant 0 : i32
        %dma_start3A_38 = tpu.memref_slice %arg8[%while3A_26, %dma_start3A_37] : memref<40x128xi32, #tpu.memory_space<vmem>> -> memref<1x128xi32, #tpu.memory_space<vmem>>
        %dma_start3A_39 = tpu.memref_squeeze %dma_start3A_38 : memref<1x128xi32, #tpu.memory_space<vmem>> -> memref<128xi32, #tpu.memory_space<vmem>>
        %dma_start3A_40 = tpu.memref_slice %arg2[%multiple_of3A] : memref<160000xi32, #tpu.memory_space<hbm>> -> memref<128xi32, #tpu.memory_space<hbm>>
        tpu.enqueue_dma source(%dma_start3A_40 : memref<128xi32, #tpu.memory_space<hbm>>) target(%dma_start3A_39 : memref<128xi32, #tpu.memory_space<vmem>>) target_semaphore(%run_scoped3A : memref<!tpu.dma_semaphore, #tpu.memory_space<semaphore_mem>>)
        %dma_wait3A = arith.constant 0 : i32
        %dma_wait3A_41 = tpu.memref_slice %arg8[%while3A_26, %dma_wait3A] : memref<40x128xi32, #tpu.memory_space<vmem>> -> memref<1x128xi32, #tpu.memory_space<vmem>>
        %dma_wait3A_42 = tpu.memref_squeeze %dma_wait3A_41 : memref<1x128xi32, #tpu.memory_space<vmem>> -> memref<128xi32, #tpu.memory_space<vmem>>
        %dma_wait3A_43 = tpu.memref_slice %arg2[%multiple_of3A] : memref<160000xi32, #tpu.memory_space<hbm>> -> memref<128xi32, #tpu.memory_space<hbm>>
        %dma_wait3A_44 = arith.constant 0 : i32
        %dma_wait3A_45 = tpu.memref_slice %arg8[%while3A_26, %dma_wait3A_44] : memref<40x128xi32, #tpu.memory_space<vmem>> -> memref<1x128xi32, #tpu.memory_space<vmem>>
        %dma_wait3A_46 = tpu.memref_squeeze %dma_wait3A_45 : memref<1x128xi32, #tpu.memory_space<vmem>> -> memref<128xi32, #tpu.memory_space<vmem>>
        %dma_wait3A_47 = tpu.memref_slice %arg2[%multiple_of3A] : memref<160000xi32, #tpu.memory_space<hbm>> -> memref<128xi32, #tpu.memory_space<hbm>>
        tpu.wait_dma2 semaphore(%run_scoped3A : memref<!tpu.dma_semaphore, #tpu.memory_space<semaphore_mem>>) src(%dma_wait3A_47 : memref<128xi32, #tpu.memory_space<hbm>>) dst(%dma_wait3A_46 : memref<128xi32, #tpu.memory_space<vmem>>)
        tpu.yield
      }) : () -> ()
      "tpu.region"() ({
        %run_scoped3A = tpu.sem_alloc : memref<!tpu.dma_semaphore, #tpu.memory_space<semaphore_mem>>
        %dma_start3A = arith.constant 0 : i32
        %dma_start3A_34 = tpu.memref_slice %arg9[%while3A_26, %dma_start3A] : memref<40x128xi32, #tpu.memory_space<vmem>> -> memref<1x128xi32, #tpu.memory_space<vmem>>
        %dma_start3A_35 = tpu.memref_squeeze %dma_start3A_34 : memref<1x128xi32, #tpu.memory_space<vmem>> -> memref<128xi32, #tpu.memory_space<vmem>>
        %dma_start3A_36 = tpu.memref_slice %arg3[%multiple_of3A] : memref<160000xi32, #tpu.memory_space<hbm>> -> memref<128xi32, #tpu.memory_space<hbm>>
        %dma_start3A_37 = arith.constant 0 : i32
        %dma_start3A_38 = tpu.memref_slice %arg9[%while3A_26, %dma_start3A_37] : memref<40x128xi32, #tpu.memory_space<vmem>> -> memref<1x128xi32, #tpu.memory_space<vmem>>
        %dma_start3A_39 = tpu.memref_squeeze %dma_start3A_38 : memref<1x128xi32, #tpu.memory_space<vmem>> -> memref<128xi32, #tpu.memory_space<vmem>>
        %dma_start3A_40 = tpu.memref_slice %arg3[%multiple_of3A] : memref<160000xi32, #tpu.memory_space<hbm>> -> memref<128xi32, #tpu.memory_space<hbm>>
        tpu.enqueue_dma source(%dma_start3A_40 : memref<128xi32, #tpu.memory_space<hbm>>) target(%dma_start3A_39 : memref<128xi32, #tpu.memory_space<vmem>>) target_semaphore(%run_scoped3A : memref<!tpu.dma_semaphore, #tpu.memory_space<semaphore_mem>>)
        %dma_wait3A = arith.constant 0 : i32
        %dma_wait3A_41 = tpu.memref_slice %arg9[%while3A_26, %dma_wait3A] : memref<40x128xi32, #tpu.memory_space<vmem>> -> memref<1x128xi32, #tpu.memory_space<vmem>>
        %dma_wait3A_42 = tpu.memref_squeeze %dma_wait3A_41 : memref<1x128xi32, #tpu.memory_space<vmem>> -> memref<128xi32, #tpu.memory_space<vmem>>
        %dma_wait3A_43 = tpu.memref_slice %arg3[%multiple_of3A] : memref<160000xi32, #tpu.memory_space<hbm>> -> memref<128xi32, #tpu.memory_space<hbm>>
        %dma_wait3A_44 = arith.constant 0 : i32
        %dma_wait3A_45 = tpu.memref_slice %arg9[%while3A_26, %dma_wait3A_44] : memref<40x128xi32, #tpu.memory_space<vmem>> -> memref<1x128xi32, #tpu.memory_space<vmem>>
        %dma_wait3A_46 = tpu.memref_squeeze %dma_wait3A_45 : memref<1x128xi32, #tpu.memory_space<vmem>> -> memref<128xi32, #tpu.memory_space<vmem>>
        %dma_wait3A_47 = tpu.memref_slice %arg3[%multiple_of3A] : memref<160000xi32, #tpu.memory_space<hbm>> -> memref<128xi32, #tpu.memory_space<hbm>>
        tpu.wait_dma2 semaphore(%run_scoped3A : memref<!tpu.dma_semaphore, #tpu.memory_space<semaphore_mem>>) src(%dma_wait3A_47 : memref<128xi32, #tpu.memory_space<hbm>>) dst(%dma_wait3A_46 : memref<128xi32, #tpu.memory_space<vmem>>)
        tpu.yield
      }) : () -> ()
      %while3A_33 = arith.constant 0 : i32
      scf.yield %while3A_33 : i32
    }
    %while3A_12 = arith.constant 1 : i32
    %while3A_13 = scf.for %while3A_26 = %while3A_9 to %while3A_5 step %while3A_12 iter_args(%while3A_27 = %while3A_11) -> (i32)  : i32 {
      %mul3A_28 = arith.constant 32 : i32
      %mul3A_29 = arith.muli %while3A_26, %mul3A_28 : i32
      %add3A_30 = arith.addi %add3A, %mul3A_29 : i32
      %mul3A_31 = arith.constant 128 : i32
      %mul3A_32 = arith.muli %add3A_30, %mul3A_31 : i32
      %multiple_of3A = tpu.assume_multiple %mul3A_32, 128 : i32
      "tpu.region"() ({
        %run_scoped3A = tpu.sem_alloc : memref<!tpu.dma_semaphore, #tpu.memory_space<semaphore_mem>>
        %dma_start3A = arith.constant 0 : i32
        %dma_start3A_34 = tpu.memref_slice %arg8[%while3A_26, %dma_start3A] : memref<40x128xi32, #tpu.memory_space<vmem>> -> memref<1x128xi32, #tpu.memory_space<vmem>>
        %dma_start3A_35 = tpu.memref_squeeze %dma_start3A_34 : memref<1x128xi32, #tpu.memory_space<vmem>> -> memref<128xi32, #tpu.memory_space<vmem>>
        %dma_start3A_36 = tpu.memref_slice %arg2[%multiple_of3A] : memref<160000xi32, #tpu.memory_space<hbm>> -> memref<128xi32, #tpu.memory_space<hbm>>
        %dma_start3A_37 = arith.constant 0 : i32
        %dma_start3A_38 = tpu.memref_slice %arg8[%while3A_26, %dma_start3A_37] : memref<40x128xi32, #tpu.memory_space<vmem>> -> memref<1x128xi32, #tpu.memory_space<vmem>>
        %dma_start3A_39 = tpu.memref_squeeze %dma_start3A_38 : memref<1x128xi32, #tpu.memory_space<vmem>> -> memref<128xi32, #tpu.memory_space<vmem>>
        %dma_start3A_40 = tpu.memref_slice %arg2[%multiple_of3A] : memref<160000xi32, #tpu.memory_space<hbm>> -> memref<128xi32, #tpu.memory_space<hbm>>
        tpu.enqueue_dma source(%dma_start3A_40 : memref<128xi32, #tpu.memory_space<hbm>>) target(%dma_start3A_39 : memref<128xi32, #tpu.memory_space<vmem>>) target_semaphore(%run_scoped3A : memref<!tpu.dma_semaphore, #tpu.memory_space<semaphore_mem>>)
        %dma_wait3A = arith.constant 0 : i32
        %dma_wait3A_41 = tpu.memref_slice %arg8[%while3A_26, %dma_wait3A] : memref<40x128xi32, #tpu.memory_space<vmem>> -> memref<1x128xi32, #tpu.memory_space<vmem>>
        %dma_wait3A_42 = tpu.memref_squeeze %dma_wait3A_41 : memref<1x128xi32, #tpu.memory_space<vmem>> -> memref<128xi32, #tpu.memory_space<vmem>>
        %dma_wait3A_43 = tpu.memref_slice %arg2[%multiple_of3A] : memref<160000xi32, #tpu.memory_space<hbm>> -> memref<128xi32, #tpu.memory_space<hbm>>
        %dma_wait3A_44 = arith.constant 0 : i32
        %dma_wait3A_45 = tpu.memref_slice %arg8[%while3A_26, %dma_wait3A_44] : memref<40x128xi32, #tpu.memory_space<vmem>> -> memref<1x128xi32, #tpu.memory_space<vmem>>
        %dma_wait3A_46 = tpu.memref_squeeze %dma_wait3A_45 : memref<1x128xi32, #tpu.memory_space<vmem>> -> memref<128xi32, #tpu.memory_space<vmem>>
        %dma_wait3A_47 = tpu.memref_slice %arg2[%multiple_of3A] : memref<160000xi32, #tpu.memory_space<hbm>> -> memref<128xi32, #tpu.memory_space<hbm>>
        tpu.wait_dma2 semaphore(%run_scoped3A : memref<!tpu.dma_semaphore, #tpu.memory_space<semaphore_mem>>) src(%dma_wait3A_47 : memref<128xi32, #tpu.memory_space<hbm>>) dst(%dma_wait3A_46 : memref<128xi32, #tpu.memory_space<vmem>>)
        tpu.yield
      }) : () -> ()
      "tpu.region"() ({
        %run_scoped3A = tpu.sem_alloc : memref<!tpu.dma_semaphore, #tpu.memory_space<semaphore_mem>>
        %dma_start3A = arith.constant 0 : i32
        %dma_start3A_34 = tpu.memref_slice %arg9[%while3A_26, %dma_start3A] : memref<40x128xi32, #tpu.memory_space<vmem>> -> memref<1x128xi32, #tpu.memory_space<vmem>>
        %dma_start3A_35 = tpu.memref_squeeze %dma_start3A_34 : memref<1x128xi32, #tpu.memory_space<vmem>> -> memref<128xi32, #tpu.memory_space<vmem>>
        %dma_start3A_36 = tpu.memref_slice %arg3[%multiple_of3A] : memref<160000xi32, #tpu.memory_space<hbm>> -> memref<128xi32, #tpu.memory_space<hbm>>
        %dma_start3A_37 = arith.constant 0 : i32
        %dma_start3A_38 = tpu.memref_slice %arg9[%while3A_26, %dma_start3A_37] : memref<40x128xi32, #tpu.memory_space<vmem>> -> memref<1x128xi32, #tpu.memory_space<vmem>>
        %dma_start3A_39 = tpu.memref_squeeze %dma_start3A_38 : memref<1x128xi32, #tpu.memory_space<vmem>> -> memref<128xi32, #tpu.memory_space<vmem>>
        %dma_start3A_40 = tpu.memref_slice %arg3[%multiple_of3A] : memref<160000xi32, #tpu.memory_space<hbm>> -> memref<128xi32, #tpu.memory_space<hbm>>
        tpu.enqueue_dma source(%dma_start3A_40 : memref<128xi32, #tpu.memory_space<hbm>>) target(%dma_start3A_39 : memref<128xi32, #tpu.memory_space<vmem>>) target_semaphore(%run_scoped3A : memref<!tpu.dma_semaphore, #tpu.memory_space<semaphore_mem>>)
        %dma_wait3A = arith.constant 0 : i32
        %dma_wait3A_41 = tpu.memref_slice %arg9[%while3A_26, %dma_wait3A] : memref<40x128xi32, #tpu.memory_space<vmem>> -> memref<1x128xi32, #tpu.memory_space<vmem>>
        %dma_wait3A_42 = tpu.memref_squeeze %dma_wait3A_41 : memref<1x128xi32, #tpu.memory_space<vmem>> -> memref<128xi32, #tpu.memory_space<vmem>>
        %dma_wait3A_43 = tpu.memref_slice %arg3[%multiple_of3A] : memref<160000xi32, #tpu.memory_space<hbm>> -> memref<128xi32, #tpu.memory_space<hbm>>
        %dma_wait3A_44 = arith.constant 0 : i32
        %dma_wait3A_45 = tpu.memref_slice %arg9[%while3A_26, %dma_wait3A_44] : memref<40x128xi32, #tpu.memory_space<vmem>> -> memref<1x128xi32, #tpu.memory_space<vmem>>
        %dma_wait3A_46 = tpu.memref_squeeze %dma_wait3A_45 : memref<1x128xi32, #tpu.memory_space<vmem>> -> memref<128xi32, #tpu.memory_space<vmem>>
        %dma_wait3A_47 = tpu.memref_slice %arg3[%multiple_of3A] : memref<160000xi32, #tpu.memory_space<hbm>> -> memref<128xi32, #tpu.memory_space<hbm>>
        tpu.wait_dma2 semaphore(%run_scoped3A : memref<!tpu.dma_semaphore, #tpu.memory_space<semaphore_mem>>) src(%dma_wait3A_47 : memref<128xi32, #tpu.memory_space<hbm>>) dst(%dma_wait3A_46 : memref<128xi32, #tpu.memory_space<vmem>>)
        tpu.yield
      }) : () -> ()
      %while3A_33 = arith.constant 0 : i32
      scf.yield %while3A_33 : i32
    }
    %while3A_14 = arith.constant 0 : i32
    %while3A_15 = arith.constant 0 : i32
    %while3A_16 = arith.subi %select_n3A, %while3A_14 : i32
    %while3A_17 = arith.addi %while3A_14, %while3A_16 : i32
    %while3A_18 = arith.constant 1 : i32
    %while3A_19 = arith.divsi %while3A_16, %while3A_18 : i32
    %while3A_20 = arith.muli %while3A_19, %while3A_18 : i32
    %while3A_21 = arith.addi %while3A_14, %while3A_20 : i32
    %while3A_22 = arith.constant 1 : i32
    %while3A_23 = scf.for %while3A_26 = %while3A_14 to %while3A_21 step %while3A_22 iter_args(%while3A_27 = %while3A_15) -> (i32)  : i32 {
      %mul3A_28 = arith.constant 32 : i32
      %mul3A_29 = arith.muli %while3A_26, %mul3A_28 : i32
      %add3A_30 = arith.addi %add3A, %mul3A_29 : i32
      %mul3A_31 = arith.constant 128 : i32
      %mul3A_32 = arith.muli %add3A_30, %mul3A_31 : i32
      %multiple_of3A = tpu.assume_multiple %mul3A_32, 128 : i32
      %dma_start3A = arith.constant 0 : i32
      %dma_start3A_33 = tpu.memref_slice %arg8[%while3A_26, %dma_start3A] : memref<40x128xi32, #tpu.memory_space<vmem>> -> memref<1x128xi32, #tpu.memory_space<vmem>>
      %dma_start3A_34 = tpu.memref_squeeze %dma_start3A_33 : memref<1x128xi32, #tpu.memory_space<vmem>> -> memref<128xi32, #tpu.memory_space<vmem>>
      %dma_start3A_35 = arith.constant 0 : i32
      %dma_start3A_36 = arith.constant 0 : i32
      %dma_start3A_37 = tpu.memref_slice %arg4[%dma_start3A_35, %dma_start3A_36] : memref<10000x128xf32, #tpu.memory_space<hbm>> -> memref<10000x128xf32, #tpu.memory_space<hbm>>
      tpu.enqueue_indirect_dma source(%dma_start3A_37 : memref<10000x128xf32, #tpu.memory_space<hbm>>) target(%arg10 : memref<128x128xf32, #tpu.memory_space<vmem>>) offsets(%dma_start3A_34 : memref<128xi32, #tpu.memory_space<vmem>>) semaphore(%arg12 : memref<!tpu.dma_semaphore, #tpu.memory_space<semaphore_mem>>)
      %dma_start3A_38 = arith.constant 0 : i32
      %dma_start3A_39 = tpu.memref_slice %arg9[%while3A_26, %dma_start3A_38] : memref<40x128xi32, #tpu.memory_space<vmem>> -> memref<1x128xi32, #tpu.memory_space<vmem>>
      %dma_start3A_40 = tpu.memref_squeeze %dma_start3A_39 : memref<1x128xi32, #tpu.memory_space<vmem>> -> memref<128xi32, #tpu.memory_space<vmem>>
      %dma_start3A_41 = arith.constant 0 : i32
      %dma_start3A_42 = arith.constant 0 : i32
      %dma_start3A_43 = tpu.memref_slice %arg5[%dma_start3A_41, %dma_start3A_42] : memref<10000x128xf32, #tpu.memory_space<hbm>> -> memref<10000x128xf32, #tpu.memory_space<hbm>>
      tpu.enqueue_indirect_dma source(%dma_start3A_43 : memref<10000x128xf32, #tpu.memory_space<hbm>>) target(%arg11 : memref<128x128xf32, #tpu.memory_space<vmem>>) offsets(%dma_start3A_40 : memref<128xi32, #tpu.memory_space<vmem>>) semaphore(%arg13 : memref<!tpu.dma_semaphore, #tpu.memory_space<semaphore_mem>>)
      %dma_wait3A = arith.constant 0 : i32
      %dma_wait3A_44 = tpu.memref_slice %arg8[%while3A_26, %dma_wait3A] : memref<40x128xi32, #tpu.memory_space<vmem>> -> memref<1x128xi32, #tpu.memory_space<vmem>>
      %dma_wait3A_45 = tpu.memref_squeeze %dma_wait3A_44 : memref<1x128xi32, #tpu.memory_space<vmem>> -> memref<128xi32, #tpu.memory_space<vmem>>
      %dma_wait3A_46 = arith.constant 0 : i32
      %dma_wait3A_47 = arith.constant 0 : i32
      %dma_wait3A_48 = tpu.memref_slice %arg4[%dma_wait3A_46, %dma_wait3A_47] : memref<10000x128xf32, #tpu.memory_space<hbm>> -> memref<10000x128xf32, #tpu.memory_space<hbm>>
      tpu.wait_indirect_dma semaphore(%arg12 : memref<!tpu.dma_semaphore, #tpu.memory_space<semaphore_mem>>) src(%dma_wait3A_48 : memref<10000x128xf32, #tpu.memory_space<hbm>>) dst(%arg10 : memref<128x128xf32, #tpu.memory_space<vmem>>)
      %dma_wait3A_49 = arith.constant 0 : i32
      %dma_wait3A_50 = tpu.memref_slice %arg9[%while3A_26, %dma_wait3A_49] : memref<40x128xi32, #tpu.memory_space<vmem>> -> memref<1x128xi32, #tpu.memory_space<vmem>>
      %dma_wait3A_51 = tpu.memref_squeeze %dma_wait3A_50 : memref<1x128xi32, #tpu.memory_space<vmem>> -> memref<128xi32, #tpu.memory_space<vmem>>
      %dma_wait3A_52 = arith.constant 0 : i32
      %dma_wait3A_53 = arith.constant 0 : i32
      %dma_wait3A_54 = tpu.memref_slice %arg5[%dma_wait3A_52, %dma_wait3A_53] : memref<10000x128xf32, #tpu.memory_space<hbm>> -> memref<10000x128xf32, #tpu.memory_space<hbm>>
      tpu.wait_indirect_dma semaphore(%arg13 : memref<!tpu.dma_semaphore, #tpu.memory_space<semaphore_mem>>) src(%dma_wait3A_54 : memref<10000x128xf32, #tpu.memory_space<hbm>>) dst(%arg11 : memref<128x128xf32, #tpu.memory_space<vmem>>)
      "tpu.region"() ({
        %run_scoped3A = tpu.sem_alloc : memref<!tpu.dma_semaphore, #tpu.memory_space<semaphore_mem>>
        %dma_start3A_56 = arith.constant 0 : i32
        %dma_start3A_57 = tpu.memref_slice %arg6[%multiple_of3A, %dma_start3A_56] : memref<160000x128xf32, #tpu.memory_space<hbm>> -> memref<128x128xf32, #tpu.memory_space<hbm>>
        %dma_start3A_58 = arith.constant 0 : i32
        %dma_start3A_59 = tpu.memref_slice %arg6[%multiple_of3A, %dma_start3A_58] : memref<160000x128xf32, #tpu.memory_space<hbm>> -> memref<128x128xf32, #tpu.memory_space<hbm>>
        tpu.enqueue_dma source(%arg10 : memref<128x128xf32, #tpu.memory_space<vmem>>) target(%dma_start3A_59 : memref<128x128xf32, #tpu.memory_space<hbm>>) target_semaphore(%run_scoped3A : memref<!tpu.dma_semaphore, #tpu.memory_space<semaphore_mem>>)
        %dma_wait3A_60 = arith.constant 0 : i32
        %dma_wait3A_61 = tpu.memref_slice %arg6[%multiple_of3A, %dma_wait3A_60] : memref<160000x128xf32, #tpu.memory_space<hbm>> -> memref<128x128xf32, #tpu.memory_space<hbm>>
        %dma_wait3A_62 = arith.constant 0 : i32
        %dma_wait3A_63 = tpu.memref_slice %arg6[%multiple_of3A, %dma_wait3A_62] : memref<160000x128xf32, #tpu.memory_space<hbm>> -> memref<128x128xf32, #tpu.memory_space<hbm>>
        tpu.wait_dma2 semaphore(%run_scoped3A : memref<!tpu.dma_semaphore, #tpu.memory_space<semaphore_mem>>) src(%arg10 : memref<128x128xf32, #tpu.memory_space<vmem>>) dst(%dma_wait3A_63 : memref<128x128xf32, #tpu.memory_space<hbm>>)
        tpu.yield
      }) : () -> ()
      "tpu.region"() ({
        %run_scoped3A = tpu.sem_alloc : memref<!tpu.dma_semaphore, #tpu.memory_space<semaphore_mem>>
        %dma_start3A_56 = arith.constant 0 : i32
        %dma_start3A_57 = tpu.memref_slice %arg7[%multiple_of3A, %dma_start3A_56] : memref<160000x128xf32, #tpu.memory_space<hbm>> -> memref<128x128xf32, #tpu.memory_space<hbm>>
        %dma_start3A_58 = arith.constant 0 : i32
        %dma_start3A_59 = tpu.memref_slice %arg7[%multiple_of3A, %dma_start3A_58] : memref<160000x128xf32, #tpu.memory_space<hbm>> -> memref<128x128xf32, #tpu.memory_space<hbm>>
        tpu.enqueue_dma source(%arg11 : memref<128x128xf32, #tpu.memory_space<vmem>>) target(%dma_start3A_59 : memref<128x128xf32, #tpu.memory_space<hbm>>) target_semaphore(%run_scoped3A : memref<!tpu.dma_semaphore, #tpu.memory_space<semaphore_mem>>)
        %dma_wait3A_60 = arith.constant 0 : i32
        %dma_wait3A_61 = tpu.memref_slice %arg7[%multiple_of3A, %dma_wait3A_60] : memref<160000x128xf32, #tpu.memory_space<hbm>> -> memref<128x128xf32, #tpu.memory_space<hbm>>
        %dma_wait3A_62 = arith.constant 0 : i32
        %dma_wait3A_63 = tpu.memref_slice %arg7[%multiple_of3A, %dma_wait3A_62] : memref<160000x128xf32, #tpu.memory_space<hbm>> -> memref<128x128xf32, #tpu.memory_space<hbm>>
        tpu.wait_dma2 semaphore(%run_scoped3A : memref<!tpu.dma_semaphore, #tpu.memory_space<semaphore_mem>>) src(%arg11 : memref<128x128xf32, #tpu.memory_space<vmem>>) dst(%dma_wait3A_63 : memref<128x128xf32, #tpu.memory_space<hbm>>)
        tpu.yield
      }) : () -> ()
      %while3A_55 = arith.constant 0 : i32
      scf.yield %while3A_55 : i32
    }
    %while3A_24 = arith.constant 1 : i32
    %while3A_25 = scf.for %while3A_26 = %while3A_21 to %while3A_17 step %while3A_24 iter_args(%while3A_27 = %while3A_23) -> (i32)  : i32 {
      %mul3A_28 = arith.constant 32 : i32
      %mul3A_29 = arith.muli %while3A_26, %mul3A_28 : i32
      %add3A_30 = arith.addi %add3A, %mul3A_29 : i32
      %mul3A_31 = arith.constant 128 : i32
      %mul3A_32 = arith.muli %add3A_30, %mul3A_31 : i32
      %multiple_of3A = tpu.assume_multiple %mul3A_32, 128 : i32
      %dma_start3A = arith.constant 0 : i32
      %dma_start3A_33 = tpu.memref_slice %arg8[%while3A_26, %dma_start3A] : memref<40x128xi32, #tpu.memory_space<vmem>> -> memref<1x128xi32, #tpu.memory_space<vmem>>
      %dma_start3A_34 = tpu.memref_squeeze %dma_start3A_33 : memref<1x128xi32, #tpu.memory_space<vmem>> -> memref<128xi32, #tpu.memory_space<vmem>>
      %dma_start3A_35 = arith.constant 0 : i32
      %dma_start3A_36 = arith.constant 0 : i32
      %dma_start3A_37 = tpu.memref_slice %arg4[%dma_start3A_35, %dma_start3A_36] : memref<10000x128xf32, #tpu.memory_space<hbm>> -> memref<10000x128xf32, #tpu.memory_space<hbm>>
      tpu.enqueue_indirect_dma source(%dma_start3A_37 : memref<10000x128xf32, #tpu.memory_space<hbm>>) target(%arg10 : memref<128x128xf32, #tpu.memory_space<vmem>>) offsets(%dma_start3A_34 : memref<128xi32, #tpu.memory_space<vmem>>) semaphore(%arg12 : memref<!tpu.dma_semaphore, #tpu.memory_space<semaphore_mem>>)
      %dma_start3A_38 = arith.constant 0 : i32
      %dma_start3A_39 = tpu.memref_slice %arg9[%while3A_26, %dma_start3A_38] : memref<40x128xi32, #tpu.memory_space<vmem>> -> memref<1x128xi32, #tpu.memory_space<vmem>>
      %dma_start3A_40 = tpu.memref_squeeze %dma_start3A_39 : memref<1x128xi32, #tpu.memory_space<vmem>> -> memref<128xi32, #tpu.memory_space<vmem>>
      %dma_start3A_41 = arith.constant 0 : i32
      %dma_start3A_42 = arith.constant 0 : i32
      %dma_start3A_43 = tpu.memref_slice %arg5[%dma_start3A_41, %dma_start3A_42] : memref<10000x128xf32, #tpu.memory_space<hbm>> -> memref<10000x128xf32, #tpu.memory_space<hbm>>
      tpu.enqueue_indirect_dma source(%dma_start3A_43 : memref<10000x128xf32, #tpu.memory_space<hbm>>) target(%arg11 : memref<128x128xf32, #tpu.memory_space<vmem>>) offsets(%dma_start3A_40 : memref<128xi32, #tpu.memory_space<vmem>>) semaphore(%arg13 : memref<!tpu.dma_semaphore, #tpu.memory_space<semaphore_mem>>)
      %dma_wait3A = arith.constant 0 : i32
      %dma_wait3A_44 = tpu.memref_slice %arg8[%while3A_26, %dma_wait3A] : memref<40x128xi32, #tpu.memory_space<vmem>> -> memref<1x128xi32, #tpu.memory_space<vmem>>
      %dma_wait3A_45 = tpu.memref_squeeze %dma_wait3A_44 : memref<1x128xi32, #tpu.memory_space<vmem>> -> memref<128xi32, #tpu.memory_space<vmem>>
      %dma_wait3A_46 = arith.constant 0 : i32
      %dma_wait3A_47 = arith.constant 0 : i32
      %dma_wait3A_48 = tpu.memref_slice %arg4[%dma_wait3A_46, %dma_wait3A_47] : memref<10000x128xf32, #tpu.memory_space<hbm>> -> memref<10000x128xf32, #tpu.memory_space<hbm>>
      tpu.wait_indirect_dma semaphore(%arg12 : memref<!tpu.dma_semaphore, #tpu.memory_space<semaphore_mem>>) src(%dma_wait3A_48 : memref<10000x128xf32, #tpu.memory_space<hbm>>) dst(%arg10 : memref<128x128xf32, #tpu.memory_space<vmem>>)
      %dma_wait3A_49 = arith.constant 0 : i32
      %dma_wait3A_50 = tpu.memref_slice %arg9[%while3A_26, %dma_wait3A_49] : memref<40x128xi32, #tpu.memory_space<vmem>> -> memref<1x128xi32, #tpu.memory_space<vmem>>
      %dma_wait3A_51 = tpu.memref_squeeze %dma_wait3A_50 : memref<1x128xi32, #tpu.memory_space<vmem>> -> memref<128xi32, #tpu.memory_space<vmem>>
      %dma_wait3A_52 = arith.constant 0 : i32
      %dma_wait3A_53 = arith.constant 0 : i32
      %dma_wait3A_54 = tpu.memref_slice %arg5[%dma_wait3A_52, %dma_wait3A_53] : memref<10000x128xf32, #tpu.memory_space<hbm>> -> memref<10000x128xf32, #tpu.memory_space<hbm>>
      tpu.wait_indirect_dma semaphore(%arg13 : memref<!tpu.dma_semaphore, #tpu.memory_space<semaphore_mem>>) src(%dma_wait3A_54 : memref<10000x128xf32, #tpu.memory_space<hbm>>) dst(%arg11 : memref<128x128xf32, #tpu.memory_space<vmem>>)
      "tpu.region"() ({
        %run_scoped3A = tpu.sem_alloc : memref<!tpu.dma_semaphore, #tpu.memory_space<semaphore_mem>>
        %dma_start3A_56 = arith.constant 0 : i32
        %dma_start3A_57 = tpu.memref_slice %arg6[%multiple_of3A, %dma_start3A_56] : memref<160000x128xf32, #tpu.memory_space<hbm>> -> memref<128x128xf32, #tpu.memory_space<hbm>>
        %dma_start3A_58 = arith.constant 0 : i32
        %dma_start3A_59 = tpu.memref_slice %arg6[%multiple_of3A, %dma_start3A_58] : memref<160000x128xf32, #tpu.memory_space<hbm>> -> memref<128x128xf32, #tpu.memory_space<hbm>>
        tpu.enqueue_dma source(%arg10 : memref<128x128xf32, #tpu.memory_space<vmem>>) target(%dma_start3A_59 : memref<128x128xf32, #tpu.memory_space<hbm>>) target_semaphore(%run_scoped3A : memref<!tpu.dma_semaphore, #tpu.memory_space<semaphore_mem>>)
        %dma_wait3A_60 = arith.constant 0 : i32
        %dma_wait3A_61 = tpu.memref_slice %arg6[%multiple_of3A, %dma_wait3A_60] : memref<160000x128xf32, #tpu.memory_space<hbm>> -> memref<128x128xf32, #tpu.memory_space<hbm>>
        %dma_wait3A_62 = arith.constant 0 : i32
        %dma_wait3A_63 = tpu.memref_slice %arg6[%multiple_of3A, %dma_wait3A_62] : memref<160000x128xf32, #tpu.memory_space<hbm>> -> memref<128x128xf32, #tpu.memory_space<hbm>>
        tpu.wait_dma2 semaphore(%run_scoped3A : memref<!tpu.dma_semaphore, #tpu.memory_space<semaphore_mem>>) src(%arg10 : memref<128x128xf32, #tpu.memory_space<vmem>>) dst(%dma_wait3A_63 : memref<128x128xf32, #tpu.memory_space<hbm>>)
        tpu.yield
      }) : () -> ()
      "tpu.region"() ({
        %run_scoped3A = tpu.sem_alloc : memref<!tpu.dma_semaphore, #tpu.memory_space<semaphore_mem>>
        %dma_start3A_56 = arith.constant 0 : i32
        %dma_start3A_57 = tpu.memref_slice %arg7[%multiple_of3A, %dma_start3A_56] : memref<160000x128xf32, #tpu.memory_space<hbm>> -> memref<128x128xf32, #tpu.memory_space<hbm>>
        %dma_start3A_58 = arith.constant 0 : i32
        %dma_start3A_59 = tpu.memref_slice %arg7[%multiple_of3A, %dma_start3A_58] : memref<160000x128xf32, #tpu.memory_space<hbm>> -> memref<128x128xf32, #tpu.memory_space<hbm>>
        tpu.enqueue_dma source(%arg11 : memref<128x128xf32, #tpu.memory_space<vmem>>) target(%dma_start3A_59 : memref<128x128xf32, #tpu.memory_space<hbm>>) target_semaphore(%run_scoped3A : memref<!tpu.dma_semaphore, #tpu.memory_space<semaphore_mem>>)
        %dma_wait3A_60 = arith.constant 0 : i32
        %dma_wait3A_61 = tpu.memref_slice %arg7[%multiple_of3A, %dma_wait3A_60] : memref<160000x128xf32, #tpu.memory_space<hbm>> -> memref<128x128xf32, #tpu.memory_space<hbm>>
        %dma_wait3A_62 = arith.constant 0 : i32
        %dma_wait3A_63 = tpu.memref_slice %arg7[%multiple_of3A, %dma_wait3A_62] : memref<160000x128xf32, #tpu.memory_space<hbm>> -> memref<128x128xf32, #tpu.memory_space<hbm>>
        tpu.wait_dma2 semaphore(%run_scoped3A : memref<!tpu.dma_semaphore, #tpu.memory_space<semaphore_mem>>) src(%arg11 : memref<128x128xf32, #tpu.memory_space<vmem>>) dst(%dma_wait3A_63 : memref<128x128xf32, #tpu.memory_space<hbm>>)
        tpu.yield
      }) : () -> ()
      %while3A_55 = arith.constant 0 : i32
      scf.yield %while3A_55 : i32
    }
    return
  }
}

#map = affine_map<(d0, d1) -> (0)>
#map1 = affine_map<(d0, d1) -> (0, 0)>
module attributes {stable_mosaic.version = 14 : i64} {
  func.func @sc_gather(%arg0: i32, %arg1: i32, %arg2: memref<160000xi32, #tpu.memory_space<hbm>>, %arg3: memref<160000xi32, #tpu.memory_space<hbm>>, %arg4: memref<10000x128xf32, #tpu.memory_space<hbm>>, %arg5: memref<10000x128xf32, #tpu.memory_space<hbm>>, %arg6: memref<160000x128xf32, #tpu.memory_space<hbm>>, %arg7: memref<160000x128xf32, #tpu.memory_space<hbm>>, %arg8: memref<40x128xi32, #tpu.memory_space<vmem>>, %arg9: memref<40x128xi32, #tpu.memory_space<vmem>>, %arg10: memref<128x128xf32, #tpu.memory_space<vmem>>, %arg11: memref<128x128xf32, #tpu.memory_space<vmem>>, %arg12: memref<!tpu.dma_semaphore, #tpu.memory_space<semaphore_mem>>, %arg13: memref<!tpu.dma_semaphore, #tpu.memory_space<semaphore_mem>>) attributes {dimension_semantics = [#tpu.dimension_semantics<core_parallel>, #tpu.dimension_semantics<subcore_parallel>], iteration_bounds = array<i64: 2, 16>, scalar_prefetch = 0 : i64, scratch_operands = 6 : i64, tpu.core_type = #tpu.core_type<sc_vector_subcore>, window_params = [{transform_indices = #map}, {transform_indices = #map}, {transform_indices = #map1}, {transform_indices = #map1}, {transform_indices = #map1}, {transform_indices = #map1}]} {
    %mul3A = arith.constant 2 : i32
    %mul3A_0 = arith.muli %arg1, %mul3A : i32
    %add3A = arith.addi %mul3A_0, %arg0 : i32
    %lt3A = arith.constant 2 : i32
    %lt3A_1 = arith.cmpi slt, %add3A, %lt3A : i32
    %jit3A = arith.constant 40 : i32
    %jit3A_2 = arith.constant 39 : i32
    %select_n3A = arith.select %lt3A_1, %jit3A, %jit3A_2 : i32
    %while3A = arith.constant 0 : i32
    %while3A_3 = arith.constant 0 : i32
    %while3A_4 = arith.subi %select_n3A, %while3A : i32
    %while3A_5 = arith.addi %while3A, %while3A_4 : i32
    %while3A_6 = arith.constant 1 : i32
    %while3A_7 = arith.divsi %while3A_4, %while3A_6 : i32
    %while3A_8 = arith.muli %while3A_7, %while3A_6 : i32
    %while3A_9 = arith.addi %while3A, %while3A_8 : i32
    %while3A_10 = arith.constant 1 : i32
    %while3A_11 = scf.for %while3A_26 = %while3A to %while3A_9 step %while3A_10 iter_args(%while3A_27 = %while3A_3) -> (i32)  : i32 {
      %mul3A_28 = arith.constant 32 : i32
      %mul3A_29 = arith.muli %while3A_26, %mul3A_28 : i32
      %add3A_30 = arith.addi %add3A, %mul3A_29 : i32
      %mul3A_31 = arith.constant 128 : i32
      %mul3A_32 = arith.muli %add3A_30, %mul3A_31 : i32
      %multiple_of3A = tpu.assume_multiple %mul3A_32, 128 : i32
      "tpu.region"() ({
        %run_scoped3A = tpu.sem_alloc : memref<!tpu.dma_semaphore, #tpu.memory_space<semaphore_mem>>
        %dma_start3A = arith.constant 0 : i32
        %dma_start3A_34 = tpu.memref_slice %arg8[%while3A_26, %dma_start3A] : memref<40x128xi32, #tpu.memory_space<vmem>> -> memref<1x128xi32, #tpu.memory_space<vmem>>
        %dma_start3A_35 = tpu.memref_squeeze %dma_start3A_34 : memref<1x128xi32, #tpu.memory_space<vmem>> -> memref<128xi32, #tpu.memory_space<vmem>>
        %dma_start3A_36 = tpu.memref_slice %arg2[%multiple_of3A] : memref<160000xi32, #tpu.memory_space<hbm>> -> memref<128xi32, #tpu.memory_space<hbm>>
        %dma_start3A_37 = arith.constant 0 : i32
        %dma_start3A_38 = tpu.memref_slice %arg8[%while3A_26, %dma_start3A_37] : memref<40x128xi32, #tpu.memory_space<vmem>> -> memref<1x128xi32, #tpu.memory_space<vmem>>
        %dma_start3A_39 = tpu.memref_squeeze %dma_start3A_38 : memref<1x128xi32, #tpu.memory_space<vmem>> -> memref<128xi32, #tpu.memory_space<vmem>>
        %dma_start3A_40 = tpu.memref_slice %arg2[%multiple_of3A] : memref<160000xi32, #tpu.memory_space<hbm>> -> memref<128xi32, #tpu.memory_space<hbm>>
        tpu.enqueue_dma source(%dma_start3A_40 : memref<128xi32, #tpu.memory_space<hbm>>) target(%dma_start3A_39 : memref<128xi32, #tpu.memory_space<vmem>>) target_semaphore(%run_scoped3A : memref<!tpu.dma_semaphore, #tpu.memory_space<semaphore_mem>>)
        %dma_wait3A = arith.constant 0 : i32
        %dma_wait3A_41 = tpu.memref_slice %arg8[%while3A_26, %dma_wait3A] : memref<40x128xi32, #tpu.memory_space<vmem>> -> memref<1x128xi32, #tpu.memory_space<vmem>>
        %dma_wait3A_42 = tpu.memref_squeeze %dma_wait3A_41 : memref<1x128xi32, #tpu.memory_space<vmem>> -> memref<128xi32, #tpu.memory_space<vmem>>
        %dma_wait3A_43 = tpu.memref_slice %arg2[%multiple_of3A] : memref<160000xi32, #tpu.memory_space<hbm>> -> memref<128xi32, #tpu.memory_space<hbm>>
        %dma_wait3A_44 = arith.constant 0 : i32
        %dma_wait3A_45 = tpu.memref_slice %arg8[%while3A_26, %dma_wait3A_44] : memref<40x128xi32, #tpu.memory_space<vmem>> -> memref<1x128xi32, #tpu.memory_space<vmem>>
        %dma_wait3A_46 = tpu.memref_squeeze %dma_wait3A_45 : memref<1x128xi32, #tpu.memory_space<vmem>> -> memref<128xi32, #tpu.memory_space<vmem>>
        %dma_wait3A_47 = tpu.memref_slice %arg2[%multiple_of3A] : memref<160000xi32, #tpu.memory_space<hbm>> -> memref<128xi32, #tpu.memory_space<hbm>>
        tpu.wait_dma2 semaphore(%run_scoped3A : memref<!tpu.dma_semaphore, #tpu.memory_space<semaphore_mem>>) src(%dma_wait3A_47 : memref<128xi32, #tpu.memory_space<hbm>>) dst(%dma_wait3A_46 : memref<128xi32, #tpu.memory_space<vmem>>)
        tpu.yield
      }) : () -> ()
      "tpu.region"() ({
        %run_scoped3A = tpu.sem_alloc : memref<!tpu.dma_semaphore, #tpu.memory_space<semaphore_mem>>
        %dma_start3A = arith.constant 0 : i32
        %dma_start3A_34 = tpu.memref_slice %arg9[%while3A_26, %dma_start3A] : memref<40x128xi32, #tpu.memory_space<vmem>> -> memref<1x128xi32, #tpu.memory_space<vmem>>
        %dma_start3A_35 = tpu.memref_squeeze %dma_start3A_34 : memref<1x128xi32, #tpu.memory_space<vmem>> -> memref<128xi32, #tpu.memory_space<vmem>>
        %dma_start3A_36 = tpu.memref_slice %arg3[%multiple_of3A] : memref<160000xi32, #tpu.memory_space<hbm>> -> memref<128xi32, #tpu.memory_space<hbm>>
        %dma_start3A_37 = arith.constant 0 : i32
        %dma_start3A_38 = tpu.memref_slice %arg9[%while3A_26, %dma_start3A_37] : memref<40x128xi32, #tpu.memory_space<vmem>> -> memref<1x128xi32, #tpu.memory_space<vmem>>
        %dma_start3A_39 = tpu.memref_squeeze %dma_start3A_38 : memref<1x128xi32, #tpu.memory_space<vmem>> -> memref<128xi32, #tpu.memory_space<vmem>>
        %dma_start3A_40 = tpu.memref_slice %arg3[%multiple_of3A] : memref<160000xi32, #tpu.memory_space<hbm>> -> memref<128xi32, #tpu.memory_space<hbm>>
        tpu.enqueue_dma source(%dma_start3A_40 : memref<128xi32, #tpu.memory_space<hbm>>) target(%dma_start3A_39 : memref<128xi32, #tpu.memory_space<vmem>>) target_semaphore(%run_scoped3A : memref<!tpu.dma_semaphore, #tpu.memory_space<semaphore_mem>>)
        %dma_wait3A = arith.constant 0 : i32
        %dma_wait3A_41 = tpu.memref_slice %arg9[%while3A_26, %dma_wait3A] : memref<40x128xi32, #tpu.memory_space<vmem>> -> memref<1x128xi32, #tpu.memory_space<vmem>>
        %dma_wait3A_42 = tpu.memref_squeeze %dma_wait3A_41 : memref<1x128xi32, #tpu.memory_space<vmem>> -> memref<128xi32, #tpu.memory_space<vmem>>
        %dma_wait3A_43 = tpu.memref_slice %arg3[%multiple_of3A] : memref<160000xi32, #tpu.memory_space<hbm>> -> memref<128xi32, #tpu.memory_space<hbm>>
        %dma_wait3A_44 = arith.constant 0 : i32
        %dma_wait3A_45 = tpu.memref_slice %arg9[%while3A_26, %dma_wait3A_44] : memref<40x128xi32, #tpu.memory_space<vmem>> -> memref<1x128xi32, #tpu.memory_space<vmem>>
        %dma_wait3A_46 = tpu.memref_squeeze %dma_wait3A_45 : memref<1x128xi32, #tpu.memory_space<vmem>> -> memref<128xi32, #tpu.memory_space<vmem>>
        %dma_wait3A_47 = tpu.memref_slice %arg3[%multiple_of3A] : memref<160000xi32, #tpu.memory_space<hbm>> -> memref<128xi32, #tpu.memory_space<hbm>>
        tpu.wait_dma2 semaphore(%run_scoped3A : memref<!tpu.dma_semaphore, #tpu.memory_space<semaphore_mem>>) src(%dma_wait3A_47 : memref<128xi32, #tpu.memory_space<hbm>>) dst(%dma_wait3A_46 : memref<128xi32, #tpu.memory_space<vmem>>)
        tpu.yield
      }) : () -> ()
      %while3A_33 = arith.constant 0 : i32
      scf.yield %while3A_33 : i32
    }
    %while3A_12 = arith.constant 1 : i32
    %while3A_13 = scf.for %while3A_26 = %while3A_9 to %while3A_5 step %while3A_12 iter_args(%while3A_27 = %while3A_11) -> (i32)  : i32 {
      %mul3A_28 = arith.constant 32 : i32
      %mul3A_29 = arith.muli %while3A_26, %mul3A_28 : i32
      %add3A_30 = arith.addi %add3A, %mul3A_29 : i32
      %mul3A_31 = arith.constant 128 : i32
      %mul3A_32 = arith.muli %add3A_30, %mul3A_31 : i32
      %multiple_of3A = tpu.assume_multiple %mul3A_32, 128 : i32
      "tpu.region"() ({
        %run_scoped3A = tpu.sem_alloc : memref<!tpu.dma_semaphore, #tpu.memory_space<semaphore_mem>>
        %dma_start3A = arith.constant 0 : i32
        %dma_start3A_34 = tpu.memref_slice %arg8[%while3A_26, %dma_start3A] : memref<40x128xi32, #tpu.memory_space<vmem>> -> memref<1x128xi32, #tpu.memory_space<vmem>>
        %dma_start3A_35 = tpu.memref_squeeze %dma_start3A_34 : memref<1x128xi32, #tpu.memory_space<vmem>> -> memref<128xi32, #tpu.memory_space<vmem>>
        %dma_start3A_36 = tpu.memref_slice %arg2[%multiple_of3A] : memref<160000xi32, #tpu.memory_space<hbm>> -> memref<128xi32, #tpu.memory_space<hbm>>
        %dma_start3A_37 = arith.constant 0 : i32
        %dma_start3A_38 = tpu.memref_slice %arg8[%while3A_26, %dma_start3A_37] : memref<40x128xi32, #tpu.memory_space<vmem>> -> memref<1x128xi32, #tpu.memory_space<vmem>>
        %dma_start3A_39 = tpu.memref_squeeze %dma_start3A_38 : memref<1x128xi32, #tpu.memory_space<vmem>> -> memref<128xi32, #tpu.memory_space<vmem>>
        %dma_start3A_40 = tpu.memref_slice %arg2[%multiple_of3A] : memref<160000xi32, #tpu.memory_space<hbm>> -> memref<128xi32, #tpu.memory_space<hbm>>
        tpu.enqueue_dma source(%dma_start3A_40 : memref<128xi32, #tpu.memory_space<hbm>>) target(%dma_start3A_39 : memref<128xi32, #tpu.memory_space<vmem>>) target_semaphore(%run_scoped3A : memref<!tpu.dma_semaphore, #tpu.memory_space<semaphore_mem>>)
        %dma_wait3A = arith.constant 0 : i32
        %dma_wait3A_41 = tpu.memref_slice %arg8[%while3A_26, %dma_wait3A] : memref<40x128xi32, #tpu.memory_space<vmem>> -> memref<1x128xi32, #tpu.memory_space<vmem>>
        %dma_wait3A_42 = tpu.memref_squeeze %dma_wait3A_41 : memref<1x128xi32, #tpu.memory_space<vmem>> -> memref<128xi32, #tpu.memory_space<vmem>>
        %dma_wait3A_43 = tpu.memref_slice %arg2[%multiple_of3A] : memref<160000xi32, #tpu.memory_space<hbm>> -> memref<128xi32, #tpu.memory_space<hbm>>
        %dma_wait3A_44 = arith.constant 0 : i32
        %dma_wait3A_45 = tpu.memref_slice %arg8[%while3A_26, %dma_wait3A_44] : memref<40x128xi32, #tpu.memory_space<vmem>> -> memref<1x128xi32, #tpu.memory_space<vmem>>
        %dma_wait3A_46 = tpu.memref_squeeze %dma_wait3A_45 : memref<1x128xi32, #tpu.memory_space<vmem>> -> memref<128xi32, #tpu.memory_space<vmem>>
        %dma_wait3A_47 = tpu.memref_slice %arg2[%multiple_of3A] : memref<160000xi32, #tpu.memory_space<hbm>> -> memref<128xi32, #tpu.memory_space<hbm>>
        tpu.wait_dma2 semaphore(%run_scoped3A : memref<!tpu.dma_semaphore, #tpu.memory_space<semaphore_mem>>) src(%dma_wait3A_47 : memref<128xi32, #tpu.memory_space<hbm>>) dst(%dma_wait3A_46 : memref<128xi32, #tpu.memory_space<vmem>>)
        tpu.yield
      }) : () -> ()
      "tpu.region"() ({
        %run_scoped3A = tpu.sem_alloc : memref<!tpu.dma_semaphore, #tpu.memory_space<semaphore_mem>>
        %dma_start3A = arith.constant 0 : i32
        %dma_start3A_34 = tpu.memref_slice %arg9[%while3A_26, %dma_start3A] : memref<40x128xi32, #tpu.memory_space<vmem>> -> memref<1x128xi32, #tpu.memory_space<vmem>>
        %dma_start3A_35 = tpu.memref_squeeze %dma_start3A_34 : memref<1x128xi32, #tpu.memory_space<vmem>> -> memref<128xi32, #tpu.memory_space<vmem>>
        %dma_start3A_36 = tpu.memref_slice %arg3[%multiple_of3A] : memref<160000xi32, #tpu.memory_space<hbm>> -> memref<128xi32, #tpu.memory_space<hbm>>
        %dma_start3A_37 = arith.constant 0 : i32
        %dma_start3A_38 = tpu.memref_slice %arg9[%while3A_26, %dma_start3A_37] : memref<40x128xi32, #tpu.memory_space<vmem>> -> memref<1x128xi32, #tpu.memory_space<vmem>>
        %dma_start3A_39 = tpu.memref_squeeze %dma_start3A_38 : memref<1x128xi32, #tpu.memory_space<vmem>> -> memref<128xi32, #tpu.memory_space<vmem>>
        %dma_start3A_40 = tpu.memref_slice %arg3[%multiple_of3A] : memref<160000xi32, #tpu.memory_space<hbm>> -> memref<128xi32, #tpu.memory_space<hbm>>
        tpu.enqueue_dma source(%dma_start3A_40 : memref<128xi32, #tpu.memory_space<hbm>>) target(%dma_start3A_39 : memref<128xi32, #tpu.memory_space<vmem>>) target_semaphore(%run_scoped3A : memref<!tpu.dma_semaphore, #tpu.memory_space<semaphore_mem>>)
        %dma_wait3A = arith.constant 0 : i32
        %dma_wait3A_41 = tpu.memref_slice %arg9[%while3A_26, %dma_wait3A] : memref<40x128xi32, #tpu.memory_space<vmem>> -> memref<1x128xi32, #tpu.memory_space<vmem>>
        %dma_wait3A_42 = tpu.memref_squeeze %dma_wait3A_41 : memref<1x128xi32, #tpu.memory_space<vmem>> -> memref<128xi32, #tpu.memory_space<vmem>>
        %dma_wait3A_43 = tpu.memref_slice %arg3[%multiple_of3A] : memref<160000xi32, #tpu.memory_space<hbm>> -> memref<128xi32, #tpu.memory_space<hbm>>
        %dma_wait3A_44 = arith.constant 0 : i32
        %dma_wait3A_45 = tpu.memref_slice %arg9[%while3A_26, %dma_wait3A_44] : memref<40x128xi32, #tpu.memory_space<vmem>> -> memref<1x128xi32, #tpu.memory_space<vmem>>
        %dma_wait3A_46 = tpu.memref_squeeze %dma_wait3A_45 : memref<1x128xi32, #tpu.memory_space<vmem>> -> memref<128xi32, #tpu.memory_space<vmem>>
        %dma_wait3A_47 = tpu.memref_slice %arg3[%multiple_of3A] : memref<160000xi32, #tpu.memory_space<hbm>> -> memref<128xi32, #tpu.memory_space<hbm>>
        tpu.wait_dma2 semaphore(%run_scoped3A : memref<!tpu.dma_semaphore, #tpu.memory_space<semaphore_mem>>) src(%dma_wait3A_47 : memref<128xi32, #tpu.memory_space<hbm>>) dst(%dma_wait3A_46 : memref<128xi32, #tpu.memory_space<vmem>>)
        tpu.yield
      }) : () -> ()
      %while3A_33 = arith.constant 0 : i32
      scf.yield %while3A_33 : i32
    }
    %while3A_14 = arith.constant 0 : i32
    %while3A_15 = arith.constant 0 : i32
    %while3A_16 = arith.subi %select_n3A, %while3A_14 : i32
    %while3A_17 = arith.addi %while3A_14, %while3A_16 : i32
    %while3A_18 = arith.constant 1 : i32
    %while3A_19 = arith.divsi %while3A_16, %while3A_18 : i32
    %while3A_20 = arith.muli %while3A_19, %while3A_18 : i32
    %while3A_21 = arith.addi %while3A_14, %while3A_20 : i32
    %while3A_22 = arith.constant 1 : i32
    %while3A_23 = scf.for %while3A_26 = %while3A_14 to %while3A_21 step %while3A_22 iter_args(%while3A_27 = %while3A_15) -> (i32)  : i32 {
      %mul3A_28 = arith.constant 32 : i32
      %mul3A_29 = arith.muli %while3A_26, %mul3A_28 : i32
      %add3A_30 = arith.addi %add3A, %mul3A_29 : i32
      %mul3A_31 = arith.constant 128 : i32
      %mul3A_32 = arith.muli %add3A_30, %mul3A_31 : i32
      %multiple_of3A = tpu.assume_multiple %mul3A_32, 128 : i32
      %dma_start3A = arith.constant 0 : i32
      %dma_start3A_33 = tpu.memref_slice %arg8[%while3A_26, %dma_start3A] : memref<40x128xi32, #tpu.memory_space<vmem>> -> memref<1x128xi32, #tpu.memory_space<vmem>>
      %dma_start3A_34 = tpu.memref_squeeze %dma_start3A_33 : memref<1x128xi32, #tpu.memory_space<vmem>> -> memref<128xi32, #tpu.memory_space<vmem>>
      %dma_start3A_35 = arith.constant 0 : i32
      %dma_start3A_36 = arith.constant 0 : i32
      %dma_start3A_37 = tpu.memref_slice %arg4[%dma_start3A_35, %dma_start3A_36] : memref<10000x128xf32, #tpu.memory_space<hbm>> -> memref<10000x128xf32, #tpu.memory_space<hbm>>
      tpu.enqueue_indirect_dma source(%dma_start3A_37 : memref<10000x128xf32, #tpu.memory_space<hbm>>) target(%arg10 : memref<128x128xf32, #tpu.memory_space<vmem>>) offsets(%dma_start3A_34 : memref<128xi32, #tpu.memory_space<vmem>>) semaphore(%arg12 : memref<!tpu.dma_semaphore, #tpu.memory_space<semaphore_mem>>)
      %dma_start3A_38 = arith.constant 0 : i32
      %dma_start3A_39 = tpu.memref_slice %arg9[%while3A_26, %dma_start3A_38] : memref<40x128xi32, #tpu.memory_space<vmem>> -> memref<1x128xi32, #tpu.memory_space<vmem>>
      %dma_start3A_40 = tpu.memref_squeeze %dma_start3A_39 : memref<1x128xi32, #tpu.memory_space<vmem>> -> memref<128xi32, #tpu.memory_space<vmem>>
      %dma_start3A_41 = arith.constant 0 : i32
      %dma_start3A_42 = arith.constant 0 : i32
      %dma_start3A_43 = tpu.memref_slice %arg5[%dma_start3A_41, %dma_start3A_42] : memref<10000x128xf32, #tpu.memory_space<hbm>> -> memref<10000x128xf32, #tpu.memory_space<hbm>>
      tpu.enqueue_indirect_dma source(%dma_start3A_43 : memref<10000x128xf32, #tpu.memory_space<hbm>>) target(%arg11 : memref<128x128xf32, #tpu.memory_space<vmem>>) offsets(%dma_start3A_40 : memref<128xi32, #tpu.memory_space<vmem>>) semaphore(%arg13 : memref<!tpu.dma_semaphore, #tpu.memory_space<semaphore_mem>>)
      %dma_wait3A = arith.constant 0 : i32
      %dma_wait3A_44 = tpu.memref_slice %arg8[%while3A_26, %dma_wait3A] : memref<40x128xi32, #tpu.memory_space<vmem>> -> memref<1x128xi32, #tpu.memory_space<vmem>>
      %dma_wait3A_45 = tpu.memref_squeeze %dma_wait3A_44 : memref<1x128xi32, #tpu.memory_space<vmem>> -> memref<128xi32, #tpu.memory_space<vmem>>
      %dma_wait3A_46 = arith.constant 0 : i32
      %dma_wait3A_47 = arith.constant 0 : i32
      %dma_wait3A_48 = tpu.memref_slice %arg4[%dma_wait3A_46, %dma_wait3A_47] : memref<10000x128xf32, #tpu.memory_space<hbm>> -> memref<10000x128xf32, #tpu.memory_space<hbm>>
      tpu.wait_indirect_dma semaphore(%arg12 : memref<!tpu.dma_semaphore, #tpu.memory_space<semaphore_mem>>) src(%dma_wait3A_48 : memref<10000x128xf32, #tpu.memory_space<hbm>>) dst(%arg10 : memref<128x128xf32, #tpu.memory_space<vmem>>)
      %dma_wait3A_49 = arith.constant 0 : i32
      %dma_wait3A_50 = tpu.memref_slice %arg9[%while3A_26, %dma_wait3A_49] : memref<40x128xi32, #tpu.memory_space<vmem>> -> memref<1x128xi32, #tpu.memory_space<vmem>>
      %dma_wait3A_51 = tpu.memref_squeeze %dma_wait3A_50 : memref<1x128xi32, #tpu.memory_space<vmem>> -> memref<128xi32, #tpu.memory_space<vmem>>
      %dma_wait3A_52 = arith.constant 0 : i32
      %dma_wait3A_53 = arith.constant 0 : i32
      %dma_wait3A_54 = tpu.memref_slice %arg5[%dma_wait3A_52, %dma_wait3A_53] : memref<10000x128xf32, #tpu.memory_space<hbm>> -> memref<10000x128xf32, #tpu.memory_space<hbm>>
      tpu.wait_indirect_dma semaphore(%arg13 : memref<!tpu.dma_semaphore, #tpu.memory_space<semaphore_mem>>) src(%dma_wait3A_54 : memref<10000x128xf32, #tpu.memory_space<hbm>>) dst(%arg11 : memref<128x128xf32, #tpu.memory_space<vmem>>)
      "tpu.region"() ({
        %run_scoped3A = tpu.sem_alloc : memref<!tpu.dma_semaphore, #tpu.memory_space<semaphore_mem>>
        %dma_start3A_56 = arith.constant 0 : i32
        %dma_start3A_57 = tpu.memref_slice %arg6[%multiple_of3A, %dma_start3A_56] : memref<160000x128xf32, #tpu.memory_space<hbm>> -> memref<128x128xf32, #tpu.memory_space<hbm>>
        %dma_start3A_58 = arith.constant 0 : i32
        %dma_start3A_59 = tpu.memref_slice %arg6[%multiple_of3A, %dma_start3A_58] : memref<160000x128xf32, #tpu.memory_space<hbm>> -> memref<128x128xf32, #tpu.memory_space<hbm>>
        tpu.enqueue_dma source(%arg10 : memref<128x128xf32, #tpu.memory_space<vmem>>) target(%dma_start3A_59 : memref<128x128xf32, #tpu.memory_space<hbm>>) target_semaphore(%run_scoped3A : memref<!tpu.dma_semaphore, #tpu.memory_space<semaphore_mem>>)
        %dma_wait3A_60 = arith.constant 0 : i32
        %dma_wait3A_61 = tpu.memref_slice %arg6[%multiple_of3A, %dma_wait3A_60] : memref<160000x128xf32, #tpu.memory_space<hbm>> -> memref<128x128xf32, #tpu.memory_space<hbm>>
        %dma_wait3A_62 = arith.constant 0 : i32
        %dma_wait3A_63 = tpu.memref_slice %arg6[%multiple_of3A, %dma_wait3A_62] : memref<160000x128xf32, #tpu.memory_space<hbm>> -> memref<128x128xf32, #tpu.memory_space<hbm>>
        tpu.wait_dma2 semaphore(%run_scoped3A : memref<!tpu.dma_semaphore, #tpu.memory_space<semaphore_mem>>) src(%arg10 : memref<128x128xf32, #tpu.memory_space<vmem>>) dst(%dma_wait3A_63 : memref<128x128xf32, #tpu.memory_space<hbm>>)
        tpu.yield
      }) : () -> ()
      "tpu.region"() ({
        %run_scoped3A = tpu.sem_alloc : memref<!tpu.dma_semaphore, #tpu.memory_space<semaphore_mem>>
        %dma_start3A_56 = arith.constant 0 : i32
        %dma_start3A_57 = tpu.memref_slice %arg7[%multiple_of3A, %dma_start3A_56] : memref<160000x128xf32, #tpu.memory_space<hbm>> -> memref<128x128xf32, #tpu.memory_space<hbm>>
        %dma_start3A_58 = arith.constant 0 : i32
        %dma_start3A_59 = tpu.memref_slice %arg7[%multiple_of3A, %dma_start3A_58] : memref<160000x128xf32, #tpu.memory_space<hbm>> -> memref<128x128xf32, #tpu.memory_space<hbm>>
        tpu.enqueue_dma source(%arg11 : memref<128x128xf32, #tpu.memory_space<vmem>>) target(%dma_start3A_59 : memref<128x128xf32, #tpu.memory_space<hbm>>) target_semaphore(%run_scoped3A : memref<!tpu.dma_semaphore, #tpu.memory_space<semaphore_mem>>)
        %dma_wait3A_60 = arith.constant 0 : i32
        %dma_wait3A_61 = tpu.memref_slice %arg7[%multiple_of3A, %dma_wait3A_60] : memref<160000x128xf32, #tpu.memory_space<hbm>> -> memref<128x128xf32, #tpu.memory_space<hbm>>
        %dma_wait3A_62 = arith.constant 0 : i32
        %dma_wait3A_63 = tpu.memref_slice %arg7[%multiple_of3A, %dma_wait3A_62] : memref<160000x128xf32, #tpu.memory_space<hbm>> -> memref<128x128xf32, #tpu.memory_space<hbm>>
        tpu.wait_dma2 semaphore(%run_scoped3A : memref<!tpu.dma_semaphore, #tpu.memory_space<semaphore_mem>>) src(%arg11 : memref<128x128xf32, #tpu.memory_space<vmem>>) dst(%dma_wait3A_63 : memref<128x128xf32, #tpu.memory_space<hbm>>)
        tpu.yield
      }) : () -> ()
      %while3A_55 = arith.constant 0 : i32
      scf.yield %while3A_55 : i32
    }
    %while3A_24 = arith.constant 1 : i32
    %while3A_25 = scf.for %while3A_26 = %while3A_21 to %while3A_17 step %while3A_24 iter_args(%while3A_27 = %while3A_23) -> (i32)  : i32 {
      %mul3A_28 = arith.constant 32 : i32
      %mul3A_29 = arith.muli %while3A_26, %mul3A_28 : i32
      %add3A_30 = arith.addi %add3A, %mul3A_29 : i32
      %mul3A_31 = arith.constant 128 : i32
      %mul3A_32 = arith.muli %add3A_30, %mul3A_31 : i32
      %multiple_of3A = tpu.assume_multiple %mul3A_32, 128 : i32
      %dma_start3A = arith.constant 0 : i32
      %dma_start3A_33 = tpu.memref_slice %arg8[%while3A_26, %dma_start3A] : memref<40x128xi32, #tpu.memory_space<vmem>> -> memref<1x128xi32, #tpu.memory_space<vmem>>
      %dma_start3A_34 = tpu.memref_squeeze %dma_start3A_33 : memref<1x128xi32, #tpu.memory_space<vmem>> -> memref<128xi32, #tpu.memory_space<vmem>>
      %dma_start3A_35 = arith.constant 0 : i32
      %dma_start3A_36 = arith.constant 0 : i32
      %dma_start3A_37 = tpu.memref_slice %arg4[%dma_start3A_35, %dma_start3A_36] : memref<10000x128xf32, #tpu.memory_space<hbm>> -> memref<10000x128xf32, #tpu.memory_space<hbm>>
      tpu.enqueue_indirect_dma source(%dma_start3A_37 : memref<10000x128xf32, #tpu.memory_space<hbm>>) target(%arg10 : memref<128x128xf32, #tpu.memory_space<vmem>>) offsets(%dma_start3A_34 : memref<128xi32, #tpu.memory_space<vmem>>) semaphore(%arg12 : memref<!tpu.dma_semaphore, #tpu.memory_space<semaphore_mem>>)
      %dma_start3A_38 = arith.constant 0 : i32
      %dma_start3A_39 = tpu.memref_slice %arg9[%while3A_26, %dma_start3A_38] : memref<40x128xi32, #tpu.memory_space<vmem>> -> memref<1x128xi32, #tpu.memory_space<vmem>>
      %dma_start3A_40 = tpu.memref_squeeze %dma_start3A_39 : memref<1x128xi32, #tpu.memory_space<vmem>> -> memref<128xi32, #tpu.memory_space<vmem>>
      %dma_start3A_41 = arith.constant 0 : i32
      %dma_start3A_42 = arith.constant 0 : i32
      %dma_start3A_43 = tpu.memref_slice %arg5[%dma_start3A_41, %dma_start3A_42] : memref<10000x128xf32, #tpu.memory_space<hbm>> -> memref<10000x128xf32, #tpu.memory_space<hbm>>
      tpu.enqueue_indirect_dma source(%dma_start3A_43 : memref<10000x128xf32, #tpu.memory_space<hbm>>) target(%arg11 : memref<128x128xf32, #tpu.memory_space<vmem>>) offsets(%dma_start3A_40 : memref<128xi32, #tpu.memory_space<vmem>>) semaphore(%arg13 : memref<!tpu.dma_semaphore, #tpu.memory_space<semaphore_mem>>)
      %dma_wait3A = arith.constant 0 : i32
      %dma_wait3A_44 = tpu.memref_slice %arg8[%while3A_26, %dma_wait3A] : memref<40x128xi32, #tpu.memory_space<vmem>> -> memref<1x128xi32, #tpu.memory_space<vmem>>
      %dma_wait3A_45 = tpu.memref_squeeze %dma_wait3A_44 : memref<1x128xi32, #tpu.memory_space<vmem>> -> memref<128xi32, #tpu.memory_space<vmem>>
      %dma_wait3A_46 = arith.constant 0 : i32
      %dma_wait3A_47 = arith.constant 0 : i32
      %dma_wait3A_48 = tpu.memref_slice %arg4[%dma_wait3A_46, %dma_wait3A_47] : memref<10000x128xf32, #tpu.memory_space<hbm>> -> memref<10000x128xf32, #tpu.memory_space<hbm>>
      tpu.wait_indirect_dma semaphore(%arg12 : memref<!tpu.dma_semaphore, #tpu.memory_space<semaphore_mem>>) src(%dma_wait3A_48 : memref<10000x128xf32, #tpu.memory_space<hbm>>) dst(%arg10 : memref<128x128xf32, #tpu.memory_space<vmem>>)
      %dma_wait3A_49 = arith.constant 0 : i32
      %dma_wait3A_50 = tpu.memref_slice %arg9[%while3A_26, %dma_wait3A_49] : memref<40x128xi32, #tpu.memory_space<vmem>> -> memref<1x128xi32, #tpu.memory_space<vmem>>
      %dma_wait3A_51 = tpu.memref_squeeze %dma_wait3A_50 : memref<1x128xi32, #tpu.memory_space<vmem>> -> memref<128xi32, #tpu.memory_space<vmem>>
      %dma_wait3A_52 = arith.constant 0 : i32
      %dma_wait3A_53 = arith.constant 0 : i32
      %dma_wait3A_54 = tpu.memref_slice %arg5[%dma_wait3A_52, %dma_wait3A_53] : memref<10000x128xf32, #tpu.memory_space<hbm>> -> memref<10000x128xf32, #tpu.memory_space<hbm>>
      tpu.wait_indirect_dma semaphore(%arg13 : memref<!tpu.dma_semaphore, #tpu.memory_space<semaphore_mem>>) src(%dma_wait3A_54 : memref<10000x128xf32, #tpu.memory_space<hbm>>) dst(%arg11 : memref<128x128xf32, #tpu.memory_space<vmem>>)
      "tpu.region"() ({
        %run_scoped3A = tpu.sem_alloc : memref<!tpu.dma_semaphore, #tpu.memory_space<semaphore_mem>>
        %dma_start3A_56 = arith.constant 0 : i32
        %dma_start3A_57 = tpu.memref_slice %arg6[%multiple_of3A, %dma_start3A_56] : memref<160000x128xf32, #tpu.memory_space<hbm>> -> memref<128x128xf32, #tpu.memory_space<hbm>>
        %dma_start3A_58 = arith.constant 0 : i32
        %dma_start3A_59 = tpu.memref_slice %arg6[%multiple_of3A, %dma_start3A_58] : memref<160000x128xf32, #tpu.memory_space<hbm>> -> memref<128x128xf32, #tpu.memory_space<hbm>>
        tpu.enqueue_dma source(%arg10 : memref<128x128xf32, #tpu.memory_space<vmem>>) target(%dma_start3A_59 : memref<128x128xf32, #tpu.memory_space<hbm>>) target_semaphore(%run_scoped3A : memref<!tpu.dma_semaphore, #tpu.memory_space<semaphore_mem>>)
        %dma_wait3A_60 = arith.constant 0 : i32
        %dma_wait3A_61 = tpu.memref_slice %arg6[%multiple_of3A, %dma_wait3A_60] : memref<160000x128xf32, #tpu.memory_space<hbm>> -> memref<128x128xf32, #tpu.memory_space<hbm>>
        %dma_wait3A_62 = arith.constant 0 : i32
        %dma_wait3A_63 = tpu.memref_slice %arg6[%multiple_of3A, %dma_wait3A_62] : memref<160000x128xf32, #tpu.memory_space<hbm>> -> memref<128x128xf32, #tpu.memory_space<hbm>>
        tpu.wait_dma2 semaphore(%run_scoped3A : memref<!tpu.dma_semaphore, #tpu.memory_space<semaphore_mem>>) src(%arg10 : memref<128x128xf32, #tpu.memory_space<vmem>>) dst(%dma_wait3A_63 : memref<128x128xf32, #tpu.memory_space<hbm>>)
        tpu.yield
      }) : () -> ()
      "tpu.region"() ({
        %run_scoped3A = tpu.sem_alloc : memref<!tpu.dma_semaphore, #tpu.memory_space<semaphore_mem>>
        %dma_start3A_56 = arith.constant 0 : i32
        %dma_start3A_57 = tpu.memref_slice %arg7[%multiple_of3A, %dma_start3A_56] : memref<160000x128xf32, #tpu.memory_space<hbm>> -> memref<128x128xf32, #tpu.memory_space<hbm>>
        %dma_start3A_58 = arith.constant 0 : i32
        %dma_start3A_59 = tpu.memref_slice %arg7[%multiple_of3A, %dma_start3A_58] : memref<160000x128xf32, #tpu.memory_space<hbm>> -> memref<128x128xf32, #tpu.memory_space<hbm>>
        tpu.enqueue_dma source(%arg11 : memref<128x128xf32, #tpu.memory_space<vmem>>) target(%dma_start3A_59 : memref<128x128xf32, #tpu.memory_space<hbm>>) target_semaphore(%run_scoped3A : memref<!tpu.dma_semaphore, #tpu.memory_space<semaphore_mem>>)
        %dma_wait3A_60 = arith.constant 0 : i32
        %dma_wait3A_61 = tpu.memref_slice %arg7[%multiple_of3A, %dma_wait3A_60] : memref<160000x128xf32, #tpu.memory_space<hbm>> -> memref<128x128xf32, #tpu.memory_space<hbm>>
        %dma_wait3A_62 = arith.constant 0 : i32
        %dma_wait3A_63 = tpu.memref_slice %arg7[%multiple_of3A, %dma_wait3A_62] : memref<160000x128xf32, #tpu.memory_space<hbm>> -> memref<128x128xf32, #tpu.memory_space<hbm>>
        tpu.wait_dma2 semaphore(%run_scoped3A : memref<!tpu.dma_semaphore, #tpu.memory_space<semaphore_mem>>) src(%arg11 : memref<128x128xf32, #tpu.memory_space<vmem>>) dst(%dma_wait3A_63 : memref<128x128xf32, #tpu.memory_space<hbm>>)
        tpu.yield
      }) : () -> ()
      %while3A_55 = arith.constant 0 : i32
      scf.yield %while3A_55 : i32
    }
    return
  }
}

#map = affine_map<(d0, d1) -> (0)>
#map1 = affine_map<(d0, d1) -> (0, 0)>
#map2 = affine_map<(d0, d1) -> (0, 0, 0)>
module attributes {stable_mosaic.version = 14 : i64} {
  func.func @sc_scatter(%arg0: i32, %arg1: i32, %arg2: memref<160000xi32, #tpu.memory_space<hbm>>, %arg3: memref<160000x128xf32, #tpu.memory_space<hbm>>, %arg4: memref<632x128xf32, #tpu.memory_space<hbm>>, %arg5: memref<2x10000x128xf32, #tpu.memory_space<hbm>>, %arg6: memref<40x128xi32, #tpu.memory_space<vmem>>, %arg7: memref<128x128xf32, #tpu.memory_space<vmem>>, %arg8: memref<10000x128xf32, #tpu.memory_space<vmem_shared>>, %arg9: memref<!tpu.dma_semaphore, #tpu.memory_space<semaphore_mem>>) attributes {dimension_semantics = [#tpu.dimension_semantics<core_parallel>, #tpu.dimension_semantics<subcore_parallel>], iteration_bounds = array<i64: 2, 16>, scalar_prefetch = 0 : i64, scratch_operands = 4 : i64, tpu.core_type = #tpu.core_type<sc_vector_subcore>, window_params = [{transform_indices = #map}, {transform_indices = #map1}, {transform_indices = #map1}, {transform_indices = #map2}]} {
    %mul3A = arith.constant 2 : i32
    %mul3A_0 = arith.muli %arg1, %mul3A : i32
    %add3A = arith.addi %mul3A_0, %arg0 : i32
    %lt3A = arith.constant 2 : i32
    %lt3A_1 = arith.cmpi slt, %add3A, %lt3A : i32
    %jit3A = arith.constant 40 : i32
    %jit3A_2 = arith.constant 39 : i32
    %select_n3A = arith.select %lt3A_1, %jit3A, %jit3A_2 : i32
    %lt3A_3 = arith.constant 15 : i32
    %lt3A_4 = arith.cmpi slt, %arg1, %lt3A_3 : i32
    %convert_element_type3A = arith.extui %lt3A_4 : i1 to i32
    %cond3A = arith.constant 0 : i32
    %cond3A_5 = arith.cmpi ne, %convert_element_type3A, %cond3A : i32
    scf.if %cond3A_5 {
      %mul3A_44 = arith.constant 632 : i32
      %mul3A_45 = arith.muli %arg1, %mul3A_44 : i32
      %multiple_of3A = tpu.assume_multiple %mul3A_45, 8 : i32
      "tpu.region"() ({
        %run_scoped3A = tpu.sem_alloc : memref<!tpu.dma_semaphore, #tpu.memory_space<semaphore_mem>>
        %dma_start3A = arith.constant 0 : i32
        %dma_start3A_46 = tpu.memref_slice %arg8[%multiple_of3A, %dma_start3A] : memref<10000x128xf32, #tpu.memory_space<vmem_shared>> -> memref<632x128xf32, #tpu.memory_space<vmem_shared>>
        tpu.enqueue_dma source(%arg4 : memref<632x128xf32, #tpu.memory_space<hbm>>) target(%dma_start3A_46 : memref<632x128xf32, #tpu.memory_space<vmem_shared>>) target_semaphore(%run_scoped3A : memref<!tpu.dma_semaphore, #tpu.memory_space<semaphore_mem>>)
        %dma_wait3A = arith.constant 0 : i32
        %dma_wait3A_47 = tpu.memref_slice %arg8[%multiple_of3A, %dma_wait3A] : memref<10000x128xf32, #tpu.memory_space<vmem_shared>> -> memref<632x128xf32, #tpu.memory_space<vmem_shared>>
        tpu.wait_dma2 semaphore(%run_scoped3A : memref<!tpu.dma_semaphore, #tpu.memory_space<semaphore_mem>>) src(%arg4 : memref<632x128xf32, #tpu.memory_space<hbm>>) dst(%dma_wait3A_47 : memref<632x128xf32, #tpu.memory_space<vmem_shared>>)
        tpu.yield
      }) : () -> ()
    } else {
    }
    %eq3A = arith.constant 15 : i32
    %eq3A_6 = arith.cmpi eq, %arg1, %eq3A : i32
    %convert_element_type3A_7 = arith.extui %eq3A_6 : i1 to i32
    %cond3A_8 = arith.constant 0 : i32
    %cond3A_9 = arith.cmpi ne, %convert_element_type3A_7, %cond3A_8 : i32
    scf.if %cond3A_9 {
      "tpu.region"() ({
        %run_scoped3A = tpu.sem_alloc : memref<!tpu.dma_semaphore, #tpu.memory_space<semaphore_mem>>
        %dma_start3A = arith.constant 9480 : i32
        %dma_start3A_44 = arith.constant 0 : i32
        %dma_start3A_45 = tpu.memref_slice %arg8[%dma_start3A, %dma_start3A_44] : memref<10000x128xf32, #tpu.memory_space<vmem_shared>> -> memref<520x128xf32, #tpu.memory_space<vmem_shared>>
        %dma_start3A_46 = arith.constant 0 : i32
        %dma_start3A_47 = arith.constant 0 : i32
        %dma_start3A_48 = tpu.memref_slice %arg4[%dma_start3A_46, %dma_start3A_47] : memref<632x128xf32, #tpu.memory_space<hbm>> -> memref<520x128xf32, #tpu.memory_space<hbm>>
        tpu.enqueue_dma source(%dma_start3A_48 : memref<520x128xf32, #tpu.memory_space<hbm>>) target(%dma_start3A_45 : memref<520x128xf32, #tpu.memory_space<vmem_shared>>) target_semaphore(%run_scoped3A : memref<!tpu.dma_semaphore, #tpu.memory_space<semaphore_mem>>)
        %dma_wait3A = arith.constant 9480 : i32
        %dma_wait3A_49 = arith.constant 0 : i32
        %dma_wait3A_50 = tpu.memref_slice %arg8[%dma_wait3A, %dma_wait3A_49] : memref<10000x128xf32, #tpu.memory_space<vmem_shared>> -> memref<520x128xf32, #tpu.memory_space<vmem_shared>>
        %dma_wait3A_51 = arith.constant 0 : i32
        %dma_wait3A_52 = arith.constant 0 : i32
        %dma_wait3A_53 = tpu.memref_slice %arg4[%dma_wait3A_51, %dma_wait3A_52] : memref<632x128xf32, #tpu.memory_space<hbm>> -> memref<520x128xf32, #tpu.memory_space<hbm>>
        tpu.wait_dma2 semaphore(%run_scoped3A : memref<!tpu.dma_semaphore, #tpu.memory_space<semaphore_mem>>) src(%dma_wait3A_53 : memref<520x128xf32, #tpu.memory_space<hbm>>) dst(%dma_wait3A_50 : memref<520x128xf32, #tpu.memory_space<vmem_shared>>)
        tpu.yield
      }) : () -> ()
    } else {
    }
    %while3A = arith.constant 0 : i32
    %while3A_10 = arith.constant 0 : i32
    %while3A_11 = arith.subi %select_n3A, %while3A : i32
    %while3A_12 = arith.addi %while3A, %while3A_11 : i32
    %while3A_13 = arith.constant 1 : i32
    %while3A_14 = arith.divsi %while3A_11, %while3A_13 : i32
    %while3A_15 = arith.muli %while3A_14, %while3A_13 : i32
    %while3A_16 = arith.addi %while3A, %while3A_15 : i32
    %while3A_17 = arith.constant 1 : i32
    %while3A_18 = scf.for %while3A_44 = %while3A to %while3A_16 step %while3A_17 iter_args(%while3A_45 = %while3A_10) -> (i32)  : i32 {
      %mul3A_46 = arith.constant 32 : i32
      %mul3A_47 = arith.muli %while3A_44, %mul3A_46 : i32
      %add3A_48 = arith.addi %add3A, %mul3A_47 : i32
      %mul3A_49 = arith.constant 128 : i32
      %mul3A_50 = arith.muli %add3A_48, %mul3A_49 : i32
      %multiple_of3A = tpu.assume_multiple %mul3A_50, 128 : i32
      "tpu.region"() ({
        %run_scoped3A = tpu.sem_alloc : memref<!tpu.dma_semaphore, #tpu.memory_space<semaphore_mem>>
        %dma_start3A = arith.constant 0 : i32
        %dma_start3A_52 = tpu.memref_slice %arg6[%while3A_44, %dma_start3A] : memref<40x128xi32, #tpu.memory_space<vmem>> -> memref<1x128xi32, #tpu.memory_space<vmem>>
        %dma_start3A_53 = tpu.memref_squeeze %dma_start3A_52 : memref<1x128xi32, #tpu.memory_space<vmem>> -> memref<128xi32, #tpu.memory_space<vmem>>
        %dma_start3A_54 = tpu.memref_slice %arg2[%multiple_of3A] : memref<160000xi32, #tpu.memory_space<hbm>> -> memref<128xi32, #tpu.memory_space<hbm>>
        %dma_start3A_55 = arith.constant 0 : i32
        %dma_start3A_56 = tpu.memref_slice %arg6[%while3A_44, %dma_start3A_55] : memref<40x128xi32, #tpu.memory_space<vmem>> -> memref<1x128xi32, #tpu.memory_space<vmem>>
        %dma_start3A_57 = tpu.memref_squeeze %dma_start3A_56 : memref<1x128xi32, #tpu.memory_space<vmem>> -> memref<128xi32, #tpu.memory_space<vmem>>
        %dma_start3A_58 = tpu.memref_slice %arg2[%multiple_of3A] : memref<160000xi32, #tpu.memory_space<hbm>> -> memref<128xi32, #tpu.memory_space<hbm>>
        tpu.enqueue_dma source(%dma_start3A_58 : memref<128xi32, #tpu.memory_space<hbm>>) target(%dma_start3A_57 : memref<128xi32, #tpu.memory_space<vmem>>) target_semaphore(%run_scoped3A : memref<!tpu.dma_semaphore, #tpu.memory_space<semaphore_mem>>)
        %dma_wait3A = arith.constant 0 : i32
        %dma_wait3A_59 = tpu.memref_slice %arg6[%while3A_44, %dma_wait3A] : memref<40x128xi32, #tpu.memory_space<vmem>> -> memref<1x128xi32, #tpu.memory_space<vmem>>
        %dma_wait3A_60 = tpu.memref_squeeze %dma_wait3A_59 : memref<1x128xi32, #tpu.memory_space<vmem>> -> memref<128xi32, #tpu.memory_space<vmem>>
        %dma_wait3A_61 = tpu.memref_slice %arg2[%multiple_of3A] : memref<160000xi32, #tpu.memory_space<hbm>> -> memref<128xi32, #tpu.memory_space<hbm>>
        %dma_wait3A_62 = arith.constant 0 : i32
        %dma_wait3A_63 = tpu.memref_slice %arg6[%while3A_44, %dma_wait3A_62] : memref<40x128xi32, #tpu.memory_space<vmem>> -> memref<1x128xi32, #tpu.memory_space<vmem>>
        %dma_wait3A_64 = tpu.memref_squeeze %dma_wait3A_63 : memref<1x128xi32, #tpu.memory_space<vmem>> -> memref<128xi32, #tpu.memory_space<vmem>>
        %dma_wait3A_65 = tpu.memref_slice %arg2[%multiple_of3A] : memref<160000xi32, #tpu.memory_space<hbm>> -> memref<128xi32, #tpu.memory_space<hbm>>
        tpu.wait_dma2 semaphore(%run_scoped3A : memref<!tpu.dma_semaphore, #tpu.memory_space<semaphore_mem>>) src(%dma_wait3A_65 : memref<128xi32, #tpu.memory_space<hbm>>) dst(%dma_wait3A_64 : memref<128xi32, #tpu.memory_space<vmem>>)
        tpu.yield
      }) : () -> ()
      %while3A_51 = arith.constant 0 : i32
      scf.yield %while3A_51 : i32
    }
    %while3A_19 = arith.constant 1 : i32
    %while3A_20 = scf.for %while3A_44 = %while3A_16 to %while3A_12 step %while3A_19 iter_args(%while3A_45 = %while3A_18) -> (i32)  : i32 {
      %mul3A_46 = arith.constant 32 : i32
      %mul3A_47 = arith.muli %while3A_44, %mul3A_46 : i32
      %add3A_48 = arith.addi %add3A, %mul3A_47 : i32
      %mul3A_49 = arith.constant 128 : i32
      %mul3A_50 = arith.muli %add3A_48, %mul3A_49 : i32
      %multiple_of3A = tpu.assume_multiple %mul3A_50, 128 : i32
      "tpu.region"() ({
        %run_scoped3A = tpu.sem_alloc : memref<!tpu.dma_semaphore, #tpu.memory_space<semaphore_mem>>
        %dma_start3A = arith.constant 0 : i32
        %dma_start3A_52 = tpu.memref_slice %arg6[%while3A_44, %dma_start3A] : memref<40x128xi32, #tpu.memory_space<vmem>> -> memref<1x128xi32, #tpu.memory_space<vmem>>
        %dma_start3A_53 = tpu.memref_squeeze %dma_start3A_52 : memref<1x128xi32, #tpu.memory_space<vmem>> -> memref<128xi32, #tpu.memory_space<vmem>>
        %dma_start3A_54 = tpu.memref_slice %arg2[%multiple_of3A] : memref<160000xi32, #tpu.memory_space<hbm>> -> memref<128xi32, #tpu.memory_space<hbm>>
        %dma_start3A_55 = arith.constant 0 : i32
        %dma_start3A_56 = tpu.memref_slice %arg6[%while3A_44, %dma_start3A_55] : memref<40x128xi32, #tpu.memory_space<vmem>> -> memref<1x128xi32, #tpu.memory_space<vmem>>
        %dma_start3A_57 = tpu.memref_squeeze %dma_start3A_56 : memref<1x128xi32, #tpu.memory_space<vmem>> -> memref<128xi32, #tpu.memory_space<vmem>>
        %dma_start3A_58 = tpu.memref_slice %arg2[%multiple_of3A] : memref<160000xi32, #tpu.memory_space<hbm>> -> memref<128xi32, #tpu.memory_space<hbm>>
        tpu.enqueue_dma source(%dma_start3A_58 : memref<128xi32, #tpu.memory_space<hbm>>) target(%dma_start3A_57 : memref<128xi32, #tpu.memory_space<vmem>>) target_semaphore(%run_scoped3A : memref<!tpu.dma_semaphore, #tpu.memory_space<semaphore_mem>>)
        %dma_wait3A = arith.constant 0 : i32
        %dma_wait3A_59 = tpu.memref_slice %arg6[%while3A_44, %dma_wait3A] : memref<40x128xi32, #tpu.memory_space<vmem>> -> memref<1x128xi32, #tpu.memory_space<vmem>>
        %dma_wait3A_60 = tpu.memref_squeeze %dma_wait3A_59 : memref<1x128xi32, #tpu.memory_space<vmem>> -> memref<128xi32, #tpu.memory_space<vmem>>
        %dma_wait3A_61 = tpu.memref_slice %arg2[%multiple_of3A] : memref<160000xi32, #tpu.memory_space<hbm>> -> memref<128xi32, #tpu.memory_space<hbm>>
        %dma_wait3A_62 = arith.constant 0 : i32
        %dma_wait3A_63 = tpu.memref_slice %arg6[%while3A_44, %dma_wait3A_62] : memref<40x128xi32, #tpu.memory_space<vmem>> -> memref<1x128xi32, #tpu.memory_space<vmem>>
        %dma_wait3A_64 = tpu.memref_squeeze %dma_wait3A_63 : memref<1x128xi32, #tpu.memory_space<vmem>> -> memref<128xi32, #tpu.memory_space<vmem>>
        %dma_wait3A_65 = tpu.memref_slice %arg2[%multiple_of3A] : memref<160000xi32, #tpu.memory_space<hbm>> -> memref<128xi32, #tpu.memory_space<hbm>>
        tpu.wait_dma2 semaphore(%run_scoped3A : memref<!tpu.dma_semaphore, #tpu.memory_space<semaphore_mem>>) src(%dma_wait3A_65 : memref<128xi32, #tpu.memory_space<hbm>>) dst(%dma_wait3A_64 : memref<128xi32, #tpu.memory_space<vmem>>)
        tpu.yield
      }) : () -> ()
      %while3A_51 = arith.constant 0 : i32
      scf.yield %while3A_51 : i32
    }
    %barrier3A = arith.constant 0 : index
    tpu.barrier barrier_id(%barrier3A)
    %while3A_21 = arith.constant 0 : i32
    %while3A_22 = arith.constant 0 : i32
    %while3A_23 = arith.subi %select_n3A, %while3A_21 : i32
    %while3A_24 = arith.addi %while3A_21, %while3A_23 : i32
    %while3A_25 = arith.constant 1 : i32
    %while3A_26 = arith.divsi %while3A_23, %while3A_25 : i32
    %while3A_27 = arith.muli %while3A_26, %while3A_25 : i32
    %while3A_28 = arith.addi %while3A_21, %while3A_27 : i32
    %while3A_29 = arith.constant 1 : i32
    %while3A_30 = scf.for %while3A_44 = %while3A_21 to %while3A_28 step %while3A_29 iter_args(%while3A_45 = %while3A_22) -> (i32)  : i32 {
      %mul3A_46 = arith.constant 32 : i32
      %mul3A_47 = arith.muli %while3A_44, %mul3A_46 : i32
      %add3A_48 = arith.addi %add3A, %mul3A_47 : i32
      %mul3A_49 = arith.constant 128 : i32
      %mul3A_50 = arith.muli %add3A_48, %mul3A_49 : i32
      %multiple_of3A = tpu.assume_multiple %mul3A_50, 128 : i32
      %dma_start3A = arith.constant 0 : i32
      %dma_start3A_51 = tpu.memref_slice %arg3[%multiple_of3A, %dma_start3A] : memref<160000x128xf32, #tpu.memory_space<hbm>> -> memref<128x128xf32, #tpu.memory_space<hbm>>
      %dma_start3A_52 = arith.constant 0 : i32
      %dma_start3A_53 = tpu.memref_slice %arg3[%multiple_of3A, %dma_start3A_52] : memref<160000x128xf32, #tpu.memory_space<hbm>> -> memref<128x128xf32, #tpu.memory_space<hbm>>
      tpu.enqueue_dma source(%dma_start3A_53 : memref<128x128xf32, #tpu.memory_space<hbm>>) target(%arg7 : memref<128x128xf32, #tpu.memory_space<vmem>>) target_semaphore(%arg9 : memref<!tpu.dma_semaphore, #tpu.memory_space<semaphore_mem>>)
      %dma_wait3A = arith.constant 0 : i32
      %dma_wait3A_54 = tpu.memref_slice %arg3[%multiple_of3A, %dma_wait3A] : memref<160000x128xf32, #tpu.memory_space<hbm>> -> memref<128x128xf32, #tpu.memory_space<hbm>>
      %dma_wait3A_55 = arith.constant 0 : i32
      %dma_wait3A_56 = tpu.memref_slice %arg3[%multiple_of3A, %dma_wait3A_55] : memref<160000x128xf32, #tpu.memory_space<hbm>> -> memref<128x128xf32, #tpu.memory_space<hbm>>
      tpu.wait_dma2 semaphore(%arg9 : memref<!tpu.dma_semaphore, #tpu.memory_space<semaphore_mem>>) src(%dma_wait3A_56 : memref<128x128xf32, #tpu.memory_space<hbm>>) dst(%arg7 : memref<128x128xf32, #tpu.memory_space<vmem>>)
      "tpu.region"() ({
        %run_scoped3A = tpu.sem_alloc : memref<!tpu.dma_semaphore, #tpu.memory_space<semaphore_mem>>
        %dma_start3A_58 = arith.constant 0 : i32
        %dma_start3A_59 = tpu.memref_slice %arg6[%while3A_44, %dma_start3A_58] : memref<40x128xi32, #tpu.memory_space<vmem>> -> memref<1x128xi32, #tpu.memory_space<vmem>>
        %dma_start3A_60 = tpu.memref_squeeze %dma_start3A_59 : memref<1x128xi32, #tpu.memory_space<vmem>> -> memref<128xi32, #tpu.memory_space<vmem>>
        %dma_start3A_61 = arith.constant 0 : i32
        %dma_start3A_62 = arith.constant 0 : i32
        %dma_start3A_63 = tpu.memref_slice %arg8[%dma_start3A_61, %dma_start3A_62] : memref<10000x128xf32, #tpu.memory_space<vmem_shared>> -> memref<10000x128xf32, #tpu.memory_space<vmem_shared>>
        tpu.enqueue_indirect_dma source(%arg7 : memref<128x128xf32, #tpu.memory_space<vmem>>) target(%dma_start3A_63 : memref<10000x128xf32, #tpu.memory_space<vmem_shared>>) offsets(%dma_start3A_60 : memref<128xi32, #tpu.memory_space<vmem>>) semaphore(%run_scoped3A : memref<!tpu.dma_semaphore, #tpu.memory_space<semaphore_mem>>) {add = true}
        %dma_wait3A_64 = arith.constant 0 : i32
        %dma_wait3A_65 = tpu.memref_slice %arg6[%while3A_44, %dma_wait3A_64] : memref<40x128xi32, #tpu.memory_space<vmem>> -> memref<1x128xi32, #tpu.memory_space<vmem>>
        %dma_wait3A_66 = tpu.memref_squeeze %dma_wait3A_65 : memref<1x128xi32, #tpu.memory_space<vmem>> -> memref<128xi32, #tpu.memory_space<vmem>>
        %dma_wait3A_67 = arith.constant 0 : i32
        %dma_wait3A_68 = arith.constant 0 : i32
        %dma_wait3A_69 = tpu.memref_slice %arg8[%dma_wait3A_67, %dma_wait3A_68] : memref<10000x128xf32, #tpu.memory_space<vmem_shared>> -> memref<10000x128xf32, #tpu.memory_space<vmem_shared>>
        tpu.wait_indirect_dma semaphore(%run_scoped3A : memref<!tpu.dma_semaphore, #tpu.memory_space<semaphore_mem>>) src(%arg7 : memref<128x128xf32, #tpu.memory_space<vmem>>) dst(%dma_wait3A_69 : memref<10000x128xf32, #tpu.memory_space<vmem_shared>>)
        tpu.yield
      }) : () -> ()
      %while3A_57 = arith.constant 0 : i32
      scf.yield %while3A_57 : i32
    }
    %while3A_31 = arith.constant 1 : i32
    %while3A_32 = scf.for %while3A_44 = %while3A_28 to %while3A_24 step %while3A_31 iter_args(%while3A_45 = %while3A_30) -> (i32)  : i32 {
      %mul3A_46 = arith.constant 32 : i32
      %mul3A_47 = arith.muli %while3A_44, %mul3A_46 : i32
      %add3A_48 = arith.addi %add3A, %mul3A_47 : i32
      %mul3A_49 = arith.constant 128 : i32
      %mul3A_50 = arith.muli %add3A_48, %mul3A_49 : i32
      %multiple_of3A = tpu.assume_multiple %mul3A_50, 128 : i32
      %dma_start3A = arith.constant 0 : i32
      %dma_start3A_51 = tpu.memref_slice %arg3[%multiple_of3A, %dma_start3A] : memref<160000x128xf32, #tpu.memory_space<hbm>> -> memref<128x128xf32, #tpu.memory_space<hbm>>
      %dma_start3A_52 = arith.constant 0 : i32
      %dma_start3A_53 = tpu.memref_slice %arg3[%multiple_of3A, %dma_start3A_52] : memref<160000x128xf32, #tpu.memory_space<hbm>> -> memref<128x128xf32, #tpu.memory_space<hbm>>
      tpu.enqueue_dma source(%dma_start3A_53 : memref<128x128xf32, #tpu.memory_space<hbm>>) target(%arg7 : memref<128x128xf32, #tpu.memory_space<vmem>>) target_semaphore(%arg9 : memref<!tpu.dma_semaphore, #tpu.memory_space<semaphore_mem>>)
      %dma_wait3A = arith.constant 0 : i32
      %dma_wait3A_54 = tpu.memref_slice %arg3[%multiple_of3A, %dma_wait3A] : memref<160000x128xf32, #tpu.memory_space<hbm>> -> memref<128x128xf32, #tpu.memory_space<hbm>>
      %dma_wait3A_55 = arith.constant 0 : i32
      %dma_wait3A_56 = tpu.memref_slice %arg3[%multiple_of3A, %dma_wait3A_55] : memref<160000x128xf32, #tpu.memory_space<hbm>> -> memref<128x128xf32, #tpu.memory_space<hbm>>
      tpu.wait_dma2 semaphore(%arg9 : memref<!tpu.dma_semaphore, #tpu.memory_space<semaphore_mem>>) src(%dma_wait3A_56 : memref<128x128xf32, #tpu.memory_space<hbm>>) dst(%arg7 : memref<128x128xf32, #tpu.memory_space<vmem>>)
      "tpu.region"() ({
        %run_scoped3A = tpu.sem_alloc : memref<!tpu.dma_semaphore, #tpu.memory_space<semaphore_mem>>
        %dma_start3A_58 = arith.constant 0 : i32
        %dma_start3A_59 = tpu.memref_slice %arg6[%while3A_44, %dma_start3A_58] : memref<40x128xi32, #tpu.memory_space<vmem>> -> memref<1x128xi32, #tpu.memory_space<vmem>>
        %dma_start3A_60 = tpu.memref_squeeze %dma_start3A_59 : memref<1x128xi32, #tpu.memory_space<vmem>> -> memref<128xi32, #tpu.memory_space<vmem>>
        %dma_start3A_61 = arith.constant 0 : i32
        %dma_start3A_62 = arith.constant 0 : i32
        %dma_start3A_63 = tpu.memref_slice %arg8[%dma_start3A_61, %dma_start3A_62] : memref<10000x128xf32, #tpu.memory_space<vmem_shared>> -> memref<10000x128xf32, #tpu.memory_space<vmem_shared>>
        tpu.enqueue_indirect_dma source(%arg7 : memref<128x128xf32, #tpu.memory_space<vmem>>) target(%dma_start3A_63 : memref<10000x128xf32, #tpu.memory_space<vmem_shared>>) offsets(%dma_start3A_60 : memref<128xi32, #tpu.memory_space<vmem>>) semaphore(%run_scoped3A : memref<!tpu.dma_semaphore, #tpu.memory_space<semaphore_mem>>) {add = true}
        %dma_wait3A_64 = arith.constant 0 : i32
        %dma_wait3A_65 = tpu.memref_slice %arg6[%while3A_44, %dma_wait3A_64] : memref<40x128xi32, #tpu.memory_space<vmem>> -> memref<1x128xi32, #tpu.memory_space<vmem>>
        %dma_wait3A_66 = tpu.memref_squeeze %dma_wait3A_65 : memref<1x128xi32, #tpu.memory_space<vmem>> -> memref<128xi32, #tpu.memory_space<vmem>>
        %dma_wait3A_67 = arith.constant 0 : i32
        %dma_wait3A_68 = arith.constant 0 : i32
        %dma_wait3A_69 = tpu.memref_slice %arg8[%dma_wait3A_67, %dma_wait3A_68] : memref<10000x128xf32, #tpu.memory_space<vmem_shared>> -> memref<10000x128xf32, #tpu.memory_space<vmem_shared>>
        tpu.wait_indirect_dma semaphore(%run_scoped3A : memref<!tpu.dma_semaphore, #tpu.memory_space<semaphore_mem>>) src(%arg7 : memref<128x128xf32, #tpu.memory_space<vmem>>) dst(%dma_wait3A_69 : memref<10000x128xf32, #tpu.memory_space<vmem_shared>>)
        tpu.yield
      }) : () -> ()
      %while3A_57 = arith.constant 0 : i32
      scf.yield %while3A_57 : i32
    }
    %barrier3A_33 = arith.constant 0 : index
    tpu.barrier barrier_id(%barrier3A_33)
    %lt3A_34 = arith.constant 15 : i32
    %lt3A_35 = arith.cmpi slt, %arg1, %lt3A_34 : i32
    %convert_element_type3A_36 = arith.extui %lt3A_35 : i1 to i32
    %cond3A_37 = arith.constant 0 : i32
    %cond3A_38 = arith.cmpi ne, %convert_element_type3A_36, %cond3A_37 : i32
    scf.if %cond3A_38 {
      %mul3A_44 = arith.constant 632 : i32
      %mul3A_45 = arith.muli %arg1, %mul3A_44 : i32
      %multiple_of3A = tpu.assume_multiple %mul3A_45, 8 : i32
      %mul3A_46 = arith.constant 632 : i32
      %mul3A_47 = arith.muli %arg1, %mul3A_46 : i32
      %multiple_of3A_48 = tpu.assume_multiple %mul3A_47, 8 : i32
      "tpu.region"() ({
        %run_scoped3A = tpu.sem_alloc : memref<!tpu.dma_semaphore, #tpu.memory_space<semaphore_mem>>
        %dma_start3A = arith.constant 0 : i32
        %dma_start3A_49 = tpu.memref_slice %arg5[%arg0, %multiple_of3A_48, %dma_start3A] : memref<2x10000x128xf32, #tpu.memory_space<hbm>> -> memref<1x632x128xf32, #tpu.memory_space<hbm>>
        %dma_start3A_50 = tpu.memref_squeeze %dma_start3A_49 : memref<1x632x128xf32, #tpu.memory_space<hbm>> -> memref<632x128xf32, #tpu.memory_space<hbm>>
        %dma_start3A_51 = arith.constant 0 : i32
        %dma_start3A_52 = tpu.memref_slice %arg8[%multiple_of3A, %dma_start3A_51] : memref<10000x128xf32, #tpu.memory_space<vmem_shared>> -> memref<632x128xf32, #tpu.memory_space<vmem_shared>>
        tpu.enqueue_dma source(%dma_start3A_52 : memref<632x128xf32, #tpu.memory_space<vmem_shared>>) target(%dma_start3A_50 : memref<632x128xf32, #tpu.memory_space<hbm>>) target_semaphore(%run_scoped3A : memref<!tpu.dma_semaphore, #tpu.memory_space<semaphore_mem>>)
        %dma_wait3A = arith.constant 0 : i32
        %dma_wait3A_53 = tpu.memref_slice %arg5[%arg0, %multiple_of3A_48, %dma_wait3A] : memref<2x10000x128xf32, #tpu.memory_space<hbm>> -> memref<1x632x128xf32, #tpu.memory_space<hbm>>
        %dma_wait3A_54 = tpu.memref_squeeze %dma_wait3A_53 : memref<1x632x128xf32, #tpu.memory_space<hbm>> -> memref<632x128xf32, #tpu.memory_space<hbm>>
        %dma_wait3A_55 = arith.constant 0 : i32
        %dma_wait3A_56 = tpu.memref_slice %arg8[%multiple_of3A, %dma_wait3A_55] : memref<10000x128xf32, #tpu.memory_space<vmem_shared>> -> memref<632x128xf32, #tpu.memory_space<vmem_shared>>
        tpu.wait_dma2 semaphore(%run_scoped3A : memref<!tpu.dma_semaphore, #tpu.memory_space<semaphore_mem>>) src(%dma_wait3A_56 : memref<632x128xf32, #tpu.memory_space<vmem_shared>>) dst(%dma_wait3A_54 : memref<632x128xf32, #tpu.memory_space<hbm>>)
        tpu.yield
      }) : () -> ()
    } else {
    }
    %eq3A_39 = arith.constant 15 : i32
    %eq3A_40 = arith.cmpi eq, %arg1, %eq3A_39 : i32
    %convert_element_type3A_41 = arith.extui %eq3A_40 : i1 to i32
    %cond3A_42 = arith.constant 0 : i32
    %cond3A_43 = arith.cmpi ne, %convert_element_type3A_41, %cond3A_42 : i32
    scf.if %cond3A_43 {
      "tpu.region"() ({
        %run_scoped3A = tpu.sem_alloc : memref<!tpu.dma_semaphore, #tpu.memory_space<semaphore_mem>>
        %dma_start3A = arith.constant 9480 : i32
        %dma_start3A_44 = arith.constant 0 : i32
        %dma_start3A_45 = tpu.memref_slice %arg5[%arg0, %dma_start3A, %dma_start3A_44] : memref<2x10000x128xf32, #tpu.memory_space<hbm>> -> memref<1x520x128xf32, #tpu.memory_space<hbm>>
        %dma_start3A_46 = tpu.memref_squeeze %dma_start3A_45 : memref<1x520x128xf32, #tpu.memory_space<hbm>> -> memref<520x128xf32, #tpu.memory_space<hbm>>
        %dma_start3A_47 = arith.constant 9480 : i32
        %dma_start3A_48 = arith.constant 0 : i32
        %dma_start3A_49 = tpu.memref_slice %arg8[%dma_start3A_47, %dma_start3A_48] : memref<10000x128xf32, #tpu.memory_space<vmem_shared>> -> memref<520x128xf32, #tpu.memory_space<vmem_shared>>
        tpu.enqueue_dma source(%dma_start3A_49 : memref<520x128xf32, #tpu.memory_space<vmem_shared>>) target(%dma_start3A_46 : memref<520x128xf32, #tpu.memory_space<hbm>>) target_semaphore(%run_scoped3A : memref<!tpu.dma_semaphore, #tpu.memory_space<semaphore_mem>>)
        %dma_wait3A = arith.constant 9480 : i32
        %dma_wait3A_50 = arith.constant 0 : i32
        %dma_wait3A_51 = tpu.memref_slice %arg5[%arg0, %dma_wait3A, %dma_wait3A_50] : memref<2x10000x128xf32, #tpu.memory_space<hbm>> -> memref<1x520x128xf32, #tpu.memory_space<hbm>>
        %dma_wait3A_52 = tpu.memref_squeeze %dma_wait3A_51 : memref<1x520x128xf32, #tpu.memory_space<hbm>> -> memref<520x128xf32, #tpu.memory_space<hbm>>
        %dma_wait3A_53 = arith.constant 9480 : i32
        %dma_wait3A_54 = arith.constant 0 : i32
        %dma_wait3A_55 = tpu.memref_slice %arg8[%dma_wait3A_53, %dma_wait3A_54] : memref<10000x128xf32, #tpu.memory_space<vmem_shared>> -> memref<520x128xf32, #tpu.memory_space<vmem_shared>>
        tpu.wait_dma2 semaphore(%run_scoped3A : memref<!tpu.dma_semaphore, #tpu.memory_space<semaphore_mem>>) src(%dma_wait3A_55 : memref<520x128xf32, #tpu.memory_space<vmem_shared>>) dst(%dma_wait3A_52 : memref<520x128xf32, #tpu.memory_space<hbm>>)
        tpu.yield
      }) : () -> ()
    } else {
    }
    return
  }
}

#map = affine_map<(d0, d1) -> (0)>
#map1 = affine_map<(d0, d1) -> (0, 0)>
module attributes {stable_mosaic.version = 14 : i64} {
  func.func @sc_gather(%arg0: i32, %arg1: i32, %arg2: memref<160000xi32, #tpu.memory_space<hbm>>, %arg3: memref<160000xi32, #tpu.memory_space<hbm>>, %arg4: memref<10000x128xf32, #tpu.memory_space<hbm>>, %arg5: memref<10000x128xf32, #tpu.memory_space<hbm>>, %arg6: memref<160000x128xf32, #tpu.memory_space<hbm>>, %arg7: memref<160000x128xf32, #tpu.memory_space<hbm>>, %arg8: memref<40x128xi32, #tpu.memory_space<vmem>>, %arg9: memref<40x128xi32, #tpu.memory_space<vmem>>, %arg10: memref<128x128xf32, #tpu.memory_space<vmem>>, %arg11: memref<128x128xf32, #tpu.memory_space<vmem>>, %arg12: memref<!tpu.dma_semaphore, #tpu.memory_space<semaphore_mem>>, %arg13: memref<!tpu.dma_semaphore, #tpu.memory_space<semaphore_mem>>) attributes {dimension_semantics = [#tpu.dimension_semantics<core_parallel>, #tpu.dimension_semantics<subcore_parallel>], iteration_bounds = array<i64: 2, 16>, scalar_prefetch = 0 : i64, scratch_operands = 6 : i64, tpu.core_type = #tpu.core_type<sc_vector_subcore>, window_params = [{transform_indices = #map}, {transform_indices = #map}, {transform_indices = #map1}, {transform_indices = #map1}, {transform_indices = #map1}, {transform_indices = #map1}]} {
    %mul3A = arith.constant 2 : i32
    %mul3A_0 = arith.muli %arg1, %mul3A : i32
    %add3A = arith.addi %mul3A_0, %arg0 : i32
    %lt3A = arith.constant 2 : i32
    %lt3A_1 = arith.cmpi slt, %add3A, %lt3A : i32
    %jit3A = arith.constant 40 : i32
    %jit3A_2 = arith.constant 39 : i32
    %select_n3A = arith.select %lt3A_1, %jit3A, %jit3A_2 : i32
    %while3A = arith.constant 0 : i32
    %while3A_3 = arith.constant 0 : i32
    %while3A_4 = arith.subi %select_n3A, %while3A : i32
    %while3A_5 = arith.addi %while3A, %while3A_4 : i32
    %while3A_6 = arith.constant 1 : i32
    %while3A_7 = arith.divsi %while3A_4, %while3A_6 : i32
    %while3A_8 = arith.muli %while3A_7, %while3A_6 : i32
    %while3A_9 = arith.addi %while3A, %while3A_8 : i32
    %while3A_10 = arith.constant 1 : i32
    %while3A_11 = scf.for %while3A_26 = %while3A to %while3A_9 step %while3A_10 iter_args(%while3A_27 = %while3A_3) -> (i32)  : i32 {
      %mul3A_28 = arith.constant 32 : i32
      %mul3A_29 = arith.muli %while3A_26, %mul3A_28 : i32
      %add3A_30 = arith.addi %add3A, %mul3A_29 : i32
      %mul3A_31 = arith.constant 128 : i32
      %mul3A_32 = arith.muli %add3A_30, %mul3A_31 : i32
      %multiple_of3A = tpu.assume_multiple %mul3A_32, 128 : i32
      "tpu.region"() ({
        %run_scoped3A = tpu.sem_alloc : memref<!tpu.dma_semaphore, #tpu.memory_space<semaphore_mem>>
        %dma_start3A = arith.constant 0 : i32
        %dma_start3A_34 = tpu.memref_slice %arg8[%while3A_26, %dma_start3A] : memref<40x128xi32, #tpu.memory_space<vmem>> -> memref<1x128xi32, #tpu.memory_space<vmem>>
        %dma_start3A_35 = tpu.memref_squeeze %dma_start3A_34 : memref<1x128xi32, #tpu.memory_space<vmem>> -> memref<128xi32, #tpu.memory_space<vmem>>
        %dma_start3A_36 = tpu.memref_slice %arg2[%multiple_of3A] : memref<160000xi32, #tpu.memory_space<hbm>> -> memref<128xi32, #tpu.memory_space<hbm>>
        %dma_start3A_37 = arith.constant 0 : i32
        %dma_start3A_38 = tpu.memref_slice %arg8[%while3A_26, %dma_start3A_37] : memref<40x128xi32, #tpu.memory_space<vmem>> -> memref<1x128xi32, #tpu.memory_space<vmem>>
        %dma_start3A_39 = tpu.memref_squeeze %dma_start3A_38 : memref<1x128xi32, #tpu.memory_space<vmem>> -> memref<128xi32, #tpu.memory_space<vmem>>
        %dma_start3A_40 = tpu.memref_slice %arg2[%multiple_of3A] : memref<160000xi32, #tpu.memory_space<hbm>> -> memref<128xi32, #tpu.memory_space<hbm>>
        tpu.enqueue_dma source(%dma_start3A_40 : memref<128xi32, #tpu.memory_space<hbm>>) target(%dma_start3A_39 : memref<128xi32, #tpu.memory_space<vmem>>) target_semaphore(%run_scoped3A : memref<!tpu.dma_semaphore, #tpu.memory_space<semaphore_mem>>)
        %dma_wait3A = arith.constant 0 : i32
        %dma_wait3A_41 = tpu.memref_slice %arg8[%while3A_26, %dma_wait3A] : memref<40x128xi32, #tpu.memory_space<vmem>> -> memref<1x128xi32, #tpu.memory_space<vmem>>
        %dma_wait3A_42 = tpu.memref_squeeze %dma_wait3A_41 : memref<1x128xi32, #tpu.memory_space<vmem>> -> memref<128xi32, #tpu.memory_space<vmem>>
        %dma_wait3A_43 = tpu.memref_slice %arg2[%multiple_of3A] : memref<160000xi32, #tpu.memory_space<hbm>> -> memref<128xi32, #tpu.memory_space<hbm>>
        %dma_wait3A_44 = arith.constant 0 : i32
        %dma_wait3A_45 = tpu.memref_slice %arg8[%while3A_26, %dma_wait3A_44] : memref<40x128xi32, #tpu.memory_space<vmem>> -> memref<1x128xi32, #tpu.memory_space<vmem>>
        %dma_wait3A_46 = tpu.memref_squeeze %dma_wait3A_45 : memref<1x128xi32, #tpu.memory_space<vmem>> -> memref<128xi32, #tpu.memory_space<vmem>>
        %dma_wait3A_47 = tpu.memref_slice %arg2[%multiple_of3A] : memref<160000xi32, #tpu.memory_space<hbm>> -> memref<128xi32, #tpu.memory_space<hbm>>
        tpu.wait_dma2 semaphore(%run_scoped3A : memref<!tpu.dma_semaphore, #tpu.memory_space<semaphore_mem>>) src(%dma_wait3A_47 : memref<128xi32, #tpu.memory_space<hbm>>) dst(%dma_wait3A_46 : memref<128xi32, #tpu.memory_space<vmem>>)
        tpu.yield
      }) : () -> ()
      "tpu.region"() ({
        %run_scoped3A = tpu.sem_alloc : memref<!tpu.dma_semaphore, #tpu.memory_space<semaphore_mem>>
        %dma_start3A = arith.constant 0 : i32
        %dma_start3A_34 = tpu.memref_slice %arg9[%while3A_26, %dma_start3A] : memref<40x128xi32, #tpu.memory_space<vmem>> -> memref<1x128xi32, #tpu.memory_space<vmem>>
        %dma_start3A_35 = tpu.memref_squeeze %dma_start3A_34 : memref<1x128xi32, #tpu.memory_space<vmem>> -> memref<128xi32, #tpu.memory_space<vmem>>
        %dma_start3A_36 = tpu.memref_slice %arg3[%multiple_of3A] : memref<160000xi32, #tpu.memory_space<hbm>> -> memref<128xi32, #tpu.memory_space<hbm>>
        %dma_start3A_37 = arith.constant 0 : i32
        %dma_start3A_38 = tpu.memref_slice %arg9[%while3A_26, %dma_start3A_37] : memref<40x128xi32, #tpu.memory_space<vmem>> -> memref<1x128xi32, #tpu.memory_space<vmem>>
        %dma_start3A_39 = tpu.memref_squeeze %dma_start3A_38 : memref<1x128xi32, #tpu.memory_space<vmem>> -> memref<128xi32, #tpu.memory_space<vmem>>
        %dma_start3A_40 = tpu.memref_slice %arg3[%multiple_of3A] : memref<160000xi32, #tpu.memory_space<hbm>> -> memref<128xi32, #tpu.memory_space<hbm>>
        tpu.enqueue_dma source(%dma_start3A_40 : memref<128xi32, #tpu.memory_space<hbm>>) target(%dma_start3A_39 : memref<128xi32, #tpu.memory_space<vmem>>) target_semaphore(%run_scoped3A : memref<!tpu.dma_semaphore, #tpu.memory_space<semaphore_mem>>)
        %dma_wait3A = arith.constant 0 : i32
        %dma_wait3A_41 = tpu.memref_slice %arg9[%while3A_26, %dma_wait3A] : memref<40x128xi32, #tpu.memory_space<vmem>> -> memref<1x128xi32, #tpu.memory_space<vmem>>
        %dma_wait3A_42 = tpu.memref_squeeze %dma_wait3A_41 : memref<1x128xi32, #tpu.memory_space<vmem>> -> memref<128xi32, #tpu.memory_space<vmem>>
        %dma_wait3A_43 = tpu.memref_slice %arg3[%multiple_of3A] : memref<160000xi32, #tpu.memory_space<hbm>> -> memref<128xi32, #tpu.memory_space<hbm>>
        %dma_wait3A_44 = arith.constant 0 : i32
        %dma_wait3A_45 = tpu.memref_slice %arg9[%while3A_26, %dma_wait3A_44] : memref<40x128xi32, #tpu.memory_space<vmem>> -> memref<1x128xi32, #tpu.memory_space<vmem>>
        %dma_wait3A_46 = tpu.memref_squeeze %dma_wait3A_45 : memref<1x128xi32, #tpu.memory_space<vmem>> -> memref<128xi32, #tpu.memory_space<vmem>>
        %dma_wait3A_47 = tpu.memref_slice %arg3[%multiple_of3A] : memref<160000xi32, #tpu.memory_space<hbm>> -> memref<128xi32, #tpu.memory_space<hbm>>
        tpu.wait_dma2 semaphore(%run_scoped3A : memref<!tpu.dma_semaphore, #tpu.memory_space<semaphore_mem>>) src(%dma_wait3A_47 : memref<128xi32, #tpu.memory_space<hbm>>) dst(%dma_wait3A_46 : memref<128xi32, #tpu.memory_space<vmem>>)
        tpu.yield
      }) : () -> ()
      %while3A_33 = arith.constant 0 : i32
      scf.yield %while3A_33 : i32
    }
    %while3A_12 = arith.constant 1 : i32
    %while3A_13 = scf.for %while3A_26 = %while3A_9 to %while3A_5 step %while3A_12 iter_args(%while3A_27 = %while3A_11) -> (i32)  : i32 {
      %mul3A_28 = arith.constant 32 : i32
      %mul3A_29 = arith.muli %while3A_26, %mul3A_28 : i32
      %add3A_30 = arith.addi %add3A, %mul3A_29 : i32
      %mul3A_31 = arith.constant 128 : i32
      %mul3A_32 = arith.muli %add3A_30, %mul3A_31 : i32
      %multiple_of3A = tpu.assume_multiple %mul3A_32, 128 : i32
      "tpu.region"() ({
        %run_scoped3A = tpu.sem_alloc : memref<!tpu.dma_semaphore, #tpu.memory_space<semaphore_mem>>
        %dma_start3A = arith.constant 0 : i32
        %dma_start3A_34 = tpu.memref_slice %arg8[%while3A_26, %dma_start3A] : memref<40x128xi32, #tpu.memory_space<vmem>> -> memref<1x128xi32, #tpu.memory_space<vmem>>
        %dma_start3A_35 = tpu.memref_squeeze %dma_start3A_34 : memref<1x128xi32, #tpu.memory_space<vmem>> -> memref<128xi32, #tpu.memory_space<vmem>>
        %dma_start3A_36 = tpu.memref_slice %arg2[%multiple_of3A] : memref<160000xi32, #tpu.memory_space<hbm>> -> memref<128xi32, #tpu.memory_space<hbm>>
        %dma_start3A_37 = arith.constant 0 : i32
        %dma_start3A_38 = tpu.memref_slice %arg8[%while3A_26, %dma_start3A_37] : memref<40x128xi32, #tpu.memory_space<vmem>> -> memref<1x128xi32, #tpu.memory_space<vmem>>
        %dma_start3A_39 = tpu.memref_squeeze %dma_start3A_38 : memref<1x128xi32, #tpu.memory_space<vmem>> -> memref<128xi32, #tpu.memory_space<vmem>>
        %dma_start3A_40 = tpu.memref_slice %arg2[%multiple_of3A] : memref<160000xi32, #tpu.memory_space<hbm>> -> memref<128xi32, #tpu.memory_space<hbm>>
        tpu.enqueue_dma source(%dma_start3A_40 : memref<128xi32, #tpu.memory_space<hbm>>) target(%dma_start3A_39 : memref<128xi32, #tpu.memory_space<vmem>>) target_semaphore(%run_scoped3A : memref<!tpu.dma_semaphore, #tpu.memory_space<semaphore_mem>>)
        %dma_wait3A = arith.constant 0 : i32
        %dma_wait3A_41 = tpu.memref_slice %arg8[%while3A_26, %dma_wait3A] : memref<40x128xi32, #tpu.memory_space<vmem>> -> memref<1x128xi32, #tpu.memory_space<vmem>>
        %dma_wait3A_42 = tpu.memref_squeeze %dma_wait3A_41 : memref<1x128xi32, #tpu.memory_space<vmem>> -> memref<128xi32, #tpu.memory_space<vmem>>
        %dma_wait3A_43 = tpu.memref_slice %arg2[%multiple_of3A] : memref<160000xi32, #tpu.memory_space<hbm>> -> memref<128xi32, #tpu.memory_space<hbm>>
        %dma_wait3A_44 = arith.constant 0 : i32
        %dma_wait3A_45 = tpu.memref_slice %arg8[%while3A_26, %dma_wait3A_44] : memref<40x128xi32, #tpu.memory_space<vmem>> -> memref<1x128xi32, #tpu.memory_space<vmem>>
        %dma_wait3A_46 = tpu.memref_squeeze %dma_wait3A_45 : memref<1x128xi32, #tpu.memory_space<vmem>> -> memref<128xi32, #tpu.memory_space<vmem>>
        %dma_wait3A_47 = tpu.memref_slice %arg2[%multiple_of3A] : memref<160000xi32, #tpu.memory_space<hbm>> -> memref<128xi32, #tpu.memory_space<hbm>>
        tpu.wait_dma2 semaphore(%run_scoped3A : memref<!tpu.dma_semaphore, #tpu.memory_space<semaphore_mem>>) src(%dma_wait3A_47 : memref<128xi32, #tpu.memory_space<hbm>>) dst(%dma_wait3A_46 : memref<128xi32, #tpu.memory_space<vmem>>)
        tpu.yield
      }) : () -> ()
      "tpu.region"() ({
        %run_scoped3A = tpu.sem_alloc : memref<!tpu.dma_semaphore, #tpu.memory_space<semaphore_mem>>
        %dma_start3A = arith.constant 0 : i32
        %dma_start3A_34 = tpu.memref_slice %arg9[%while3A_26, %dma_start3A] : memref<40x128xi32, #tpu.memory_space<vmem>> -> memref<1x128xi32, #tpu.memory_space<vmem>>
        %dma_start3A_35 = tpu.memref_squeeze %dma_start3A_34 : memref<1x128xi32, #tpu.memory_space<vmem>> -> memref<128xi32, #tpu.memory_space<vmem>>
        %dma_start3A_36 = tpu.memref_slice %arg3[%multiple_of3A] : memref<160000xi32, #tpu.memory_space<hbm>> -> memref<128xi32, #tpu.memory_space<hbm>>
        %dma_start3A_37 = arith.constant 0 : i32
        %dma_start3A_38 = tpu.memref_slice %arg9[%while3A_26, %dma_start3A_37] : memref<40x128xi32, #tpu.memory_space<vmem>> -> memref<1x128xi32, #tpu.memory_space<vmem>>
        %dma_start3A_39 = tpu.memref_squeeze %dma_start3A_38 : memref<1x128xi32, #tpu.memory_space<vmem>> -> memref<128xi32, #tpu.memory_space<vmem>>
        %dma_start3A_40 = tpu.memref_slice %arg3[%multiple_of3A] : memref<160000xi32, #tpu.memory_space<hbm>> -> memref<128xi32, #tpu.memory_space<hbm>>
        tpu.enqueue_dma source(%dma_start3A_40 : memref<128xi32, #tpu.memory_space<hbm>>) target(%dma_start3A_39 : memref<128xi32, #tpu.memory_space<vmem>>) target_semaphore(%run_scoped3A : memref<!tpu.dma_semaphore, #tpu.memory_space<semaphore_mem>>)
        %dma_wait3A = arith.constant 0 : i32
        %dma_wait3A_41 = tpu.memref_slice %arg9[%while3A_26, %dma_wait3A] : memref<40x128xi32, #tpu.memory_space<vmem>> -> memref<1x128xi32, #tpu.memory_space<vmem>>
        %dma_wait3A_42 = tpu.memref_squeeze %dma_wait3A_41 : memref<1x128xi32, #tpu.memory_space<vmem>> -> memref<128xi32, #tpu.memory_space<vmem>>
        %dma_wait3A_43 = tpu.memref_slice %arg3[%multiple_of3A] : memref<160000xi32, #tpu.memory_space<hbm>> -> memref<128xi32, #tpu.memory_space<hbm>>
        %dma_wait3A_44 = arith.constant 0 : i32
        %dma_wait3A_45 = tpu.memref_slice %arg9[%while3A_26, %dma_wait3A_44] : memref<40x128xi32, #tpu.memory_space<vmem>> -> memref<1x128xi32, #tpu.memory_space<vmem>>
        %dma_wait3A_46 = tpu.memref_squeeze %dma_wait3A_45 : memref<1x128xi32, #tpu.memory_space<vmem>> -> memref<128xi32, #tpu.memory_space<vmem>>
        %dma_wait3A_47 = tpu.memref_slice %arg3[%multiple_of3A] : memref<160000xi32, #tpu.memory_space<hbm>> -> memref<128xi32, #tpu.memory_space<hbm>>
        tpu.wait_dma2 semaphore(%run_scoped3A : memref<!tpu.dma_semaphore, #tpu.memory_space<semaphore_mem>>) src(%dma_wait3A_47 : memref<128xi32, #tpu.memory_space<hbm>>) dst(%dma_wait3A_46 : memref<128xi32, #tpu.memory_space<vmem>>)
        tpu.yield
      }) : () -> ()
      %while3A_33 = arith.constant 0 : i32
      scf.yield %while3A_33 : i32
    }
    %while3A_14 = arith.constant 0 : i32
    %while3A_15 = arith.constant 0 : i32
    %while3A_16 = arith.subi %select_n3A, %while3A_14 : i32
    %while3A_17 = arith.addi %while3A_14, %while3A_16 : i32
    %while3A_18 = arith.constant 1 : i32
    %while3A_19 = arith.divsi %while3A_16, %while3A_18 : i32
    %while3A_20 = arith.muli %while3A_19, %while3A_18 : i32
    %while3A_21 = arith.addi %while3A_14, %while3A_20 : i32
    %while3A_22 = arith.constant 1 : i32
    %while3A_23 = scf.for %while3A_26 = %while3A_14 to %while3A_21 step %while3A_22 iter_args(%while3A_27 = %while3A_15) -> (i32)  : i32 {
      %mul3A_28 = arith.constant 32 : i32
      %mul3A_29 = arith.muli %while3A_26, %mul3A_28 : i32
      %add3A_30 = arith.addi %add3A, %mul3A_29 : i32
      %mul3A_31 = arith.constant 128 : i32
      %mul3A_32 = arith.muli %add3A_30, %mul3A_31 : i32
      %multiple_of3A = tpu.assume_multiple %mul3A_32, 128 : i32
      %dma_start3A = arith.constant 0 : i32
      %dma_start3A_33 = tpu.memref_slice %arg8[%while3A_26, %dma_start3A] : memref<40x128xi32, #tpu.memory_space<vmem>> -> memref<1x128xi32, #tpu.memory_space<vmem>>
      %dma_start3A_34 = tpu.memref_squeeze %dma_start3A_33 : memref<1x128xi32, #tpu.memory_space<vmem>> -> memref<128xi32, #tpu.memory_space<vmem>>
      %dma_start3A_35 = arith.constant 0 : i32
      %dma_start3A_36 = arith.constant 0 : i32
      %dma_start3A_37 = tpu.memref_slice %arg4[%dma_start3A_35, %dma_start3A_36] : memref<10000x128xf32, #tpu.memory_space<hbm>> -> memref<10000x128xf32, #tpu.memory_space<hbm>>
      tpu.enqueue_indirect_dma source(%dma_start3A_37 : memref<10000x128xf32, #tpu.memory_space<hbm>>) target(%arg10 : memref<128x128xf32, #tpu.memory_space<vmem>>) offsets(%dma_start3A_34 : memref<128xi32, #tpu.memory_space<vmem>>) semaphore(%arg12 : memref<!tpu.dma_semaphore, #tpu.memory_space<semaphore_mem>>)
      %dma_start3A_38 = arith.constant 0 : i32
      %dma_start3A_39 = tpu.memref_slice %arg9[%while3A_26, %dma_start3A_38] : memref<40x128xi32, #tpu.memory_space<vmem>> -> memref<1x128xi32, #tpu.memory_space<vmem>>
      %dma_start3A_40 = tpu.memref_squeeze %dma_start3A_39 : memref<1x128xi32, #tpu.memory_space<vmem>> -> memref<128xi32, #tpu.memory_space<vmem>>
      %dma_start3A_41 = arith.constant 0 : i32
      %dma_start3A_42 = arith.constant 0 : i32
      %dma_start3A_43 = tpu.memref_slice %arg5[%dma_start3A_41, %dma_start3A_42] : memref<10000x128xf32, #tpu.memory_space<hbm>> -> memref<10000x128xf32, #tpu.memory_space<hbm>>
      tpu.enqueue_indirect_dma source(%dma_start3A_43 : memref<10000x128xf32, #tpu.memory_space<hbm>>) target(%arg11 : memref<128x128xf32, #tpu.memory_space<vmem>>) offsets(%dma_start3A_40 : memref<128xi32, #tpu.memory_space<vmem>>) semaphore(%arg13 : memref<!tpu.dma_semaphore, #tpu.memory_space<semaphore_mem>>)
      %dma_wait3A = arith.constant 0 : i32
      %dma_wait3A_44 = tpu.memref_slice %arg8[%while3A_26, %dma_wait3A] : memref<40x128xi32, #tpu.memory_space<vmem>> -> memref<1x128xi32, #tpu.memory_space<vmem>>
      %dma_wait3A_45 = tpu.memref_squeeze %dma_wait3A_44 : memref<1x128xi32, #tpu.memory_space<vmem>> -> memref<128xi32, #tpu.memory_space<vmem>>
      %dma_wait3A_46 = arith.constant 0 : i32
      %dma_wait3A_47 = arith.constant 0 : i32
      %dma_wait3A_48 = tpu.memref_slice %arg4[%dma_wait3A_46, %dma_wait3A_47] : memref<10000x128xf32, #tpu.memory_space<hbm>> -> memref<10000x128xf32, #tpu.memory_space<hbm>>
      tpu.wait_indirect_dma semaphore(%arg12 : memref<!tpu.dma_semaphore, #tpu.memory_space<semaphore_mem>>) src(%dma_wait3A_48 : memref<10000x128xf32, #tpu.memory_space<hbm>>) dst(%arg10 : memref<128x128xf32, #tpu.memory_space<vmem>>)
      %dma_wait3A_49 = arith.constant 0 : i32
      %dma_wait3A_50 = tpu.memref_slice %arg9[%while3A_26, %dma_wait3A_49] : memref<40x128xi32, #tpu.memory_space<vmem>> -> memref<1x128xi32, #tpu.memory_space<vmem>>
      %dma_wait3A_51 = tpu.memref_squeeze %dma_wait3A_50 : memref<1x128xi32, #tpu.memory_space<vmem>> -> memref<128xi32, #tpu.memory_space<vmem>>
      %dma_wait3A_52 = arith.constant 0 : i32
      %dma_wait3A_53 = arith.constant 0 : i32
      %dma_wait3A_54 = tpu.memref_slice %arg5[%dma_wait3A_52, %dma_wait3A_53] : memref<10000x128xf32, #tpu.memory_space<hbm>> -> memref<10000x128xf32, #tpu.memory_space<hbm>>
      tpu.wait_indirect_dma semaphore(%arg13 : memref<!tpu.dma_semaphore, #tpu.memory_space<semaphore_mem>>) src(%dma_wait3A_54 : memref<10000x128xf32, #tpu.memory_space<hbm>>) dst(%arg11 : memref<128x128xf32, #tpu.memory_space<vmem>>)
      "tpu.region"() ({
        %run_scoped3A = tpu.sem_alloc : memref<!tpu.dma_semaphore, #tpu.memory_space<semaphore_mem>>
        %dma_start3A_56 = arith.constant 0 : i32
        %dma_start3A_57 = tpu.memref_slice %arg6[%multiple_of3A, %dma_start3A_56] : memref<160000x128xf32, #tpu.memory_space<hbm>> -> memref<128x128xf32, #tpu.memory_space<hbm>>
        %dma_start3A_58 = arith.constant 0 : i32
        %dma_start3A_59 = tpu.memref_slice %arg6[%multiple_of3A, %dma_start3A_58] : memref<160000x128xf32, #tpu.memory_space<hbm>> -> memref<128x128xf32, #tpu.memory_space<hbm>>
        tpu.enqueue_dma source(%arg10 : memref<128x128xf32, #tpu.memory_space<vmem>>) target(%dma_start3A_59 : memref<128x128xf32, #tpu.memory_space<hbm>>) target_semaphore(%run_scoped3A : memref<!tpu.dma_semaphore, #tpu.memory_space<semaphore_mem>>)
        %dma_wait3A_60 = arith.constant 0 : i32
        %dma_wait3A_61 = tpu.memref_slice %arg6[%multiple_of3A, %dma_wait3A_60] : memref<160000x128xf32, #tpu.memory_space<hbm>> -> memref<128x128xf32, #tpu.memory_space<hbm>>
        %dma_wait3A_62 = arith.constant 0 : i32
        %dma_wait3A_63 = tpu.memref_slice %arg6[%multiple_of3A, %dma_wait3A_62] : memref<160000x128xf32, #tpu.memory_space<hbm>> -> memref<128x128xf32, #tpu.memory_space<hbm>>
        tpu.wait_dma2 semaphore(%run_scoped3A : memref<!tpu.dma_semaphore, #tpu.memory_space<semaphore_mem>>) src(%arg10 : memref<128x128xf32, #tpu.memory_space<vmem>>) dst(%dma_wait3A_63 : memref<128x128xf32, #tpu.memory_space<hbm>>)
        tpu.yield
      }) : () -> ()
      "tpu.region"() ({
        %run_scoped3A = tpu.sem_alloc : memref<!tpu.dma_semaphore, #tpu.memory_space<semaphore_mem>>
        %dma_start3A_56 = arith.constant 0 : i32
        %dma_start3A_57 = tpu.memref_slice %arg7[%multiple_of3A, %dma_start3A_56] : memref<160000x128xf32, #tpu.memory_space<hbm>> -> memref<128x128xf32, #tpu.memory_space<hbm>>
        %dma_start3A_58 = arith.constant 0 : i32
        %dma_start3A_59 = tpu.memref_slice %arg7[%multiple_of3A, %dma_start3A_58] : memref<160000x128xf32, #tpu.memory_space<hbm>> -> memref<128x128xf32, #tpu.memory_space<hbm>>
        tpu.enqueue_dma source(%arg11 : memref<128x128xf32, #tpu.memory_space<vmem>>) target(%dma_start3A_59 : memref<128x128xf32, #tpu.memory_space<hbm>>) target_semaphore(%run_scoped3A : memref<!tpu.dma_semaphore, #tpu.memory_space<semaphore_mem>>)
        %dma_wait3A_60 = arith.constant 0 : i32
        %dma_wait3A_61 = tpu.memref_slice %arg7[%multiple_of3A, %dma_wait3A_60] : memref<160000x128xf32, #tpu.memory_space<hbm>> -> memref<128x128xf32, #tpu.memory_space<hbm>>
        %dma_wait3A_62 = arith.constant 0 : i32
        %dma_wait3A_63 = tpu.memref_slice %arg7[%multiple_of3A, %dma_wait3A_62] : memref<160000x128xf32, #tpu.memory_space<hbm>> -> memref<128x128xf32, #tpu.memory_space<hbm>>
        tpu.wait_dma2 semaphore(%run_scoped3A : memref<!tpu.dma_semaphore, #tpu.memory_space<semaphore_mem>>) src(%arg11 : memref<128x128xf32, #tpu.memory_space<vmem>>) dst(%dma_wait3A_63 : memref<128x128xf32, #tpu.memory_space<hbm>>)
        tpu.yield
      }) : () -> ()
      %while3A_55 = arith.constant 0 : i32
      scf.yield %while3A_55 : i32
    }
    %while3A_24 = arith.constant 1 : i32
    %while3A_25 = scf.for %while3A_26 = %while3A_21 to %while3A_17 step %while3A_24 iter_args(%while3A_27 = %while3A_23) -> (i32)  : i32 {
      %mul3A_28 = arith.constant 32 : i32
      %mul3A_29 = arith.muli %while3A_26, %mul3A_28 : i32
      %add3A_30 = arith.addi %add3A, %mul3A_29 : i32
      %mul3A_31 = arith.constant 128 : i32
      %mul3A_32 = arith.muli %add3A_30, %mul3A_31 : i32
      %multiple_of3A = tpu.assume_multiple %mul3A_32, 128 : i32
      %dma_start3A = arith.constant 0 : i32
      %dma_start3A_33 = tpu.memref_slice %arg8[%while3A_26, %dma_start3A] : memref<40x128xi32, #tpu.memory_space<vmem>> -> memref<1x128xi32, #tpu.memory_space<vmem>>
      %dma_start3A_34 = tpu.memref_squeeze %dma_start3A_33 : memref<1x128xi32, #tpu.memory_space<vmem>> -> memref<128xi32, #tpu.memory_space<vmem>>
      %dma_start3A_35 = arith.constant 0 : i32
      %dma_start3A_36 = arith.constant 0 : i32
      %dma_start3A_37 = tpu.memref_slice %arg4[%dma_start3A_35, %dma_start3A_36] : memref<10000x128xf32, #tpu.memory_space<hbm>> -> memref<10000x128xf32, #tpu.memory_space<hbm>>
      tpu.enqueue_indirect_dma source(%dma_start3A_37 : memref<10000x128xf32, #tpu.memory_space<hbm>>) target(%arg10 : memref<128x128xf32, #tpu.memory_space<vmem>>) offsets(%dma_start3A_34 : memref<128xi32, #tpu.memory_space<vmem>>) semaphore(%arg12 : memref<!tpu.dma_semaphore, #tpu.memory_space<semaphore_mem>>)
      %dma_start3A_38 = arith.constant 0 : i32
      %dma_start3A_39 = tpu.memref_slice %arg9[%while3A_26, %dma_start3A_38] : memref<40x128xi32, #tpu.memory_space<vmem>> -> memref<1x128xi32, #tpu.memory_space<vmem>>
      %dma_start3A_40 = tpu.memref_squeeze %dma_start3A_39 : memref<1x128xi32, #tpu.memory_space<vmem>> -> memref<128xi32, #tpu.memory_space<vmem>>
      %dma_start3A_41 = arith.constant 0 : i32
      %dma_start3A_42 = arith.constant 0 : i32
      %dma_start3A_43 = tpu.memref_slice %arg5[%dma_start3A_41, %dma_start3A_42] : memref<10000x128xf32, #tpu.memory_space<hbm>> -> memref<10000x128xf32, #tpu.memory_space<hbm>>
      tpu.enqueue_indirect_dma source(%dma_start3A_43 : memref<10000x128xf32, #tpu.memory_space<hbm>>) target(%arg11 : memref<128x128xf32, #tpu.memory_space<vmem>>) offsets(%dma_start3A_40 : memref<128xi32, #tpu.memory_space<vmem>>) semaphore(%arg13 : memref<!tpu.dma_semaphore, #tpu.memory_space<semaphore_mem>>)
      %dma_wait3A = arith.constant 0 : i32
      %dma_wait3A_44 = tpu.memref_slice %arg8[%while3A_26, %dma_wait3A] : memref<40x128xi32, #tpu.memory_space<vmem>> -> memref<1x128xi32, #tpu.memory_space<vmem>>
      %dma_wait3A_45 = tpu.memref_squeeze %dma_wait3A_44 : memref<1x128xi32, #tpu.memory_space<vmem>> -> memref<128xi32, #tpu.memory_space<vmem>>
      %dma_wait3A_46 = arith.constant 0 : i32
      %dma_wait3A_47 = arith.constant 0 : i32
      %dma_wait3A_48 = tpu.memref_slice %arg4[%dma_wait3A_46, %dma_wait3A_47] : memref<10000x128xf32, #tpu.memory_space<hbm>> -> memref<10000x128xf32, #tpu.memory_space<hbm>>
      tpu.wait_indirect_dma semaphore(%arg12 : memref<!tpu.dma_semaphore, #tpu.memory_space<semaphore_mem>>) src(%dma_wait3A_48 : memref<10000x128xf32, #tpu.memory_space<hbm>>) dst(%arg10 : memref<128x128xf32, #tpu.memory_space<vmem>>)
      %dma_wait3A_49 = arith.constant 0 : i32
      %dma_wait3A_50 = tpu.memref_slice %arg9[%while3A_26, %dma_wait3A_49] : memref<40x128xi32, #tpu.memory_space<vmem>> -> memref<1x128xi32, #tpu.memory_space<vmem>>
      %dma_wait3A_51 = tpu.memref_squeeze %dma_wait3A_50 : memref<1x128xi32, #tpu.memory_space<vmem>> -> memref<128xi32, #tpu.memory_space<vmem>>
      %dma_wait3A_52 = arith.constant 0 : i32
      %dma_wait3A_53 = arith.constant 0 : i32
      %dma_wait3A_54 = tpu.memref_slice %arg5[%dma_wait3A_52, %dma_wait3A_53] : memref<10000x128xf32, #tpu.memory_space<hbm>> -> memref<10000x128xf32, #tpu.memory_space<hbm>>
      tpu.wait_indirect_dma semaphore(%arg13 : memref<!tpu.dma_semaphore, #tpu.memory_space<semaphore_mem>>) src(%dma_wait3A_54 : memref<10000x128xf32, #tpu.memory_space<hbm>>) dst(%arg11 : memref<128x128xf32, #tpu.memory_space<vmem>>)
      "tpu.region"() ({
        %run_scoped3A = tpu.sem_alloc : memref<!tpu.dma_semaphore, #tpu.memory_space<semaphore_mem>>
        %dma_start3A_56 = arith.constant 0 : i32
        %dma_start3A_57 = tpu.memref_slice %arg6[%multiple_of3A, %dma_start3A_56] : memref<160000x128xf32, #tpu.memory_space<hbm>> -> memref<128x128xf32, #tpu.memory_space<hbm>>
        %dma_start3A_58 = arith.constant 0 : i32
        %dma_start3A_59 = tpu.memref_slice %arg6[%multiple_of3A, %dma_start3A_58] : memref<160000x128xf32, #tpu.memory_space<hbm>> -> memref<128x128xf32, #tpu.memory_space<hbm>>
        tpu.enqueue_dma source(%arg10 : memref<128x128xf32, #tpu.memory_space<vmem>>) target(%dma_start3A_59 : memref<128x128xf32, #tpu.memory_space<hbm>>) target_semaphore(%run_scoped3A : memref<!tpu.dma_semaphore, #tpu.memory_space<semaphore_mem>>)
        %dma_wait3A_60 = arith.constant 0 : i32
        %dma_wait3A_61 = tpu.memref_slice %arg6[%multiple_of3A, %dma_wait3A_60] : memref<160000x128xf32, #tpu.memory_space<hbm>> -> memref<128x128xf32, #tpu.memory_space<hbm>>
        %dma_wait3A_62 = arith.constant 0 : i32
        %dma_wait3A_63 = tpu.memref_slice %arg6[%multiple_of3A, %dma_wait3A_62] : memref<160000x128xf32, #tpu.memory_space<hbm>> -> memref<128x128xf32, #tpu.memory_space<hbm>>
        tpu.wait_dma2 semaphore(%run_scoped3A : memref<!tpu.dma_semaphore, #tpu.memory_space<semaphore_mem>>) src(%arg10 : memref<128x128xf32, #tpu.memory_space<vmem>>) dst(%dma_wait3A_63 : memref<128x128xf32, #tpu.memory_space<hbm>>)
        tpu.yield
      }) : () -> ()
      "tpu.region"() ({
        %run_scoped3A = tpu.sem_alloc : memref<!tpu.dma_semaphore, #tpu.memory_space<semaphore_mem>>
        %dma_start3A_56 = arith.constant 0 : i32
        %dma_start3A_57 = tpu.memref_slice %arg7[%multiple_of3A, %dma_start3A_56] : memref<160000x128xf32, #tpu.memory_space<hbm>> -> memref<128x128xf32, #tpu.memory_space<hbm>>
        %dma_start3A_58 = arith.constant 0 : i32
        %dma_start3A_59 = tpu.memref_slice %arg7[%multiple_of3A, %dma_start3A_58] : memref<160000x128xf32, #tpu.memory_space<hbm>> -> memref<128x128xf32, #tpu.memory_space<hbm>>
        tpu.enqueue_dma source(%arg11 : memref<128x128xf32, #tpu.memory_space<vmem>>) target(%dma_start3A_59 : memref<128x128xf32, #tpu.memory_space<hbm>>) target_semaphore(%run_scoped3A : memref<!tpu.dma_semaphore, #tpu.memory_space<semaphore_mem>>)
        %dma_wait3A_60 = arith.constant 0 : i32
        %dma_wait3A_61 = tpu.memref_slice %arg7[%multiple_of3A, %dma_wait3A_60] : memref<160000x128xf32, #tpu.memory_space<hbm>> -> memref<128x128xf32, #tpu.memory_space<hbm>>
        %dma_wait3A_62 = arith.constant 0 : i32
        %dma_wait3A_63 = tpu.memref_slice %arg7[%multiple_of3A, %dma_wait3A_62] : memref<160000x128xf32, #tpu.memory_space<hbm>> -> memref<128x128xf32, #tpu.memory_space<hbm>>
        tpu.wait_dma2 semaphore(%run_scoped3A : memref<!tpu.dma_semaphore, #tpu.memory_space<semaphore_mem>>) src(%arg11 : memref<128x128xf32, #tpu.memory_space<vmem>>) dst(%dma_wait3A_63 : memref<128x128xf32, #tpu.memory_space<hbm>>)
        tpu.yield
      }) : () -> ()
      %while3A_55 = arith.constant 0 : i32
      scf.yield %while3A_55 : i32
    }
    return
  }
}

#map = affine_map<(d0, d1) -> (0)>
#map1 = affine_map<(d0, d1) -> (0, 0)>
#map2 = affine_map<(d0, d1) -> (0, 0, 0)>
module attributes {stable_mosaic.version = 14 : i64} {
  func.func @sc_scatter(%arg0: i32, %arg1: i32, %arg2: memref<160000xi32, #tpu.memory_space<hbm>>, %arg3: memref<160000x128xf32, #tpu.memory_space<hbm>>, %arg4: memref<632x128xf32, #tpu.memory_space<hbm>>, %arg5: memref<2x10000x128xf32, #tpu.memory_space<hbm>>, %arg6: memref<40x128xi32, #tpu.memory_space<vmem>>, %arg7: memref<128x128xf32, #tpu.memory_space<vmem>>, %arg8: memref<10000x128xf32, #tpu.memory_space<vmem_shared>>, %arg9: memref<!tpu.dma_semaphore, #tpu.memory_space<semaphore_mem>>) attributes {dimension_semantics = [#tpu.dimension_semantics<core_parallel>, #tpu.dimension_semantics<subcore_parallel>], iteration_bounds = array<i64: 2, 16>, scalar_prefetch = 0 : i64, scratch_operands = 4 : i64, tpu.core_type = #tpu.core_type<sc_vector_subcore>, window_params = [{transform_indices = #map}, {transform_indices = #map1}, {transform_indices = #map1}, {transform_indices = #map2}]} {
    %mul3A = arith.constant 2 : i32
    %mul3A_0 = arith.muli %arg1, %mul3A : i32
    %add3A = arith.addi %mul3A_0, %arg0 : i32
    %lt3A = arith.constant 2 : i32
    %lt3A_1 = arith.cmpi slt, %add3A, %lt3A : i32
    %jit3A = arith.constant 40 : i32
    %jit3A_2 = arith.constant 39 : i32
    %select_n3A = arith.select %lt3A_1, %jit3A, %jit3A_2 : i32
    %lt3A_3 = arith.constant 15 : i32
    %lt3A_4 = arith.cmpi slt, %arg1, %lt3A_3 : i32
    %convert_element_type3A = arith.extui %lt3A_4 : i1 to i32
    %cond3A = arith.constant 0 : i32
    %cond3A_5 = arith.cmpi ne, %convert_element_type3A, %cond3A : i32
    scf.if %cond3A_5 {
      %mul3A_44 = arith.constant 632 : i32
      %mul3A_45 = arith.muli %arg1, %mul3A_44 : i32
      %multiple_of3A = tpu.assume_multiple %mul3A_45, 8 : i32
      "tpu.region"() ({
        %run_scoped3A = tpu.sem_alloc : memref<!tpu.dma_semaphore, #tpu.memory_space<semaphore_mem>>
        %dma_start3A = arith.constant 0 : i32
        %dma_start3A_46 = tpu.memref_slice %arg8[%multiple_of3A, %dma_start3A] : memref<10000x128xf32, #tpu.memory_space<vmem_shared>> -> memref<632x128xf32, #tpu.memory_space<vmem_shared>>
        tpu.enqueue_dma source(%arg4 : memref<632x128xf32, #tpu.memory_space<hbm>>) target(%dma_start3A_46 : memref<632x128xf32, #tpu.memory_space<vmem_shared>>) target_semaphore(%run_scoped3A : memref<!tpu.dma_semaphore, #tpu.memory_space<semaphore_mem>>)
        %dma_wait3A = arith.constant 0 : i32
        %dma_wait3A_47 = tpu.memref_slice %arg8[%multiple_of3A, %dma_wait3A] : memref<10000x128xf32, #tpu.memory_space<vmem_shared>> -> memref<632x128xf32, #tpu.memory_space<vmem_shared>>
        tpu.wait_dma2 semaphore(%run_scoped3A : memref<!tpu.dma_semaphore, #tpu.memory_space<semaphore_mem>>) src(%arg4 : memref<632x128xf32, #tpu.memory_space<hbm>>) dst(%dma_wait3A_47 : memref<632x128xf32, #tpu.memory_space<vmem_shared>>)
        tpu.yield
      }) : () -> ()
    } else {
    }
    %eq3A = arith.constant 15 : i32
    %eq3A_6 = arith.cmpi eq, %arg1, %eq3A : i32
    %convert_element_type3A_7 = arith.extui %eq3A_6 : i1 to i32
    %cond3A_8 = arith.constant 0 : i32
    %cond3A_9 = arith.cmpi ne, %convert_element_type3A_7, %cond3A_8 : i32
    scf.if %cond3A_9 {
      "tpu.region"() ({
        %run_scoped3A = tpu.sem_alloc : memref<!tpu.dma_semaphore, #tpu.memory_space<semaphore_mem>>
        %dma_start3A = arith.constant 9480 : i32
        %dma_start3A_44 = arith.constant 0 : i32
        %dma_start3A_45 = tpu.memref_slice %arg8[%dma_start3A, %dma_start3A_44] : memref<10000x128xf32, #tpu.memory_space<vmem_shared>> -> memref<520x128xf32, #tpu.memory_space<vmem_shared>>
        %dma_start3A_46 = arith.constant 0 : i32
        %dma_start3A_47 = arith.constant 0 : i32
        %dma_start3A_48 = tpu.memref_slice %arg4[%dma_start3A_46, %dma_start3A_47] : memref<632x128xf32, #tpu.memory_space<hbm>> -> memref<520x128xf32, #tpu.memory_space<hbm>>
        tpu.enqueue_dma source(%dma_start3A_48 : memref<520x128xf32, #tpu.memory_space<hbm>>) target(%dma_start3A_45 : memref<520x128xf32, #tpu.memory_space<vmem_shared>>) target_semaphore(%run_scoped3A : memref<!tpu.dma_semaphore, #tpu.memory_space<semaphore_mem>>)
        %dma_wait3A = arith.constant 9480 : i32
        %dma_wait3A_49 = arith.constant 0 : i32
        %dma_wait3A_50 = tpu.memref_slice %arg8[%dma_wait3A, %dma_wait3A_49] : memref<10000x128xf32, #tpu.memory_space<vmem_shared>> -> memref<520x128xf32, #tpu.memory_space<vmem_shared>>
        %dma_wait3A_51 = arith.constant 0 : i32
        %dma_wait3A_52 = arith.constant 0 : i32
        %dma_wait3A_53 = tpu.memref_slice %arg4[%dma_wait3A_51, %dma_wait3A_52] : memref<632x128xf32, #tpu.memory_space<hbm>> -> memref<520x128xf32, #tpu.memory_space<hbm>>
        tpu.wait_dma2 semaphore(%run_scoped3A : memref<!tpu.dma_semaphore, #tpu.memory_space<semaphore_mem>>) src(%dma_wait3A_53 : memref<520x128xf32, #tpu.memory_space<hbm>>) dst(%dma_wait3A_50 : memref<520x128xf32, #tpu.memory_space<vmem_shared>>)
        tpu.yield
      }) : () -> ()
    } else {
    }
    %while3A = arith.constant 0 : i32
    %while3A_10 = arith.constant 0 : i32
    %while3A_11 = arith.subi %select_n3A, %while3A : i32
    %while3A_12 = arith.addi %while3A, %while3A_11 : i32
    %while3A_13 = arith.constant 1 : i32
    %while3A_14 = arith.divsi %while3A_11, %while3A_13 : i32
    %while3A_15 = arith.muli %while3A_14, %while3A_13 : i32
    %while3A_16 = arith.addi %while3A, %while3A_15 : i32
    %while3A_17 = arith.constant 1 : i32
    %while3A_18 = scf.for %while3A_44 = %while3A to %while3A_16 step %while3A_17 iter_args(%while3A_45 = %while3A_10) -> (i32)  : i32 {
      %mul3A_46 = arith.constant 32 : i32
      %mul3A_47 = arith.muli %while3A_44, %mul3A_46 : i32
      %add3A_48 = arith.addi %add3A, %mul3A_47 : i32
      %mul3A_49 = arith.constant 128 : i32
      %mul3A_50 = arith.muli %add3A_48, %mul3A_49 : i32
      %multiple_of3A = tpu.assume_multiple %mul3A_50, 128 : i32
      "tpu.region"() ({
        %run_scoped3A = tpu.sem_alloc : memref<!tpu.dma_semaphore, #tpu.memory_space<semaphore_mem>>
        %dma_start3A = arith.constant 0 : i32
        %dma_start3A_52 = tpu.memref_slice %arg6[%while3A_44, %dma_start3A] : memref<40x128xi32, #tpu.memory_space<vmem>> -> memref<1x128xi32, #tpu.memory_space<vmem>>
        %dma_start3A_53 = tpu.memref_squeeze %dma_start3A_52 : memref<1x128xi32, #tpu.memory_space<vmem>> -> memref<128xi32, #tpu.memory_space<vmem>>
        %dma_start3A_54 = tpu.memref_slice %arg2[%multiple_of3A] : memref<160000xi32, #tpu.memory_space<hbm>> -> memref<128xi32, #tpu.memory_space<hbm>>
        %dma_start3A_55 = arith.constant 0 : i32
        %dma_start3A_56 = tpu.memref_slice %arg6[%while3A_44, %dma_start3A_55] : memref<40x128xi32, #tpu.memory_space<vmem>> -> memref<1x128xi32, #tpu.memory_space<vmem>>
        %dma_start3A_57 = tpu.memref_squeeze %dma_start3A_56 : memref<1x128xi32, #tpu.memory_space<vmem>> -> memref<128xi32, #tpu.memory_space<vmem>>
        %dma_start3A_58 = tpu.memref_slice %arg2[%multiple_of3A] : memref<160000xi32, #tpu.memory_space<hbm>> -> memref<128xi32, #tpu.memory_space<hbm>>
        tpu.enqueue_dma source(%dma_start3A_58 : memref<128xi32, #tpu.memory_space<hbm>>) target(%dma_start3A_57 : memref<128xi32, #tpu.memory_space<vmem>>) target_semaphore(%run_scoped3A : memref<!tpu.dma_semaphore, #tpu.memory_space<semaphore_mem>>)
        %dma_wait3A = arith.constant 0 : i32
        %dma_wait3A_59 = tpu.memref_slice %arg6[%while3A_44, %dma_wait3A] : memref<40x128xi32, #tpu.memory_space<vmem>> -> memref<1x128xi32, #tpu.memory_space<vmem>>
        %dma_wait3A_60 = tpu.memref_squeeze %dma_wait3A_59 : memref<1x128xi32, #tpu.memory_space<vmem>> -> memref<128xi32, #tpu.memory_space<vmem>>
        %dma_wait3A_61 = tpu.memref_slice %arg2[%multiple_of3A] : memref<160000xi32, #tpu.memory_space<hbm>> -> memref<128xi32, #tpu.memory_space<hbm>>
        %dma_wait3A_62 = arith.constant 0 : i32
        %dma_wait3A_63 = tpu.memref_slice %arg6[%while3A_44, %dma_wait3A_62] : memref<40x128xi32, #tpu.memory_space<vmem>> -> memref<1x128xi32, #tpu.memory_space<vmem>>
        %dma_wait3A_64 = tpu.memref_squeeze %dma_wait3A_63 : memref<1x128xi32, #tpu.memory_space<vmem>> -> memref<128xi32, #tpu.memory_space<vmem>>
        %dma_wait3A_65 = tpu.memref_slice %arg2[%multiple_of3A] : memref<160000xi32, #tpu.memory_space<hbm>> -> memref<128xi32, #tpu.memory_space<hbm>>
        tpu.wait_dma2 semaphore(%run_scoped3A : memref<!tpu.dma_semaphore, #tpu.memory_space<semaphore_mem>>) src(%dma_wait3A_65 : memref<128xi32, #tpu.memory_space<hbm>>) dst(%dma_wait3A_64 : memref<128xi32, #tpu.memory_space<vmem>>)
        tpu.yield
      }) : () -> ()
      %while3A_51 = arith.constant 0 : i32
      scf.yield %while3A_51 : i32
    }
    %while3A_19 = arith.constant 1 : i32
    %while3A_20 = scf.for %while3A_44 = %while3A_16 to %while3A_12 step %while3A_19 iter_args(%while3A_45 = %while3A_18) -> (i32)  : i32 {
      %mul3A_46 = arith.constant 32 : i32
      %mul3A_47 = arith.muli %while3A_44, %mul3A_46 : i32
      %add3A_48 = arith.addi %add3A, %mul3A_47 : i32
      %mul3A_49 = arith.constant 128 : i32
      %mul3A_50 = arith.muli %add3A_48, %mul3A_49 : i32
      %multiple_of3A = tpu.assume_multiple %mul3A_50, 128 : i32
      "tpu.region"() ({
        %run_scoped3A = tpu.sem_alloc : memref<!tpu.dma_semaphore, #tpu.memory_space<semaphore_mem>>
        %dma_start3A = arith.constant 0 : i32
        %dma_start3A_52 = tpu.memref_slice %arg6[%while3A_44, %dma_start3A] : memref<40x128xi32, #tpu.memory_space<vmem>> -> memref<1x128xi32, #tpu.memory_space<vmem>>
        %dma_start3A_53 = tpu.memref_squeeze %dma_start3A_52 : memref<1x128xi32, #tpu.memory_space<vmem>> -> memref<128xi32, #tpu.memory_space<vmem>>
        %dma_start3A_54 = tpu.memref_slice %arg2[%multiple_of3A] : memref<160000xi32, #tpu.memory_space<hbm>> -> memref<128xi32, #tpu.memory_space<hbm>>
        %dma_start3A_55 = arith.constant 0 : i32
        %dma_start3A_56 = tpu.memref_slice %arg6[%while3A_44, %dma_start3A_55] : memref<40x128xi32, #tpu.memory_space<vmem>> -> memref<1x128xi32, #tpu.memory_space<vmem>>
        %dma_start3A_57 = tpu.memref_squeeze %dma_start3A_56 : memref<1x128xi32, #tpu.memory_space<vmem>> -> memref<128xi32, #tpu.memory_space<vmem>>
        %dma_start3A_58 = tpu.memref_slice %arg2[%multiple_of3A] : memref<160000xi32, #tpu.memory_space<hbm>> -> memref<128xi32, #tpu.memory_space<hbm>>
        tpu.enqueue_dma source(%dma_start3A_58 : memref<128xi32, #tpu.memory_space<hbm>>) target(%dma_start3A_57 : memref<128xi32, #tpu.memory_space<vmem>>) target_semaphore(%run_scoped3A : memref<!tpu.dma_semaphore, #tpu.memory_space<semaphore_mem>>)
        %dma_wait3A = arith.constant 0 : i32
        %dma_wait3A_59 = tpu.memref_slice %arg6[%while3A_44, %dma_wait3A] : memref<40x128xi32, #tpu.memory_space<vmem>> -> memref<1x128xi32, #tpu.memory_space<vmem>>
        %dma_wait3A_60 = tpu.memref_squeeze %dma_wait3A_59 : memref<1x128xi32, #tpu.memory_space<vmem>> -> memref<128xi32, #tpu.memory_space<vmem>>
        %dma_wait3A_61 = tpu.memref_slice %arg2[%multiple_of3A] : memref<160000xi32, #tpu.memory_space<hbm>> -> memref<128xi32, #tpu.memory_space<hbm>>
        %dma_wait3A_62 = arith.constant 0 : i32
        %dma_wait3A_63 = tpu.memref_slice %arg6[%while3A_44, %dma_wait3A_62] : memref<40x128xi32, #tpu.memory_space<vmem>> -> memref<1x128xi32, #tpu.memory_space<vmem>>
        %dma_wait3A_64 = tpu.memref_squeeze %dma_wait3A_63 : memref<1x128xi32, #tpu.memory_space<vmem>> -> memref<128xi32, #tpu.memory_space<vmem>>
        %dma_wait3A_65 = tpu.memref_slice %arg2[%multiple_of3A] : memref<160000xi32, #tpu.memory_space<hbm>> -> memref<128xi32, #tpu.memory_space<hbm>>
        tpu.wait_dma2 semaphore(%run_scoped3A : memref<!tpu.dma_semaphore, #tpu.memory_space<semaphore_mem>>) src(%dma_wait3A_65 : memref<128xi32, #tpu.memory_space<hbm>>) dst(%dma_wait3A_64 : memref<128xi32, #tpu.memory_space<vmem>>)
        tpu.yield
      }) : () -> ()
      %while3A_51 = arith.constant 0 : i32
      scf.yield %while3A_51 : i32
    }
    %barrier3A = arith.constant 0 : index
    tpu.barrier barrier_id(%barrier3A)
    %while3A_21 = arith.constant 0 : i32
    %while3A_22 = arith.constant 0 : i32
    %while3A_23 = arith.subi %select_n3A, %while3A_21 : i32
    %while3A_24 = arith.addi %while3A_21, %while3A_23 : i32
    %while3A_25 = arith.constant 1 : i32
    %while3A_26 = arith.divsi %while3A_23, %while3A_25 : i32
    %while3A_27 = arith.muli %while3A_26, %while3A_25 : i32
    %while3A_28 = arith.addi %while3A_21, %while3A_27 : i32
    %while3A_29 = arith.constant 1 : i32
    %while3A_30 = scf.for %while3A_44 = %while3A_21 to %while3A_28 step %while3A_29 iter_args(%while3A_45 = %while3A_22) -> (i32)  : i32 {
      %mul3A_46 = arith.constant 32 : i32
      %mul3A_47 = arith.muli %while3A_44, %mul3A_46 : i32
      %add3A_48 = arith.addi %add3A, %mul3A_47 : i32
      %mul3A_49 = arith.constant 128 : i32
      %mul3A_50 = arith.muli %add3A_48, %mul3A_49 : i32
      %multiple_of3A = tpu.assume_multiple %mul3A_50, 128 : i32
      %dma_start3A = arith.constant 0 : i32
      %dma_start3A_51 = tpu.memref_slice %arg3[%multiple_of3A, %dma_start3A] : memref<160000x128xf32, #tpu.memory_space<hbm>> -> memref<128x128xf32, #tpu.memory_space<hbm>>
      %dma_start3A_52 = arith.constant 0 : i32
      %dma_start3A_53 = tpu.memref_slice %arg3[%multiple_of3A, %dma_start3A_52] : memref<160000x128xf32, #tpu.memory_space<hbm>> -> memref<128x128xf32, #tpu.memory_space<hbm>>
      tpu.enqueue_dma source(%dma_start3A_53 : memref<128x128xf32, #tpu.memory_space<hbm>>) target(%arg7 : memref<128x128xf32, #tpu.memory_space<vmem>>) target_semaphore(%arg9 : memref<!tpu.dma_semaphore, #tpu.memory_space<semaphore_mem>>)
      %dma_wait3A = arith.constant 0 : i32
      %dma_wait3A_54 = tpu.memref_slice %arg3[%multiple_of3A, %dma_wait3A] : memref<160000x128xf32, #tpu.memory_space<hbm>> -> memref<128x128xf32, #tpu.memory_space<hbm>>
      %dma_wait3A_55 = arith.constant 0 : i32
      %dma_wait3A_56 = tpu.memref_slice %arg3[%multiple_of3A, %dma_wait3A_55] : memref<160000x128xf32, #tpu.memory_space<hbm>> -> memref<128x128xf32, #tpu.memory_space<hbm>>
      tpu.wait_dma2 semaphore(%arg9 : memref<!tpu.dma_semaphore, #tpu.memory_space<semaphore_mem>>) src(%dma_wait3A_56 : memref<128x128xf32, #tpu.memory_space<hbm>>) dst(%arg7 : memref<128x128xf32, #tpu.memory_space<vmem>>)
      "tpu.region"() ({
        %run_scoped3A = tpu.sem_alloc : memref<!tpu.dma_semaphore, #tpu.memory_space<semaphore_mem>>
        %dma_start3A_58 = arith.constant 0 : i32
        %dma_start3A_59 = tpu.memref_slice %arg6[%while3A_44, %dma_start3A_58] : memref<40x128xi32, #tpu.memory_space<vmem>> -> memref<1x128xi32, #tpu.memory_space<vmem>>
        %dma_start3A_60 = tpu.memref_squeeze %dma_start3A_59 : memref<1x128xi32, #tpu.memory_space<vmem>> -> memref<128xi32, #tpu.memory_space<vmem>>
        %dma_start3A_61 = arith.constant 0 : i32
        %dma_start3A_62 = arith.constant 0 : i32
        %dma_start3A_63 = tpu.memref_slice %arg8[%dma_start3A_61, %dma_start3A_62] : memref<10000x128xf32, #tpu.memory_space<vmem_shared>> -> memref<10000x128xf32, #tpu.memory_space<vmem_shared>>
        tpu.enqueue_indirect_dma source(%arg7 : memref<128x128xf32, #tpu.memory_space<vmem>>) target(%dma_start3A_63 : memref<10000x128xf32, #tpu.memory_space<vmem_shared>>) offsets(%dma_start3A_60 : memref<128xi32, #tpu.memory_space<vmem>>) semaphore(%run_scoped3A : memref<!tpu.dma_semaphore, #tpu.memory_space<semaphore_mem>>) {add = true}
        %dma_wait3A_64 = arith.constant 0 : i32
        %dma_wait3A_65 = tpu.memref_slice %arg6[%while3A_44, %dma_wait3A_64] : memref<40x128xi32, #tpu.memory_space<vmem>> -> memref<1x128xi32, #tpu.memory_space<vmem>>
        %dma_wait3A_66 = tpu.memref_squeeze %dma_wait3A_65 : memref<1x128xi32, #tpu.memory_space<vmem>> -> memref<128xi32, #tpu.memory_space<vmem>>
        %dma_wait3A_67 = arith.constant 0 : i32
        %dma_wait3A_68 = arith.constant 0 : i32
        %dma_wait3A_69 = tpu.memref_slice %arg8[%dma_wait3A_67, %dma_wait3A_68] : memref<10000x128xf32, #tpu.memory_space<vmem_shared>> -> memref<10000x128xf32, #tpu.memory_space<vmem_shared>>
        tpu.wait_indirect_dma semaphore(%run_scoped3A : memref<!tpu.dma_semaphore, #tpu.memory_space<semaphore_mem>>) src(%arg7 : memref<128x128xf32, #tpu.memory_space<vmem>>) dst(%dma_wait3A_69 : memref<10000x128xf32, #tpu.memory_space<vmem_shared>>)
        tpu.yield
      }) : () -> ()
      %while3A_57 = arith.constant 0 : i32
      scf.yield %while3A_57 : i32
    }
    %while3A_31 = arith.constant 1 : i32
    %while3A_32 = scf.for %while3A_44 = %while3A_28 to %while3A_24 step %while3A_31 iter_args(%while3A_45 = %while3A_30) -> (i32)  : i32 {
      %mul3A_46 = arith.constant 32 : i32
      %mul3A_47 = arith.muli %while3A_44, %mul3A_46 : i32
      %add3A_48 = arith.addi %add3A, %mul3A_47 : i32
      %mul3A_49 = arith.constant 128 : i32
      %mul3A_50 = arith.muli %add3A_48, %mul3A_49 : i32
      %multiple_of3A = tpu.assume_multiple %mul3A_50, 128 : i32
      %dma_start3A = arith.constant 0 : i32
      %dma_start3A_51 = tpu.memref_slice %arg3[%multiple_of3A, %dma_start3A] : memref<160000x128xf32, #tpu.memory_space<hbm>> -> memref<128x128xf32, #tpu.memory_space<hbm>>
      %dma_start3A_52 = arith.constant 0 : i32
      %dma_start3A_53 = tpu.memref_slice %arg3[%multiple_of3A, %dma_start3A_52] : memref<160000x128xf32, #tpu.memory_space<hbm>> -> memref<128x128xf32, #tpu.memory_space<hbm>>
      tpu.enqueue_dma source(%dma_start3A_53 : memref<128x128xf32, #tpu.memory_space<hbm>>) target(%arg7 : memref<128x128xf32, #tpu.memory_space<vmem>>) target_semaphore(%arg9 : memref<!tpu.dma_semaphore, #tpu.memory_space<semaphore_mem>>)
      %dma_wait3A = arith.constant 0 : i32
      %dma_wait3A_54 = tpu.memref_slice %arg3[%multiple_of3A, %dma_wait3A] : memref<160000x128xf32, #tpu.memory_space<hbm>> -> memref<128x128xf32, #tpu.memory_space<hbm>>
      %dma_wait3A_55 = arith.constant 0 : i32
      %dma_wait3A_56 = tpu.memref_slice %arg3[%multiple_of3A, %dma_wait3A_55] : memref<160000x128xf32, #tpu.memory_space<hbm>> -> memref<128x128xf32, #tpu.memory_space<hbm>>
      tpu.wait_dma2 semaphore(%arg9 : memref<!tpu.dma_semaphore, #tpu.memory_space<semaphore_mem>>) src(%dma_wait3A_56 : memref<128x128xf32, #tpu.memory_space<hbm>>) dst(%arg7 : memref<128x128xf32, #tpu.memory_space<vmem>>)
      "tpu.region"() ({
        %run_scoped3A = tpu.sem_alloc : memref<!tpu.dma_semaphore, #tpu.memory_space<semaphore_mem>>
        %dma_start3A_58 = arith.constant 0 : i32
        %dma_start3A_59 = tpu.memref_slice %arg6[%while3A_44, %dma_start3A_58] : memref<40x128xi32, #tpu.memory_space<vmem>> -> memref<1x128xi32, #tpu.memory_space<vmem>>
        %dma_start3A_60 = tpu.memref_squeeze %dma_start3A_59 : memref<1x128xi32, #tpu.memory_space<vmem>> -> memref<128xi32, #tpu.memory_space<vmem>>
        %dma_start3A_61 = arith.constant 0 : i32
        %dma_start3A_62 = arith.constant 0 : i32
        %dma_start3A_63 = tpu.memref_slice %arg8[%dma_start3A_61, %dma_start3A_62] : memref<10000x128xf32, #tpu.memory_space<vmem_shared>> -> memref<10000x128xf32, #tpu.memory_space<vmem_shared>>
        tpu.enqueue_indirect_dma source(%arg7 : memref<128x128xf32, #tpu.memory_space<vmem>>) target(%dma_start3A_63 : memref<10000x128xf32, #tpu.memory_space<vmem_shared>>) offsets(%dma_start3A_60 : memref<128xi32, #tpu.memory_space<vmem>>) semaphore(%run_scoped3A : memref<!tpu.dma_semaphore, #tpu.memory_space<semaphore_mem>>) {add = true}
        %dma_wait3A_64 = arith.constant 0 : i32
        %dma_wait3A_65 = tpu.memref_slice %arg6[%while3A_44, %dma_wait3A_64] : memref<40x128xi32, #tpu.memory_space<vmem>> -> memref<1x128xi32, #tpu.memory_space<vmem>>
        %dma_wait3A_66 = tpu.memref_squeeze %dma_wait3A_65 : memref<1x128xi32, #tpu.memory_space<vmem>> -> memref<128xi32, #tpu.memory_space<vmem>>
        %dma_wait3A_67 = arith.constant 0 : i32
        %dma_wait3A_68 = arith.constant 0 : i32
        %dma_wait3A_69 = tpu.memref_slice %arg8[%dma_wait3A_67, %dma_wait3A_68] : memref<10000x128xf32, #tpu.memory_space<vmem_shared>> -> memref<10000x128xf32, #tpu.memory_space<vmem_shared>>
        tpu.wait_indirect_dma semaphore(%run_scoped3A : memref<!tpu.dma_semaphore, #tpu.memory_space<semaphore_mem>>) src(%arg7 : memref<128x128xf32, #tpu.memory_space<vmem>>) dst(%dma_wait3A_69 : memref<10000x128xf32, #tpu.memory_space<vmem_shared>>)
        tpu.yield
      }) : () -> ()
      %while3A_57 = arith.constant 0 : i32
      scf.yield %while3A_57 : i32
    }
    %barrier3A_33 = arith.constant 0 : index
    tpu.barrier barrier_id(%barrier3A_33)
    %lt3A_34 = arith.constant 15 : i32
    %lt3A_35 = arith.cmpi slt, %arg1, %lt3A_34 : i32
    %convert_element_type3A_36 = arith.extui %lt3A_35 : i1 to i32
    %cond3A_37 = arith.constant 0 : i32
    %cond3A_38 = arith.cmpi ne, %convert_element_type3A_36, %cond3A_37 : i32
    scf.if %cond3A_38 {
      %mul3A_44 = arith.constant 632 : i32
      %mul3A_45 = arith.muli %arg1, %mul3A_44 : i32
      %multiple_of3A = tpu.assume_multiple %mul3A_45, 8 : i32
      %mul3A_46 = arith.constant 632 : i32
      %mul3A_47 = arith.muli %arg1, %mul3A_46 : i32
      %multiple_of3A_48 = tpu.assume_multiple %mul3A_47, 8 : i32
      "tpu.region"() ({
        %run_scoped3A = tpu.sem_alloc : memref<!tpu.dma_semaphore, #tpu.memory_space<semaphore_mem>>
        %dma_start3A = arith.constant 0 : i32
        %dma_start3A_49 = tpu.memref_slice %arg5[%arg0, %multiple_of3A_48, %dma_start3A] : memref<2x10000x128xf32, #tpu.memory_space<hbm>> -> memref<1x632x128xf32, #tpu.memory_space<hbm>>
        %dma_start3A_50 = tpu.memref_squeeze %dma_start3A_49 : memref<1x632x128xf32, #tpu.memory_space<hbm>> -> memref<632x128xf32, #tpu.memory_space<hbm>>
        %dma_start3A_51 = arith.constant 0 : i32
        %dma_start3A_52 = tpu.memref_slice %arg8[%multiple_of3A, %dma_start3A_51] : memref<10000x128xf32, #tpu.memory_space<vmem_shared>> -> memref<632x128xf32, #tpu.memory_space<vmem_shared>>
        tpu.enqueue_dma source(%dma_start3A_52 : memref<632x128xf32, #tpu.memory_space<vmem_shared>>) target(%dma_start3A_50 : memref<632x128xf32, #tpu.memory_space<hbm>>) target_semaphore(%run_scoped3A : memref<!tpu.dma_semaphore, #tpu.memory_space<semaphore_mem>>)
        %dma_wait3A = arith.constant 0 : i32
        %dma_wait3A_53 = tpu.memref_slice %arg5[%arg0, %multiple_of3A_48, %dma_wait3A] : memref<2x10000x128xf32, #tpu.memory_space<hbm>> -> memref<1x632x128xf32, #tpu.memory_space<hbm>>
        %dma_wait3A_54 = tpu.memref_squeeze %dma_wait3A_53 : memref<1x632x128xf32, #tpu.memory_space<hbm>> -> memref<632x128xf32, #tpu.memory_space<hbm>>
        %dma_wait3A_55 = arith.constant 0 : i32
        %dma_wait3A_56 = tpu.memref_slice %arg8[%multiple_of3A, %dma_wait3A_55] : memref<10000x128xf32, #tpu.memory_space<vmem_shared>> -> memref<632x128xf32, #tpu.memory_space<vmem_shared>>
        tpu.wait_dma2 semaphore(%run_scoped3A : memref<!tpu.dma_semaphore, #tpu.memory_space<semaphore_mem>>) src(%dma_wait3A_56 : memref<632x128xf32, #tpu.memory_space<vmem_shared>>) dst(%dma_wait3A_54 : memref<632x128xf32, #tpu.memory_space<hbm>>)
        tpu.yield
      }) : () -> ()
    } else {
    }
    %eq3A_39 = arith.constant 15 : i32
    %eq3A_40 = arith.cmpi eq, %arg1, %eq3A_39 : i32
    %convert_element_type3A_41 = arith.extui %eq3A_40 : i1 to i32
    %cond3A_42 = arith.constant 0 : i32
    %cond3A_43 = arith.cmpi ne, %convert_element_type3A_41, %cond3A_42 : i32
    scf.if %cond3A_43 {
      "tpu.region"() ({
        %run_scoped3A = tpu.sem_alloc : memref<!tpu.dma_semaphore, #tpu.memory_space<semaphore_mem>>
        %dma_start3A = arith.constant 9480 : i32
        %dma_start3A_44 = arith.constant 0 : i32
        %dma_start3A_45 = tpu.memref_slice %arg5[%arg0, %dma_start3A, %dma_start3A_44] : memref<2x10000x128xf32, #tpu.memory_space<hbm>> -> memref<1x520x128xf32, #tpu.memory_space<hbm>>
        %dma_start3A_46 = tpu.memref_squeeze %dma_start3A_45 : memref<1x520x128xf32, #tpu.memory_space<hbm>> -> memref<520x128xf32, #tpu.memory_space<hbm>>
        %dma_start3A_47 = arith.constant 9480 : i32
        %dma_start3A_48 = arith.constant 0 : i32
        %dma_start3A_49 = tpu.memref_slice %arg8[%dma_start3A_47, %dma_start3A_48] : memref<10000x128xf32, #tpu.memory_space<vmem_shared>> -> memref<520x128xf32, #tpu.memory_space<vmem_shared>>
        tpu.enqueue_dma source(%dma_start3A_49 : memref<520x128xf32, #tpu.memory_space<vmem_shared>>) target(%dma_start3A_46 : memref<520x128xf32, #tpu.memory_space<hbm>>) target_semaphore(%run_scoped3A : memref<!tpu.dma_semaphore, #tpu.memory_space<semaphore_mem>>)
        %dma_wait3A = arith.constant 9480 : i32
        %dma_wait3A_50 = arith.constant 0 : i32
        %dma_wait3A_51 = tpu.memref_slice %arg5[%arg0, %dma_wait3A, %dma_wait3A_50] : memref<2x10000x128xf32, #tpu.memory_space<hbm>> -> memref<1x520x128xf32, #tpu.memory_space<hbm>>
        %dma_wait3A_52 = tpu.memref_squeeze %dma_wait3A_51 : memref<1x520x128xf32, #tpu.memory_space<hbm>> -> memref<520x128xf32, #tpu.memory_space<hbm>>
        %dma_wait3A_53 = arith.constant 9480 : i32
        %dma_wait3A_54 = arith.constant 0 : i32
        %dma_wait3A_55 = tpu.memref_slice %arg8[%dma_wait3A_53, %dma_wait3A_54] : memref<10000x128xf32, #tpu.memory_space<vmem_shared>> -> memref<520x128xf32, #tpu.memory_space<vmem_shared>>
        tpu.wait_dma2 semaphore(%run_scoped3A : memref<!tpu.dma_semaphore, #tpu.memory_space<semaphore_mem>>) src(%dma_wait3A_55 : memref<520x128xf32, #tpu.memory_space<vmem_shared>>) dst(%dma_wait3A_52 : memref<520x128xf32, #tpu.memory_space<hbm>>)
        tpu.yield
      }) : () -> ()
    } else {
    }
    return
  }
}

#map = affine_map<(d0, d1) -> (0)>
#map1 = affine_map<(d0, d1) -> (0, 0)>
module attributes {stable_mosaic.version = 14 : i64} {
  func.func @sc_gather(%arg0: i32, %arg1: i32, %arg2: memref<160000xi32, #tpu.memory_space<hbm>>, %arg3: memref<160000xi32, #tpu.memory_space<hbm>>, %arg4: memref<10000x128xf32, #tpu.memory_space<hbm>>, %arg5: memref<10000x128xf32, #tpu.memory_space<hbm>>, %arg6: memref<160000x128xf32, #tpu.memory_space<hbm>>, %arg7: memref<160000x128xf32, #tpu.memory_space<hbm>>, %arg8: memref<40x128xi32, #tpu.memory_space<vmem>>, %arg9: memref<40x128xi32, #tpu.memory_space<vmem>>, %arg10: memref<128x128xf32, #tpu.memory_space<vmem>>, %arg11: memref<128x128xf32, #tpu.memory_space<vmem>>, %arg12: memref<!tpu.dma_semaphore, #tpu.memory_space<semaphore_mem>>, %arg13: memref<!tpu.dma_semaphore, #tpu.memory_space<semaphore_mem>>) attributes {dimension_semantics = [#tpu.dimension_semantics<core_parallel>, #tpu.dimension_semantics<subcore_parallel>], iteration_bounds = array<i64: 2, 16>, scalar_prefetch = 0 : i64, scratch_operands = 6 : i64, tpu.core_type = #tpu.core_type<sc_vector_subcore>, window_params = [{transform_indices = #map}, {transform_indices = #map}, {transform_indices = #map1}, {transform_indices = #map1}, {transform_indices = #map1}, {transform_indices = #map1}]} {
    %mul3A = arith.constant 2 : i32
    %mul3A_0 = arith.muli %arg1, %mul3A : i32
    %add3A = arith.addi %mul3A_0, %arg0 : i32
    %lt3A = arith.constant 2 : i32
    %lt3A_1 = arith.cmpi slt, %add3A, %lt3A : i32
    %jit3A = arith.constant 40 : i32
    %jit3A_2 = arith.constant 39 : i32
    %select_n3A = arith.select %lt3A_1, %jit3A, %jit3A_2 : i32
    %while3A = arith.constant 0 : i32
    %while3A_3 = arith.constant 0 : i32
    %while3A_4 = arith.subi %select_n3A, %while3A : i32
    %while3A_5 = arith.addi %while3A, %while3A_4 : i32
    %while3A_6 = arith.constant 1 : i32
    %while3A_7 = arith.divsi %while3A_4, %while3A_6 : i32
    %while3A_8 = arith.muli %while3A_7, %while3A_6 : i32
    %while3A_9 = arith.addi %while3A, %while3A_8 : i32
    %while3A_10 = arith.constant 1 : i32
    %while3A_11 = scf.for %while3A_26 = %while3A to %while3A_9 step %while3A_10 iter_args(%while3A_27 = %while3A_3) -> (i32)  : i32 {
      %mul3A_28 = arith.constant 32 : i32
      %mul3A_29 = arith.muli %while3A_26, %mul3A_28 : i32
      %add3A_30 = arith.addi %add3A, %mul3A_29 : i32
      %mul3A_31 = arith.constant 128 : i32
      %mul3A_32 = arith.muli %add3A_30, %mul3A_31 : i32
      %multiple_of3A = tpu.assume_multiple %mul3A_32, 128 : i32
      "tpu.region"() ({
        %run_scoped3A = tpu.sem_alloc : memref<!tpu.dma_semaphore, #tpu.memory_space<semaphore_mem>>
        %dma_start3A = arith.constant 0 : i32
        %dma_start3A_34 = tpu.memref_slice %arg8[%while3A_26, %dma_start3A] : memref<40x128xi32, #tpu.memory_space<vmem>> -> memref<1x128xi32, #tpu.memory_space<vmem>>
        %dma_start3A_35 = tpu.memref_squeeze %dma_start3A_34 : memref<1x128xi32, #tpu.memory_space<vmem>> -> memref<128xi32, #tpu.memory_space<vmem>>
        %dma_start3A_36 = tpu.memref_slice %arg2[%multiple_of3A] : memref<160000xi32, #tpu.memory_space<hbm>> -> memref<128xi32, #tpu.memory_space<hbm>>
        %dma_start3A_37 = arith.constant 0 : i32
        %dma_start3A_38 = tpu.memref_slice %arg8[%while3A_26, %dma_start3A_37] : memref<40x128xi32, #tpu.memory_space<vmem>> -> memref<1x128xi32, #tpu.memory_space<vmem>>
        %dma_start3A_39 = tpu.memref_squeeze %dma_start3A_38 : memref<1x128xi32, #tpu.memory_space<vmem>> -> memref<128xi32, #tpu.memory_space<vmem>>
        %dma_start3A_40 = tpu.memref_slice %arg2[%multiple_of3A] : memref<160000xi32, #tpu.memory_space<hbm>> -> memref<128xi32, #tpu.memory_space<hbm>>
        tpu.enqueue_dma source(%dma_start3A_40 : memref<128xi32, #tpu.memory_space<hbm>>) target(%dma_start3A_39 : memref<128xi32, #tpu.memory_space<vmem>>) target_semaphore(%run_scoped3A : memref<!tpu.dma_semaphore, #tpu.memory_space<semaphore_mem>>)
        %dma_wait3A = arith.constant 0 : i32
        %dma_wait3A_41 = tpu.memref_slice %arg8[%while3A_26, %dma_wait3A] : memref<40x128xi32, #tpu.memory_space<vmem>> -> memref<1x128xi32, #tpu.memory_space<vmem>>
        %dma_wait3A_42 = tpu.memref_squeeze %dma_wait3A_41 : memref<1x128xi32, #tpu.memory_space<vmem>> -> memref<128xi32, #tpu.memory_space<vmem>>
        %dma_wait3A_43 = tpu.memref_slice %arg2[%multiple_of3A] : memref<160000xi32, #tpu.memory_space<hbm>> -> memref<128xi32, #tpu.memory_space<hbm>>
        %dma_wait3A_44 = arith.constant 0 : i32
        %dma_wait3A_45 = tpu.memref_slice %arg8[%while3A_26, %dma_wait3A_44] : memref<40x128xi32, #tpu.memory_space<vmem>> -> memref<1x128xi32, #tpu.memory_space<vmem>>
        %dma_wait3A_46 = tpu.memref_squeeze %dma_wait3A_45 : memref<1x128xi32, #tpu.memory_space<vmem>> -> memref<128xi32, #tpu.memory_space<vmem>>
        %dma_wait3A_47 = tpu.memref_slice %arg2[%multiple_of3A] : memref<160000xi32, #tpu.memory_space<hbm>> -> memref<128xi32, #tpu.memory_space<hbm>>
        tpu.wait_dma2 semaphore(%run_scoped3A : memref<!tpu.dma_semaphore, #tpu.memory_space<semaphore_mem>>) src(%dma_wait3A_47 : memref<128xi32, #tpu.memory_space<hbm>>) dst(%dma_wait3A_46 : memref<128xi32, #tpu.memory_space<vmem>>)
        tpu.yield
      }) : () -> ()
      "tpu.region"() ({
        %run_scoped3A = tpu.sem_alloc : memref<!tpu.dma_semaphore, #tpu.memory_space<semaphore_mem>>
        %dma_start3A = arith.constant 0 : i32
        %dma_start3A_34 = tpu.memref_slice %arg9[%while3A_26, %dma_start3A] : memref<40x128xi32, #tpu.memory_space<vmem>> -> memref<1x128xi32, #tpu.memory_space<vmem>>
        %dma_start3A_35 = tpu.memref_squeeze %dma_start3A_34 : memref<1x128xi32, #tpu.memory_space<vmem>> -> memref<128xi32, #tpu.memory_space<vmem>>
        %dma_start3A_36 = tpu.memref_slice %arg3[%multiple_of3A] : memref<160000xi32, #tpu.memory_space<hbm>> -> memref<128xi32, #tpu.memory_space<hbm>>
        %dma_start3A_37 = arith.constant 0 : i32
        %dma_start3A_38 = tpu.memref_slice %arg9[%while3A_26, %dma_start3A_37] : memref<40x128xi32, #tpu.memory_space<vmem>> -> memref<1x128xi32, #tpu.memory_space<vmem>>
        %dma_start3A_39 = tpu.memref_squeeze %dma_start3A_38 : memref<1x128xi32, #tpu.memory_space<vmem>> -> memref<128xi32, #tpu.memory_space<vmem>>
        %dma_start3A_40 = tpu.memref_slice %arg3[%multiple_of3A] : memref<160000xi32, #tpu.memory_space<hbm>> -> memref<128xi32, #tpu.memory_space<hbm>>
        tpu.enqueue_dma source(%dma_start3A_40 : memref<128xi32, #tpu.memory_space<hbm>>) target(%dma_start3A_39 : memref<128xi32, #tpu.memory_space<vmem>>) target_semaphore(%run_scoped3A : memref<!tpu.dma_semaphore, #tpu.memory_space<semaphore_mem>>)
        %dma_wait3A = arith.constant 0 : i32
        %dma_wait3A_41 = tpu.memref_slice %arg9[%while3A_26, %dma_wait3A] : memref<40x128xi32, #tpu.memory_space<vmem>> -> memref<1x128xi32, #tpu.memory_space<vmem>>
        %dma_wait3A_42 = tpu.memref_squeeze %dma_wait3A_41 : memref<1x128xi32, #tpu.memory_space<vmem>> -> memref<128xi32, #tpu.memory_space<vmem>>
        %dma_wait3A_43 = tpu.memref_slice %arg3[%multiple_of3A] : memref<160000xi32, #tpu.memory_space<hbm>> -> memref<128xi32, #tpu.memory_space<hbm>>
        %dma_wait3A_44 = arith.constant 0 : i32
        %dma_wait3A_45 = tpu.memref_slice %arg9[%while3A_26, %dma_wait3A_44] : memref<40x128xi32, #tpu.memory_space<vmem>> -> memref<1x128xi32, #tpu.memory_space<vmem>>
        %dma_wait3A_46 = tpu.memref_squeeze %dma_wait3A_45 : memref<1x128xi32, #tpu.memory_space<vmem>> -> memref<128xi32, #tpu.memory_space<vmem>>
        %dma_wait3A_47 = tpu.memref_slice %arg3[%multiple_of3A] : memref<160000xi32, #tpu.memory_space<hbm>> -> memref<128xi32, #tpu.memory_space<hbm>>
        tpu.wait_dma2 semaphore(%run_scoped3A : memref<!tpu.dma_semaphore, #tpu.memory_space<semaphore_mem>>) src(%dma_wait3A_47 : memref<128xi32, #tpu.memory_space<hbm>>) dst(%dma_wait3A_46 : memref<128xi32, #tpu.memory_space<vmem>>)
        tpu.yield
      }) : () -> ()
      %while3A_33 = arith.constant 0 : i32
      scf.yield %while3A_33 : i32
    }
    %while3A_12 = arith.constant 1 : i32
    %while3A_13 = scf.for %while3A_26 = %while3A_9 to %while3A_5 step %while3A_12 iter_args(%while3A_27 = %while3A_11) -> (i32)  : i32 {
      %mul3A_28 = arith.constant 32 : i32
      %mul3A_29 = arith.muli %while3A_26, %mul3A_28 : i32
      %add3A_30 = arith.addi %add3A, %mul3A_29 : i32
      %mul3A_31 = arith.constant 128 : i32
      %mul3A_32 = arith.muli %add3A_30, %mul3A_31 : i32
      %multiple_of3A = tpu.assume_multiple %mul3A_32, 128 : i32
      "tpu.region"() ({
        %run_scoped3A = tpu.sem_alloc : memref<!tpu.dma_semaphore, #tpu.memory_space<semaphore_mem>>
        %dma_start3A = arith.constant 0 : i32
        %dma_start3A_34 = tpu.memref_slice %arg8[%while3A_26, %dma_start3A] : memref<40x128xi32, #tpu.memory_space<vmem>> -> memref<1x128xi32, #tpu.memory_space<vmem>>
        %dma_start3A_35 = tpu.memref_squeeze %dma_start3A_34 : memref<1x128xi32, #tpu.memory_space<vmem>> -> memref<128xi32, #tpu.memory_space<vmem>>
        %dma_start3A_36 = tpu.memref_slice %arg2[%multiple_of3A] : memref<160000xi32, #tpu.memory_space<hbm>> -> memref<128xi32, #tpu.memory_space<hbm>>
        %dma_start3A_37 = arith.constant 0 : i32
        %dma_start3A_38 = tpu.memref_slice %arg8[%while3A_26, %dma_start3A_37] : memref<40x128xi32, #tpu.memory_space<vmem>> -> memref<1x128xi32, #tpu.memory_space<vmem>>
        %dma_start3A_39 = tpu.memref_squeeze %dma_start3A_38 : memref<1x128xi32, #tpu.memory_space<vmem>> -> memref<128xi32, #tpu.memory_space<vmem>>
        %dma_start3A_40 = tpu.memref_slice %arg2[%multiple_of3A] : memref<160000xi32, #tpu.memory_space<hbm>> -> memref<128xi32, #tpu.memory_space<hbm>>
        tpu.enqueue_dma source(%dma_start3A_40 : memref<128xi32, #tpu.memory_space<hbm>>) target(%dma_start3A_39 : memref<128xi32, #tpu.memory_space<vmem>>) target_semaphore(%run_scoped3A : memref<!tpu.dma_semaphore, #tpu.memory_space<semaphore_mem>>)
        %dma_wait3A = arith.constant 0 : i32
        %dma_wait3A_41 = tpu.memref_slice %arg8[%while3A_26, %dma_wait3A] : memref<40x128xi32, #tpu.memory_space<vmem>> -> memref<1x128xi32, #tpu.memory_space<vmem>>
        %dma_wait3A_42 = tpu.memref_squeeze %dma_wait3A_41 : memref<1x128xi32, #tpu.memory_space<vmem>> -> memref<128xi32, #tpu.memory_space<vmem>>
        %dma_wait3A_43 = tpu.memref_slice %arg2[%multiple_of3A] : memref<160000xi32, #tpu.memory_space<hbm>> -> memref<128xi32, #tpu.memory_space<hbm>>
        %dma_wait3A_44 = arith.constant 0 : i32
        %dma_wait3A_45 = tpu.memref_slice %arg8[%while3A_26, %dma_wait3A_44] : memref<40x128xi32, #tpu.memory_space<vmem>> -> memref<1x128xi32, #tpu.memory_space<vmem>>
        %dma_wait3A_46 = tpu.memref_squeeze %dma_wait3A_45 : memref<1x128xi32, #tpu.memory_space<vmem>> -> memref<128xi32, #tpu.memory_space<vmem>>
        %dma_wait3A_47 = tpu.memref_slice %arg2[%multiple_of3A] : memref<160000xi32, #tpu.memory_space<hbm>> -> memref<128xi32, #tpu.memory_space<hbm>>
        tpu.wait_dma2 semaphore(%run_scoped3A : memref<!tpu.dma_semaphore, #tpu.memory_space<semaphore_mem>>) src(%dma_wait3A_47 : memref<128xi32, #tpu.memory_space<hbm>>) dst(%dma_wait3A_46 : memref<128xi32, #tpu.memory_space<vmem>>)
        tpu.yield
      }) : () -> ()
      "tpu.region"() ({
        %run_scoped3A = tpu.sem_alloc : memref<!tpu.dma_semaphore, #tpu.memory_space<semaphore_mem>>
        %dma_start3A = arith.constant 0 : i32
        %dma_start3A_34 = tpu.memref_slice %arg9[%while3A_26, %dma_start3A] : memref<40x128xi32, #tpu.memory_space<vmem>> -> memref<1x128xi32, #tpu.memory_space<vmem>>
        %dma_start3A_35 = tpu.memref_squeeze %dma_start3A_34 : memref<1x128xi32, #tpu.memory_space<vmem>> -> memref<128xi32, #tpu.memory_space<vmem>>
        %dma_start3A_36 = tpu.memref_slice %arg3[%multiple_of3A] : memref<160000xi32, #tpu.memory_space<hbm>> -> memref<128xi32, #tpu.memory_space<hbm>>
        %dma_start3A_37 = arith.constant 0 : i32
        %dma_start3A_38 = tpu.memref_slice %arg9[%while3A_26, %dma_start3A_37] : memref<40x128xi32, #tpu.memory_space<vmem>> -> memref<1x128xi32, #tpu.memory_space<vmem>>
        %dma_start3A_39 = tpu.memref_squeeze %dma_start3A_38 : memref<1x128xi32, #tpu.memory_space<vmem>> -> memref<128xi32, #tpu.memory_space<vmem>>
        %dma_start3A_40 = tpu.memref_slice %arg3[%multiple_of3A] : memref<160000xi32, #tpu.memory_space<hbm>> -> memref<128xi32, #tpu.memory_space<hbm>>
        tpu.enqueue_dma source(%dma_start3A_40 : memref<128xi32, #tpu.memory_space<hbm>>) target(%dma_start3A_39 : memref<128xi32, #tpu.memory_space<vmem>>) target_semaphore(%run_scoped3A : memref<!tpu.dma_semaphore, #tpu.memory_space<semaphore_mem>>)
        %dma_wait3A = arith.constant 0 : i32
        %dma_wait3A_41 = tpu.memref_slice %arg9[%while3A_26, %dma_wait3A] : memref<40x128xi32, #tpu.memory_space<vmem>> -> memref<1x128xi32, #tpu.memory_space<vmem>>
        %dma_wait3A_42 = tpu.memref_squeeze %dma_wait3A_41 : memref<1x128xi32, #tpu.memory_space<vmem>> -> memref<128xi32, #tpu.memory_space<vmem>>
        %dma_wait3A_43 = tpu.memref_slice %arg3[%multiple_of3A] : memref<160000xi32, #tpu.memory_space<hbm>> -> memref<128xi32, #tpu.memory_space<hbm>>
        %dma_wait3A_44 = arith.constant 0 : i32
        %dma_wait3A_45 = tpu.memref_slice %arg9[%while3A_26, %dma_wait3A_44] : memref<40x128xi32, #tpu.memory_space<vmem>> -> memref<1x128xi32, #tpu.memory_space<vmem>>
        %dma_wait3A_46 = tpu.memref_squeeze %dma_wait3A_45 : memref<1x128xi32, #tpu.memory_space<vmem>> -> memref<128xi32, #tpu.memory_space<vmem>>
        %dma_wait3A_47 = tpu.memref_slice %arg3[%multiple_of3A] : memref<160000xi32, #tpu.memory_space<hbm>> -> memref<128xi32, #tpu.memory_space<hbm>>
        tpu.wait_dma2 semaphore(%run_scoped3A : memref<!tpu.dma_semaphore, #tpu.memory_space<semaphore_mem>>) src(%dma_wait3A_47 : memref<128xi32, #tpu.memory_space<hbm>>) dst(%dma_wait3A_46 : memref<128xi32, #tpu.memory_space<vmem>>)
        tpu.yield
      }) : () -> ()
      %while3A_33 = arith.constant 0 : i32
      scf.yield %while3A_33 : i32
    }
    %while3A_14 = arith.constant 0 : i32
    %while3A_15 = arith.constant 0 : i32
    %while3A_16 = arith.subi %select_n3A, %while3A_14 : i32
    %while3A_17 = arith.addi %while3A_14, %while3A_16 : i32
    %while3A_18 = arith.constant 1 : i32
    %while3A_19 = arith.divsi %while3A_16, %while3A_18 : i32
    %while3A_20 = arith.muli %while3A_19, %while3A_18 : i32
    %while3A_21 = arith.addi %while3A_14, %while3A_20 : i32
    %while3A_22 = arith.constant 1 : i32
    %while3A_23 = scf.for %while3A_26 = %while3A_14 to %while3A_21 step %while3A_22 iter_args(%while3A_27 = %while3A_15) -> (i32)  : i32 {
      %mul3A_28 = arith.constant 32 : i32
      %mul3A_29 = arith.muli %while3A_26, %mul3A_28 : i32
      %add3A_30 = arith.addi %add3A, %mul3A_29 : i32
      %mul3A_31 = arith.constant 128 : i32
      %mul3A_32 = arith.muli %add3A_30, %mul3A_31 : i32
      %multiple_of3A = tpu.assume_multiple %mul3A_32, 128 : i32
      %dma_start3A = arith.constant 0 : i32
      %dma_start3A_33 = tpu.memref_slice %arg8[%while3A_26, %dma_start3A] : memref<40x128xi32, #tpu.memory_space<vmem>> -> memref<1x128xi32, #tpu.memory_space<vmem>>
      %dma_start3A_34 = tpu.memref_squeeze %dma_start3A_33 : memref<1x128xi32, #tpu.memory_space<vmem>> -> memref<128xi32, #tpu.memory_space<vmem>>
      %dma_start3A_35 = arith.constant 0 : i32
      %dma_start3A_36 = arith.constant 0 : i32
      %dma_start3A_37 = tpu.memref_slice %arg4[%dma_start3A_35, %dma_start3A_36] : memref<10000x128xf32, #tpu.memory_space<hbm>> -> memref<10000x128xf32, #tpu.memory_space<hbm>>
      tpu.enqueue_indirect_dma source(%dma_start3A_37 : memref<10000x128xf32, #tpu.memory_space<hbm>>) target(%arg10 : memref<128x128xf32, #tpu.memory_space<vmem>>) offsets(%dma_start3A_34 : memref<128xi32, #tpu.memory_space<vmem>>) semaphore(%arg12 : memref<!tpu.dma_semaphore, #tpu.memory_space<semaphore_mem>>)
      %dma_start3A_38 = arith.constant 0 : i32
      %dma_start3A_39 = tpu.memref_slice %arg9[%while3A_26, %dma_start3A_38] : memref<40x128xi32, #tpu.memory_space<vmem>> -> memref<1x128xi32, #tpu.memory_space<vmem>>
      %dma_start3A_40 = tpu.memref_squeeze %dma_start3A_39 : memref<1x128xi32, #tpu.memory_space<vmem>> -> memref<128xi32, #tpu.memory_space<vmem>>
      %dma_start3A_41 = arith.constant 0 : i32
      %dma_start3A_42 = arith.constant 0 : i32
      %dma_start3A_43 = tpu.memref_slice %arg5[%dma_start3A_41, %dma_start3A_42] : memref<10000x128xf32, #tpu.memory_space<hbm>> -> memref<10000x128xf32, #tpu.memory_space<hbm>>
      tpu.enqueue_indirect_dma source(%dma_start3A_43 : memref<10000x128xf32, #tpu.memory_space<hbm>>) target(%arg11 : memref<128x128xf32, #tpu.memory_space<vmem>>) offsets(%dma_start3A_40 : memref<128xi32, #tpu.memory_space<vmem>>) semaphore(%arg13 : memref<!tpu.dma_semaphore, #tpu.memory_space<semaphore_mem>>)
      %dma_wait3A = arith.constant 0 : i32
      %dma_wait3A_44 = tpu.memref_slice %arg8[%while3A_26, %dma_wait3A] : memref<40x128xi32, #tpu.memory_space<vmem>> -> memref<1x128xi32, #tpu.memory_space<vmem>>
      %dma_wait3A_45 = tpu.memref_squeeze %dma_wait3A_44 : memref<1x128xi32, #tpu.memory_space<vmem>> -> memref<128xi32, #tpu.memory_space<vmem>>
      %dma_wait3A_46 = arith.constant 0 : i32
      %dma_wait3A_47 = arith.constant 0 : i32
      %dma_wait3A_48 = tpu.memref_slice %arg4[%dma_wait3A_46, %dma_wait3A_47] : memref<10000x128xf32, #tpu.memory_space<hbm>> -> memref<10000x128xf32, #tpu.memory_space<hbm>>
      tpu.wait_indirect_dma semaphore(%arg12 : memref<!tpu.dma_semaphore, #tpu.memory_space<semaphore_mem>>) src(%dma_wait3A_48 : memref<10000x128xf32, #tpu.memory_space<hbm>>) dst(%arg10 : memref<128x128xf32, #tpu.memory_space<vmem>>)
      %dma_wait3A_49 = arith.constant 0 : i32
      %dma_wait3A_50 = tpu.memref_slice %arg9[%while3A_26, %dma_wait3A_49] : memref<40x128xi32, #tpu.memory_space<vmem>> -> memref<1x128xi32, #tpu.memory_space<vmem>>
      %dma_wait3A_51 = tpu.memref_squeeze %dma_wait3A_50 : memref<1x128xi32, #tpu.memory_space<vmem>> -> memref<128xi32, #tpu.memory_space<vmem>>
      %dma_wait3A_52 = arith.constant 0 : i32
      %dma_wait3A_53 = arith.constant 0 : i32
      %dma_wait3A_54 = tpu.memref_slice %arg5[%dma_wait3A_52, %dma_wait3A_53] : memref<10000x128xf32, #tpu.memory_space<hbm>> -> memref<10000x128xf32, #tpu.memory_space<hbm>>
      tpu.wait_indirect_dma semaphore(%arg13 : memref<!tpu.dma_semaphore, #tpu.memory_space<semaphore_mem>>) src(%dma_wait3A_54 : memref<10000x128xf32, #tpu.memory_space<hbm>>) dst(%arg11 : memref<128x128xf32, #tpu.memory_space<vmem>>)
      "tpu.region"() ({
        %run_scoped3A = tpu.sem_alloc : memref<!tpu.dma_semaphore, #tpu.memory_space<semaphore_mem>>
        %dma_start3A_56 = arith.constant 0 : i32
        %dma_start3A_57 = tpu.memref_slice %arg6[%multiple_of3A, %dma_start3A_56] : memref<160000x128xf32, #tpu.memory_space<hbm>> -> memref<128x128xf32, #tpu.memory_space<hbm>>
        %dma_start3A_58 = arith.constant 0 : i32
        %dma_start3A_59 = tpu.memref_slice %arg6[%multiple_of3A, %dma_start3A_58] : memref<160000x128xf32, #tpu.memory_space<hbm>> -> memref<128x128xf32, #tpu.memory_space<hbm>>
        tpu.enqueue_dma source(%arg10 : memref<128x128xf32, #tpu.memory_space<vmem>>) target(%dma_start3A_59 : memref<128x128xf32, #tpu.memory_space<hbm>>) target_semaphore(%run_scoped3A : memref<!tpu.dma_semaphore, #tpu.memory_space<semaphore_mem>>)
        %dma_wait3A_60 = arith.constant 0 : i32
        %dma_wait3A_61 = tpu.memref_slice %arg6[%multiple_of3A, %dma_wait3A_60] : memref<160000x128xf32, #tpu.memory_space<hbm>> -> memref<128x128xf32, #tpu.memory_space<hbm>>
        %dma_wait3A_62 = arith.constant 0 : i32
        %dma_wait3A_63 = tpu.memref_slice %arg6[%multiple_of3A, %dma_wait3A_62] : memref<160000x128xf32, #tpu.memory_space<hbm>> -> memref<128x128xf32, #tpu.memory_space<hbm>>
        tpu.wait_dma2 semaphore(%run_scoped3A : memref<!tpu.dma_semaphore, #tpu.memory_space<semaphore_mem>>) src(%arg10 : memref<128x128xf32, #tpu.memory_space<vmem>>) dst(%dma_wait3A_63 : memref<128x128xf32, #tpu.memory_space<hbm>>)
        tpu.yield
      }) : () -> ()
      "tpu.region"() ({
        %run_scoped3A = tpu.sem_alloc : memref<!tpu.dma_semaphore, #tpu.memory_space<semaphore_mem>>
        %dma_start3A_56 = arith.constant 0 : i32
        %dma_start3A_57 = tpu.memref_slice %arg7[%multiple_of3A, %dma_start3A_56] : memref<160000x128xf32, #tpu.memory_space<hbm>> -> memref<128x128xf32, #tpu.memory_space<hbm>>
        %dma_start3A_58 = arith.constant 0 : i32
        %dma_start3A_59 = tpu.memref_slice %arg7[%multiple_of3A, %dma_start3A_58] : memref<160000x128xf32, #tpu.memory_space<hbm>> -> memref<128x128xf32, #tpu.memory_space<hbm>>
        tpu.enqueue_dma source(%arg11 : memref<128x128xf32, #tpu.memory_space<vmem>>) target(%dma_start3A_59 : memref<128x128xf32, #tpu.memory_space<hbm>>) target_semaphore(%run_scoped3A : memref<!tpu.dma_semaphore, #tpu.memory_space<semaphore_mem>>)
        %dma_wait3A_60 = arith.constant 0 : i32
        %dma_wait3A_61 = tpu.memref_slice %arg7[%multiple_of3A, %dma_wait3A_60] : memref<160000x128xf32, #tpu.memory_space<hbm>> -> memref<128x128xf32, #tpu.memory_space<hbm>>
        %dma_wait3A_62 = arith.constant 0 : i32
        %dma_wait3A_63 = tpu.memref_slice %arg7[%multiple_of3A, %dma_wait3A_62] : memref<160000x128xf32, #tpu.memory_space<hbm>> -> memref<128x128xf32, #tpu.memory_space<hbm>>
        tpu.wait_dma2 semaphore(%run_scoped3A : memref<!tpu.dma_semaphore, #tpu.memory_space<semaphore_mem>>) src(%arg11 : memref<128x128xf32, #tpu.memory_space<vmem>>) dst(%dma_wait3A_63 : memref<128x128xf32, #tpu.memory_space<hbm>>)
        tpu.yield
      }) : () -> ()
      %while3A_55 = arith.constant 0 : i32
      scf.yield %while3A_55 : i32
    }
    %while3A_24 = arith.constant 1 : i32
    %while3A_25 = scf.for %while3A_26 = %while3A_21 to %while3A_17 step %while3A_24 iter_args(%while3A_27 = %while3A_23) -> (i32)  : i32 {
      %mul3A_28 = arith.constant 32 : i32
      %mul3A_29 = arith.muli %while3A_26, %mul3A_28 : i32
      %add3A_30 = arith.addi %add3A, %mul3A_29 : i32
      %mul3A_31 = arith.constant 128 : i32
      %mul3A_32 = arith.muli %add3A_30, %mul3A_31 : i32
      %multiple_of3A = tpu.assume_multiple %mul3A_32, 128 : i32
      %dma_start3A = arith.constant 0 : i32
      %dma_start3A_33 = tpu.memref_slice %arg8[%while3A_26, %dma_start3A] : memref<40x128xi32, #tpu.memory_space<vmem>> -> memref<1x128xi32, #tpu.memory_space<vmem>>
      %dma_start3A_34 = tpu.memref_squeeze %dma_start3A_33 : memref<1x128xi32, #tpu.memory_space<vmem>> -> memref<128xi32, #tpu.memory_space<vmem>>
      %dma_start3A_35 = arith.constant 0 : i32
      %dma_start3A_36 = arith.constant 0 : i32
      %dma_start3A_37 = tpu.memref_slice %arg4[%dma_start3A_35, %dma_start3A_36] : memref<10000x128xf32, #tpu.memory_space<hbm>> -> memref<10000x128xf32, #tpu.memory_space<hbm>>
      tpu.enqueue_indirect_dma source(%dma_start3A_37 : memref<10000x128xf32, #tpu.memory_space<hbm>>) target(%arg10 : memref<128x128xf32, #tpu.memory_space<vmem>>) offsets(%dma_start3A_34 : memref<128xi32, #tpu.memory_space<vmem>>) semaphore(%arg12 : memref<!tpu.dma_semaphore, #tpu.memory_space<semaphore_mem>>)
      %dma_start3A_38 = arith.constant 0 : i32
      %dma_start3A_39 = tpu.memref_slice %arg9[%while3A_26, %dma_start3A_38] : memref<40x128xi32, #tpu.memory_space<vmem>> -> memref<1x128xi32, #tpu.memory_space<vmem>>
      %dma_start3A_40 = tpu.memref_squeeze %dma_start3A_39 : memref<1x128xi32, #tpu.memory_space<vmem>> -> memref<128xi32, #tpu.memory_space<vmem>>
      %dma_start3A_41 = arith.constant 0 : i32
      %dma_start3A_42 = arith.constant 0 : i32
      %dma_start3A_43 = tpu.memref_slice %arg5[%dma_start3A_41, %dma_start3A_42] : memref<10000x128xf32, #tpu.memory_space<hbm>> -> memref<10000x128xf32, #tpu.memory_space<hbm>>
      tpu.enqueue_indirect_dma source(%dma_start3A_43 : memref<10000x128xf32, #tpu.memory_space<hbm>>) target(%arg11 : memref<128x128xf32, #tpu.memory_space<vmem>>) offsets(%dma_start3A_40 : memref<128xi32, #tpu.memory_space<vmem>>) semaphore(%arg13 : memref<!tpu.dma_semaphore, #tpu.memory_space<semaphore_mem>>)
      %dma_wait3A = arith.constant 0 : i32
      %dma_wait3A_44 = tpu.memref_slice %arg8[%while3A_26, %dma_wait3A] : memref<40x128xi32, #tpu.memory_space<vmem>> -> memref<1x128xi32, #tpu.memory_space<vmem>>
      %dma_wait3A_45 = tpu.memref_squeeze %dma_wait3A_44 : memref<1x128xi32, #tpu.memory_space<vmem>> -> memref<128xi32, #tpu.memory_space<vmem>>
      %dma_wait3A_46 = arith.constant 0 : i32
      %dma_wait3A_47 = arith.constant 0 : i32
      %dma_wait3A_48 = tpu.memref_slice %arg4[%dma_wait3A_46, %dma_wait3A_47] : memref<10000x128xf32, #tpu.memory_space<hbm>> -> memref<10000x128xf32, #tpu.memory_space<hbm>>
      tpu.wait_indirect_dma semaphore(%arg12 : memref<!tpu.dma_semaphore, #tpu.memory_space<semaphore_mem>>) src(%dma_wait3A_48 : memref<10000x128xf32, #tpu.memory_space<hbm>>) dst(%arg10 : memref<128x128xf32, #tpu.memory_space<vmem>>)
      %dma_wait3A_49 = arith.constant 0 : i32
      %dma_wait3A_50 = tpu.memref_slice %arg9[%while3A_26, %dma_wait3A_49] : memref<40x128xi32, #tpu.memory_space<vmem>> -> memref<1x128xi32, #tpu.memory_space<vmem>>
      %dma_wait3A_51 = tpu.memref_squeeze %dma_wait3A_50 : memref<1x128xi32, #tpu.memory_space<vmem>> -> memref<128xi32, #tpu.memory_space<vmem>>
      %dma_wait3A_52 = arith.constant 0 : i32
      %dma_wait3A_53 = arith.constant 0 : i32
      %dma_wait3A_54 = tpu.memref_slice %arg5[%dma_wait3A_52, %dma_wait3A_53] : memref<10000x128xf32, #tpu.memory_space<hbm>> -> memref<10000x128xf32, #tpu.memory_space<hbm>>
      tpu.wait_indirect_dma semaphore(%arg13 : memref<!tpu.dma_semaphore, #tpu.memory_space<semaphore_mem>>) src(%dma_wait3A_54 : memref<10000x128xf32, #tpu.memory_space<hbm>>) dst(%arg11 : memref<128x128xf32, #tpu.memory_space<vmem>>)
      "tpu.region"() ({
        %run_scoped3A = tpu.sem_alloc : memref<!tpu.dma_semaphore, #tpu.memory_space<semaphore_mem>>
        %dma_start3A_56 = arith.constant 0 : i32
        %dma_start3A_57 = tpu.memref_slice %arg6[%multiple_of3A, %dma_start3A_56] : memref<160000x128xf32, #tpu.memory_space<hbm>> -> memref<128x128xf32, #tpu.memory_space<hbm>>
        %dma_start3A_58 = arith.constant 0 : i32
        %dma_start3A_59 = tpu.memref_slice %arg6[%multiple_of3A, %dma_start3A_58] : memref<160000x128xf32, #tpu.memory_space<hbm>> -> memref<128x128xf32, #tpu.memory_space<hbm>>
        tpu.enqueue_dma source(%arg10 : memref<128x128xf32, #tpu.memory_space<vmem>>) target(%dma_start3A_59 : memref<128x128xf32, #tpu.memory_space<hbm>>) target_semaphore(%run_scoped3A : memref<!tpu.dma_semaphore, #tpu.memory_space<semaphore_mem>>)
        %dma_wait3A_60 = arith.constant 0 : i32
        %dma_wait3A_61 = tpu.memref_slice %arg6[%multiple_of3A, %dma_wait3A_60] : memref<160000x128xf32, #tpu.memory_space<hbm>> -> memref<128x128xf32, #tpu.memory_space<hbm>>
        %dma_wait3A_62 = arith.constant 0 : i32
        %dma_wait3A_63 = tpu.memref_slice %arg6[%multiple_of3A, %dma_wait3A_62] : memref<160000x128xf32, #tpu.memory_space<hbm>> -> memref<128x128xf32, #tpu.memory_space<hbm>>
        tpu.wait_dma2 semaphore(%run_scoped3A : memref<!tpu.dma_semaphore, #tpu.memory_space<semaphore_mem>>) src(%arg10 : memref<128x128xf32, #tpu.memory_space<vmem>>) dst(%dma_wait3A_63 : memref<128x128xf32, #tpu.memory_space<hbm>>)
        tpu.yield
      }) : () -> ()
      "tpu.region"() ({
        %run_scoped3A = tpu.sem_alloc : memref<!tpu.dma_semaphore, #tpu.memory_space<semaphore_mem>>
        %dma_start3A_56 = arith.constant 0 : i32
        %dma_start3A_57 = tpu.memref_slice %arg7[%multiple_of3A, %dma_start3A_56] : memref<160000x128xf32, #tpu.memory_space<hbm>> -> memref<128x128xf32, #tpu.memory_space<hbm>>
        %dma_start3A_58 = arith.constant 0 : i32
        %dma_start3A_59 = tpu.memref_slice %arg7[%multiple_of3A, %dma_start3A_58] : memref<160000x128xf32, #tpu.memory_space<hbm>> -> memref<128x128xf32, #tpu.memory_space<hbm>>
        tpu.enqueue_dma source(%arg11 : memref<128x128xf32, #tpu.memory_space<vmem>>) target(%dma_start3A_59 : memref<128x128xf32, #tpu.memory_space<hbm>>) target_semaphore(%run_scoped3A : memref<!tpu.dma_semaphore, #tpu.memory_space<semaphore_mem>>)
        %dma_wait3A_60 = arith.constant 0 : i32
        %dma_wait3A_61 = tpu.memref_slice %arg7[%multiple_of3A, %dma_wait3A_60] : memref<160000x128xf32, #tpu.memory_space<hbm>> -> memref<128x128xf32, #tpu.memory_space<hbm>>
        %dma_wait3A_62 = arith.constant 0 : i32
        %dma_wait3A_63 = tpu.memref_slice %arg7[%multiple_of3A, %dma_wait3A_62] : memref<160000x128xf32, #tpu.memory_space<hbm>> -> memref<128x128xf32, #tpu.memory_space<hbm>>
        tpu.wait_dma2 semaphore(%run_scoped3A : memref<!tpu.dma_semaphore, #tpu.memory_space<semaphore_mem>>) src(%arg11 : memref<128x128xf32, #tpu.memory_space<vmem>>) dst(%dma_wait3A_63 : memref<128x128xf32, #tpu.memory_space<hbm>>)
        tpu.yield
      }) : () -> ()
      %while3A_55 = arith.constant 0 : i32
      scf.yield %while3A_55 : i32
    }
    return
  }
}

#map = affine_map<(d0, d1) -> (0)>
#map1 = affine_map<(d0, d1) -> (0, 0)>
#map2 = affine_map<(d0, d1) -> (0, 0, 0)>
module attributes {stable_mosaic.version = 14 : i64} {
  func.func @sc_scatter(%arg0: i32, %arg1: i32, %arg2: memref<160000xi32, #tpu.memory_space<hbm>>, %arg3: memref<160000x128xf32, #tpu.memory_space<hbm>>, %arg4: memref<632x128xf32, #tpu.memory_space<hbm>>, %arg5: memref<2x10000x128xf32, #tpu.memory_space<hbm>>, %arg6: memref<40x128xi32, #tpu.memory_space<vmem>>, %arg7: memref<128x128xf32, #tpu.memory_space<vmem>>, %arg8: memref<10000x128xf32, #tpu.memory_space<vmem_shared>>, %arg9: memref<!tpu.dma_semaphore, #tpu.memory_space<semaphore_mem>>) attributes {dimension_semantics = [#tpu.dimension_semantics<core_parallel>, #tpu.dimension_semantics<subcore_parallel>], iteration_bounds = array<i64: 2, 16>, scalar_prefetch = 0 : i64, scratch_operands = 4 : i64, tpu.core_type = #tpu.core_type<sc_vector_subcore>, window_params = [{transform_indices = #map}, {transform_indices = #map1}, {transform_indices = #map1}, {transform_indices = #map2}]} {
    %mul3A = arith.constant 2 : i32
    %mul3A_0 = arith.muli %arg1, %mul3A : i32
    %add3A = arith.addi %mul3A_0, %arg0 : i32
    %lt3A = arith.constant 2 : i32
    %lt3A_1 = arith.cmpi slt, %add3A, %lt3A : i32
    %jit3A = arith.constant 40 : i32
    %jit3A_2 = arith.constant 39 : i32
    %select_n3A = arith.select %lt3A_1, %jit3A, %jit3A_2 : i32
    %lt3A_3 = arith.constant 15 : i32
    %lt3A_4 = arith.cmpi slt, %arg1, %lt3A_3 : i32
    %convert_element_type3A = arith.extui %lt3A_4 : i1 to i32
    %cond3A = arith.constant 0 : i32
    %cond3A_5 = arith.cmpi ne, %convert_element_type3A, %cond3A : i32
    scf.if %cond3A_5 {
      %mul3A_44 = arith.constant 632 : i32
      %mul3A_45 = arith.muli %arg1, %mul3A_44 : i32
      %multiple_of3A = tpu.assume_multiple %mul3A_45, 8 : i32
      "tpu.region"() ({
        %run_scoped3A = tpu.sem_alloc : memref<!tpu.dma_semaphore, #tpu.memory_space<semaphore_mem>>
        %dma_start3A = arith.constant 0 : i32
        %dma_start3A_46 = tpu.memref_slice %arg8[%multiple_of3A, %dma_start3A] : memref<10000x128xf32, #tpu.memory_space<vmem_shared>> -> memref<632x128xf32, #tpu.memory_space<vmem_shared>>
        tpu.enqueue_dma source(%arg4 : memref<632x128xf32, #tpu.memory_space<hbm>>) target(%dma_start3A_46 : memref<632x128xf32, #tpu.memory_space<vmem_shared>>) target_semaphore(%run_scoped3A : memref<!tpu.dma_semaphore, #tpu.memory_space<semaphore_mem>>)
        %dma_wait3A = arith.constant 0 : i32
        %dma_wait3A_47 = tpu.memref_slice %arg8[%multiple_of3A, %dma_wait3A] : memref<10000x128xf32, #tpu.memory_space<vmem_shared>> -> memref<632x128xf32, #tpu.memory_space<vmem_shared>>
        tpu.wait_dma2 semaphore(%run_scoped3A : memref<!tpu.dma_semaphore, #tpu.memory_space<semaphore_mem>>) src(%arg4 : memref<632x128xf32, #tpu.memory_space<hbm>>) dst(%dma_wait3A_47 : memref<632x128xf32, #tpu.memory_space<vmem_shared>>)
        tpu.yield
      }) : () -> ()
    } else {
    }
    %eq3A = arith.constant 15 : i32
    %eq3A_6 = arith.cmpi eq, %arg1, %eq3A : i32
    %convert_element_type3A_7 = arith.extui %eq3A_6 : i1 to i32
    %cond3A_8 = arith.constant 0 : i32
    %cond3A_9 = arith.cmpi ne, %convert_element_type3A_7, %cond3A_8 : i32
    scf.if %cond3A_9 {
      "tpu.region"() ({
        %run_scoped3A = tpu.sem_alloc : memref<!tpu.dma_semaphore, #tpu.memory_space<semaphore_mem>>
        %dma_start3A = arith.constant 9480 : i32
        %dma_start3A_44 = arith.constant 0 : i32
        %dma_start3A_45 = tpu.memref_slice %arg8[%dma_start3A, %dma_start3A_44] : memref<10000x128xf32, #tpu.memory_space<vmem_shared>> -> memref<520x128xf32, #tpu.memory_space<vmem_shared>>
        %dma_start3A_46 = arith.constant 0 : i32
        %dma_start3A_47 = arith.constant 0 : i32
        %dma_start3A_48 = tpu.memref_slice %arg4[%dma_start3A_46, %dma_start3A_47] : memref<632x128xf32, #tpu.memory_space<hbm>> -> memref<520x128xf32, #tpu.memory_space<hbm>>
        tpu.enqueue_dma source(%dma_start3A_48 : memref<520x128xf32, #tpu.memory_space<hbm>>) target(%dma_start3A_45 : memref<520x128xf32, #tpu.memory_space<vmem_shared>>) target_semaphore(%run_scoped3A : memref<!tpu.dma_semaphore, #tpu.memory_space<semaphore_mem>>)
        %dma_wait3A = arith.constant 9480 : i32
        %dma_wait3A_49 = arith.constant 0 : i32
        %dma_wait3A_50 = tpu.memref_slice %arg8[%dma_wait3A, %dma_wait3A_49] : memref<10000x128xf32, #tpu.memory_space<vmem_shared>> -> memref<520x128xf32, #tpu.memory_space<vmem_shared>>
        %dma_wait3A_51 = arith.constant 0 : i32
        %dma_wait3A_52 = arith.constant 0 : i32
        %dma_wait3A_53 = tpu.memref_slice %arg4[%dma_wait3A_51, %dma_wait3A_52] : memref<632x128xf32, #tpu.memory_space<hbm>> -> memref<520x128xf32, #tpu.memory_space<hbm>>
        tpu.wait_dma2 semaphore(%run_scoped3A : memref<!tpu.dma_semaphore, #tpu.memory_space<semaphore_mem>>) src(%dma_wait3A_53 : memref<520x128xf32, #tpu.memory_space<hbm>>) dst(%dma_wait3A_50 : memref<520x128xf32, #tpu.memory_space<vmem_shared>>)
        tpu.yield
      }) : () -> ()
    } else {
    }
    %while3A = arith.constant 0 : i32
    %while3A_10 = arith.constant 0 : i32
    %while3A_11 = arith.subi %select_n3A, %while3A : i32
    %while3A_12 = arith.addi %while3A, %while3A_11 : i32
    %while3A_13 = arith.constant 1 : i32
    %while3A_14 = arith.divsi %while3A_11, %while3A_13 : i32
    %while3A_15 = arith.muli %while3A_14, %while3A_13 : i32
    %while3A_16 = arith.addi %while3A, %while3A_15 : i32
    %while3A_17 = arith.constant 1 : i32
    %while3A_18 = scf.for %while3A_44 = %while3A to %while3A_16 step %while3A_17 iter_args(%while3A_45 = %while3A_10) -> (i32)  : i32 {
      %mul3A_46 = arith.constant 32 : i32
      %mul3A_47 = arith.muli %while3A_44, %mul3A_46 : i32
      %add3A_48 = arith.addi %add3A, %mul3A_47 : i32
      %mul3A_49 = arith.constant 128 : i32
      %mul3A_50 = arith.muli %add3A_48, %mul3A_49 : i32
      %multiple_of3A = tpu.assume_multiple %mul3A_50, 128 : i32
      "tpu.region"() ({
        %run_scoped3A = tpu.sem_alloc : memref<!tpu.dma_semaphore, #tpu.memory_space<semaphore_mem>>
        %dma_start3A = arith.constant 0 : i32
        %dma_start3A_52 = tpu.memref_slice %arg6[%while3A_44, %dma_start3A] : memref<40x128xi32, #tpu.memory_space<vmem>> -> memref<1x128xi32, #tpu.memory_space<vmem>>
        %dma_start3A_53 = tpu.memref_squeeze %dma_start3A_52 : memref<1x128xi32, #tpu.memory_space<vmem>> -> memref<128xi32, #tpu.memory_space<vmem>>
        %dma_start3A_54 = tpu.memref_slice %arg2[%multiple_of3A] : memref<160000xi32, #tpu.memory_space<hbm>> -> memref<128xi32, #tpu.memory_space<hbm>>
        %dma_start3A_55 = arith.constant 0 : i32
        %dma_start3A_56 = tpu.memref_slice %arg6[%while3A_44, %dma_start3A_55] : memref<40x128xi32, #tpu.memory_space<vmem>> -> memref<1x128xi32, #tpu.memory_space<vmem>>
        %dma_start3A_57 = tpu.memref_squeeze %dma_start3A_56 : memref<1x128xi32, #tpu.memory_space<vmem>> -> memref<128xi32, #tpu.memory_space<vmem>>
        %dma_start3A_58 = tpu.memref_slice %arg2[%multiple_of3A] : memref<160000xi32, #tpu.memory_space<hbm>> -> memref<128xi32, #tpu.memory_space<hbm>>
        tpu.enqueue_dma source(%dma_start3A_58 : memref<128xi32, #tpu.memory_space<hbm>>) target(%dma_start3A_57 : memref<128xi32, #tpu.memory_space<vmem>>) target_semaphore(%run_scoped3A : memref<!tpu.dma_semaphore, #tpu.memory_space<semaphore_mem>>)
        %dma_wait3A = arith.constant 0 : i32
        %dma_wait3A_59 = tpu.memref_slice %arg6[%while3A_44, %dma_wait3A] : memref<40x128xi32, #tpu.memory_space<vmem>> -> memref<1x128xi32, #tpu.memory_space<vmem>>
        %dma_wait3A_60 = tpu.memref_squeeze %dma_wait3A_59 : memref<1x128xi32, #tpu.memory_space<vmem>> -> memref<128xi32, #tpu.memory_space<vmem>>
        %dma_wait3A_61 = tpu.memref_slice %arg2[%multiple_of3A] : memref<160000xi32, #tpu.memory_space<hbm>> -> memref<128xi32, #tpu.memory_space<hbm>>
        %dma_wait3A_62 = arith.constant 0 : i32
        %dma_wait3A_63 = tpu.memref_slice %arg6[%while3A_44, %dma_wait3A_62] : memref<40x128xi32, #tpu.memory_space<vmem>> -> memref<1x128xi32, #tpu.memory_space<vmem>>
        %dma_wait3A_64 = tpu.memref_squeeze %dma_wait3A_63 : memref<1x128xi32, #tpu.memory_space<vmem>> -> memref<128xi32, #tpu.memory_space<vmem>>
        %dma_wait3A_65 = tpu.memref_slice %arg2[%multiple_of3A] : memref<160000xi32, #tpu.memory_space<hbm>> -> memref<128xi32, #tpu.memory_space<hbm>>
        tpu.wait_dma2 semaphore(%run_scoped3A : memref<!tpu.dma_semaphore, #tpu.memory_space<semaphore_mem>>) src(%dma_wait3A_65 : memref<128xi32, #tpu.memory_space<hbm>>) dst(%dma_wait3A_64 : memref<128xi32, #tpu.memory_space<vmem>>)
        tpu.yield
      }) : () -> ()
      %while3A_51 = arith.constant 0 : i32
      scf.yield %while3A_51 : i32
    }
    %while3A_19 = arith.constant 1 : i32
    %while3A_20 = scf.for %while3A_44 = %while3A_16 to %while3A_12 step %while3A_19 iter_args(%while3A_45 = %while3A_18) -> (i32)  : i32 {
      %mul3A_46 = arith.constant 32 : i32
      %mul3A_47 = arith.muli %while3A_44, %mul3A_46 : i32
      %add3A_48 = arith.addi %add3A, %mul3A_47 : i32
      %mul3A_49 = arith.constant 128 : i32
      %mul3A_50 = arith.muli %add3A_48, %mul3A_49 : i32
      %multiple_of3A = tpu.assume_multiple %mul3A_50, 128 : i32
      "tpu.region"() ({
        %run_scoped3A = tpu.sem_alloc : memref<!tpu.dma_semaphore, #tpu.memory_space<semaphore_mem>>
        %dma_start3A = arith.constant 0 : i32
        %dma_start3A_52 = tpu.memref_slice %arg6[%while3A_44, %dma_start3A] : memref<40x128xi32, #tpu.memory_space<vmem>> -> memref<1x128xi32, #tpu.memory_space<vmem>>
        %dma_start3A_53 = tpu.memref_squeeze %dma_start3A_52 : memref<1x128xi32, #tpu.memory_space<vmem>> -> memref<128xi32, #tpu.memory_space<vmem>>
        %dma_start3A_54 = tpu.memref_slice %arg2[%multiple_of3A] : memref<160000xi32, #tpu.memory_space<hbm>> -> memref<128xi32, #tpu.memory_space<hbm>>
        %dma_start3A_55 = arith.constant 0 : i32
        %dma_start3A_56 = tpu.memref_slice %arg6[%while3A_44, %dma_start3A_55] : memref<40x128xi32, #tpu.memory_space<vmem>> -> memref<1x128xi32, #tpu.memory_space<vmem>>
        %dma_start3A_57 = tpu.memref_squeeze %dma_start3A_56 : memref<1x128xi32, #tpu.memory_space<vmem>> -> memref<128xi32, #tpu.memory_space<vmem>>
        %dma_start3A_58 = tpu.memref_slice %arg2[%multiple_of3A] : memref<160000xi32, #tpu.memory_space<hbm>> -> memref<128xi32, #tpu.memory_space<hbm>>
        tpu.enqueue_dma source(%dma_start3A_58 : memref<128xi32, #tpu.memory_space<hbm>>) target(%dma_start3A_57 : memref<128xi32, #tpu.memory_space<vmem>>) target_semaphore(%run_scoped3A : memref<!tpu.dma_semaphore, #tpu.memory_space<semaphore_mem>>)
        %dma_wait3A = arith.constant 0 : i32
        %dma_wait3A_59 = tpu.memref_slice %arg6[%while3A_44, %dma_wait3A] : memref<40x128xi32, #tpu.memory_space<vmem>> -> memref<1x128xi32, #tpu.memory_space<vmem>>
        %dma_wait3A_60 = tpu.memref_squeeze %dma_wait3A_59 : memref<1x128xi32, #tpu.memory_space<vmem>> -> memref<128xi32, #tpu.memory_space<vmem>>
        %dma_wait3A_61 = tpu.memref_slice %arg2[%multiple_of3A] : memref<160000xi32, #tpu.memory_space<hbm>> -> memref<128xi32, #tpu.memory_space<hbm>>
        %dma_wait3A_62 = arith.constant 0 : i32
        %dma_wait3A_63 = tpu.memref_slice %arg6[%while3A_44, %dma_wait3A_62] : memref<40x128xi32, #tpu.memory_space<vmem>> -> memref<1x128xi32, #tpu.memory_space<vmem>>
        %dma_wait3A_64 = tpu.memref_squeeze %dma_wait3A_63 : memref<1x128xi32, #tpu.memory_space<vmem>> -> memref<128xi32, #tpu.memory_space<vmem>>
        %dma_wait3A_65 = tpu.memref_slice %arg2[%multiple_of3A] : memref<160000xi32, #tpu.memory_space<hbm>> -> memref<128xi32, #tpu.memory_space<hbm>>
        tpu.wait_dma2 semaphore(%run_scoped3A : memref<!tpu.dma_semaphore, #tpu.memory_space<semaphore_mem>>) src(%dma_wait3A_65 : memref<128xi32, #tpu.memory_space<hbm>>) dst(%dma_wait3A_64 : memref<128xi32, #tpu.memory_space<vmem>>)
        tpu.yield
      }) : () -> ()
      %while3A_51 = arith.constant 0 : i32
      scf.yield %while3A_51 : i32
    }
    %barrier3A = arith.constant 0 : index
    tpu.barrier barrier_id(%barrier3A)
    %while3A_21 = arith.constant 0 : i32
    %while3A_22 = arith.constant 0 : i32
    %while3A_23 = arith.subi %select_n3A, %while3A_21 : i32
    %while3A_24 = arith.addi %while3A_21, %while3A_23 : i32
    %while3A_25 = arith.constant 1 : i32
    %while3A_26 = arith.divsi %while3A_23, %while3A_25 : i32
    %while3A_27 = arith.muli %while3A_26, %while3A_25 : i32
    %while3A_28 = arith.addi %while3A_21, %while3A_27 : i32
    %while3A_29 = arith.constant 1 : i32
    %while3A_30 = scf.for %while3A_44 = %while3A_21 to %while3A_28 step %while3A_29 iter_args(%while3A_45 = %while3A_22) -> (i32)  : i32 {
      %mul3A_46 = arith.constant 32 : i32
      %mul3A_47 = arith.muli %while3A_44, %mul3A_46 : i32
      %add3A_48 = arith.addi %add3A, %mul3A_47 : i32
      %mul3A_49 = arith.constant 128 : i32
      %mul3A_50 = arith.muli %add3A_48, %mul3A_49 : i32
      %multiple_of3A = tpu.assume_multiple %mul3A_50, 128 : i32
      %dma_start3A = arith.constant 0 : i32
      %dma_start3A_51 = tpu.memref_slice %arg3[%multiple_of3A, %dma_start3A] : memref<160000x128xf32, #tpu.memory_space<hbm>> -> memref<128x128xf32, #tpu.memory_space<hbm>>
      %dma_start3A_52 = arith.constant 0 : i32
      %dma_start3A_53 = tpu.memref_slice %arg3[%multiple_of3A, %dma_start3A_52] : memref<160000x128xf32, #tpu.memory_space<hbm>> -> memref<128x128xf32, #tpu.memory_space<hbm>>
      tpu.enqueue_dma source(%dma_start3A_53 : memref<128x128xf32, #tpu.memory_space<hbm>>) target(%arg7 : memref<128x128xf32, #tpu.memory_space<vmem>>) target_semaphore(%arg9 : memref<!tpu.dma_semaphore, #tpu.memory_space<semaphore_mem>>)
      %dma_wait3A = arith.constant 0 : i32
      %dma_wait3A_54 = tpu.memref_slice %arg3[%multiple_of3A, %dma_wait3A] : memref<160000x128xf32, #tpu.memory_space<hbm>> -> memref<128x128xf32, #tpu.memory_space<hbm>>
      %dma_wait3A_55 = arith.constant 0 : i32
      %dma_wait3A_56 = tpu.memref_slice %arg3[%multiple_of3A, %dma_wait3A_55] : memref<160000x128xf32, #tpu.memory_space<hbm>> -> memref<128x128xf32, #tpu.memory_space<hbm>>
      tpu.wait_dma2 semaphore(%arg9 : memref<!tpu.dma_semaphore, #tpu.memory_space<semaphore_mem>>) src(%dma_wait3A_56 : memref<128x128xf32, #tpu.memory_space<hbm>>) dst(%arg7 : memref<128x128xf32, #tpu.memory_space<vmem>>)
      "tpu.region"() ({
        %run_scoped3A = tpu.sem_alloc : memref<!tpu.dma_semaphore, #tpu.memory_space<semaphore_mem>>
        %dma_start3A_58 = arith.constant 0 : i32
        %dma_start3A_59 = tpu.memref_slice %arg6[%while3A_44, %dma_start3A_58] : memref<40x128xi32, #tpu.memory_space<vmem>> -> memref<1x128xi32, #tpu.memory_space<vmem>>
        %dma_start3A_60 = tpu.memref_squeeze %dma_start3A_59 : memref<1x128xi32, #tpu.memory_space<vmem>> -> memref<128xi32, #tpu.memory_space<vmem>>
        %dma_start3A_61 = arith.constant 0 : i32
        %dma_start3A_62 = arith.constant 0 : i32
        %dma_start3A_63 = tpu.memref_slice %arg8[%dma_start3A_61, %dma_start3A_62] : memref<10000x128xf32, #tpu.memory_space<vmem_shared>> -> memref<10000x128xf32, #tpu.memory_space<vmem_shared>>
        tpu.enqueue_indirect_dma source(%arg7 : memref<128x128xf32, #tpu.memory_space<vmem>>) target(%dma_start3A_63 : memref<10000x128xf32, #tpu.memory_space<vmem_shared>>) offsets(%dma_start3A_60 : memref<128xi32, #tpu.memory_space<vmem>>) semaphore(%run_scoped3A : memref<!tpu.dma_semaphore, #tpu.memory_space<semaphore_mem>>) {add = true}
        %dma_wait3A_64 = arith.constant 0 : i32
        %dma_wait3A_65 = tpu.memref_slice %arg6[%while3A_44, %dma_wait3A_64] : memref<40x128xi32, #tpu.memory_space<vmem>> -> memref<1x128xi32, #tpu.memory_space<vmem>>
        %dma_wait3A_66 = tpu.memref_squeeze %dma_wait3A_65 : memref<1x128xi32, #tpu.memory_space<vmem>> -> memref<128xi32, #tpu.memory_space<vmem>>
        %dma_wait3A_67 = arith.constant 0 : i32
        %dma_wait3A_68 = arith.constant 0 : i32
        %dma_wait3A_69 = tpu.memref_slice %arg8[%dma_wait3A_67, %dma_wait3A_68] : memref<10000x128xf32, #tpu.memory_space<vmem_shared>> -> memref<10000x128xf32, #tpu.memory_space<vmem_shared>>
        tpu.wait_indirect_dma semaphore(%run_scoped3A : memref<!tpu.dma_semaphore, #tpu.memory_space<semaphore_mem>>) src(%arg7 : memref<128x128xf32, #tpu.memory_space<vmem>>) dst(%dma_wait3A_69 : memref<10000x128xf32, #tpu.memory_space<vmem_shared>>)
        tpu.yield
      }) : () -> ()
      %while3A_57 = arith.constant 0 : i32
      scf.yield %while3A_57 : i32
    }
    %while3A_31 = arith.constant 1 : i32
    %while3A_32 = scf.for %while3A_44 = %while3A_28 to %while3A_24 step %while3A_31 iter_args(%while3A_45 = %while3A_30) -> (i32)  : i32 {
      %mul3A_46 = arith.constant 32 : i32
      %mul3A_47 = arith.muli %while3A_44, %mul3A_46 : i32
      %add3A_48 = arith.addi %add3A, %mul3A_47 : i32
      %mul3A_49 = arith.constant 128 : i32
      %mul3A_50 = arith.muli %add3A_48, %mul3A_49 : i32
      %multiple_of3A = tpu.assume_multiple %mul3A_50, 128 : i32
      %dma_start3A = arith.constant 0 : i32
      %dma_start3A_51 = tpu.memref_slice %arg3[%multiple_of3A, %dma_start3A] : memref<160000x128xf32, #tpu.memory_space<hbm>> -> memref<128x128xf32, #tpu.memory_space<hbm>>
      %dma_start3A_52 = arith.constant 0 : i32
      %dma_start3A_53 = tpu.memref_slice %arg3[%multiple_of3A, %dma_start3A_52] : memref<160000x128xf32, #tpu.memory_space<hbm>> -> memref<128x128xf32, #tpu.memory_space<hbm>>
      tpu.enqueue_dma source(%dma_start3A_53 : memref<128x128xf32, #tpu.memory_space<hbm>>) target(%arg7 : memref<128x128xf32, #tpu.memory_space<vmem>>) target_semaphore(%arg9 : memref<!tpu.dma_semaphore, #tpu.memory_space<semaphore_mem>>)
      %dma_wait3A = arith.constant 0 : i32
      %dma_wait3A_54 = tpu.memref_slice %arg3[%multiple_of3A, %dma_wait3A] : memref<160000x128xf32, #tpu.memory_space<hbm>> -> memref<128x128xf32, #tpu.memory_space<hbm>>
      %dma_wait3A_55 = arith.constant 0 : i32
      %dma_wait3A_56 = tpu.memref_slice %arg3[%multiple_of3A, %dma_wait3A_55] : memref<160000x128xf32, #tpu.memory_space<hbm>> -> memref<128x128xf32, #tpu.memory_space<hbm>>
      tpu.wait_dma2 semaphore(%arg9 : memref<!tpu.dma_semaphore, #tpu.memory_space<semaphore_mem>>) src(%dma_wait3A_56 : memref<128x128xf32, #tpu.memory_space<hbm>>) dst(%arg7 : memref<128x128xf32, #tpu.memory_space<vmem>>)
      "tpu.region"() ({
        %run_scoped3A = tpu.sem_alloc : memref<!tpu.dma_semaphore, #tpu.memory_space<semaphore_mem>>
        %dma_start3A_58 = arith.constant 0 : i32
        %dma_start3A_59 = tpu.memref_slice %arg6[%while3A_44, %dma_start3A_58] : memref<40x128xi32, #tpu.memory_space<vmem>> -> memref<1x128xi32, #tpu.memory_space<vmem>>
        %dma_start3A_60 = tpu.memref_squeeze %dma_start3A_59 : memref<1x128xi32, #tpu.memory_space<vmem>> -> memref<128xi32, #tpu.memory_space<vmem>>
        %dma_start3A_61 = arith.constant 0 : i32
        %dma_start3A_62 = arith.constant 0 : i32
        %dma_start3A_63 = tpu.memref_slice %arg8[%dma_start3A_61, %dma_start3A_62] : memref<10000x128xf32, #tpu.memory_space<vmem_shared>> -> memref<10000x128xf32, #tpu.memory_space<vmem_shared>>
        tpu.enqueue_indirect_dma source(%arg7 : memref<128x128xf32, #tpu.memory_space<vmem>>) target(%dma_start3A_63 : memref<10000x128xf32, #tpu.memory_space<vmem_shared>>) offsets(%dma_start3A_60 : memref<128xi32, #tpu.memory_space<vmem>>) semaphore(%run_scoped3A : memref<!tpu.dma_semaphore, #tpu.memory_space<semaphore_mem>>) {add = true}
        %dma_wait3A_64 = arith.constant 0 : i32
        %dma_wait3A_65 = tpu.memref_slice %arg6[%while3A_44, %dma_wait3A_64] : memref<40x128xi32, #tpu.memory_space<vmem>> -> memref<1x128xi32, #tpu.memory_space<vmem>>
        %dma_wait3A_66 = tpu.memref_squeeze %dma_wait3A_65 : memref<1x128xi32, #tpu.memory_space<vmem>> -> memref<128xi32, #tpu.memory_space<vmem>>
        %dma_wait3A_67 = arith.constant 0 : i32
        %dma_wait3A_68 = arith.constant 0 : i32
        %dma_wait3A_69 = tpu.memref_slice %arg8[%dma_wait3A_67, %dma_wait3A_68] : memref<10000x128xf32, #tpu.memory_space<vmem_shared>> -> memref<10000x128xf32, #tpu.memory_space<vmem_shared>>
        tpu.wait_indirect_dma semaphore(%run_scoped3A : memref<!tpu.dma_semaphore, #tpu.memory_space<semaphore_mem>>) src(%arg7 : memref<128x128xf32, #tpu.memory_space<vmem>>) dst(%dma_wait3A_69 : memref<10000x128xf32, #tpu.memory_space<vmem_shared>>)
        tpu.yield
      }) : () -> ()
      %while3A_57 = arith.constant 0 : i32
      scf.yield %while3A_57 : i32
    }
    %barrier3A_33 = arith.constant 0 : index
    tpu.barrier barrier_id(%barrier3A_33)
    %lt3A_34 = arith.constant 15 : i32
    %lt3A_35 = arith.cmpi slt, %arg1, %lt3A_34 : i32
    %convert_element_type3A_36 = arith.extui %lt3A_35 : i1 to i32
    %cond3A_37 = arith.constant 0 : i32
    %cond3A_38 = arith.cmpi ne, %convert_element_type3A_36, %cond3A_37 : i32
    scf.if %cond3A_38 {
      %mul3A_44 = arith.constant 632 : i32
      %mul3A_45 = arith.muli %arg1, %mul3A_44 : i32
      %multiple_of3A = tpu.assume_multiple %mul3A_45, 8 : i32
      %mul3A_46 = arith.constant 632 : i32
      %mul3A_47 = arith.muli %arg1, %mul3A_46 : i32
      %multiple_of3A_48 = tpu.assume_multiple %mul3A_47, 8 : i32
      "tpu.region"() ({
        %run_scoped3A = tpu.sem_alloc : memref<!tpu.dma_semaphore, #tpu.memory_space<semaphore_mem>>
        %dma_start3A = arith.constant 0 : i32
        %dma_start3A_49 = tpu.memref_slice %arg5[%arg0, %multiple_of3A_48, %dma_start3A] : memref<2x10000x128xf32, #tpu.memory_space<hbm>> -> memref<1x632x128xf32, #tpu.memory_space<hbm>>
        %dma_start3A_50 = tpu.memref_squeeze %dma_start3A_49 : memref<1x632x128xf32, #tpu.memory_space<hbm>> -> memref<632x128xf32, #tpu.memory_space<hbm>>
        %dma_start3A_51 = arith.constant 0 : i32
        %dma_start3A_52 = tpu.memref_slice %arg8[%multiple_of3A, %dma_start3A_51] : memref<10000x128xf32, #tpu.memory_space<vmem_shared>> -> memref<632x128xf32, #tpu.memory_space<vmem_shared>>
        tpu.enqueue_dma source(%dma_start3A_52 : memref<632x128xf32, #tpu.memory_space<vmem_shared>>) target(%dma_start3A_50 : memref<632x128xf32, #tpu.memory_space<hbm>>) target_semaphore(%run_scoped3A : memref<!tpu.dma_semaphore, #tpu.memory_space<semaphore_mem>>)
        %dma_wait3A = arith.constant 0 : i32
        %dma_wait3A_53 = tpu.memref_slice %arg5[%arg0, %multiple_of3A_48, %dma_wait3A] : memref<2x10000x128xf32, #tpu.memory_space<hbm>> -> memref<1x632x128xf32, #tpu.memory_space<hbm>>
        %dma_wait3A_54 = tpu.memref_squeeze %dma_wait3A_53 : memref<1x632x128xf32, #tpu.memory_space<hbm>> -> memref<632x128xf32, #tpu.memory_space<hbm>>
        %dma_wait3A_55 = arith.constant 0 : i32
        %dma_wait3A_56 = tpu.memref_slice %arg8[%multiple_of3A, %dma_wait3A_55] : memref<10000x128xf32, #tpu.memory_space<vmem_shared>> -> memref<632x128xf32, #tpu.memory_space<vmem_shared>>
        tpu.wait_dma2 semaphore(%run_scoped3A : memref<!tpu.dma_semaphore, #tpu.memory_space<semaphore_mem>>) src(%dma_wait3A_56 : memref<632x128xf32, #tpu.memory_space<vmem_shared>>) dst(%dma_wait3A_54 : memref<632x128xf32, #tpu.memory_space<hbm>>)
        tpu.yield
      }) : () -> ()
    } else {
    }
    %eq3A_39 = arith.constant 15 : i32
    %eq3A_40 = arith.cmpi eq, %arg1, %eq3A_39 : i32
    %convert_element_type3A_41 = arith.extui %eq3A_40 : i1 to i32
    %cond3A_42 = arith.constant 0 : i32
    %cond3A_43 = arith.cmpi ne, %convert_element_type3A_41, %cond3A_42 : i32
    scf.if %cond3A_43 {
      "tpu.region"() ({
        %run_scoped3A = tpu.sem_alloc : memref<!tpu.dma_semaphore, #tpu.memory_space<semaphore_mem>>
        %dma_start3A = arith.constant 9480 : i32
        %dma_start3A_44 = arith.constant 0 : i32
        %dma_start3A_45 = tpu.memref_slice %arg5[%arg0, %dma_start3A, %dma_start3A_44] : memref<2x10000x128xf32, #tpu.memory_space<hbm>> -> memref<1x520x128xf32, #tpu.memory_space<hbm>>
        %dma_start3A_46 = tpu.memref_squeeze %dma_start3A_45 : memref<1x520x128xf32, #tpu.memory_space<hbm>> -> memref<520x128xf32, #tpu.memory_space<hbm>>
        %dma_start3A_47 = arith.constant 9480 : i32
        %dma_start3A_48 = arith.constant 0 : i32
        %dma_start3A_49 = tpu.memref_slice %arg8[%dma_start3A_47, %dma_start3A_48] : memref<10000x128xf32, #tpu.memory_space<vmem_shared>> -> memref<520x128xf32, #tpu.memory_space<vmem_shared>>
        tpu.enqueue_dma source(%dma_start3A_49 : memref<520x128xf32, #tpu.memory_space<vmem_shared>>) target(%dma_start3A_46 : memref<520x128xf32, #tpu.memory_space<hbm>>) target_semaphore(%run_scoped3A : memref<!tpu.dma_semaphore, #tpu.memory_space<semaphore_mem>>)
        %dma_wait3A = arith.constant 9480 : i32
        %dma_wait3A_50 = arith.constant 0 : i32
        %dma_wait3A_51 = tpu.memref_slice %arg5[%arg0, %dma_wait3A, %dma_wait3A_50] : memref<2x10000x128xf32, #tpu.memory_space<hbm>> -> memref<1x520x128xf32, #tpu.memory_space<hbm>>
        %dma_wait3A_52 = tpu.memref_squeeze %dma_wait3A_51 : memref<1x520x128xf32, #tpu.memory_space<hbm>> -> memref<520x128xf32, #tpu.memory_space<hbm>>
        %dma_wait3A_53 = arith.constant 9480 : i32
        %dma_wait3A_54 = arith.constant 0 : i32
        %dma_wait3A_55 = tpu.memref_slice %arg8[%dma_wait3A_53, %dma_wait3A_54] : memref<10000x128xf32, #tpu.memory_space<vmem_shared>> -> memref<520x128xf32, #tpu.memory_space<vmem_shared>>
        tpu.wait_dma2 semaphore(%run_scoped3A : memref<!tpu.dma_semaphore, #tpu.memory_space<semaphore_mem>>) src(%dma_wait3A_55 : memref<520x128xf32, #tpu.memory_space<vmem_shared>>) dst(%dma_wait3A_52 : memref<520x128xf32, #tpu.memory_space<hbm>>)
        tpu.yield
      }) : () -> ()
    } else {
    }
    return
  }
}

#map = affine_map<(d0, d1) -> (0)>
#map1 = affine_map<(d0, d1) -> (0, 0)>
module attributes {stable_mosaic.version = 14 : i64} {
  func.func @sc_gather(%arg0: i32, %arg1: i32, %arg2: memref<160000xi32, #tpu.memory_space<hbm>>, %arg3: memref<160000xi32, #tpu.memory_space<hbm>>, %arg4: memref<10000x128xf32, #tpu.memory_space<hbm>>, %arg5: memref<10000x128xf32, #tpu.memory_space<hbm>>, %arg6: memref<160000x128xf32, #tpu.memory_space<hbm>>, %arg7: memref<160000x128xf32, #tpu.memory_space<hbm>>, %arg8: memref<40x128xi32, #tpu.memory_space<vmem>>, %arg9: memref<40x128xi32, #tpu.memory_space<vmem>>, %arg10: memref<128x128xf32, #tpu.memory_space<vmem>>, %arg11: memref<128x128xf32, #tpu.memory_space<vmem>>, %arg12: memref<!tpu.dma_semaphore, #tpu.memory_space<semaphore_mem>>, %arg13: memref<!tpu.dma_semaphore, #tpu.memory_space<semaphore_mem>>) attributes {dimension_semantics = [#tpu.dimension_semantics<core_parallel>, #tpu.dimension_semantics<subcore_parallel>], iteration_bounds = array<i64: 2, 16>, scalar_prefetch = 0 : i64, scratch_operands = 6 : i64, tpu.core_type = #tpu.core_type<sc_vector_subcore>, window_params = [{transform_indices = #map}, {transform_indices = #map}, {transform_indices = #map1}, {transform_indices = #map1}, {transform_indices = #map1}, {transform_indices = #map1}]} {
    %mul3A = arith.constant 2 : i32
    %mul3A_0 = arith.muli %arg1, %mul3A : i32
    %add3A = arith.addi %mul3A_0, %arg0 : i32
    %lt3A = arith.constant 2 : i32
    %lt3A_1 = arith.cmpi slt, %add3A, %lt3A : i32
    %jit3A = arith.constant 40 : i32
    %jit3A_2 = arith.constant 39 : i32
    %select_n3A = arith.select %lt3A_1, %jit3A, %jit3A_2 : i32
    %while3A = arith.constant 0 : i32
    %while3A_3 = arith.constant 0 : i32
    %while3A_4 = arith.subi %select_n3A, %while3A : i32
    %while3A_5 = arith.addi %while3A, %while3A_4 : i32
    %while3A_6 = arith.constant 1 : i32
    %while3A_7 = arith.divsi %while3A_4, %while3A_6 : i32
    %while3A_8 = arith.muli %while3A_7, %while3A_6 : i32
    %while3A_9 = arith.addi %while3A, %while3A_8 : i32
    %while3A_10 = arith.constant 1 : i32
    %while3A_11 = scf.for %while3A_26 = %while3A to %while3A_9 step %while3A_10 iter_args(%while3A_27 = %while3A_3) -> (i32)  : i32 {
      %mul3A_28 = arith.constant 32 : i32
      %mul3A_29 = arith.muli %while3A_26, %mul3A_28 : i32
      %add3A_30 = arith.addi %add3A, %mul3A_29 : i32
      %mul3A_31 = arith.constant 128 : i32
      %mul3A_32 = arith.muli %add3A_30, %mul3A_31 : i32
      %multiple_of3A = tpu.assume_multiple %mul3A_32, 128 : i32
      "tpu.region"() ({
        %run_scoped3A = tpu.sem_alloc : memref<!tpu.dma_semaphore, #tpu.memory_space<semaphore_mem>>
        %dma_start3A = arith.constant 0 : i32
        %dma_start3A_34 = tpu.memref_slice %arg8[%while3A_26, %dma_start3A] : memref<40x128xi32, #tpu.memory_space<vmem>> -> memref<1x128xi32, #tpu.memory_space<vmem>>
        %dma_start3A_35 = tpu.memref_squeeze %dma_start3A_34 : memref<1x128xi32, #tpu.memory_space<vmem>> -> memref<128xi32, #tpu.memory_space<vmem>>
        %dma_start3A_36 = tpu.memref_slice %arg2[%multiple_of3A] : memref<160000xi32, #tpu.memory_space<hbm>> -> memref<128xi32, #tpu.memory_space<hbm>>
        %dma_start3A_37 = arith.constant 0 : i32
        %dma_start3A_38 = tpu.memref_slice %arg8[%while3A_26, %dma_start3A_37] : memref<40x128xi32, #tpu.memory_space<vmem>> -> memref<1x128xi32, #tpu.memory_space<vmem>>
        %dma_start3A_39 = tpu.memref_squeeze %dma_start3A_38 : memref<1x128xi32, #tpu.memory_space<vmem>> -> memref<128xi32, #tpu.memory_space<vmem>>
        %dma_start3A_40 = tpu.memref_slice %arg2[%multiple_of3A] : memref<160000xi32, #tpu.memory_space<hbm>> -> memref<128xi32, #tpu.memory_space<hbm>>
        tpu.enqueue_dma source(%dma_start3A_40 : memref<128xi32, #tpu.memory_space<hbm>>) target(%dma_start3A_39 : memref<128xi32, #tpu.memory_space<vmem>>) target_semaphore(%run_scoped3A : memref<!tpu.dma_semaphore, #tpu.memory_space<semaphore_mem>>)
        %dma_wait3A = arith.constant 0 : i32
        %dma_wait3A_41 = tpu.memref_slice %arg8[%while3A_26, %dma_wait3A] : memref<40x128xi32, #tpu.memory_space<vmem>> -> memref<1x128xi32, #tpu.memory_space<vmem>>
        %dma_wait3A_42 = tpu.memref_squeeze %dma_wait3A_41 : memref<1x128xi32, #tpu.memory_space<vmem>> -> memref<128xi32, #tpu.memory_space<vmem>>
        %dma_wait3A_43 = tpu.memref_slice %arg2[%multiple_of3A] : memref<160000xi32, #tpu.memory_space<hbm>> -> memref<128xi32, #tpu.memory_space<hbm>>
        %dma_wait3A_44 = arith.constant 0 : i32
        %dma_wait3A_45 = tpu.memref_slice %arg8[%while3A_26, %dma_wait3A_44] : memref<40x128xi32, #tpu.memory_space<vmem>> -> memref<1x128xi32, #tpu.memory_space<vmem>>
        %dma_wait3A_46 = tpu.memref_squeeze %dma_wait3A_45 : memref<1x128xi32, #tpu.memory_space<vmem>> -> memref<128xi32, #tpu.memory_space<vmem>>
        %dma_wait3A_47 = tpu.memref_slice %arg2[%multiple_of3A] : memref<160000xi32, #tpu.memory_space<hbm>> -> memref<128xi32, #tpu.memory_space<hbm>>
        tpu.wait_dma2 semaphore(%run_scoped3A : memref<!tpu.dma_semaphore, #tpu.memory_space<semaphore_mem>>) src(%dma_wait3A_47 : memref<128xi32, #tpu.memory_space<hbm>>) dst(%dma_wait3A_46 : memref<128xi32, #tpu.memory_space<vmem>>)
        tpu.yield
      }) : () -> ()
      "tpu.region"() ({
        %run_scoped3A = tpu.sem_alloc : memref<!tpu.dma_semaphore, #tpu.memory_space<semaphore_mem>>
        %dma_start3A = arith.constant 0 : i32
        %dma_start3A_34 = tpu.memref_slice %arg9[%while3A_26, %dma_start3A] : memref<40x128xi32, #tpu.memory_space<vmem>> -> memref<1x128xi32, #tpu.memory_space<vmem>>
        %dma_start3A_35 = tpu.memref_squeeze %dma_start3A_34 : memref<1x128xi32, #tpu.memory_space<vmem>> -> memref<128xi32, #tpu.memory_space<vmem>>
        %dma_start3A_36 = tpu.memref_slice %arg3[%multiple_of3A] : memref<160000xi32, #tpu.memory_space<hbm>> -> memref<128xi32, #tpu.memory_space<hbm>>
        %dma_start3A_37 = arith.constant 0 : i32
        %dma_start3A_38 = tpu.memref_slice %arg9[%while3A_26, %dma_start3A_37] : memref<40x128xi32, #tpu.memory_space<vmem>> -> memref<1x128xi32, #tpu.memory_space<vmem>>
        %dma_start3A_39 = tpu.memref_squeeze %dma_start3A_38 : memref<1x128xi32, #tpu.memory_space<vmem>> -> memref<128xi32, #tpu.memory_space<vmem>>
        %dma_start3A_40 = tpu.memref_slice %arg3[%multiple_of3A] : memref<160000xi32, #tpu.memory_space<hbm>> -> memref<128xi32, #tpu.memory_space<hbm>>
        tpu.enqueue_dma source(%dma_start3A_40 : memref<128xi32, #tpu.memory_space<hbm>>) target(%dma_start3A_39 : memref<128xi32, #tpu.memory_space<vmem>>) target_semaphore(%run_scoped3A : memref<!tpu.dma_semaphore, #tpu.memory_space<semaphore_mem>>)
        %dma_wait3A = arith.constant 0 : i32
        %dma_wait3A_41 = tpu.memref_slice %arg9[%while3A_26, %dma_wait3A] : memref<40x128xi32, #tpu.memory_space<vmem>> -> memref<1x128xi32, #tpu.memory_space<vmem>>
        %dma_wait3A_42 = tpu.memref_squeeze %dma_wait3A_41 : memref<1x128xi32, #tpu.memory_space<vmem>> -> memref<128xi32, #tpu.memory_space<vmem>>
        %dma_wait3A_43 = tpu.memref_slice %arg3[%multiple_of3A] : memref<160000xi32, #tpu.memory_space<hbm>> -> memref<128xi32, #tpu.memory_space<hbm>>
        %dma_wait3A_44 = arith.constant 0 : i32
        %dma_wait3A_45 = tpu.memref_slice %arg9[%while3A_26, %dma_wait3A_44] : memref<40x128xi32, #tpu.memory_space<vmem>> -> memref<1x128xi32, #tpu.memory_space<vmem>>
        %dma_wait3A_46 = tpu.memref_squeeze %dma_wait3A_45 : memref<1x128xi32, #tpu.memory_space<vmem>> -> memref<128xi32, #tpu.memory_space<vmem>>
        %dma_wait3A_47 = tpu.memref_slice %arg3[%multiple_of3A] : memref<160000xi32, #tpu.memory_space<hbm>> -> memref<128xi32, #tpu.memory_space<hbm>>
        tpu.wait_dma2 semaphore(%run_scoped3A : memref<!tpu.dma_semaphore, #tpu.memory_space<semaphore_mem>>) src(%dma_wait3A_47 : memref<128xi32, #tpu.memory_space<hbm>>) dst(%dma_wait3A_46 : memref<128xi32, #tpu.memory_space<vmem>>)
        tpu.yield
      }) : () -> ()
      %while3A_33 = arith.constant 0 : i32
      scf.yield %while3A_33 : i32
    }
    %while3A_12 = arith.constant 1 : i32
    %while3A_13 = scf.for %while3A_26 = %while3A_9 to %while3A_5 step %while3A_12 iter_args(%while3A_27 = %while3A_11) -> (i32)  : i32 {
      %mul3A_28 = arith.constant 32 : i32
      %mul3A_29 = arith.muli %while3A_26, %mul3A_28 : i32
      %add3A_30 = arith.addi %add3A, %mul3A_29 : i32
      %mul3A_31 = arith.constant 128 : i32
      %mul3A_32 = arith.muli %add3A_30, %mul3A_31 : i32
      %multiple_of3A = tpu.assume_multiple %mul3A_32, 128 : i32
      "tpu.region"() ({
        %run_scoped3A = tpu.sem_alloc : memref<!tpu.dma_semaphore, #tpu.memory_space<semaphore_mem>>
        %dma_start3A = arith.constant 0 : i32
        %dma_start3A_34 = tpu.memref_slice %arg8[%while3A_26, %dma_start3A] : memref<40x128xi32, #tpu.memory_space<vmem>> -> memref<1x128xi32, #tpu.memory_space<vmem>>
        %dma_start3A_35 = tpu.memref_squeeze %dma_start3A_34 : memref<1x128xi32, #tpu.memory_space<vmem>> -> memref<128xi32, #tpu.memory_space<vmem>>
        %dma_start3A_36 = tpu.memref_slice %arg2[%multiple_of3A] : memref<160000xi32, #tpu.memory_space<hbm>> -> memref<128xi32, #tpu.memory_space<hbm>>
        %dma_start3A_37 = arith.constant 0 : i32
        %dma_start3A_38 = tpu.memref_slice %arg8[%while3A_26, %dma_start3A_37] : memref<40x128xi32, #tpu.memory_space<vmem>> -> memref<1x128xi32, #tpu.memory_space<vmem>>
        %dma_start3A_39 = tpu.memref_squeeze %dma_start3A_38 : memref<1x128xi32, #tpu.memory_space<vmem>> -> memref<128xi32, #tpu.memory_space<vmem>>
        %dma_start3A_40 = tpu.memref_slice %arg2[%multiple_of3A] : memref<160000xi32, #tpu.memory_space<hbm>> -> memref<128xi32, #tpu.memory_space<hbm>>
        tpu.enqueue_dma source(%dma_start3A_40 : memref<128xi32, #tpu.memory_space<hbm>>) target(%dma_start3A_39 : memref<128xi32, #tpu.memory_space<vmem>>) target_semaphore(%run_scoped3A : memref<!tpu.dma_semaphore, #tpu.memory_space<semaphore_mem>>)
        %dma_wait3A = arith.constant 0 : i32
        %dma_wait3A_41 = tpu.memref_slice %arg8[%while3A_26, %dma_wait3A] : memref<40x128xi32, #tpu.memory_space<vmem>> -> memref<1x128xi32, #tpu.memory_space<vmem>>
        %dma_wait3A_42 = tpu.memref_squeeze %dma_wait3A_41 : memref<1x128xi32, #tpu.memory_space<vmem>> -> memref<128xi32, #tpu.memory_space<vmem>>
        %dma_wait3A_43 = tpu.memref_slice %arg2[%multiple_of3A] : memref<160000xi32, #tpu.memory_space<hbm>> -> memref<128xi32, #tpu.memory_space<hbm>>
        %dma_wait3A_44 = arith.constant 0 : i32
        %dma_wait3A_45 = tpu.memref_slice %arg8[%while3A_26, %dma_wait3A_44] : memref<40x128xi32, #tpu.memory_space<vmem>> -> memref<1x128xi32, #tpu.memory_space<vmem>>
        %dma_wait3A_46 = tpu.memref_squeeze %dma_wait3A_45 : memref<1x128xi32, #tpu.memory_space<vmem>> -> memref<128xi32, #tpu.memory_space<vmem>>
        %dma_wait3A_47 = tpu.memref_slice %arg2[%multiple_of3A] : memref<160000xi32, #tpu.memory_space<hbm>> -> memref<128xi32, #tpu.memory_space<hbm>>
        tpu.wait_dma2 semaphore(%run_scoped3A : memref<!tpu.dma_semaphore, #tpu.memory_space<semaphore_mem>>) src(%dma_wait3A_47 : memref<128xi32, #tpu.memory_space<hbm>>) dst(%dma_wait3A_46 : memref<128xi32, #tpu.memory_space<vmem>>)
        tpu.yield
      }) : () -> ()
      "tpu.region"() ({
        %run_scoped3A = tpu.sem_alloc : memref<!tpu.dma_semaphore, #tpu.memory_space<semaphore_mem>>
        %dma_start3A = arith.constant 0 : i32
        %dma_start3A_34 = tpu.memref_slice %arg9[%while3A_26, %dma_start3A] : memref<40x128xi32, #tpu.memory_space<vmem>> -> memref<1x128xi32, #tpu.memory_space<vmem>>
        %dma_start3A_35 = tpu.memref_squeeze %dma_start3A_34 : memref<1x128xi32, #tpu.memory_space<vmem>> -> memref<128xi32, #tpu.memory_space<vmem>>
        %dma_start3A_36 = tpu.memref_slice %arg3[%multiple_of3A] : memref<160000xi32, #tpu.memory_space<hbm>> -> memref<128xi32, #tpu.memory_space<hbm>>
        %dma_start3A_37 = arith.constant 0 : i32
        %dma_start3A_38 = tpu.memref_slice %arg9[%while3A_26, %dma_start3A_37] : memref<40x128xi32, #tpu.memory_space<vmem>> -> memref<1x128xi32, #tpu.memory_space<vmem>>
        %dma_start3A_39 = tpu.memref_squeeze %dma_start3A_38 : memref<1x128xi32, #tpu.memory_space<vmem>> -> memref<128xi32, #tpu.memory_space<vmem>>
        %dma_start3A_40 = tpu.memref_slice %arg3[%multiple_of3A] : memref<160000xi32, #tpu.memory_space<hbm>> -> memref<128xi32, #tpu.memory_space<hbm>>
        tpu.enqueue_dma source(%dma_start3A_40 : memref<128xi32, #tpu.memory_space<hbm>>) target(%dma_start3A_39 : memref<128xi32, #tpu.memory_space<vmem>>) target_semaphore(%run_scoped3A : memref<!tpu.dma_semaphore, #tpu.memory_space<semaphore_mem>>)
        %dma_wait3A = arith.constant 0 : i32
        %dma_wait3A_41 = tpu.memref_slice %arg9[%while3A_26, %dma_wait3A] : memref<40x128xi32, #tpu.memory_space<vmem>> -> memref<1x128xi32, #tpu.memory_space<vmem>>
        %dma_wait3A_42 = tpu.memref_squeeze %dma_wait3A_41 : memref<1x128xi32, #tpu.memory_space<vmem>> -> memref<128xi32, #tpu.memory_space<vmem>>
        %dma_wait3A_43 = tpu.memref_slice %arg3[%multiple_of3A] : memref<160000xi32, #tpu.memory_space<hbm>> -> memref<128xi32, #tpu.memory_space<hbm>>
        %dma_wait3A_44 = arith.constant 0 : i32
        %dma_wait3A_45 = tpu.memref_slice %arg9[%while3A_26, %dma_wait3A_44] : memref<40x128xi32, #tpu.memory_space<vmem>> -> memref<1x128xi32, #tpu.memory_space<vmem>>
        %dma_wait3A_46 = tpu.memref_squeeze %dma_wait3A_45 : memref<1x128xi32, #tpu.memory_space<vmem>> -> memref<128xi32, #tpu.memory_space<vmem>>
        %dma_wait3A_47 = tpu.memref_slice %arg3[%multiple_of3A] : memref<160000xi32, #tpu.memory_space<hbm>> -> memref<128xi32, #tpu.memory_space<hbm>>
        tpu.wait_dma2 semaphore(%run_scoped3A : memref<!tpu.dma_semaphore, #tpu.memory_space<semaphore_mem>>) src(%dma_wait3A_47 : memref<128xi32, #tpu.memory_space<hbm>>) dst(%dma_wait3A_46 : memref<128xi32, #tpu.memory_space<vmem>>)
        tpu.yield
      }) : () -> ()
      %while3A_33 = arith.constant 0 : i32
      scf.yield %while3A_33 : i32
    }
    %while3A_14 = arith.constant 0 : i32
    %while3A_15 = arith.constant 0 : i32
    %while3A_16 = arith.subi %select_n3A, %while3A_14 : i32
    %while3A_17 = arith.addi %while3A_14, %while3A_16 : i32
    %while3A_18 = arith.constant 1 : i32
    %while3A_19 = arith.divsi %while3A_16, %while3A_18 : i32
    %while3A_20 = arith.muli %while3A_19, %while3A_18 : i32
    %while3A_21 = arith.addi %while3A_14, %while3A_20 : i32
    %while3A_22 = arith.constant 1 : i32
    %while3A_23 = scf.for %while3A_26 = %while3A_14 to %while3A_21 step %while3A_22 iter_args(%while3A_27 = %while3A_15) -> (i32)  : i32 {
      %mul3A_28 = arith.constant 32 : i32
      %mul3A_29 = arith.muli %while3A_26, %mul3A_28 : i32
      %add3A_30 = arith.addi %add3A, %mul3A_29 : i32
      %mul3A_31 = arith.constant 128 : i32
      %mul3A_32 = arith.muli %add3A_30, %mul3A_31 : i32
      %multiple_of3A = tpu.assume_multiple %mul3A_32, 128 : i32
      %dma_start3A = arith.constant 0 : i32
      %dma_start3A_33 = tpu.memref_slice %arg8[%while3A_26, %dma_start3A] : memref<40x128xi32, #tpu.memory_space<vmem>> -> memref<1x128xi32, #tpu.memory_space<vmem>>
      %dma_start3A_34 = tpu.memref_squeeze %dma_start3A_33 : memref<1x128xi32, #tpu.memory_space<vmem>> -> memref<128xi32, #tpu.memory_space<vmem>>
      %dma_start3A_35 = arith.constant 0 : i32
      %dma_start3A_36 = arith.constant 0 : i32
      %dma_start3A_37 = tpu.memref_slice %arg4[%dma_start3A_35, %dma_start3A_36] : memref<10000x128xf32, #tpu.memory_space<hbm>> -> memref<10000x128xf32, #tpu.memory_space<hbm>>
      tpu.enqueue_indirect_dma source(%dma_start3A_37 : memref<10000x128xf32, #tpu.memory_space<hbm>>) target(%arg10 : memref<128x128xf32, #tpu.memory_space<vmem>>) offsets(%dma_start3A_34 : memref<128xi32, #tpu.memory_space<vmem>>) semaphore(%arg12 : memref<!tpu.dma_semaphore, #tpu.memory_space<semaphore_mem>>)
      %dma_start3A_38 = arith.constant 0 : i32
      %dma_start3A_39 = tpu.memref_slice %arg9[%while3A_26, %dma_start3A_38] : memref<40x128xi32, #tpu.memory_space<vmem>> -> memref<1x128xi32, #tpu.memory_space<vmem>>
      %dma_start3A_40 = tpu.memref_squeeze %dma_start3A_39 : memref<1x128xi32, #tpu.memory_space<vmem>> -> memref<128xi32, #tpu.memory_space<vmem>>
      %dma_start3A_41 = arith.constant 0 : i32
      %dma_start3A_42 = arith.constant 0 : i32
      %dma_start3A_43 = tpu.memref_slice %arg5[%dma_start3A_41, %dma_start3A_42] : memref<10000x128xf32, #tpu.memory_space<hbm>> -> memref<10000x128xf32, #tpu.memory_space<hbm>>
      tpu.enqueue_indirect_dma source(%dma_start3A_43 : memref<10000x128xf32, #tpu.memory_space<hbm>>) target(%arg11 : memref<128x128xf32, #tpu.memory_space<vmem>>) offsets(%dma_start3A_40 : memref<128xi32, #tpu.memory_space<vmem>>) semaphore(%arg13 : memref<!tpu.dma_semaphore, #tpu.memory_space<semaphore_mem>>)
      %dma_wait3A = arith.constant 0 : i32
      %dma_wait3A_44 = tpu.memref_slice %arg8[%while3A_26, %dma_wait3A] : memref<40x128xi32, #tpu.memory_space<vmem>> -> memref<1x128xi32, #tpu.memory_space<vmem>>
      %dma_wait3A_45 = tpu.memref_squeeze %dma_wait3A_44 : memref<1x128xi32, #tpu.memory_space<vmem>> -> memref<128xi32, #tpu.memory_space<vmem>>
      %dma_wait3A_46 = arith.constant 0 : i32
      %dma_wait3A_47 = arith.constant 0 : i32
      %dma_wait3A_48 = tpu.memref_slice %arg4[%dma_wait3A_46, %dma_wait3A_47] : memref<10000x128xf32, #tpu.memory_space<hbm>> -> memref<10000x128xf32, #tpu.memory_space<hbm>>
      tpu.wait_indirect_dma semaphore(%arg12 : memref<!tpu.dma_semaphore, #tpu.memory_space<semaphore_mem>>) src(%dma_wait3A_48 : memref<10000x128xf32, #tpu.memory_space<hbm>>) dst(%arg10 : memref<128x128xf32, #tpu.memory_space<vmem>>)
      %dma_wait3A_49 = arith.constant 0 : i32
      %dma_wait3A_50 = tpu.memref_slice %arg9[%while3A_26, %dma_wait3A_49] : memref<40x128xi32, #tpu.memory_space<vmem>> -> memref<1x128xi32, #tpu.memory_space<vmem>>
      %dma_wait3A_51 = tpu.memref_squeeze %dma_wait3A_50 : memref<1x128xi32, #tpu.memory_space<vmem>> -> memref<128xi32, #tpu.memory_space<vmem>>
      %dma_wait3A_52 = arith.constant 0 : i32
      %dma_wait3A_53 = arith.constant 0 : i32
      %dma_wait3A_54 = tpu.memref_slice %arg5[%dma_wait3A_52, %dma_wait3A_53] : memref<10000x128xf32, #tpu.memory_space<hbm>> -> memref<10000x128xf32, #tpu.memory_space<hbm>>
      tpu.wait_indirect_dma semaphore(%arg13 : memref<!tpu.dma_semaphore, #tpu.memory_space<semaphore_mem>>) src(%dma_wait3A_54 : memref<10000x128xf32, #tpu.memory_space<hbm>>) dst(%arg11 : memref<128x128xf32, #tpu.memory_space<vmem>>)
      "tpu.region"() ({
        %run_scoped3A = tpu.sem_alloc : memref<!tpu.dma_semaphore, #tpu.memory_space<semaphore_mem>>
        %dma_start3A_56 = arith.constant 0 : i32
        %dma_start3A_57 = tpu.memref_slice %arg6[%multiple_of3A, %dma_start3A_56] : memref<160000x128xf32, #tpu.memory_space<hbm>> -> memref<128x128xf32, #tpu.memory_space<hbm>>
        %dma_start3A_58 = arith.constant 0 : i32
        %dma_start3A_59 = tpu.memref_slice %arg6[%multiple_of3A, %dma_start3A_58] : memref<160000x128xf32, #tpu.memory_space<hbm>> -> memref<128x128xf32, #tpu.memory_space<hbm>>
        tpu.enqueue_dma source(%arg10 : memref<128x128xf32, #tpu.memory_space<vmem>>) target(%dma_start3A_59 : memref<128x128xf32, #tpu.memory_space<hbm>>) target_semaphore(%run_scoped3A : memref<!tpu.dma_semaphore, #tpu.memory_space<semaphore_mem>>)
        %dma_wait3A_60 = arith.constant 0 : i32
        %dma_wait3A_61 = tpu.memref_slice %arg6[%multiple_of3A, %dma_wait3A_60] : memref<160000x128xf32, #tpu.memory_space<hbm>> -> memref<128x128xf32, #tpu.memory_space<hbm>>
        %dma_wait3A_62 = arith.constant 0 : i32
        %dma_wait3A_63 = tpu.memref_slice %arg6[%multiple_of3A, %dma_wait3A_62] : memref<160000x128xf32, #tpu.memory_space<hbm>> -> memref<128x128xf32, #tpu.memory_space<hbm>>
        tpu.wait_dma2 semaphore(%run_scoped3A : memref<!tpu.dma_semaphore, #tpu.memory_space<semaphore_mem>>) src(%arg10 : memref<128x128xf32, #tpu.memory_space<vmem>>) dst(%dma_wait3A_63 : memref<128x128xf32, #tpu.memory_space<hbm>>)
        tpu.yield
      }) : () -> ()
      "tpu.region"() ({
        %run_scoped3A = tpu.sem_alloc : memref<!tpu.dma_semaphore, #tpu.memory_space<semaphore_mem>>
        %dma_start3A_56 = arith.constant 0 : i32
        %dma_start3A_57 = tpu.memref_slice %arg7[%multiple_of3A, %dma_start3A_56] : memref<160000x128xf32, #tpu.memory_space<hbm>> -> memref<128x128xf32, #tpu.memory_space<hbm>>
        %dma_start3A_58 = arith.constant 0 : i32
        %dma_start3A_59 = tpu.memref_slice %arg7[%multiple_of3A, %dma_start3A_58] : memref<160000x128xf32, #tpu.memory_space<hbm>> -> memref<128x128xf32, #tpu.memory_space<hbm>>
        tpu.enqueue_dma source(%arg11 : memref<128x128xf32, #tpu.memory_space<vmem>>) target(%dma_start3A_59 : memref<128x128xf32, #tpu.memory_space<hbm>>) target_semaphore(%run_scoped3A : memref<!tpu.dma_semaphore, #tpu.memory_space<semaphore_mem>>)
        %dma_wait3A_60 = arith.constant 0 : i32
        %dma_wait3A_61 = tpu.memref_slice %arg7[%multiple_of3A, %dma_wait3A_60] : memref<160000x128xf32, #tpu.memory_space<hbm>> -> memref<128x128xf32, #tpu.memory_space<hbm>>
        %dma_wait3A_62 = arith.constant 0 : i32
        %dma_wait3A_63 = tpu.memref_slice %arg7[%multiple_of3A, %dma_wait3A_62] : memref<160000x128xf32, #tpu.memory_space<hbm>> -> memref<128x128xf32, #tpu.memory_space<hbm>>
        tpu.wait_dma2 semaphore(%run_scoped3A : memref<!tpu.dma_semaphore, #tpu.memory_space<semaphore_mem>>) src(%arg11 : memref<128x128xf32, #tpu.memory_space<vmem>>) dst(%dma_wait3A_63 : memref<128x128xf32, #tpu.memory_space<hbm>>)
        tpu.yield
      }) : () -> ()
      %while3A_55 = arith.constant 0 : i32
      scf.yield %while3A_55 : i32
    }
    %while3A_24 = arith.constant 1 : i32
    %while3A_25 = scf.for %while3A_26 = %while3A_21 to %while3A_17 step %while3A_24 iter_args(%while3A_27 = %while3A_23) -> (i32)  : i32 {
      %mul3A_28 = arith.constant 32 : i32
      %mul3A_29 = arith.muli %while3A_26, %mul3A_28 : i32
      %add3A_30 = arith.addi %add3A, %mul3A_29 : i32
      %mul3A_31 = arith.constant 128 : i32
      %mul3A_32 = arith.muli %add3A_30, %mul3A_31 : i32
      %multiple_of3A = tpu.assume_multiple %mul3A_32, 128 : i32
      %dma_start3A = arith.constant 0 : i32
      %dma_start3A_33 = tpu.memref_slice %arg8[%while3A_26, %dma_start3A] : memref<40x128xi32, #tpu.memory_space<vmem>> -> memref<1x128xi32, #tpu.memory_space<vmem>>
      %dma_start3A_34 = tpu.memref_squeeze %dma_start3A_33 : memref<1x128xi32, #tpu.memory_space<vmem>> -> memref<128xi32, #tpu.memory_space<vmem>>
      %dma_start3A_35 = arith.constant 0 : i32
      %dma_start3A_36 = arith.constant 0 : i32
      %dma_start3A_37 = tpu.memref_slice %arg4[%dma_start3A_35, %dma_start3A_36] : memref<10000x128xf32, #tpu.memory_space<hbm>> -> memref<10000x128xf32, #tpu.memory_space<hbm>>
      tpu.enqueue_indirect_dma source(%dma_start3A_37 : memref<10000x128xf32, #tpu.memory_space<hbm>>) target(%arg10 : memref<128x128xf32, #tpu.memory_space<vmem>>) offsets(%dma_start3A_34 : memref<128xi32, #tpu.memory_space<vmem>>) semaphore(%arg12 : memref<!tpu.dma_semaphore, #tpu.memory_space<semaphore_mem>>)
      %dma_start3A_38 = arith.constant 0 : i32
      %dma_start3A_39 = tpu.memref_slice %arg9[%while3A_26, %dma_start3A_38] : memref<40x128xi32, #tpu.memory_space<vmem>> -> memref<1x128xi32, #tpu.memory_space<vmem>>
      %dma_start3A_40 = tpu.memref_squeeze %dma_start3A_39 : memref<1x128xi32, #tpu.memory_space<vmem>> -> memref<128xi32, #tpu.memory_space<vmem>>
      %dma_start3A_41 = arith.constant 0 : i32
      %dma_start3A_42 = arith.constant 0 : i32
      %dma_start3A_43 = tpu.memref_slice %arg5[%dma_start3A_41, %dma_start3A_42] : memref<10000x128xf32, #tpu.memory_space<hbm>> -> memref<10000x128xf32, #tpu.memory_space<hbm>>
      tpu.enqueue_indirect_dma source(%dma_start3A_43 : memref<10000x128xf32, #tpu.memory_space<hbm>>) target(%arg11 : memref<128x128xf32, #tpu.memory_space<vmem>>) offsets(%dma_start3A_40 : memref<128xi32, #tpu.memory_space<vmem>>) semaphore(%arg13 : memref<!tpu.dma_semaphore, #tpu.memory_space<semaphore_mem>>)
      %dma_wait3A = arith.constant 0 : i32
      %dma_wait3A_44 = tpu.memref_slice %arg8[%while3A_26, %dma_wait3A] : memref<40x128xi32, #tpu.memory_space<vmem>> -> memref<1x128xi32, #tpu.memory_space<vmem>>
      %dma_wait3A_45 = tpu.memref_squeeze %dma_wait3A_44 : memref<1x128xi32, #tpu.memory_space<vmem>> -> memref<128xi32, #tpu.memory_space<vmem>>
      %dma_wait3A_46 = arith.constant 0 : i32
      %dma_wait3A_47 = arith.constant 0 : i32
      %dma_wait3A_48 = tpu.memref_slice %arg4[%dma_wait3A_46, %dma_wait3A_47] : memref<10000x128xf32, #tpu.memory_space<hbm>> -> memref<10000x128xf32, #tpu.memory_space<hbm>>
      tpu.wait_indirect_dma semaphore(%arg12 : memref<!tpu.dma_semaphore, #tpu.memory_space<semaphore_mem>>) src(%dma_wait3A_48 : memref<10000x128xf32, #tpu.memory_space<hbm>>) dst(%arg10 : memref<128x128xf32, #tpu.memory_space<vmem>>)
      %dma_wait3A_49 = arith.constant 0 : i32
      %dma_wait3A_50 = tpu.memref_slice %arg9[%while3A_26, %dma_wait3A_49] : memref<40x128xi32, #tpu.memory_space<vmem>> -> memref<1x128xi32, #tpu.memory_space<vmem>>
      %dma_wait3A_51 = tpu.memref_squeeze %dma_wait3A_50 : memref<1x128xi32, #tpu.memory_space<vmem>> -> memref<128xi32, #tpu.memory_space<vmem>>
      %dma_wait3A_52 = arith.constant 0 : i32
      %dma_wait3A_53 = arith.constant 0 : i32
      %dma_wait3A_54 = tpu.memref_slice %arg5[%dma_wait3A_52, %dma_wait3A_53] : memref<10000x128xf32, #tpu.memory_space<hbm>> -> memref<10000x128xf32, #tpu.memory_space<hbm>>
      tpu.wait_indirect_dma semaphore(%arg13 : memref<!tpu.dma_semaphore, #tpu.memory_space<semaphore_mem>>) src(%dma_wait3A_54 : memref<10000x128xf32, #tpu.memory_space<hbm>>) dst(%arg11 : memref<128x128xf32, #tpu.memory_space<vmem>>)
      "tpu.region"() ({
        %run_scoped3A = tpu.sem_alloc : memref<!tpu.dma_semaphore, #tpu.memory_space<semaphore_mem>>
        %dma_start3A_56 = arith.constant 0 : i32
        %dma_start3A_57 = tpu.memref_slice %arg6[%multiple_of3A, %dma_start3A_56] : memref<160000x128xf32, #tpu.memory_space<hbm>> -> memref<128x128xf32, #tpu.memory_space<hbm>>
        %dma_start3A_58 = arith.constant 0 : i32
        %dma_start3A_59 = tpu.memref_slice %arg6[%multiple_of3A, %dma_start3A_58] : memref<160000x128xf32, #tpu.memory_space<hbm>> -> memref<128x128xf32, #tpu.memory_space<hbm>>
        tpu.enqueue_dma source(%arg10 : memref<128x128xf32, #tpu.memory_space<vmem>>) target(%dma_start3A_59 : memref<128x128xf32, #tpu.memory_space<hbm>>) target_semaphore(%run_scoped3A : memref<!tpu.dma_semaphore, #tpu.memory_space<semaphore_mem>>)
        %dma_wait3A_60 = arith.constant 0 : i32
        %dma_wait3A_61 = tpu.memref_slice %arg6[%multiple_of3A, %dma_wait3A_60] : memref<160000x128xf32, #tpu.memory_space<hbm>> -> memref<128x128xf32, #tpu.memory_space<hbm>>
        %dma_wait3A_62 = arith.constant 0 : i32
        %dma_wait3A_63 = tpu.memref_slice %arg6[%multiple_of3A, %dma_wait3A_62] : memref<160000x128xf32, #tpu.memory_space<hbm>> -> memref<128x128xf32, #tpu.memory_space<hbm>>
        tpu.wait_dma2 semaphore(%run_scoped3A : memref<!tpu.dma_semaphore, #tpu.memory_space<semaphore_mem>>) src(%arg10 : memref<128x128xf32, #tpu.memory_space<vmem>>) dst(%dma_wait3A_63 : memref<128x128xf32, #tpu.memory_space<hbm>>)
        tpu.yield
      }) : () -> ()
      "tpu.region"() ({
        %run_scoped3A = tpu.sem_alloc : memref<!tpu.dma_semaphore, #tpu.memory_space<semaphore_mem>>
        %dma_start3A_56 = arith.constant 0 : i32
        %dma_start3A_57 = tpu.memref_slice %arg7[%multiple_of3A, %dma_start3A_56] : memref<160000x128xf32, #tpu.memory_space<hbm>> -> memref<128x128xf32, #tpu.memory_space<hbm>>
        %dma_start3A_58 = arith.constant 0 : i32
        %dma_start3A_59 = tpu.memref_slice %arg7[%multiple_of3A, %dma_start3A_58] : memref<160000x128xf32, #tpu.memory_space<hbm>> -> memref<128x128xf32, #tpu.memory_space<hbm>>
        tpu.enqueue_dma source(%arg11 : memref<128x128xf32, #tpu.memory_space<vmem>>) target(%dma_start3A_59 : memref<128x128xf32, #tpu.memory_space<hbm>>) target_semaphore(%run_scoped3A : memref<!tpu.dma_semaphore, #tpu.memory_space<semaphore_mem>>)
        %dma_wait3A_60 = arith.constant 0 : i32
        %dma_wait3A_61 = tpu.memref_slice %arg7[%multiple_of3A, %dma_wait3A_60] : memref<160000x128xf32, #tpu.memory_space<hbm>> -> memref<128x128xf32, #tpu.memory_space<hbm>>
        %dma_wait3A_62 = arith.constant 0 : i32
        %dma_wait3A_63 = tpu.memref_slice %arg7[%multiple_of3A, %dma_wait3A_62] : memref<160000x128xf32, #tpu.memory_space<hbm>> -> memref<128x128xf32, #tpu.memory_space<hbm>>
        tpu.wait_dma2 semaphore(%run_scoped3A : memref<!tpu.dma_semaphore, #tpu.memory_space<semaphore_mem>>) src(%arg11 : memref<128x128xf32, #tpu.memory_space<vmem>>) dst(%dma_wait3A_63 : memref<128x128xf32, #tpu.memory_space<hbm>>)
        tpu.yield
      }) : () -> ()
      %while3A_55 = arith.constant 0 : i32
      scf.yield %while3A_55 : i32
    }
    return
  }
}

#map = affine_map<(d0, d1) -> (0)>
#map1 = affine_map<(d0, d1) -> (0, 0)>
#map2 = affine_map<(d0, d1) -> (0, 0, 0)>
module attributes {stable_mosaic.version = 14 : i64} {
  func.func @sc_scatter(%arg0: i32, %arg1: i32, %arg2: memref<160000xi32, #tpu.memory_space<hbm>>, %arg3: memref<160000x128xf32, #tpu.memory_space<hbm>>, %arg4: memref<632x128xf32, #tpu.memory_space<hbm>>, %arg5: memref<2x10000x128xf32, #tpu.memory_space<hbm>>, %arg6: memref<40x128xi32, #tpu.memory_space<vmem>>, %arg7: memref<128x128xf32, #tpu.memory_space<vmem>>, %arg8: memref<10000x128xf32, #tpu.memory_space<vmem_shared>>, %arg9: memref<!tpu.dma_semaphore, #tpu.memory_space<semaphore_mem>>) attributes {dimension_semantics = [#tpu.dimension_semantics<core_parallel>, #tpu.dimension_semantics<subcore_parallel>], iteration_bounds = array<i64: 2, 16>, scalar_prefetch = 0 : i64, scratch_operands = 4 : i64, tpu.core_type = #tpu.core_type<sc_vector_subcore>, window_params = [{transform_indices = #map}, {transform_indices = #map1}, {transform_indices = #map1}, {transform_indices = #map2}]} {
    %mul3A = arith.constant 2 : i32
    %mul3A_0 = arith.muli %arg1, %mul3A : i32
    %add3A = arith.addi %mul3A_0, %arg0 : i32
    %lt3A = arith.constant 2 : i32
    %lt3A_1 = arith.cmpi slt, %add3A, %lt3A : i32
    %jit3A = arith.constant 40 : i32
    %jit3A_2 = arith.constant 39 : i32
    %select_n3A = arith.select %lt3A_1, %jit3A, %jit3A_2 : i32
    %lt3A_3 = arith.constant 15 : i32
    %lt3A_4 = arith.cmpi slt, %arg1, %lt3A_3 : i32
    %convert_element_type3A = arith.extui %lt3A_4 : i1 to i32
    %cond3A = arith.constant 0 : i32
    %cond3A_5 = arith.cmpi ne, %convert_element_type3A, %cond3A : i32
    scf.if %cond3A_5 {
      %mul3A_44 = arith.constant 632 : i32
      %mul3A_45 = arith.muli %arg1, %mul3A_44 : i32
      %multiple_of3A = tpu.assume_multiple %mul3A_45, 8 : i32
      "tpu.region"() ({
        %run_scoped3A = tpu.sem_alloc : memref<!tpu.dma_semaphore, #tpu.memory_space<semaphore_mem>>
        %dma_start3A = arith.constant 0 : i32
        %dma_start3A_46 = tpu.memref_slice %arg8[%multiple_of3A, %dma_start3A] : memref<10000x128xf32, #tpu.memory_space<vmem_shared>> -> memref<632x128xf32, #tpu.memory_space<vmem_shared>>
        tpu.enqueue_dma source(%arg4 : memref<632x128xf32, #tpu.memory_space<hbm>>) target(%dma_start3A_46 : memref<632x128xf32, #tpu.memory_space<vmem_shared>>) target_semaphore(%run_scoped3A : memref<!tpu.dma_semaphore, #tpu.memory_space<semaphore_mem>>)
        %dma_wait3A = arith.constant 0 : i32
        %dma_wait3A_47 = tpu.memref_slice %arg8[%multiple_of3A, %dma_wait3A] : memref<10000x128xf32, #tpu.memory_space<vmem_shared>> -> memref<632x128xf32, #tpu.memory_space<vmem_shared>>
        tpu.wait_dma2 semaphore(%run_scoped3A : memref<!tpu.dma_semaphore, #tpu.memory_space<semaphore_mem>>) src(%arg4 : memref<632x128xf32, #tpu.memory_space<hbm>>) dst(%dma_wait3A_47 : memref<632x128xf32, #tpu.memory_space<vmem_shared>>)
        tpu.yield
      }) : () -> ()
    } else {
    }
    %eq3A = arith.constant 15 : i32
    %eq3A_6 = arith.cmpi eq, %arg1, %eq3A : i32
    %convert_element_type3A_7 = arith.extui %eq3A_6 : i1 to i32
    %cond3A_8 = arith.constant 0 : i32
    %cond3A_9 = arith.cmpi ne, %convert_element_type3A_7, %cond3A_8 : i32
    scf.if %cond3A_9 {
      "tpu.region"() ({
        %run_scoped3A = tpu.sem_alloc : memref<!tpu.dma_semaphore, #tpu.memory_space<semaphore_mem>>
        %dma_start3A = arith.constant 9480 : i32
        %dma_start3A_44 = arith.constant 0 : i32
        %dma_start3A_45 = tpu.memref_slice %arg8[%dma_start3A, %dma_start3A_44] : memref<10000x128xf32, #tpu.memory_space<vmem_shared>> -> memref<520x128xf32, #tpu.memory_space<vmem_shared>>
        %dma_start3A_46 = arith.constant 0 : i32
        %dma_start3A_47 = arith.constant 0 : i32
        %dma_start3A_48 = tpu.memref_slice %arg4[%dma_start3A_46, %dma_start3A_47] : memref<632x128xf32, #tpu.memory_space<hbm>> -> memref<520x128xf32, #tpu.memory_space<hbm>>
        tpu.enqueue_dma source(%dma_start3A_48 : memref<520x128xf32, #tpu.memory_space<hbm>>) target(%dma_start3A_45 : memref<520x128xf32, #tpu.memory_space<vmem_shared>>) target_semaphore(%run_scoped3A : memref<!tpu.dma_semaphore, #tpu.memory_space<semaphore_mem>>)
        %dma_wait3A = arith.constant 9480 : i32
        %dma_wait3A_49 = arith.constant 0 : i32
        %dma_wait3A_50 = tpu.memref_slice %arg8[%dma_wait3A, %dma_wait3A_49] : memref<10000x128xf32, #tpu.memory_space<vmem_shared>> -> memref<520x128xf32, #tpu.memory_space<vmem_shared>>
        %dma_wait3A_51 = arith.constant 0 : i32
        %dma_wait3A_52 = arith.constant 0 : i32
        %dma_wait3A_53 = tpu.memref_slice %arg4[%dma_wait3A_51, %dma_wait3A_52] : memref<632x128xf32, #tpu.memory_space<hbm>> -> memref<520x128xf32, #tpu.memory_space<hbm>>
        tpu.wait_dma2 semaphore(%run_scoped3A : memref<!tpu.dma_semaphore, #tpu.memory_space<semaphore_mem>>) src(%dma_wait3A_53 : memref<520x128xf32, #tpu.memory_space<hbm>>) dst(%dma_wait3A_50 : memref<520x128xf32, #tpu.memory_space<vmem_shared>>)
        tpu.yield
      }) : () -> ()
    } else {
    }
    %while3A = arith.constant 0 : i32
    %while3A_10 = arith.constant 0 : i32
    %while3A_11 = arith.subi %select_n3A, %while3A : i32
    %while3A_12 = arith.addi %while3A, %while3A_11 : i32
    %while3A_13 = arith.constant 1 : i32
    %while3A_14 = arith.divsi %while3A_11, %while3A_13 : i32
    %while3A_15 = arith.muli %while3A_14, %while3A_13 : i32
    %while3A_16 = arith.addi %while3A, %while3A_15 : i32
    %while3A_17 = arith.constant 1 : i32
    %while3A_18 = scf.for %while3A_44 = %while3A to %while3A_16 step %while3A_17 iter_args(%while3A_45 = %while3A_10) -> (i32)  : i32 {
      %mul3A_46 = arith.constant 32 : i32
      %mul3A_47 = arith.muli %while3A_44, %mul3A_46 : i32
      %add3A_48 = arith.addi %add3A, %mul3A_47 : i32
      %mul3A_49 = arith.constant 128 : i32
      %mul3A_50 = arith.muli %add3A_48, %mul3A_49 : i32
      %multiple_of3A = tpu.assume_multiple %mul3A_50, 128 : i32
      "tpu.region"() ({
        %run_scoped3A = tpu.sem_alloc : memref<!tpu.dma_semaphore, #tpu.memory_space<semaphore_mem>>
        %dma_start3A = arith.constant 0 : i32
        %dma_start3A_52 = tpu.memref_slice %arg6[%while3A_44, %dma_start3A] : memref<40x128xi32, #tpu.memory_space<vmem>> -> memref<1x128xi32, #tpu.memory_space<vmem>>
        %dma_start3A_53 = tpu.memref_squeeze %dma_start3A_52 : memref<1x128xi32, #tpu.memory_space<vmem>> -> memref<128xi32, #tpu.memory_space<vmem>>
        %dma_start3A_54 = tpu.memref_slice %arg2[%multiple_of3A] : memref<160000xi32, #tpu.memory_space<hbm>> -> memref<128xi32, #tpu.memory_space<hbm>>
        %dma_start3A_55 = arith.constant 0 : i32
        %dma_start3A_56 = tpu.memref_slice %arg6[%while3A_44, %dma_start3A_55] : memref<40x128xi32, #tpu.memory_space<vmem>> -> memref<1x128xi32, #tpu.memory_space<vmem>>
        %dma_start3A_57 = tpu.memref_squeeze %dma_start3A_56 : memref<1x128xi32, #tpu.memory_space<vmem>> -> memref<128xi32, #tpu.memory_space<vmem>>
        %dma_start3A_58 = tpu.memref_slice %arg2[%multiple_of3A] : memref<160000xi32, #tpu.memory_space<hbm>> -> memref<128xi32, #tpu.memory_space<hbm>>
        tpu.enqueue_dma source(%dma_start3A_58 : memref<128xi32, #tpu.memory_space<hbm>>) target(%dma_start3A_57 : memref<128xi32, #tpu.memory_space<vmem>>) target_semaphore(%run_scoped3A : memref<!tpu.dma_semaphore, #tpu.memory_space<semaphore_mem>>)
        %dma_wait3A = arith.constant 0 : i32
        %dma_wait3A_59 = tpu.memref_slice %arg6[%while3A_44, %dma_wait3A] : memref<40x128xi32, #tpu.memory_space<vmem>> -> memref<1x128xi32, #tpu.memory_space<vmem>>
        %dma_wait3A_60 = tpu.memref_squeeze %dma_wait3A_59 : memref<1x128xi32, #tpu.memory_space<vmem>> -> memref<128xi32, #tpu.memory_space<vmem>>
        %dma_wait3A_61 = tpu.memref_slice %arg2[%multiple_of3A] : memref<160000xi32, #tpu.memory_space<hbm>> -> memref<128xi32, #tpu.memory_space<hbm>>
        %dma_wait3A_62 = arith.constant 0 : i32
        %dma_wait3A_63 = tpu.memref_slice %arg6[%while3A_44, %dma_wait3A_62] : memref<40x128xi32, #tpu.memory_space<vmem>> -> memref<1x128xi32, #tpu.memory_space<vmem>>
        %dma_wait3A_64 = tpu.memref_squeeze %dma_wait3A_63 : memref<1x128xi32, #tpu.memory_space<vmem>> -> memref<128xi32, #tpu.memory_space<vmem>>
        %dma_wait3A_65 = tpu.memref_slice %arg2[%multiple_of3A] : memref<160000xi32, #tpu.memory_space<hbm>> -> memref<128xi32, #tpu.memory_space<hbm>>
        tpu.wait_dma2 semaphore(%run_scoped3A : memref<!tpu.dma_semaphore, #tpu.memory_space<semaphore_mem>>) src(%dma_wait3A_65 : memref<128xi32, #tpu.memory_space<hbm>>) dst(%dma_wait3A_64 : memref<128xi32, #tpu.memory_space<vmem>>)
        tpu.yield
      }) : () -> ()
      %while3A_51 = arith.constant 0 : i32
      scf.yield %while3A_51 : i32
    }
    %while3A_19 = arith.constant 1 : i32
    %while3A_20 = scf.for %while3A_44 = %while3A_16 to %while3A_12 step %while3A_19 iter_args(%while3A_45 = %while3A_18) -> (i32)  : i32 {
      %mul3A_46 = arith.constant 32 : i32
      %mul3A_47 = arith.muli %while3A_44, %mul3A_46 : i32
      %add3A_48 = arith.addi %add3A, %mul3A_47 : i32
      %mul3A_49 = arith.constant 128 : i32
      %mul3A_50 = arith.muli %add3A_48, %mul3A_49 : i32
      %multiple_of3A = tpu.assume_multiple %mul3A_50, 128 : i32
      "tpu.region"() ({
        %run_scoped3A = tpu.sem_alloc : memref<!tpu.dma_semaphore, #tpu.memory_space<semaphore_mem>>
        %dma_start3A = arith.constant 0 : i32
        %dma_start3A_52 = tpu.memref_slice %arg6[%while3A_44, %dma_start3A] : memref<40x128xi32, #tpu.memory_space<vmem>> -> memref<1x128xi32, #tpu.memory_space<vmem>>
        %dma_start3A_53 = tpu.memref_squeeze %dma_start3A_52 : memref<1x128xi32, #tpu.memory_space<vmem>> -> memref<128xi32, #tpu.memory_space<vmem>>
        %dma_start3A_54 = tpu.memref_slice %arg2[%multiple_of3A] : memref<160000xi32, #tpu.memory_space<hbm>> -> memref<128xi32, #tpu.memory_space<hbm>>
        %dma_start3A_55 = arith.constant 0 : i32
        %dma_start3A_56 = tpu.memref_slice %arg6[%while3A_44, %dma_start3A_55] : memref<40x128xi32, #tpu.memory_space<vmem>> -> memref<1x128xi32, #tpu.memory_space<vmem>>
        %dma_start3A_57 = tpu.memref_squeeze %dma_start3A_56 : memref<1x128xi32, #tpu.memory_space<vmem>> -> memref<128xi32, #tpu.memory_space<vmem>>
        %dma_start3A_58 = tpu.memref_slice %arg2[%multiple_of3A] : memref<160000xi32, #tpu.memory_space<hbm>> -> memref<128xi32, #tpu.memory_space<hbm>>
        tpu.enqueue_dma source(%dma_start3A_58 : memref<128xi32, #tpu.memory_space<hbm>>) target(%dma_start3A_57 : memref<128xi32, #tpu.memory_space<vmem>>) target_semaphore(%run_scoped3A : memref<!tpu.dma_semaphore, #tpu.memory_space<semaphore_mem>>)
        %dma_wait3A = arith.constant 0 : i32
        %dma_wait3A_59 = tpu.memref_slice %arg6[%while3A_44, %dma_wait3A] : memref<40x128xi32, #tpu.memory_space<vmem>> -> memref<1x128xi32, #tpu.memory_space<vmem>>
        %dma_wait3A_60 = tpu.memref_squeeze %dma_wait3A_59 : memref<1x128xi32, #tpu.memory_space<vmem>> -> memref<128xi32, #tpu.memory_space<vmem>>
        %dma_wait3A_61 = tpu.memref_slice %arg2[%multiple_of3A] : memref<160000xi32, #tpu.memory_space<hbm>> -> memref<128xi32, #tpu.memory_space<hbm>>
        %dma_wait3A_62 = arith.constant 0 : i32
        %dma_wait3A_63 = tpu.memref_slice %arg6[%while3A_44, %dma_wait3A_62] : memref<40x128xi32, #tpu.memory_space<vmem>> -> memref<1x128xi32, #tpu.memory_space<vmem>>
        %dma_wait3A_64 = tpu.memref_squeeze %dma_wait3A_63 : memref<1x128xi32, #tpu.memory_space<vmem>> -> memref<128xi32, #tpu.memory_space<vmem>>
        %dma_wait3A_65 = tpu.memref_slice %arg2[%multiple_of3A] : memref<160000xi32, #tpu.memory_space<hbm>> -> memref<128xi32, #tpu.memory_space<hbm>>
        tpu.wait_dma2 semaphore(%run_scoped3A : memref<!tpu.dma_semaphore, #tpu.memory_space<semaphore_mem>>) src(%dma_wait3A_65 : memref<128xi32, #tpu.memory_space<hbm>>) dst(%dma_wait3A_64 : memref<128xi32, #tpu.memory_space<vmem>>)
        tpu.yield
      }) : () -> ()
      %while3A_51 = arith.constant 0 : i32
      scf.yield %while3A_51 : i32
    }
    %barrier3A = arith.constant 0 : index
    tpu.barrier barrier_id(%barrier3A)
    %while3A_21 = arith.constant 0 : i32
    %while3A_22 = arith.constant 0 : i32
    %while3A_23 = arith.subi %select_n3A, %while3A_21 : i32
    %while3A_24 = arith.addi %while3A_21, %while3A_23 : i32
    %while3A_25 = arith.constant 1 : i32
    %while3A_26 = arith.divsi %while3A_23, %while3A_25 : i32
    %while3A_27 = arith.muli %while3A_26, %while3A_25 : i32
    %while3A_28 = arith.addi %while3A_21, %while3A_27 : i32
    %while3A_29 = arith.constant 1 : i32
    %while3A_30 = scf.for %while3A_44 = %while3A_21 to %while3A_28 step %while3A_29 iter_args(%while3A_45 = %while3A_22) -> (i32)  : i32 {
      %mul3A_46 = arith.constant 32 : i32
      %mul3A_47 = arith.muli %while3A_44, %mul3A_46 : i32
      %add3A_48 = arith.addi %add3A, %mul3A_47 : i32
      %mul3A_49 = arith.constant 128 : i32
      %mul3A_50 = arith.muli %add3A_48, %mul3A_49 : i32
      %multiple_of3A = tpu.assume_multiple %mul3A_50, 128 : i32
      %dma_start3A = arith.constant 0 : i32
      %dma_start3A_51 = tpu.memref_slice %arg3[%multiple_of3A, %dma_start3A] : memref<160000x128xf32, #tpu.memory_space<hbm>> -> memref<128x128xf32, #tpu.memory_space<hbm>>
      %dma_start3A_52 = arith.constant 0 : i32
      %dma_start3A_53 = tpu.memref_slice %arg3[%multiple_of3A, %dma_start3A_52] : memref<160000x128xf32, #tpu.memory_space<hbm>> -> memref<128x128xf32, #tpu.memory_space<hbm>>
      tpu.enqueue_dma source(%dma_start3A_53 : memref<128x128xf32, #tpu.memory_space<hbm>>) target(%arg7 : memref<128x128xf32, #tpu.memory_space<vmem>>) target_semaphore(%arg9 : memref<!tpu.dma_semaphore, #tpu.memory_space<semaphore_mem>>)
      %dma_wait3A = arith.constant 0 : i32
      %dma_wait3A_54 = tpu.memref_slice %arg3[%multiple_of3A, %dma_wait3A] : memref<160000x128xf32, #tpu.memory_space<hbm>> -> memref<128x128xf32, #tpu.memory_space<hbm>>
      %dma_wait3A_55 = arith.constant 0 : i32
      %dma_wait3A_56 = tpu.memref_slice %arg3[%multiple_of3A, %dma_wait3A_55] : memref<160000x128xf32, #tpu.memory_space<hbm>> -> memref<128x128xf32, #tpu.memory_space<hbm>>
      tpu.wait_dma2 semaphore(%arg9 : memref<!tpu.dma_semaphore, #tpu.memory_space<semaphore_mem>>) src(%dma_wait3A_56 : memref<128x128xf32, #tpu.memory_space<hbm>>) dst(%arg7 : memref<128x128xf32, #tpu.memory_space<vmem>>)
      "tpu.region"() ({
        %run_scoped3A = tpu.sem_alloc : memref<!tpu.dma_semaphore, #tpu.memory_space<semaphore_mem>>
        %dma_start3A_58 = arith.constant 0 : i32
        %dma_start3A_59 = tpu.memref_slice %arg6[%while3A_44, %dma_start3A_58] : memref<40x128xi32, #tpu.memory_space<vmem>> -> memref<1x128xi32, #tpu.memory_space<vmem>>
        %dma_start3A_60 = tpu.memref_squeeze %dma_start3A_59 : memref<1x128xi32, #tpu.memory_space<vmem>> -> memref<128xi32, #tpu.memory_space<vmem>>
        %dma_start3A_61 = arith.constant 0 : i32
        %dma_start3A_62 = arith.constant 0 : i32
        %dma_start3A_63 = tpu.memref_slice %arg8[%dma_start3A_61, %dma_start3A_62] : memref<10000x128xf32, #tpu.memory_space<vmem_shared>> -> memref<10000x128xf32, #tpu.memory_space<vmem_shared>>
        tpu.enqueue_indirect_dma source(%arg7 : memref<128x128xf32, #tpu.memory_space<vmem>>) target(%dma_start3A_63 : memref<10000x128xf32, #tpu.memory_space<vmem_shared>>) offsets(%dma_start3A_60 : memref<128xi32, #tpu.memory_space<vmem>>) semaphore(%run_scoped3A : memref<!tpu.dma_semaphore, #tpu.memory_space<semaphore_mem>>) {add = true}
        %dma_wait3A_64 = arith.constant 0 : i32
        %dma_wait3A_65 = tpu.memref_slice %arg6[%while3A_44, %dma_wait3A_64] : memref<40x128xi32, #tpu.memory_space<vmem>> -> memref<1x128xi32, #tpu.memory_space<vmem>>
        %dma_wait3A_66 = tpu.memref_squeeze %dma_wait3A_65 : memref<1x128xi32, #tpu.memory_space<vmem>> -> memref<128xi32, #tpu.memory_space<vmem>>
        %dma_wait3A_67 = arith.constant 0 : i32
        %dma_wait3A_68 = arith.constant 0 : i32
        %dma_wait3A_69 = tpu.memref_slice %arg8[%dma_wait3A_67, %dma_wait3A_68] : memref<10000x128xf32, #tpu.memory_space<vmem_shared>> -> memref<10000x128xf32, #tpu.memory_space<vmem_shared>>
        tpu.wait_indirect_dma semaphore(%run_scoped3A : memref<!tpu.dma_semaphore, #tpu.memory_space<semaphore_mem>>) src(%arg7 : memref<128x128xf32, #tpu.memory_space<vmem>>) dst(%dma_wait3A_69 : memref<10000x128xf32, #tpu.memory_space<vmem_shared>>)
        tpu.yield
      }) : () -> ()
      %while3A_57 = arith.constant 0 : i32
      scf.yield %while3A_57 : i32
    }
    %while3A_31 = arith.constant 1 : i32
    %while3A_32 = scf.for %while3A_44 = %while3A_28 to %while3A_24 step %while3A_31 iter_args(%while3A_45 = %while3A_30) -> (i32)  : i32 {
      %mul3A_46 = arith.constant 32 : i32
      %mul3A_47 = arith.muli %while3A_44, %mul3A_46 : i32
      %add3A_48 = arith.addi %add3A, %mul3A_47 : i32
      %mul3A_49 = arith.constant 128 : i32
      %mul3A_50 = arith.muli %add3A_48, %mul3A_49 : i32
      %multiple_of3A = tpu.assume_multiple %mul3A_50, 128 : i32
      %dma_start3A = arith.constant 0 : i32
      %dma_start3A_51 = tpu.memref_slice %arg3[%multiple_of3A, %dma_start3A] : memref<160000x128xf32, #tpu.memory_space<hbm>> -> memref<128x128xf32, #tpu.memory_space<hbm>>
      %dma_start3A_52 = arith.constant 0 : i32
      %dma_start3A_53 = tpu.memref_slice %arg3[%multiple_of3A, %dma_start3A_52] : memref<160000x128xf32, #tpu.memory_space<hbm>> -> memref<128x128xf32, #tpu.memory_space<hbm>>
      tpu.enqueue_dma source(%dma_start3A_53 : memref<128x128xf32, #tpu.memory_space<hbm>>) target(%arg7 : memref<128x128xf32, #tpu.memory_space<vmem>>) target_semaphore(%arg9 : memref<!tpu.dma_semaphore, #tpu.memory_space<semaphore_mem>>)
      %dma_wait3A = arith.constant 0 : i32
      %dma_wait3A_54 = tpu.memref_slice %arg3[%multiple_of3A, %dma_wait3A] : memref<160000x128xf32, #tpu.memory_space<hbm>> -> memref<128x128xf32, #tpu.memory_space<hbm>>
      %dma_wait3A_55 = arith.constant 0 : i32
      %dma_wait3A_56 = tpu.memref_slice %arg3[%multiple_of3A, %dma_wait3A_55] : memref<160000x128xf32, #tpu.memory_space<hbm>> -> memref<128x128xf32, #tpu.memory_space<hbm>>
      tpu.wait_dma2 semaphore(%arg9 : memref<!tpu.dma_semaphore, #tpu.memory_space<semaphore_mem>>) src(%dma_wait3A_56 : memref<128x128xf32, #tpu.memory_space<hbm>>) dst(%arg7 : memref<128x128xf32, #tpu.memory_space<vmem>>)
      "tpu.region"() ({
        %run_scoped3A = tpu.sem_alloc : memref<!tpu.dma_semaphore, #tpu.memory_space<semaphore_mem>>
        %dma_start3A_58 = arith.constant 0 : i32
        %dma_start3A_59 = tpu.memref_slice %arg6[%while3A_44, %dma_start3A_58] : memref<40x128xi32, #tpu.memory_space<vmem>> -> memref<1x128xi32, #tpu.memory_space<vmem>>
        %dma_start3A_60 = tpu.memref_squeeze %dma_start3A_59 : memref<1x128xi32, #tpu.memory_space<vmem>> -> memref<128xi32, #tpu.memory_space<vmem>>
        %dma_start3A_61 = arith.constant 0 : i32
        %dma_start3A_62 = arith.constant 0 : i32
        %dma_start3A_63 = tpu.memref_slice %arg8[%dma_start3A_61, %dma_start3A_62] : memref<10000x128xf32, #tpu.memory_space<vmem_shared>> -> memref<10000x128xf32, #tpu.memory_space<vmem_shared>>
        tpu.enqueue_indirect_dma source(%arg7 : memref<128x128xf32, #tpu.memory_space<vmem>>) target(%dma_start3A_63 : memref<10000x128xf32, #tpu.memory_space<vmem_shared>>) offsets(%dma_start3A_60 : memref<128xi32, #tpu.memory_space<vmem>>) semaphore(%run_scoped3A : memref<!tpu.dma_semaphore, #tpu.memory_space<semaphore_mem>>) {add = true}
        %dma_wait3A_64 = arith.constant 0 : i32
        %dma_wait3A_65 = tpu.memref_slice %arg6[%while3A_44, %dma_wait3A_64] : memref<40x128xi32, #tpu.memory_space<vmem>> -> memref<1x128xi32, #tpu.memory_space<vmem>>
        %dma_wait3A_66 = tpu.memref_squeeze %dma_wait3A_65 : memref<1x128xi32, #tpu.memory_space<vmem>> -> memref<128xi32, #tpu.memory_space<vmem>>
        %dma_wait3A_67 = arith.constant 0 : i32
        %dma_wait3A_68 = arith.constant 0 : i32
        %dma_wait3A_69 = tpu.memref_slice %arg8[%dma_wait3A_67, %dma_wait3A_68] : memref<10000x128xf32, #tpu.memory_space<vmem_shared>> -> memref<10000x128xf32, #tpu.memory_space<vmem_shared>>
        tpu.wait_indirect_dma semaphore(%run_scoped3A : memref<!tpu.dma_semaphore, #tpu.memory_space<semaphore_mem>>) src(%arg7 : memref<128x128xf32, #tpu.memory_space<vmem>>) dst(%dma_wait3A_69 : memref<10000x128xf32, #tpu.memory_space<vmem_shared>>)
        tpu.yield
      }) : () -> ()
      %while3A_57 = arith.constant 0 : i32
      scf.yield %while3A_57 : i32
    }
    %barrier3A_33 = arith.constant 0 : index
    tpu.barrier barrier_id(%barrier3A_33)
    %lt3A_34 = arith.constant 15 : i32
    %lt3A_35 = arith.cmpi slt, %arg1, %lt3A_34 : i32
    %convert_element_type3A_36 = arith.extui %lt3A_35 : i1 to i32
    %cond3A_37 = arith.constant 0 : i32
    %cond3A_38 = arith.cmpi ne, %convert_element_type3A_36, %cond3A_37 : i32
    scf.if %cond3A_38 {
      %mul3A_44 = arith.constant 632 : i32
      %mul3A_45 = arith.muli %arg1, %mul3A_44 : i32
      %multiple_of3A = tpu.assume_multiple %mul3A_45, 8 : i32
      %mul3A_46 = arith.constant 632 : i32
      %mul3A_47 = arith.muli %arg1, %mul3A_46 : i32
      %multiple_of3A_48 = tpu.assume_multiple %mul3A_47, 8 : i32
      "tpu.region"() ({
        %run_scoped3A = tpu.sem_alloc : memref<!tpu.dma_semaphore, #tpu.memory_space<semaphore_mem>>
        %dma_start3A = arith.constant 0 : i32
        %dma_start3A_49 = tpu.memref_slice %arg5[%arg0, %multiple_of3A_48, %dma_start3A] : memref<2x10000x128xf32, #tpu.memory_space<hbm>> -> memref<1x632x128xf32, #tpu.memory_space<hbm>>
        %dma_start3A_50 = tpu.memref_squeeze %dma_start3A_49 : memref<1x632x128xf32, #tpu.memory_space<hbm>> -> memref<632x128xf32, #tpu.memory_space<hbm>>
        %dma_start3A_51 = arith.constant 0 : i32
        %dma_start3A_52 = tpu.memref_slice %arg8[%multiple_of3A, %dma_start3A_51] : memref<10000x128xf32, #tpu.memory_space<vmem_shared>> -> memref<632x128xf32, #tpu.memory_space<vmem_shared>>
        tpu.enqueue_dma source(%dma_start3A_52 : memref<632x128xf32, #tpu.memory_space<vmem_shared>>) target(%dma_start3A_50 : memref<632x128xf32, #tpu.memory_space<hbm>>) target_semaphore(%run_scoped3A : memref<!tpu.dma_semaphore, #tpu.memory_space<semaphore_mem>>)
        %dma_wait3A = arith.constant 0 : i32
        %dma_wait3A_53 = tpu.memref_slice %arg5[%arg0, %multiple_of3A_48, %dma_wait3A] : memref<2x10000x128xf32, #tpu.memory_space<hbm>> -> memref<1x632x128xf32, #tpu.memory_space<hbm>>
        %dma_wait3A_54 = tpu.memref_squeeze %dma_wait3A_53 : memref<1x632x128xf32, #tpu.memory_space<hbm>> -> memref<632x128xf32, #tpu.memory_space<hbm>>
        %dma_wait3A_55 = arith.constant 0 : i32
        %dma_wait3A_56 = tpu.memref_slice %arg8[%multiple_of3A, %dma_wait3A_55] : memref<10000x128xf32, #tpu.memory_space<vmem_shared>> -> memref<632x128xf32, #tpu.memory_space<vmem_shared>>
        tpu.wait_dma2 semaphore(%run_scoped3A : memref<!tpu.dma_semaphore, #tpu.memory_space<semaphore_mem>>) src(%dma_wait3A_56 : memref<632x128xf32, #tpu.memory_space<vmem_shared>>) dst(%dma_wait3A_54 : memref<632x128xf32, #tpu.memory_space<hbm>>)
        tpu.yield
      }) : () -> ()
    } else {
    }
    %eq3A_39 = arith.constant 15 : i32
    %eq3A_40 = arith.cmpi eq, %arg1, %eq3A_39 : i32
    %convert_element_type3A_41 = arith.extui %eq3A_40 : i1 to i32
    %cond3A_42 = arith.constant 0 : i32
    %cond3A_43 = arith.cmpi ne, %convert_element_type3A_41, %cond3A_42 : i32
    scf.if %cond3A_43 {
      "tpu.region"() ({
        %run_scoped3A = tpu.sem_alloc : memref<!tpu.dma_semaphore, #tpu.memory_space<semaphore_mem>>
        %dma_start3A = arith.constant 9480 : i32
        %dma_start3A_44 = arith.constant 0 : i32
        %dma_start3A_45 = tpu.memref_slice %arg5[%arg0, %dma_start3A, %dma_start3A_44] : memref<2x10000x128xf32, #tpu.memory_space<hbm>> -> memref<1x520x128xf32, #tpu.memory_space<hbm>>
        %dma_start3A_46 = tpu.memref_squeeze %dma_start3A_45 : memref<1x520x128xf32, #tpu.memory_space<hbm>> -> memref<520x128xf32, #tpu.memory_space<hbm>>
        %dma_start3A_47 = arith.constant 9480 : i32
        %dma_start3A_48 = arith.constant 0 : i32
        %dma_start3A_49 = tpu.memref_slice %arg8[%dma_start3A_47, %dma_start3A_48] : memref<10000x128xf32, #tpu.memory_space<vmem_shared>> -> memref<520x128xf32, #tpu.memory_space<vmem_shared>>
        tpu.enqueue_dma source(%dma_start3A_49 : memref<520x128xf32, #tpu.memory_space<vmem_shared>>) target(%dma_start3A_46 : memref<520x128xf32, #tpu.memory_space<hbm>>) target_semaphore(%run_scoped3A : memref<!tpu.dma_semaphore, #tpu.memory_space<semaphore_mem>>)
        %dma_wait3A = arith.constant 9480 : i32
        %dma_wait3A_50 = arith.constant 0 : i32
        %dma_wait3A_51 = tpu.memref_slice %arg5[%arg0, %dma_wait3A, %dma_wait3A_50] : memref<2x10000x128xf32, #tpu.memory_space<hbm>> -> memref<1x520x128xf32, #tpu.memory_space<hbm>>
        %dma_wait3A_52 = tpu.memref_squeeze %dma_wait3A_51 : memref<1x520x128xf32, #tpu.memory_space<hbm>> -> memref<520x128xf32, #tpu.memory_space<hbm>>
        %dma_wait3A_53 = arith.constant 9480 : i32
        %dma_wait3A_54 = arith.constant 0 : i32
        %dma_wait3A_55 = tpu.memref_slice %arg8[%dma_wait3A_53, %dma_wait3A_54] : memref<10000x128xf32, #tpu.memory_space<vmem_shared>> -> memref<520x128xf32, #tpu.memory_space<vmem_shared>>
        tpu.wait_dma2 semaphore(%run_scoped3A : memref<!tpu.dma_semaphore, #tpu.memory_space<semaphore_mem>>) src(%dma_wait3A_55 : memref<520x128xf32, #tpu.memory_space<vmem_shared>>) dst(%dma_wait3A_52 : memref<520x128xf32, #tpu.memory_space<hbm>>)
        tpu.yield
      }) : () -> ()
    } else {
    }
    return
  }
}

module attributes {stable_mosaic.version = 14 : i64} {
  func.func @_enc_node_body(%arg0: i32, %arg1: memref<1000x128xf32, #tpu.memory_space<vmem>>, %arg2: memref<128x128xf32, #tpu.memory_space<vmem>>, %arg3: memref<1x128xf32, #tpu.memory_space<vmem>>, %arg4: memref<128x128xf32, #tpu.memory_space<vmem>>, %arg5: memref<1x128xf32, #tpu.memory_space<vmem>>, %arg6: memref<1x128xf32, #tpu.memory_space<vmem>>, %arg7: memref<1x128xf32, #tpu.memory_space<vmem>>, %arg8: memref<1000x128xf32, #tpu.memory_space<vmem>>) attributes {dimension_semantics = [#tpu.dimension_semantics<arbitrary>], iteration_bounds = array<i64: 10>, scalar_prefetch = 0 : i64, scratch_operands = 0 : i64, tpu.core_type = #tpu.core_type<tc>, window_params = [{transform_indices = @transform_0, window_bounds = array<i64: 1000, 128>}, {pipeline_mode = #tpu.pipeline_mode<synchronous>, transform_indices = @transform_1, window_bounds = array<i64: 128, 128>}, {pipeline_mode = #tpu.pipeline_mode<synchronous>, transform_indices = @transform_2, window_bounds = array<i64: 1, 128>}, {pipeline_mode = #tpu.pipeline_mode<synchronous>, transform_indices = @transform_3, window_bounds = array<i64: 128, 128>}, {pipeline_mode = #tpu.pipeline_mode<synchronous>, transform_indices = @transform_4, window_bounds = array<i64: 1, 128>}, {pipeline_mode = #tpu.pipeline_mode<synchronous>, transform_indices = @transform_5, window_bounds = array<i64: 1, 128>}, {pipeline_mode = #tpu.pipeline_mode<synchronous>, transform_indices = @transform_6, window_bounds = array<i64: 1, 128>}, {transform_indices = @transform_7, window_bounds = array<i64: 1000, 128>}]} {
    %get3A = arith.constant 0 : index
    %get3A_0 = arith.constant 0 : index
    %get3A_1 = vector.load %arg1[%get3A, %get3A_0] : memref<1000x128xf32, #tpu.memory_space<vmem>>, vector<1000x128xf32>
    %get3A_2 = arith.constant 0 : index
    %get3A_3 = arith.constant 0 : index
    %get3A_4 = vector.load %arg2[%get3A_2, %get3A_3] : memref<128x128xf32, #tpu.memory_space<vmem>>, vector<128x128xf32>
    %dot_general3A = arith.constant dense<0.000000e+00> : vector<1000x128xf32>
    %dot_general3A_5 = tpu.matmul %get3A_1, %get3A_4, %dot_general3A {dimension_numbers = #tpu.dot_dimension_numbers<[1], [0], [0], [1], [0, 0, 1, 1], [], []>, transpose_lhs_hint = false} : vector<1000x128xf32>, vector<128x128xf32>, vector<1000x128xf32> -> vector<1000x128xf32>
    %get3A_6 = arith.constant 0 : index
    %get3A_7 = arith.constant 0 : index
    %get3A_8 = vector.load %arg3[%get3A_6, %get3A_7] : memref<1x128xf32, #tpu.memory_space<vmem>>, vector<1x128xf32>
    %add3A = vector.broadcast %get3A_8 : vector<1x128xf32> to vector<1000x128xf32>
    %add3A_9 = arith.addf %dot_general3A_5, %add3A : vector<1000x128xf32>
    %max3A = arith.constant 0.000000e+00 : f32
    %max3A_10 = vector.broadcast %max3A : f32 to vector<1000x128xf32>
    %max3A_11 = arith.maximumf %add3A_9, %max3A_10 : vector<1000x128xf32>
    %get3A_12 = arith.constant 0 : index
    %get3A_13 = arith.constant 0 : index
    %get3A_14 = vector.load %arg4[%get3A_12, %get3A_13] : memref<128x128xf32, #tpu.memory_space<vmem>>, vector<128x128xf32>
    %bitcast_convert_type3A = tpu.bitcast %max3A_11 : vector<1000x128xf32> -> vector<1000x128xi32>
    %add3A_15 = arith.constant 32767 : i32
    %add3A_16 = vector.broadcast %add3A_15 : i32 to vector<1000x128xi32>
    %add3A_17 = arith.addi %bitcast_convert_type3A, %add3A_16 : vector<1000x128xi32>
    %shift_right_logical3A = arith.constant 16 : i32
    %shift_right_logical3A_18 = vector.broadcast %shift_right_logical3A : i32 to vector<1000x128xi32>
    %shift_right_logical3A_19 = arith.shrui %bitcast_convert_type3A, %shift_right_logical3A_18 : vector<1000x128xi32>
    %and3A = arith.constant 1 : i32
    %and3A_20 = vector.broadcast %and3A : i32 to vector<1000x128xi32>
    %and3A_21 = arith.andi %shift_right_logical3A_19, %and3A_20 : vector<1000x128xi32>
    %add3A_22 = arith.addi %add3A_17, %and3A_21 : vector<1000x128xi32>
    %and3A_23 = arith.constant -65536 : i32
    %and3A_24 = vector.broadcast %and3A_23 : i32 to vector<1000x128xi32>
    %and3A_25 = arith.andi %add3A_22, %and3A_24 : vector<1000x128xi32>
    %bitcast_convert_type3A_26 = tpu.bitcast %and3A_25 : vector<1000x128xi32> -> vector<1000x128xf32>
    %dot_general3A_27 = arith.constant dense<0.000000e+00> : vector<1000x128xf32>
    %dot_general3A_28 = tpu.matmul %bitcast_convert_type3A_26, %get3A_14, %dot_general3A_27 {dimension_numbers = #tpu.dot_dimension_numbers<[1], [0], [0], [1], [0, 0, 1, 1], [], []>, transpose_lhs_hint = false} : vector<1000x128xf32>, vector<128x128xf32>, vector<1000x128xf32> -> vector<1000x128xf32>
    %get3A_29 = arith.constant 0 : index
    %get3A_30 = arith.constant 0 : index
    %get3A_31 = vector.load %arg5[%get3A_29, %get3A_30] : memref<1x128xf32, #tpu.memory_space<vmem>>, vector<1x128xf32>
    %add3A_32 = vector.broadcast %get3A_31 : vector<1x128xf32> to vector<1000x128xf32>
    %add3A_33 = arith.addf %dot_general3A_28, %add3A_32 : vector<1000x128xf32>
    %max3A_34 = arith.constant 0.000000e+00 : f32
    %max3A_35 = vector.broadcast %max3A_34 : f32 to vector<1000x128xf32>
    %max3A_36 = arith.maximumf %add3A_33, %max3A_35 : vector<1000x128xf32>
    %get3A_37 = arith.constant 0 : index
    %get3A_38 = arith.constant 0 : index
    %get3A_39 = vector.load %arg6[%get3A_37, %get3A_38] : memref<1x128xf32, #tpu.memory_space<vmem>>, vector<1x128xf32>
    %get3A_40 = arith.constant 0 : index
    %get3A_41 = arith.constant 0 : index
    %get3A_42 = vector.load %arg7[%get3A_40, %get3A_41] : memref<1x128xf32, #tpu.memory_space<vmem>>, vector<1x128xf32>
    %reduce_sum3A = arith.constant dense<0.000000e+00> : vector<1000xf32>
    %reduce_sum3A_43 = vector.multi_reduction <add>, %max3A_36, %reduce_sum3A [1] : vector<1000x128xf32> to vector<1000xf32>
    %broadcast_in_dim3A = vector.shape_cast %reduce_sum3A_43 : vector<1000xf32> to vector<1000x1xf32>
    %div3A = arith.constant 1.280000e+02 : f32
    %div3A_44 = vector.broadcast %div3A : f32 to vector<1000x1xf32>
    %div3A_45 = arith.divf %broadcast_in_dim3A, %div3A_44 : vector<1000x1xf32>
    %jit3A = arith.constant 0 : i32
    %reduce_sum3A_46 = arith.constant dense<0.000000e+00> : vector<1000xf32>
    %reduce_sum3A_47 = vector.multi_reduction <add>, %max3A_36, %reduce_sum3A_46 [1] : vector<1000x128xf32> to vector<1000xf32>
    %broadcast_in_dim3A_48 = vector.shape_cast %reduce_sum3A_47 : vector<1000xf32> to vector<1000x1xf32>
    %div3A_49 = arith.constant 1.280000e+02 : f32
    %div3A_50 = vector.broadcast %div3A_49 : f32 to vector<1000x1xf32>
    %div3A_51 = arith.divf %broadcast_in_dim3A_48, %div3A_50 : vector<1000x1xf32>
    %sub3A = vector.broadcast %div3A_51 : vector<1000x1xf32> to vector<1000x128xf32>
    %sub3A_52 = arith.subf %max3A_36, %sub3A : vector<1000x128xf32>
    %square3A = arith.mulf %sub3A_52, %sub3A_52 : vector<1000x128xf32>
    %convert_element_type3A = arith.sitofp %jit3A : i32 to f32
    %sub3A_53 = arith.constant 1.280000e+02 : f32
    %sub3A_54 = arith.subf %sub3A_53, %convert_element_type3A : f32
    %reduce_sum3A_55 = arith.constant dense<0.000000e+00> : vector<1000xf32>
    %reduce_sum3A_56 = vector.multi_reduction <add>, %square3A, %reduce_sum3A_55 [1] : vector<1000x128xf32> to vector<1000xf32>
    %broadcast_in_dim3A_57 = vector.shape_cast %reduce_sum3A_56 : vector<1000xf32> to vector<1000x1xf32>
    %div3A_58 = vector.broadcast %sub3A_54 : f32 to vector<1000x1xf32>
    %div3A_59 = arith.divf %broadcast_in_dim3A_57, %div3A_58 : vector<1000x1xf32>
    %gt3A = arith.constant 0.000000e+00 : f32
    %gt3A_60 = arith.cmpf ogt, %sub3A_54, %gt3A : f32
    %jit3A_61 = arith.constant 0x7FC00000 : f32
    %broadcast_in_dim3A_62 = vector.broadcast %jit3A_61 : f32 to vector<1000x1xf32>
    %select_n3A = arith.select %gt3A_60, %div3A_59, %broadcast_in_dim3A_62 : vector<1000x1xf32>
    %sub3A_63 = vector.broadcast %div3A_45 : vector<1000x1xf32> to vector<1000x128xf32>
    %sub3A_64 = arith.subf %max3A_36, %sub3A_63 : vector<1000x128xf32>
    %add3A_65 = arith.constant 9.99999974E-6 : f32
    %add3A_66 = vector.broadcast %add3A_65 : f32 to vector<1000x1xf32>
    %add3A_67 = arith.addf %select_n3A, %add3A_66 : vector<1000x1xf32>
    %sqrt3A = math.sqrt %add3A_67 : vector<1000x1xf32>
    %div3A_68 = vector.broadcast %sqrt3A : vector<1000x1xf32> to vector<1000x128xf32>
    %div3A_69 = arith.divf %sub3A_64, %div3A_68 : vector<1000x128xf32>
    %mul3A = vector.broadcast %get3A_39 : vector<1x128xf32> to vector<1000x128xf32>
    %mul3A_70 = arith.mulf %div3A_69, %mul3A : vector<1000x128xf32>
    %add3A_71 = vector.broadcast %get3A_42 : vector<1x128xf32> to vector<1000x128xf32>
    %add3A_72 = arith.addf %mul3A_70, %add3A_71 : vector<1000x128xf32>
    %swap3A = arith.constant 0 : index
    %swap3A_73 = arith.constant 0 : index
    %swap3A_74 = vector.load %arg8[%swap3A, %swap3A_73] : memref<1000x128xf32, #tpu.memory_space<vmem>>, vector<1000x128xf32>
    tpu.vector_store %arg8[%swap3A, %swap3A_73], %add3A_72 {strides = array<i32>} : memref<1000x128xf32, #tpu.memory_space<vmem>>, vector<1000x128xf32>,
    return
  }
  func.func @transform_0(%arg0: i32) -> (i32, i32) {
    %c0_i32 = arith.constant 0 : i32
    %c0_i32_0 = arith.constant 0 : i32
    return %arg0, %c0_i32 : i32, i32
  }
  func.func @transform_1(%arg0: i32) -> (i32, i32) {
    %c0_i32 = arith.constant 0 : i32
    %c0_i32_0 = arith.constant 0 : i32
    %c0_i32_1 = arith.constant 0 : i32
    return %c0_i32, %c0_i32_0 : i32, i32
  }
  func.func @transform_2(%arg0: i32) -> (i32, i32) {
    %c0_i32 = arith.constant 0 : i32
    %c0_i32_0 = arith.constant 0 : i32
    %c0_i32_1 = arith.constant 0 : i32
    return %c0_i32, %c0_i32_0 : i32, i32
  }
  func.func @transform_3(%arg0: i32) -> (i32, i32) {
    %c0_i32 = arith.constant 0 : i32
    %c0_i32_0 = arith.constant 0 : i32
    %c0_i32_1 = arith.constant 0 : i32
    return %c0_i32, %c0_i32_0 : i32, i32
  }
  func.func @transform_4(%arg0: i32) -> (i32, i32) {
    %c0_i32 = arith.constant 0 : i32
    %c0_i32_0 = arith.constant 0 : i32
    %c0_i32_1 = arith.constant 0 : i32
    return %c0_i32, %c0_i32_0 : i32, i32
  }
  func.func @transform_5(%arg0: i32) -> (i32, i32) {
    %c0_i32 = arith.constant 0 : i32
    %c0_i32_0 = arith.constant 0 : i32
    %c0_i32_1 = arith.constant 0 : i32
    return %c0_i32, %c0_i32_0 : i32, i32
  }
  func.func @transform_6(%arg0: i32) -> (i32, i32) {
    %c0_i32 = arith.constant 0 : i32
    %c0_i32_0 = arith.constant 0 : i32
    %c0_i32_1 = arith.constant 0 : i32
    return %c0_i32, %c0_i32_0 : i32, i32
  }
  func.func @transform_7(%arg0: i32) -> (i32, i32) {
    %c0_i32 = arith.constant 0 : i32
    %c0_i32_0 = arith.constant 0 : i32
    return %arg0, %c0_i32 : i32, i32
  }
}

module attributes {stable_mosaic.version = 14 : i64} {
  func.func @_enc_edge_body(%arg0: i32, %arg1: memref<2000x4xf32, #tpu.memory_space<vmem>>, %arg2: memref<4x128xf32, #tpu.memory_space<vmem>>, %arg3: memref<1x128xf32, #tpu.memory_space<vmem>>, %arg4: memref<128x128xf32, #tpu.memory_space<vmem>>, %arg5: memref<1x128xf32, #tpu.memory_space<vmem>>, %arg6: memref<1x128xf32, #tpu.memory_space<vmem>>, %arg7: memref<1x128xf32, #tpu.memory_space<vmem>>, %arg8: memref<2000x128xf32, #tpu.memory_space<vmem>>) attributes {dimension_semantics = [#tpu.dimension_semantics<arbitrary>], iteration_bounds = array<i64: 80>, scalar_prefetch = 0 : i64, scratch_operands = 0 : i64, tpu.core_type = #tpu.core_type<tc>, window_params = [{transform_indices = @transform_0, window_bounds = array<i64: 2000, 4>}, {pipeline_mode = #tpu.pipeline_mode<synchronous>, transform_indices = @transform_1, window_bounds = array<i64: 4, 128>}, {pipeline_mode = #tpu.pipeline_mode<synchronous>, transform_indices = @transform_2, window_bounds = array<i64: 1, 128>}, {pipeline_mode = #tpu.pipeline_mode<synchronous>, transform_indices = @transform_3, window_bounds = array<i64: 128, 128>}, {pipeline_mode = #tpu.pipeline_mode<synchronous>, transform_indices = @transform_4, window_bounds = array<i64: 1, 128>}, {pipeline_mode = #tpu.pipeline_mode<synchronous>, transform_indices = @transform_5, window_bounds = array<i64: 1, 128>}, {pipeline_mode = #tpu.pipeline_mode<synchronous>, transform_indices = @transform_6, window_bounds = array<i64: 1, 128>}, {transform_indices = @transform_7, window_bounds = array<i64: 2000, 128>}]} {
    %get3A = arith.constant 0 : index
    %get3A_0 = arith.constant 0 : index
    %get3A_1 = vector.load %arg1[%get3A, %get3A_0] : memref<2000x4xf32, #tpu.memory_space<vmem>>, vector<2000x4xf32>
    %get3A_2 = arith.constant 0 : index
    %get3A_3 = arith.constant 0 : index
    %get3A_4 = vector.load %arg2[%get3A_2, %get3A_3] : memref<4x128xf32, #tpu.memory_space<vmem>>, vector<4x128xf32>
    %dot_general3A = arith.constant dense<0.000000e+00> : vector<2000x128xf32>
    %dot_general3A_5 = tpu.matmul %get3A_1, %get3A_4, %dot_general3A {dimension_numbers = #tpu.dot_dimension_numbers<[1], [0], [0], [1], [0, 0, 1, 1], [], []>, transpose_lhs_hint = false} : vector<2000x4xf32>, vector<4x128xf32>, vector<2000x128xf32> -> vector<2000x128xf32>
    %get3A_6 = arith.constant 0 : index
    %get3A_7 = arith.constant 0 : index
    %get3A_8 = vector.load %arg3[%get3A_6, %get3A_7] : memref<1x128xf32, #tpu.memory_space<vmem>>, vector<1x128xf32>
    %add3A = vector.broadcast %get3A_8 : vector<1x128xf32> to vector<2000x128xf32>
    %add3A_9 = arith.addf %dot_general3A_5, %add3A : vector<2000x128xf32>
    %max3A = arith.constant 0.000000e+00 : f32
    %max3A_10 = vector.broadcast %max3A : f32 to vector<2000x128xf32>
    %max3A_11 = arith.maximumf %add3A_9, %max3A_10 : vector<2000x128xf32>
    %get3A_12 = arith.constant 0 : index
    %get3A_13 = arith.constant 0 : index
    %get3A_14 = vector.load %arg4[%get3A_12, %get3A_13] : memref<128x128xf32, #tpu.memory_space<vmem>>, vector<128x128xf32>
    %bitcast_convert_type3A = tpu.bitcast %max3A_11 : vector<2000x128xf32> -> vector<2000x128xi32>
    %add3A_15 = arith.constant 32767 : i32
    %add3A_16 = vector.broadcast %add3A_15 : i32 to vector<2000x128xi32>
    %add3A_17 = arith.addi %bitcast_convert_type3A, %add3A_16 : vector<2000x128xi32>
    %shift_right_logical3A = arith.constant 16 : i32
    %shift_right_logical3A_18 = vector.broadcast %shift_right_logical3A : i32 to vector<2000x128xi32>
    %shift_right_logical3A_19 = arith.shrui %bitcast_convert_type3A, %shift_right_logical3A_18 : vector<2000x128xi32>
    %and3A = arith.constant 1 : i32
    %and3A_20 = vector.broadcast %and3A : i32 to vector<2000x128xi32>
    %and3A_21 = arith.andi %shift_right_logical3A_19, %and3A_20 : vector<2000x128xi32>
    %add3A_22 = arith.addi %add3A_17, %and3A_21 : vector<2000x128xi32>
    %and3A_23 = arith.constant -65536 : i32
    %and3A_24 = vector.broadcast %and3A_23 : i32 to vector<2000x128xi32>
    %and3A_25 = arith.andi %add3A_22, %and3A_24 : vector<2000x128xi32>
    %bitcast_convert_type3A_26 = tpu.bitcast %and3A_25 : vector<2000x128xi32> -> vector<2000x128xf32>
    %dot_general3A_27 = arith.constant dense<0.000000e+00> : vector<2000x128xf32>
    %dot_general3A_28 = tpu.matmul %bitcast_convert_type3A_26, %get3A_14, %dot_general3A_27 {dimension_numbers = #tpu.dot_dimension_numbers<[1], [0], [0], [1], [0, 0, 1, 1], [], []>, transpose_lhs_hint = false} : vector<2000x128xf32>, vector<128x128xf32>, vector<2000x128xf32> -> vector<2000x128xf32>
    %get3A_29 = arith.constant 0 : index
    %get3A_30 = arith.constant 0 : index
    %get3A_31 = vector.load %arg5[%get3A_29, %get3A_30] : memref<1x128xf32, #tpu.memory_space<vmem>>, vector<1x128xf32>
    %add3A_32 = vector.broadcast %get3A_31 : vector<1x128xf32> to vector<2000x128xf32>
    %add3A_33 = arith.addf %dot_general3A_28, %add3A_32 : vector<2000x128xf32>
    %max3A_34 = arith.constant 0.000000e+00 : f32
    %max3A_35 = vector.broadcast %max3A_34 : f32 to vector<2000x128xf32>
    %max3A_36 = arith.maximumf %add3A_33, %max3A_35 : vector<2000x128xf32>
    %get3A_37 = arith.constant 0 : index
    %get3A_38 = arith.constant 0 : index
    %get3A_39 = vector.load %arg6[%get3A_37, %get3A_38] : memref<1x128xf32, #tpu.memory_space<vmem>>, vector<1x128xf32>
    %get3A_40 = arith.constant 0 : index
    %get3A_41 = arith.constant 0 : index
    %get3A_42 = vector.load %arg7[%get3A_40, %get3A_41] : memref<1x128xf32, #tpu.memory_space<vmem>>, vector<1x128xf32>
    %reduce_sum3A = arith.constant dense<0.000000e+00> : vector<2000xf32>
    %reduce_sum3A_43 = vector.multi_reduction <add>, %max3A_36, %reduce_sum3A [1] : vector<2000x128xf32> to vector<2000xf32>
    %broadcast_in_dim3A = vector.shape_cast %reduce_sum3A_43 : vector<2000xf32> to vector<2000x1xf32>
    %div3A = arith.constant 1.280000e+02 : f32
    %div3A_44 = vector.broadcast %div3A : f32 to vector<2000x1xf32>
    %div3A_45 = arith.divf %broadcast_in_dim3A, %div3A_44 : vector<2000x1xf32>
    %jit3A = arith.constant 0 : i32
    %reduce_sum3A_46 = arith.constant dense<0.000000e+00> : vector<2000xf32>
    %reduce_sum3A_47 = vector.multi_reduction <add>, %max3A_36, %reduce_sum3A_46 [1] : vector<2000x128xf32> to vector<2000xf32>
    %broadcast_in_dim3A_48 = vector.shape_cast %reduce_sum3A_47 : vector<2000xf32> to vector<2000x1xf32>
    %div3A_49 = arith.constant 1.280000e+02 : f32
    %div3A_50 = vector.broadcast %div3A_49 : f32 to vector<2000x1xf32>
    %div3A_51 = arith.divf %broadcast_in_dim3A_48, %div3A_50 : vector<2000x1xf32>
    %sub3A = vector.broadcast %div3A_51 : vector<2000x1xf32> to vector<2000x128xf32>
    %sub3A_52 = arith.subf %max3A_36, %sub3A : vector<2000x128xf32>
    %square3A = arith.mulf %sub3A_52, %sub3A_52 : vector<2000x128xf32>
    %convert_element_type3A = arith.sitofp %jit3A : i32 to f32
    %sub3A_53 = arith.constant 1.280000e+02 : f32
    %sub3A_54 = arith.subf %sub3A_53, %convert_element_type3A : f32
    %reduce_sum3A_55 = arith.constant dense<0.000000e+00> : vector<2000xf32>
    %reduce_sum3A_56 = vector.multi_reduction <add>, %square3A, %reduce_sum3A_55 [1] : vector<2000x128xf32> to vector<2000xf32>
    %broadcast_in_dim3A_57 = vector.shape_cast %reduce_sum3A_56 : vector<2000xf32> to vector<2000x1xf32>
    %div3A_58 = vector.broadcast %sub3A_54 : f32 to vector<2000x1xf32>
    %div3A_59 = arith.divf %broadcast_in_dim3A_57, %div3A_58 : vector<2000x1xf32>
    %gt3A = arith.constant 0.000000e+00 : f32
    %gt3A_60 = arith.cmpf ogt, %sub3A_54, %gt3A : f32
    %jit3A_61 = arith.constant 0x7FC00000 : f32
    %broadcast_in_dim3A_62 = vector.broadcast %jit3A_61 : f32 to vector<2000x1xf32>
    %select_n3A = arith.select %gt3A_60, %div3A_59, %broadcast_in_dim3A_62 : vector<2000x1xf32>
    %sub3A_63 = vector.broadcast %div3A_45 : vector<2000x1xf32> to vector<2000x128xf32>
    %sub3A_64 = arith.subf %max3A_36, %sub3A_63 : vector<2000x128xf32>
    %add3A_65 = arith.constant 9.99999974E-6 : f32
    %add3A_66 = vector.broadcast %add3A_65 : f32 to vector<2000x1xf32>
    %add3A_67 = arith.addf %select_n3A, %add3A_66 : vector<2000x1xf32>
    %sqrt3A = math.sqrt %add3A_67 : vector<2000x1xf32>
    %div3A_68 = vector.broadcast %sqrt3A : vector<2000x1xf32> to vector<2000x128xf32>
    %div3A_69 = arith.divf %sub3A_64, %div3A_68 : vector<2000x128xf32>
    %mul3A = vector.broadcast %get3A_39 : vector<1x128xf32> to vector<2000x128xf32>
    %mul3A_70 = arith.mulf %div3A_69, %mul3A : vector<2000x128xf32>
    %add3A_71 = vector.broadcast %get3A_42 : vector<1x128xf32> to vector<2000x128xf32>
    %add3A_72 = arith.addf %mul3A_70, %add3A_71 : vector<2000x128xf32>
    %swap3A = arith.constant 0 : index
    %swap3A_73 = arith.constant 0 : index
    %swap3A_74 = vector.load %arg8[%swap3A, %swap3A_73] : memref<2000x128xf32, #tpu.memory_space<vmem>>, vector<2000x128xf32>
    tpu.vector_store %arg8[%swap3A, %swap3A_73], %add3A_72 {strides = array<i32>} : memref<2000x128xf32, #tpu.memory_space<vmem>>, vector<2000x128xf32>,
    return
  }
  func.func @transform_0(%arg0: i32) -> (i32, i32) {
    %c0_i32 = arith.constant 0 : i32
    %c0_i32_0 = arith.constant 0 : i32
    return %arg0, %c0_i32 : i32, i32
  }
  func.func @transform_1(%arg0: i32) -> (i32, i32) {
    %c0_i32 = arith.constant 0 : i32
    %c0_i32_0 = arith.constant 0 : i32
    %c0_i32_1 = arith.constant 0 : i32
    return %c0_i32, %c0_i32_0 : i32, i32
  }
  func.func @transform_2(%arg0: i32) -> (i32, i32) {
    %c0_i32 = arith.constant 0 : i32
    %c0_i32_0 = arith.constant 0 : i32
    %c0_i32_1 = arith.constant 0 : i32
    return %c0_i32, %c0_i32_0 : i32, i32
  }
  func.func @transform_3(%arg0: i32) -> (i32, i32) {
    %c0_i32 = arith.constant 0 : i32
    %c0_i32_0 = arith.constant 0 : i32
    %c0_i32_1 = arith.constant 0 : i32
    return %c0_i32, %c0_i32_0 : i32, i32
  }
  func.func @transform_4(%arg0: i32) -> (i32, i32) {
    %c0_i32 = arith.constant 0 : i32
    %c0_i32_0 = arith.constant 0 : i32
    %c0_i32_1 = arith.constant 0 : i32
    return %c0_i32, %c0_i32_0 : i32, i32
  }
  func.func @transform_5(%arg0: i32) -> (i32, i32) {
    %c0_i32 = arith.constant 0 : i32
    %c0_i32_0 = arith.constant 0 : i32
    %c0_i32_1 = arith.constant 0 : i32
    return %c0_i32, %c0_i32_0 : i32, i32
  }
  func.func @transform_6(%arg0: i32) -> (i32, i32) {
    %c0_i32 = arith.constant 0 : i32
    %c0_i32_0 = arith.constant 0 : i32
    %c0_i32_1 = arith.constant 0 : i32
    return %c0_i32, %c0_i32_0 : i32, i32
  }
  func.func @transform_7(%arg0: i32) -> (i32, i32) {
    %c0_i32 = arith.constant 0 : i32
    %c0_i32_0 = arith.constant 0 : i32
    return %arg0, %c0_i32 : i32, i32
  }
}

module attributes {stable_mosaic.version = 14 : i64} {
  func.func @_edge_body(%arg0: i32, %arg1: memref<2000x128xf32, #tpu.memory_space<vmem>>, %arg2: memref<2000x128xf32, #tpu.memory_space<vmem>>, %arg3: memref<2000x128xf32, #tpu.memory_space<vmem>>, %arg4: memref<384x128xf32, #tpu.memory_space<vmem>>, %arg5: memref<1x128xf32, #tpu.memory_space<vmem>>, %arg6: memref<128x128xf32, #tpu.memory_space<vmem>>, %arg7: memref<1x128xf32, #tpu.memory_space<vmem>>, %arg8: memref<1x128xf32, #tpu.memory_space<vmem>>, %arg9: memref<1x128xf32, #tpu.memory_space<vmem>>, %arg10: memref<2000x128xf32, #tpu.memory_space<vmem>>) attributes {dimension_semantics = [#tpu.dimension_semantics<arbitrary>], iteration_bounds = array<i64: 80>, scalar_prefetch = 0 : i64, scratch_operands = 0 : i64, tpu.core_type = #tpu.core_type<tc>, window_params = [{transform_indices = @transform_0, window_bounds = array<i64: 2000, 128>}, {transform_indices = @transform_1, window_bounds = array<i64: 2000, 128>}, {transform_indices = @transform_2, window_bounds = array<i64: 2000, 128>}, {pipeline_mode = #tpu.pipeline_mode<synchronous>, transform_indices = @transform_3, window_bounds = array<i64: 384, 128>}, {pipeline_mode = #tpu.pipeline_mode<synchronous>, transform_indices = @transform_4, window_bounds = array<i64: 1, 128>}, {pipeline_mode = #tpu.pipeline_mode<synchronous>, transform_indices = @transform_5, window_bounds = array<i64: 128, 128>}, {pipeline_mode = #tpu.pipeline_mode<synchronous>, transform_indices = @transform_6, window_bounds = array<i64: 1, 128>}, {pipeline_mode = #tpu.pipeline_mode<synchronous>, transform_indices = @transform_7, window_bounds = array<i64: 1, 128>}, {pipeline_mode = #tpu.pipeline_mode<synchronous>, transform_indices = @transform_8, window_bounds = array<i64: 1, 128>}, {transform_indices = @transform_9, window_bounds = array<i64: 2000, 128>}]} {
    %get3A = arith.constant 0 : index
    %get3A_0 = arith.constant 0 : index
    %get3A_1 = vector.load %arg1[%get3A, %get3A_0] : memref<2000x128xf32, #tpu.memory_space<vmem>>, vector<2000x128xf32>
    %get3A_2 = arith.constant 0 : index
    %get3A_3 = arith.constant 0 : index
    %get3A_4 = vector.load %arg2[%get3A_2, %get3A_3] : memref<2000x128xf32, #tpu.memory_space<vmem>>, vector<2000x128xf32>
    %get3A_5 = arith.constant 0 : index
    %get3A_6 = arith.constant 0 : index
    %get3A_7 = vector.load %arg3[%get3A_5, %get3A_6] : memref<2000x128xf32, #tpu.memory_space<vmem>>, vector<2000x128xf32>
    %concatenate3A = tpu.concatenate %get3A_1, %get3A_4, %get3A_7 in 1 : vector<2000x128xf32>, vector<2000x128xf32>, vector<2000x128xf32> -> vector<2000x384xf32>
    %get3A_8 = arith.constant 0 : index
    %get3A_9 = arith.constant 0 : index
    %get3A_10 = vector.load %arg4[%get3A_8, %get3A_9] : memref<384x128xf32, #tpu.memory_space<vmem>>, vector<384x128xf32>
    %bitcast_convert_type3A = tpu.bitcast %concatenate3A : vector<2000x384xf32> -> vector<2000x384xi32>
    %add3A = arith.constant 32767 : i32
    %add3A_11 = vector.broadcast %add3A : i32 to vector<2000x384xi32>
    %add3A_12 = arith.addi %bitcast_convert_type3A, %add3A_11 : vector<2000x384xi32>
    %shift_right_logical3A = arith.constant 16 : i32
    %shift_right_logical3A_13 = vector.broadcast %shift_right_logical3A : i32 to vector<2000x384xi32>
    %shift_right_logical3A_14 = arith.shrui %bitcast_convert_type3A, %shift_right_logical3A_13 : vector<2000x384xi32>
    %and3A = arith.constant 1 : i32
    %and3A_15 = vector.broadcast %and3A : i32 to vector<2000x384xi32>
    %and3A_16 = arith.andi %shift_right_logical3A_14, %and3A_15 : vector<2000x384xi32>
    %add3A_17 = arith.addi %add3A_12, %and3A_16 : vector<2000x384xi32>
    %and3A_18 = arith.constant -65536 : i32
    %and3A_19 = vector.broadcast %and3A_18 : i32 to vector<2000x384xi32>
    %and3A_20 = arith.andi %add3A_17, %and3A_19 : vector<2000x384xi32>
    %bitcast_convert_type3A_21 = tpu.bitcast %and3A_20 : vector<2000x384xi32> -> vector<2000x384xf32>
    %dot_general3A = arith.constant dense<0.000000e+00> : vector<2000x128xf32>
    %dot_general3A_22 = tpu.matmul %bitcast_convert_type3A_21, %get3A_10, %dot_general3A {dimension_numbers = #tpu.dot_dimension_numbers<[1], [0], [0], [1], [0, 0, 1, 1], [], []>, transpose_lhs_hint = false} : vector<2000x384xf32>, vector<384x128xf32>, vector<2000x128xf32> -> vector<2000x128xf32>
    %get3A_23 = arith.constant 0 : index
    %get3A_24 = arith.constant 0 : index
    %get3A_25 = vector.load %arg5[%get3A_23, %get3A_24] : memref<1x128xf32, #tpu.memory_space<vmem>>, vector<1x128xf32>
    %add3A_26 = vector.broadcast %get3A_25 : vector<1x128xf32> to vector<2000x128xf32>
    %add3A_27 = arith.addf %dot_general3A_22, %add3A_26 : vector<2000x128xf32>
    %max3A = arith.constant 0.000000e+00 : f32
    %max3A_28 = vector.broadcast %max3A : f32 to vector<2000x128xf32>
    %max3A_29 = arith.maximumf %add3A_27, %max3A_28 : vector<2000x128xf32>
    %get3A_30 = arith.constant 0 : index
    %get3A_31 = arith.constant 0 : index
    %get3A_32 = vector.load %arg6[%get3A_30, %get3A_31] : memref<128x128xf32, #tpu.memory_space<vmem>>, vector<128x128xf32>
    %bitcast_convert_type3A_33 = tpu.bitcast %max3A_29 : vector<2000x128xf32> -> vector<2000x128xi32>
    %add3A_34 = arith.constant 32767 : i32
    %add3A_35 = vector.broadcast %add3A_34 : i32 to vector<2000x128xi32>
    %add3A_36 = arith.addi %bitcast_convert_type3A_33, %add3A_35 : vector<2000x128xi32>
    %shift_right_logical3A_37 = arith.constant 16 : i32
    %shift_right_logical3A_38 = vector.broadcast %shift_right_logical3A_37 : i32 to vector<2000x128xi32>
    %shift_right_logical3A_39 = arith.shrui %bitcast_convert_type3A_33, %shift_right_logical3A_38 : vector<2000x128xi32>
    %and3A_40 = arith.constant 1 : i32
    %and3A_41 = vector.broadcast %and3A_40 : i32 to vector<2000x128xi32>
    %and3A_42 = arith.andi %shift_right_logical3A_39, %and3A_41 : vector<2000x128xi32>
    %add3A_43 = arith.addi %add3A_36, %and3A_42 : vector<2000x128xi32>
    %and3A_44 = arith.constant -65536 : i32
    %and3A_45 = vector.broadcast %and3A_44 : i32 to vector<2000x128xi32>
    %and3A_46 = arith.andi %add3A_43, %and3A_45 : vector<2000x128xi32>
    %bitcast_convert_type3A_47 = tpu.bitcast %and3A_46 : vector<2000x128xi32> -> vector<2000x128xf32>
    %dot_general3A_48 = arith.constant dense<0.000000e+00> : vector<2000x128xf32>
    %dot_general3A_49 = tpu.matmul %bitcast_convert_type3A_47, %get3A_32, %dot_general3A_48 {dimension_numbers = #tpu.dot_dimension_numbers<[1], [0], [0], [1], [0, 0, 1, 1], [], []>, transpose_lhs_hint = false} : vector<2000x128xf32>, vector<128x128xf32>, vector<2000x128xf32> -> vector<2000x128xf32>
    %get3A_50 = arith.constant 0 : index
    %get3A_51 = arith.constant 0 : index
    %get3A_52 = vector.load %arg7[%get3A_50, %get3A_51] : memref<1x128xf32, #tpu.memory_space<vmem>>, vector<1x128xf32>
    %add3A_53 = vector.broadcast %get3A_52 : vector<1x128xf32> to vector<2000x128xf32>
    %add3A_54 = arith.addf %dot_general3A_49, %add3A_53 : vector<2000x128xf32>
    %max3A_55 = arith.constant 0.000000e+00 : f32
    %max3A_56 = vector.broadcast %max3A_55 : f32 to vector<2000x128xf32>
    %max3A_57 = arith.maximumf %add3A_54, %max3A_56 : vector<2000x128xf32>
    %get3A_58 = arith.constant 0 : index
    %get3A_59 = arith.constant 0 : index
    %get3A_60 = vector.load %arg8[%get3A_58, %get3A_59] : memref<1x128xf32, #tpu.memory_space<vmem>>, vector<1x128xf32>
    %get3A_61 = arith.constant 0 : index
    %get3A_62 = arith.constant 0 : index
    %get3A_63 = vector.load %arg9[%get3A_61, %get3A_62] : memref<1x128xf32, #tpu.memory_space<vmem>>, vector<1x128xf32>
    %reduce_sum3A = arith.constant dense<0.000000e+00> : vector<2000xf32>
    %reduce_sum3A_64 = vector.multi_reduction <add>, %max3A_57, %reduce_sum3A [1] : vector<2000x128xf32> to vector<2000xf32>
    %broadcast_in_dim3A = vector.shape_cast %reduce_sum3A_64 : vector<2000xf32> to vector<2000x1xf32>
    %div3A = arith.constant 1.280000e+02 : f32
    %div3A_65 = vector.broadcast %div3A : f32 to vector<2000x1xf32>
    %div3A_66 = arith.divf %broadcast_in_dim3A, %div3A_65 : vector<2000x1xf32>
    %jit3A = arith.constant 0 : i32
    %reduce_sum3A_67 = arith.constant dense<0.000000e+00> : vector<2000xf32>
    %reduce_sum3A_68 = vector.multi_reduction <add>, %max3A_57, %reduce_sum3A_67 [1] : vector<2000x128xf32> to vector<2000xf32>
    %broadcast_in_dim3A_69 = vector.shape_cast %reduce_sum3A_68 : vector<2000xf32> to vector<2000x1xf32>
    %div3A_70 = arith.constant 1.280000e+02 : f32
    %div3A_71 = vector.broadcast %div3A_70 : f32 to vector<2000x1xf32>
    %div3A_72 = arith.divf %broadcast_in_dim3A_69, %div3A_71 : vector<2000x1xf32>
    %sub3A = vector.broadcast %div3A_72 : vector<2000x1xf32> to vector<2000x128xf32>
    %sub3A_73 = arith.subf %max3A_57, %sub3A : vector<2000x128xf32>
    %square3A = arith.mulf %sub3A_73, %sub3A_73 : vector<2000x128xf32>
    %convert_element_type3A = arith.sitofp %jit3A : i32 to f32
    %sub3A_74 = arith.constant 1.280000e+02 : f32
    %sub3A_75 = arith.subf %sub3A_74, %convert_element_type3A : f32
    %reduce_sum3A_76 = arith.constant dense<0.000000e+00> : vector<2000xf32>
    %reduce_sum3A_77 = vector.multi_reduction <add>, %square3A, %reduce_sum3A_76 [1] : vector<2000x128xf32> to vector<2000xf32>
    %broadcast_in_dim3A_78 = vector.shape_cast %reduce_sum3A_77 : vector<2000xf32> to vector<2000x1xf32>
    %div3A_79 = vector.broadcast %sub3A_75 : f32 to vector<2000x1xf32>
    %div3A_80 = arith.divf %broadcast_in_dim3A_78, %div3A_79 : vector<2000x1xf32>
    %gt3A = arith.constant 0.000000e+00 : f32
    %gt3A_81 = arith.cmpf ogt, %sub3A_75, %gt3A : f32
    %jit3A_82 = arith.constant 0x7FC00000 : f32
    %broadcast_in_dim3A_83 = vector.broadcast %jit3A_82 : f32 to vector<2000x1xf32>
    %select_n3A = arith.select %gt3A_81, %div3A_80, %broadcast_in_dim3A_83 : vector<2000x1xf32>
    %sub3A_84 = vector.broadcast %div3A_66 : vector<2000x1xf32> to vector<2000x128xf32>
    %sub3A_85 = arith.subf %max3A_57, %sub3A_84 : vector<2000x128xf32>
    %add3A_86 = arith.constant 9.99999974E-6 : f32
    %add3A_87 = vector.broadcast %add3A_86 : f32 to vector<2000x1xf32>
    %add3A_88 = arith.addf %select_n3A, %add3A_87 : vector<2000x1xf32>
    %sqrt3A = math.sqrt %add3A_88 : vector<2000x1xf32>
    %div3A_89 = vector.broadcast %sqrt3A : vector<2000x1xf32> to vector<2000x128xf32>
    %div3A_90 = arith.divf %sub3A_85, %div3A_89 : vector<2000x128xf32>
    %mul3A = vector.broadcast %get3A_60 : vector<1x128xf32> to vector<2000x128xf32>
    %mul3A_91 = arith.mulf %div3A_90, %mul3A : vector<2000x128xf32>
    %add3A_92 = vector.broadcast %get3A_63 : vector<1x128xf32> to vector<2000x128xf32>
    %add3A_93 = arith.addf %mul3A_91, %add3A_92 : vector<2000x128xf32>
    %swap3A = arith.constant 0 : index
    %swap3A_94 = arith.constant 0 : index
    %swap3A_95 = vector.load %arg10[%swap3A, %swap3A_94] : memref<2000x128xf32, #tpu.memory_space<vmem>>, vector<2000x128xf32>
    tpu.vector_store %arg10[%swap3A, %swap3A_94], %add3A_93 {strides = array<i32>} : memref<2000x128xf32, #tpu.memory_space<vmem>>, vector<2000x128xf32>,
    return
  }
  func.func @transform_0(%arg0: i32) -> (i32, i32) {
    %c0_i32 = arith.constant 0 : i32
    %c0_i32_0 = arith.constant 0 : i32
    return %arg0, %c0_i32 : i32, i32
  }
  func.func @transform_1(%arg0: i32) -> (i32, i32) {
    %c0_i32 = arith.constant 0 : i32
    %c0_i32_0 = arith.constant 0 : i32
    return %arg0, %c0_i32 : i32, i32
  }
  func.func @transform_2(%arg0: i32) -> (i32, i32) {
    %c0_i32 = arith.constant 0 : i32
    %c0_i32_0 = arith.constant 0 : i32
    return %arg0, %c0_i32 : i32, i32
  }
  func.func @transform_3(%arg0: i32) -> (i32, i32) {
    %c0_i32 = arith.constant 0 : i32
    %c0_i32_0 = arith.constant 0 : i32
    %c0_i32_1 = arith.constant 0 : i32
    return %c0_i32, %c0_i32_0 : i32, i32
  }
  func.func @transform_4(%arg0: i32) -> (i32, i32) {
    %c0_i32 = arith.constant 0 : i32
    %c0_i32_0 = arith.constant 0 : i32
    %c0_i32_1 = arith.constant 0 : i32
    return %c0_i32, %c0_i32_0 : i32, i32
  }
  func.func @transform_5(%arg0: i32) -> (i32, i32) {
    %c0_i32 = arith.constant 0 : i32
    %c0_i32_0 = arith.constant 0 : i32
    %c0_i32_1 = arith.constant 0 : i32
    return %c0_i32, %c0_i32_0 : i32, i32
  }
  func.func @transform_6(%arg0: i32) -> (i32, i32) {
    %c0_i32 = arith.constant 0 : i32
    %c0_i32_0 = arith.constant 0 : i32
    %c0_i32_1 = arith.constant 0 : i32
    return %c0_i32, %c0_i32_0 : i32, i32
  }
  func.func @transform_7(%arg0: i32) -> (i32, i32) {
    %c0_i32 = arith.constant 0 : i32
    %c0_i32_0 = arith.constant 0 : i32
    %c0_i32_1 = arith.constant 0 : i32
    return %c0_i32, %c0_i32_0 : i32, i32
  }
  func.func @transform_8(%arg0: i32) -> (i32, i32) {
    %c0_i32 = arith.constant 0 : i32
    %c0_i32_0 = arith.constant 0 : i32
    %c0_i32_1 = arith.constant 0 : i32
    return %c0_i32, %c0_i32_0 : i32, i32
  }
  func.func @transform_9(%arg0: i32) -> (i32, i32) {
    %c0_i32 = arith.constant 0 : i32
    %c0_i32_0 = arith.constant 0 : i32
    return %arg0, %c0_i32 : i32, i32
  }
}

module attributes {stable_mosaic.version = 14 : i64} {
  func.func @_node_body(%arg0: i32, %arg1: memref<1000x128xf32, #tpu.memory_space<vmem>>, %arg2: memref<1000x128xf32, #tpu.memory_space<vmem>>, %arg3: memref<1000x128xf32, #tpu.memory_space<vmem>>, %arg4: memref<256x128xf32, #tpu.memory_space<vmem>>, %arg5: memref<1x128xf32, #tpu.memory_space<vmem>>, %arg6: memref<128x128xf32, #tpu.memory_space<vmem>>, %arg7: memref<1x128xf32, #tpu.memory_space<vmem>>, %arg8: memref<1x128xf32, #tpu.memory_space<vmem>>, %arg9: memref<1x128xf32, #tpu.memory_space<vmem>>, %arg10: memref<1000x128xf32, #tpu.memory_space<vmem>>) attributes {dimension_semantics = [#tpu.dimension_semantics<arbitrary>], iteration_bounds = array<i64: 10>, scalar_prefetch = 0 : i64, scratch_operands = 0 : i64, tpu.core_type = #tpu.core_type<tc>, window_params = [{transform_indices = @transform_0, window_bounds = array<i64: 1000, 128>}, {transform_indices = @transform_1, window_bounds = array<i64: 1000, 128>}, {transform_indices = @transform_2, window_bounds = array<i64: 1000, 128>}, {pipeline_mode = #tpu.pipeline_mode<synchronous>, transform_indices = @transform_3, window_bounds = array<i64: 256, 128>}, {pipeline_mode = #tpu.pipeline_mode<synchronous>, transform_indices = @transform_4, window_bounds = array<i64: 1, 128>}, {pipeline_mode = #tpu.pipeline_mode<synchronous>, transform_indices = @transform_5, window_bounds = array<i64: 128, 128>}, {pipeline_mode = #tpu.pipeline_mode<synchronous>, transform_indices = @transform_6, window_bounds = array<i64: 1, 128>}, {pipeline_mode = #tpu.pipeline_mode<synchronous>, transform_indices = @transform_7, window_bounds = array<i64: 1, 128>}, {pipeline_mode = #tpu.pipeline_mode<synchronous>, transform_indices = @transform_8, window_bounds = array<i64: 1, 128>}, {transform_indices = @transform_9, window_bounds = array<i64: 1000, 128>}]} {
    %get3A = arith.constant 0 : index
    %get3A_0 = arith.constant 0 : index
    %get3A_1 = vector.load %arg1[%get3A, %get3A_0] : memref<1000x128xf32, #tpu.memory_space<vmem>>, vector<1000x128xf32>
    %get3A_2 = arith.constant 0 : index
    %get3A_3 = arith.constant 0 : index
    %get3A_4 = vector.load %arg2[%get3A_2, %get3A_3] : memref<1000x128xf32, #tpu.memory_space<vmem>>, vector<1000x128xf32>
    %add3A = arith.addf %get3A_1, %get3A_4 : vector<1000x128xf32>
    %get3A_5 = arith.constant 0 : index
    %get3A_6 = arith.constant 0 : index
    %get3A_7 = vector.load %arg3[%get3A_5, %get3A_6] : memref<1000x128xf32, #tpu.memory_space<vmem>>, vector<1000x128xf32>
    %concatenate3A = tpu.concatenate %add3A, %get3A_7 in 1 : vector<1000x128xf32>, vector<1000x128xf32> -> vector<1000x256xf32>
    %get3A_8 = arith.constant 0 : index
    %get3A_9 = arith.constant 0 : index
    %get3A_10 = vector.load %arg4[%get3A_8, %get3A_9] : memref<256x128xf32, #tpu.memory_space<vmem>>, vector<256x128xf32>
    %bitcast_convert_type3A = tpu.bitcast %concatenate3A : vector<1000x256xf32> -> vector<1000x256xi32>
    %add3A_11 = arith.constant 32767 : i32
    %add3A_12 = vector.broadcast %add3A_11 : i32 to vector<1000x256xi32>
    %add3A_13 = arith.addi %bitcast_convert_type3A, %add3A_12 : vector<1000x256xi32>
    %shift_right_logical3A = arith.constant 16 : i32
    %shift_right_logical3A_14 = vector.broadcast %shift_right_logical3A : i32 to vector<1000x256xi32>
    %shift_right_logical3A_15 = arith.shrui %bitcast_convert_type3A, %shift_right_logical3A_14 : vector<1000x256xi32>
    %and3A = arith.constant 1 : i32
    %and3A_16 = vector.broadcast %and3A : i32 to vector<1000x256xi32>
    %and3A_17 = arith.andi %shift_right_logical3A_15, %and3A_16 : vector<1000x256xi32>
    %add3A_18 = arith.addi %add3A_13, %and3A_17 : vector<1000x256xi32>
    %and3A_19 = arith.constant -65536 : i32
    %and3A_20 = vector.broadcast %and3A_19 : i32 to vector<1000x256xi32>
    %and3A_21 = arith.andi %add3A_18, %and3A_20 : vector<1000x256xi32>
    %bitcast_convert_type3A_22 = tpu.bitcast %and3A_21 : vector<1000x256xi32> -> vector<1000x256xf32>
    %dot_general3A = arith.constant dense<0.000000e+00> : vector<1000x128xf32>
    %dot_general3A_23 = tpu.matmul %bitcast_convert_type3A_22, %get3A_10, %dot_general3A {dimension_numbers = #tpu.dot_dimension_numbers<[1], [0], [0], [1], [0, 0, 1, 1], [], []>, transpose_lhs_hint = false} : vector<1000x256xf32>, vector<256x128xf32>, vector<1000x128xf32> -> vector<1000x128xf32>
    %get3A_24 = arith.constant 0 : index
    %get3A_25 = arith.constant 0 : index
    %get3A_26 = vector.load %arg5[%get3A_24, %get3A_25] : memref<1x128xf32, #tpu.memory_space<vmem>>, vector<1x128xf32>
    %add3A_27 = vector.broadcast %get3A_26 : vector<1x128xf32> to vector<1000x128xf32>
    %add3A_28 = arith.addf %dot_general3A_23, %add3A_27 : vector<1000x128xf32>
    %max3A = arith.constant 0.000000e+00 : f32
    %max3A_29 = vector.broadcast %max3A : f32 to vector<1000x128xf32>
    %max3A_30 = arith.maximumf %add3A_28, %max3A_29 : vector<1000x128xf32>
    %get3A_31 = arith.constant 0 : index
    %get3A_32 = arith.constant 0 : index
    %get3A_33 = vector.load %arg6[%get3A_31, %get3A_32] : memref<128x128xf32, #tpu.memory_space<vmem>>, vector<128x128xf32>
    %bitcast_convert_type3A_34 = tpu.bitcast %max3A_30 : vector<1000x128xf32> -> vector<1000x128xi32>
    %add3A_35 = arith.constant 32767 : i32
    %add3A_36 = vector.broadcast %add3A_35 : i32 to vector<1000x128xi32>
    %add3A_37 = arith.addi %bitcast_convert_type3A_34, %add3A_36 : vector<1000x128xi32>
    %shift_right_logical3A_38 = arith.constant 16 : i32
    %shift_right_logical3A_39 = vector.broadcast %shift_right_logical3A_38 : i32 to vector<1000x128xi32>
    %shift_right_logical3A_40 = arith.shrui %bitcast_convert_type3A_34, %shift_right_logical3A_39 : vector<1000x128xi32>
    %and3A_41 = arith.constant 1 : i32
    %and3A_42 = vector.broadcast %and3A_41 : i32 to vector<1000x128xi32>
    %and3A_43 = arith.andi %shift_right_logical3A_40, %and3A_42 : vector<1000x128xi32>
    %add3A_44 = arith.addi %add3A_37, %and3A_43 : vector<1000x128xi32>
    %and3A_45 = arith.constant -65536 : i32
    %and3A_46 = vector.broadcast %and3A_45 : i32 to vector<1000x128xi32>
    %and3A_47 = arith.andi %add3A_44, %and3A_46 : vector<1000x128xi32>
    %bitcast_convert_type3A_48 = tpu.bitcast %and3A_47 : vector<1000x128xi32> -> vector<1000x128xf32>
    %dot_general3A_49 = arith.constant dense<0.000000e+00> : vector<1000x128xf32>
    %dot_general3A_50 = tpu.matmul %bitcast_convert_type3A_48, %get3A_33, %dot_general3A_49 {dimension_numbers = #tpu.dot_dimension_numbers<[1], [0], [0], [1], [0, 0, 1, 1], [], []>, transpose_lhs_hint = false} : vector<1000x128xf32>, vector<128x128xf32>, vector<1000x128xf32> -> vector<1000x128xf32>
    %get3A_51 = arith.constant 0 : index
    %get3A_52 = arith.constant 0 : index
    %get3A_53 = vector.load %arg7[%get3A_51, %get3A_52] : memref<1x128xf32, #tpu.memory_space<vmem>>, vector<1x128xf32>
    %add3A_54 = vector.broadcast %get3A_53 : vector<1x128xf32> to vector<1000x128xf32>
    %add3A_55 = arith.addf %dot_general3A_50, %add3A_54 : vector<1000x128xf32>
    %max3A_56 = arith.constant 0.000000e+00 : f32
    %max3A_57 = vector.broadcast %max3A_56 : f32 to vector<1000x128xf32>
    %max3A_58 = arith.maximumf %add3A_55, %max3A_57 : vector<1000x128xf32>
    %get3A_59 = arith.constant 0 : index
    %get3A_60 = arith.constant 0 : index
    %get3A_61 = vector.load %arg8[%get3A_59, %get3A_60] : memref<1x128xf32, #tpu.memory_space<vmem>>, vector<1x128xf32>
    %get3A_62 = arith.constant 0 : index
    %get3A_63 = arith.constant 0 : index
    %get3A_64 = vector.load %arg9[%get3A_62, %get3A_63] : memref<1x128xf32, #tpu.memory_space<vmem>>, vector<1x128xf32>
    %reduce_sum3A = arith.constant dense<0.000000e+00> : vector<1000xf32>
    %reduce_sum3A_65 = vector.multi_reduction <add>, %max3A_58, %reduce_sum3A [1] : vector<1000x128xf32> to vector<1000xf32>
    %broadcast_in_dim3A = vector.shape_cast %reduce_sum3A_65 : vector<1000xf32> to vector<1000x1xf32>
    %div3A = arith.constant 1.280000e+02 : f32
    %div3A_66 = vector.broadcast %div3A : f32 to vector<1000x1xf32>
    %div3A_67 = arith.divf %broadcast_in_dim3A, %div3A_66 : vector<1000x1xf32>
    %jit3A = arith.constant 0 : i32
    %reduce_sum3A_68 = arith.constant dense<0.000000e+00> : vector<1000xf32>
    %reduce_sum3A_69 = vector.multi_reduction <add>, %max3A_58, %reduce_sum3A_68 [1] : vector<1000x128xf32> to vector<1000xf32>
    %broadcast_in_dim3A_70 = vector.shape_cast %reduce_sum3A_69 : vector<1000xf32> to vector<1000x1xf32>
    %div3A_71 = arith.constant 1.280000e+02 : f32
    %div3A_72 = vector.broadcast %div3A_71 : f32 to vector<1000x1xf32>
    %div3A_73 = arith.divf %broadcast_in_dim3A_70, %div3A_72 : vector<1000x1xf32>
    %sub3A = vector.broadcast %div3A_73 : vector<1000x1xf32> to vector<1000x128xf32>
    %sub3A_74 = arith.subf %max3A_58, %sub3A : vector<1000x128xf32>
    %square3A = arith.mulf %sub3A_74, %sub3A_74 : vector<1000x128xf32>
    %convert_element_type3A = arith.sitofp %jit3A : i32 to f32
    %sub3A_75 = arith.constant 1.280000e+02 : f32
    %sub3A_76 = arith.subf %sub3A_75, %convert_element_type3A : f32
    %reduce_sum3A_77 = arith.constant dense<0.000000e+00> : vector<1000xf32>
    %reduce_sum3A_78 = vector.multi_reduction <add>, %square3A, %reduce_sum3A_77 [1] : vector<1000x128xf32> to vector<1000xf32>
    %broadcast_in_dim3A_79 = vector.shape_cast %reduce_sum3A_78 : vector<1000xf32> to vector<1000x1xf32>
    %div3A_80 = vector.broadcast %sub3A_76 : f32 to vector<1000x1xf32>
    %div3A_81 = arith.divf %broadcast_in_dim3A_79, %div3A_80 : vector<1000x1xf32>
    %gt3A = arith.constant 0.000000e+00 : f32
    %gt3A_82 = arith.cmpf ogt, %sub3A_76, %gt3A : f32
    %jit3A_83 = arith.constant 0x7FC00000 : f32
    %broadcast_in_dim3A_84 = vector.broadcast %jit3A_83 : f32 to vector<1000x1xf32>
    %select_n3A = arith.select %gt3A_82, %div3A_81, %broadcast_in_dim3A_84 : vector<1000x1xf32>
    %sub3A_85 = vector.broadcast %div3A_67 : vector<1000x1xf32> to vector<1000x128xf32>
    %sub3A_86 = arith.subf %max3A_58, %sub3A_85 : vector<1000x128xf32>
    %add3A_87 = arith.constant 9.99999974E-6 : f32
    %add3A_88 = vector.broadcast %add3A_87 : f32 to vector<1000x1xf32>
    %add3A_89 = arith.addf %select_n3A, %add3A_88 : vector<1000x1xf32>
    %sqrt3A = math.sqrt %add3A_89 : vector<1000x1xf32>
    %div3A_90 = vector.broadcast %sqrt3A : vector<1000x1xf32> to vector<1000x128xf32>
    %div3A_91 = arith.divf %sub3A_86, %div3A_90 : vector<1000x128xf32>
    %mul3A = vector.broadcast %get3A_61 : vector<1x128xf32> to vector<1000x128xf32>
    %mul3A_92 = arith.mulf %div3A_91, %mul3A : vector<1000x128xf32>
    %add3A_93 = vector.broadcast %get3A_64 : vector<1x128xf32> to vector<1000x128xf32>
    %add3A_94 = arith.addf %mul3A_92, %add3A_93 : vector<1000x128xf32>
    %swap3A = arith.constant 0 : index
    %swap3A_95 = arith.constant 0 : index
    %swap3A_96 = vector.load %arg10[%swap3A, %swap3A_95] : memref<1000x128xf32, #tpu.memory_space<vmem>>, vector<1000x128xf32>
    tpu.vector_store %arg10[%swap3A, %swap3A_95], %add3A_94 {strides = array<i32>} : memref<1000x128xf32, #tpu.memory_space<vmem>>, vector<1000x128xf32>,
    return
  }
  func.func @transform_0(%arg0: i32) -> (i32, i32) {
    %c0_i32 = arith.constant 0 : i32
    %c0_i32_0 = arith.constant 0 : i32
    return %arg0, %c0_i32 : i32, i32
  }
  func.func @transform_1(%arg0: i32) -> (i32, i32) {
    %c0_i32 = arith.constant 0 : i32
    %c0_i32_0 = arith.constant 0 : i32
    return %arg0, %c0_i32 : i32, i32
  }
  func.func @transform_2(%arg0: i32) -> (i32, i32) {
    %c0_i32 = arith.constant 0 : i32
    %c0_i32_0 = arith.constant 0 : i32
    return %arg0, %c0_i32 : i32, i32
  }
  func.func @transform_3(%arg0: i32) -> (i32, i32) {
    %c0_i32 = arith.constant 0 : i32
    %c0_i32_0 = arith.constant 0 : i32
    %c0_i32_1 = arith.constant 0 : i32
    return %c0_i32, %c0_i32_0 : i32, i32
  }
  func.func @transform_4(%arg0: i32) -> (i32, i32) {
    %c0_i32 = arith.constant 0 : i32
    %c0_i32_0 = arith.constant 0 : i32
    %c0_i32_1 = arith.constant 0 : i32
    return %c0_i32, %c0_i32_0 : i32, i32
  }
  func.func @transform_5(%arg0: i32) -> (i32, i32) {
    %c0_i32 = arith.constant 0 : i32
    %c0_i32_0 = arith.constant 0 : i32
    %c0_i32_1 = arith.constant 0 : i32
    return %c0_i32, %c0_i32_0 : i32, i32
  }
  func.func @transform_6(%arg0: i32) -> (i32, i32) {
    %c0_i32 = arith.constant 0 : i32
    %c0_i32_0 = arith.constant 0 : i32
    %c0_i32_1 = arith.constant 0 : i32
    return %c0_i32, %c0_i32_0 : i32, i32
  }
  func.func @transform_7(%arg0: i32) -> (i32, i32) {
    %c0_i32 = arith.constant 0 : i32
    %c0_i32_0 = arith.constant 0 : i32
    %c0_i32_1 = arith.constant 0 : i32
    return %c0_i32, %c0_i32_0 : i32, i32
  }
  func.func @transform_8(%arg0: i32) -> (i32, i32) {
    %c0_i32 = arith.constant 0 : i32
    %c0_i32_0 = arith.constant 0 : i32
    %c0_i32_1 = arith.constant 0 : i32
    return %c0_i32, %c0_i32_0 : i32, i32
  }
  func.func @transform_9(%arg0: i32) -> (i32, i32) {
    %c0_i32 = arith.constant 0 : i32
    %c0_i32_0 = arith.constant 0 : i32
    return %arg0, %c0_i32 : i32, i32
  }
}

module attributes {stable_mosaic.version = 14 : i64} {
  func.func @_dec_body(%arg0: i32, %arg1: memref<1000x128xf32, #tpu.memory_space<vmem>>, %arg2: memref<128x128xf32, #tpu.memory_space<vmem>>, %arg3: memref<1x128xf32, #tpu.memory_space<vmem>>, %arg4: memref<128x128xf32, #tpu.memory_space<vmem>>, %arg5: memref<1x128xf32, #tpu.memory_space<vmem>>, %arg6: memref<128x4xf32, #tpu.memory_space<vmem>>, %arg7: memref<1x4xf32, #tpu.memory_space<vmem>>, %arg8: memref<1000x4xf32, #tpu.memory_space<vmem>>) attributes {dimension_semantics = [#tpu.dimension_semantics<arbitrary>], iteration_bounds = array<i64: 10>, scalar_prefetch = 0 : i64, scratch_operands = 0 : i64, tpu.core_type = #tpu.core_type<tc>, window_params = [{transform_indices = @transform_0, window_bounds = array<i64: 1000, 128>}, {pipeline_mode = #tpu.pipeline_mode<synchronous>, transform_indices = @transform_1, window_bounds = array<i64: 128, 128>}, {pipeline_mode = #tpu.pipeline_mode<synchronous>, transform_indices = @transform_2, window_bounds = array<i64: 1, 128>}, {pipeline_mode = #tpu.pipeline_mode<synchronous>, transform_indices = @transform_3, window_bounds = array<i64: 128, 128>}, {pipeline_mode = #tpu.pipeline_mode<synchronous>, transform_indices = @transform_4, window_bounds = array<i64: 1, 128>}, {pipeline_mode = #tpu.pipeline_mode<synchronous>, transform_indices = @transform_5, window_bounds = array<i64: 128, 4>}, {pipeline_mode = #tpu.pipeline_mode<synchronous>, transform_indices = @transform_6, window_bounds = array<i64: 1, 4>}, {transform_indices = @transform_7, window_bounds = array<i64: 1000, 4>}]} {
    %get3A = arith.constant 0 : index
    %get3A_0 = arith.constant 0 : index
    %get3A_1 = vector.load %arg1[%get3A, %get3A_0] : memref<1000x128xf32, #tpu.memory_space<vmem>>, vector<1000x128xf32>
    %get3A_2 = arith.constant 0 : index
    %get3A_3 = arith.constant 0 : index
    %get3A_4 = vector.load %arg2[%get3A_2, %get3A_3] : memref<128x128xf32, #tpu.memory_space<vmem>>, vector<128x128xf32>
    %dot_general3A = arith.constant dense<0.000000e+00> : vector<1000x128xf32>
    %dot_general3A_5 = tpu.matmul %get3A_1, %get3A_4, %dot_general3A {dimension_numbers = #tpu.dot_dimension_numbers<[1], [0], [0], [1], [0, 0, 1, 1], [], []>, transpose_lhs_hint = false} : vector<1000x128xf32>, vector<128x128xf32>, vector<1000x128xf32> -> vector<1000x128xf32>
    %get3A_6 = arith.constant 0 : index
    %get3A_7 = arith.constant 0 : index
    %get3A_8 = vector.load %arg3[%get3A_6, %get3A_7] : memref<1x128xf32, #tpu.memory_space<vmem>>, vector<1x128xf32>
    %add3A = vector.broadcast %get3A_8 : vector<1x128xf32> to vector<1000x128xf32>
    %add3A_9 = arith.addf %dot_general3A_5, %add3A : vector<1000x128xf32>
    %max3A = arith.constant 0.000000e+00 : f32
    %max3A_10 = vector.broadcast %max3A : f32 to vector<1000x128xf32>
    %max3A_11 = arith.maximumf %add3A_9, %max3A_10 : vector<1000x128xf32>
    %get3A_12 = arith.constant 0 : index
    %get3A_13 = arith.constant 0 : index
    %get3A_14 = vector.load %arg4[%get3A_12, %get3A_13] : memref<128x128xf32, #tpu.memory_space<vmem>>, vector<128x128xf32>
    %bitcast_convert_type3A = tpu.bitcast %max3A_11 : vector<1000x128xf32> -> vector<1000x128xi32>
    %add3A_15 = arith.constant 32767 : i32
    %add3A_16 = vector.broadcast %add3A_15 : i32 to vector<1000x128xi32>
    %add3A_17 = arith.addi %bitcast_convert_type3A, %add3A_16 : vector<1000x128xi32>
    %shift_right_logical3A = arith.constant 16 : i32
    %shift_right_logical3A_18 = vector.broadcast %shift_right_logical3A : i32 to vector<1000x128xi32>
    %shift_right_logical3A_19 = arith.shrui %bitcast_convert_type3A, %shift_right_logical3A_18 : vector<1000x128xi32>
    %and3A = arith.constant 1 : i32
    %and3A_20 = vector.broadcast %and3A : i32 to vector<1000x128xi32>
    %and3A_21 = arith.andi %shift_right_logical3A_19, %and3A_20 : vector<1000x128xi32>
    %add3A_22 = arith.addi %add3A_17, %and3A_21 : vector<1000x128xi32>
    %and3A_23 = arith.constant -65536 : i32
    %and3A_24 = vector.broadcast %and3A_23 : i32 to vector<1000x128xi32>
    %and3A_25 = arith.andi %add3A_22, %and3A_24 : vector<1000x128xi32>
    %bitcast_convert_type3A_26 = tpu.bitcast %and3A_25 : vector<1000x128xi32> -> vector<1000x128xf32>
    %dot_general3A_27 = arith.constant dense<0.000000e+00> : vector<1000x128xf32>
    %dot_general3A_28 = tpu.matmul %bitcast_convert_type3A_26, %get3A_14, %dot_general3A_27 {dimension_numbers = #tpu.dot_dimension_numbers<[1], [0], [0], [1], [0, 0, 1, 1], [], []>, transpose_lhs_hint = false} : vector<1000x128xf32>, vector<128x128xf32>, vector<1000x128xf32> -> vector<1000x128xf32>
    %get3A_29 = arith.constant 0 : index
    %get3A_30 = arith.constant 0 : index
    %get3A_31 = vector.load %arg5[%get3A_29, %get3A_30] : memref<1x128xf32, #tpu.memory_space<vmem>>, vector<1x128xf32>
    %add3A_32 = vector.broadcast %get3A_31 : vector<1x128xf32> to vector<1000x128xf32>
    %add3A_33 = arith.addf %dot_general3A_28, %add3A_32 : vector<1000x128xf32>
    %max3A_34 = arith.constant 0.000000e+00 : f32
    %max3A_35 = vector.broadcast %max3A_34 : f32 to vector<1000x128xf32>
    %max3A_36 = arith.maximumf %add3A_33, %max3A_35 : vector<1000x128xf32>
    %get3A_37 = arith.constant 0 : index
    %get3A_38 = arith.constant 0 : index
    %get3A_39 = vector.load %arg6[%get3A_37, %get3A_38] : memref<128x4xf32, #tpu.memory_space<vmem>>, vector<128x4xf32>
    %bitcast_convert_type3A_40 = tpu.bitcast %max3A_36 : vector<1000x128xf32> -> vector<1000x128xi32>
    %add3A_41 = arith.constant 32767 : i32
    %add3A_42 = vector.broadcast %add3A_41 : i32 to vector<1000x128xi32>
    %add3A_43 = arith.addi %bitcast_convert_type3A_40, %add3A_42 : vector<1000x128xi32>
    %shift_right_logical3A_44 = arith.constant 16 : i32
    %shift_right_logical3A_45 = vector.broadcast %shift_right_logical3A_44 : i32 to vector<1000x128xi32>
    %shift_right_logical3A_46 = arith.shrui %bitcast_convert_type3A_40, %shift_right_logical3A_45 : vector<1000x128xi32>
    %and3A_47 = arith.constant 1 : i32
    %and3A_48 = vector.broadcast %and3A_47 : i32 to vector<1000x128xi32>
    %and3A_49 = arith.andi %shift_right_logical3A_46, %and3A_48 : vector<1000x128xi32>
    %add3A_50 = arith.addi %add3A_43, %and3A_49 : vector<1000x128xi32>
    %and3A_51 = arith.constant -65536 : i32
    %and3A_52 = vector.broadcast %and3A_51 : i32 to vector<1000x128xi32>
    %and3A_53 = arith.andi %add3A_50, %and3A_52 : vector<1000x128xi32>
    %bitcast_convert_type3A_54 = tpu.bitcast %and3A_53 : vector<1000x128xi32> -> vector<1000x128xf32>
    %dot_general3A_55 = arith.constant dense<0.000000e+00> : vector<1000x4xf32>
    %dot_general3A_56 = tpu.matmul %bitcast_convert_type3A_54, %get3A_39, %dot_general3A_55 {dimension_numbers = #tpu.dot_dimension_numbers<[1], [0], [0], [1], [0, 0, 1, 1], [], []>, transpose_lhs_hint = false} : vector<1000x128xf32>, vector<128x4xf32>, vector<1000x4xf32> -> vector<1000x4xf32>
    %get3A_57 = arith.constant 0 : index
    %get3A_58 = arith.constant 0 : index
    %get3A_59 = vector.load %arg7[%get3A_57, %get3A_58] : memref<1x4xf32, #tpu.memory_space<vmem>>, vector<1x4xf32>
    %add3A_60 = vector.broadcast %get3A_59 : vector<1x4xf32> to vector<1000x4xf32>
    %add3A_61 = arith.addf %dot_general3A_56, %add3A_60 : vector<1000x4xf32>
    %swap3A = arith.constant 0 : index
    %swap3A_62 = arith.constant 0 : index
    %swap3A_63 = vector.load %arg8[%swap3A, %swap3A_62] : memref<1000x4xf32, #tpu.memory_space<vmem>>, vector<1000x4xf32>
    tpu.vector_store %arg8[%swap3A, %swap3A_62], %add3A_61 {strides = array<i32>} : memref<1000x4xf32, #tpu.memory_space<vmem>>, vector<1000x4xf32>,
    return
  }
  func.func @transform_0(%arg0: i32) -> (i32, i32) {
    %c0_i32 = arith.constant 0 : i32
    %c0_i32_0 = arith.constant 0 : i32
    return %arg0, %c0_i32 : i32, i32
  }
  func.func @transform_1(%arg0: i32) -> (i32, i32) {
    %c0_i32 = arith.constant 0 : i32
    %c0_i32_0 = arith.constant 0 : i32
    %c0_i32_1 = arith.constant 0 : i32
    return %c0_i32, %c0_i32_0 : i32, i32
  }
  func.func @transform_2(%arg0: i32) -> (i32, i32) {
    %c0_i32 = arith.constant 0 : i32
    %c0_i32_0 = arith.constant 0 : i32
    %c0_i32_1 = arith.constant 0 : i32
    return %c0_i32, %c0_i32_0 : i32, i32
  }
  func.func @transform_3(%arg0: i32) -> (i32, i32) {
    %c0_i32 = arith.constant 0 : i32
    %c0_i32_0 = arith.constant 0 : i32
    %c0_i32_1 = arith.constant 0 : i32
    return %c0_i32, %c0_i32_0 : i32, i32
  }
  func.func @transform_4(%arg0: i32) -> (i32, i32) {
    %c0_i32 = arith.constant 0 : i32
    %c0_i32_0 = arith.constant 0 : i32
    %c0_i32_1 = arith.constant 0 : i32
    return %c0_i32, %c0_i32_0 : i32, i32
  }
  func.func @transform_5(%arg0: i32) -> (i32, i32) {
    %c0_i32 = arith.constant 0 : i32
    %c0_i32_0 = arith.constant 0 : i32
    %c0_i32_1 = arith.constant 0 : i32
    return %c0_i32, %c0_i32_0 : i32, i32
  }
  func.func @transform_6(%arg0: i32) -> (i32, i32) {
    %c0_i32 = arith.constant 0 : i32
    %c0_i32_0 = arith.constant 0 : i32
    %c0_i32_1 = arith.constant 0 : i32
    return %c0_i32, %c0_i32_0 : i32, i32
  }
  func.func @transform_7(%arg0: i32) -> (i32, i32) {
    %c0_i32 = arith.constant 0 : i32
    %c0_i32_0 = arith.constant 0 : i32
    return %arg0, %c0_i32 : i32, i32
  }
}

</mosaic_0001>

<sc_bundles>
// kernel: kernel.25.cloned.1.call-start
scs
__scs_entry_jumppad:
0x0: {  	(pc) =	sbr.rel $0x88, $3  }
0x1: {  	(tag) =	ssettag $0x0;
	lr =	simm.s32 $0x1  }
0x2: {  	[smem:$0x3F80] =	sst lr;
	_ =	strace $0xD0000000  }
0x3: {  	_ = 	snop  }
0x4: {  	_ = 	snop  }
0x5: {  	_ = 	snop  }
0x6: {  	_ = 	snop  }
0x7: {  	_ = 	snop  }
__scs_overlays_trampoline_lowered:
0x8: {  	[smem:$0x3F8F] =	sst s0  }
0x9: {  	[smem:$0x3F90] =	sst s1  }
0xa: {  	[smem:$0x3F91] =	sst s2  }
0xb: {  	[smem:$0x3F92] =	sst s3  }
0xc: {  	[smem:$0x3F93] =	sst s4  }
0xd: {  	[smem:$0x3F94] =	sst s5  }
0xe: {  	[smem:$0x3F95] =	sst s6  }
0xf: {  	[smem:$0x3F96] =	sst s7  }
0x10: {  	[smem:$0x3F97] =	sst s8  }
0x11: {  	[smem:$0x3F98] =	sst s9;
	s0 =	simm.s32 @!p0 $0x0  }
0x12: {  	s1 =	sld [smem:$0x3F7E];
	s0 =	simm.s32 @p0 $0x1  }
0x13: {  	[smem:$0x3F99] =	sst s0;
	s0 =	simm.s32 @!p1 $0x0  }
0x14: {  	s2 =	sld [smem:$0x3F7D];
	s0 =	simm.s32 @p1 $0x1  }
0x15: {  	[smem:$0x3F9A] =	sst s0;
	s0 =	simm.s32 @!p2 $0x0  }
0x16: {  	s3 =	sld [smem:$0x3FDB];
	s0 =	simm.s32 @p2 $0x1  }
0x17: {  	s4 =	simm.s32 $0x1BF5;
	[smem:$0x3F9C] =	sst s0  }
0x18: {  	s0 =	sld [smem:$0x3F7F];
	_ =	swait.ge [sflag:s4], $0x0  }
0x19: {  	s7 =	sld [smem:$0x3F80]  }
0x1a: {  	s8 =	sadd.s32 $0xFFFFE003, lr  }
0x1b: {  	s9 =	sadd.s32 $0xFFFFFEF7, lr;
	s5 =	simm.s32 $0xFFFFFFFF;
	p2 =	slt.u32 s8, $0xFFFFF086  }
0x1c: {  	p1 =	slt.u32 s9, $0xF7A;
	s5 =	simm.s32 @!p2 $0x0  }
0x1d: {  	s5 =	simm.s32 @p1 $0x1;
	p0 =	seq.s32 s7, s2  }
0x1e: {  	s7 =	smul.u32 @!p0 $0xF7A, s2;
	p2 =	seq.s32 @!p0 s5, $0x0  }
0x1f: {  	s9 =	smul.u32 $0xF7A, s1;
	s8 =	simm.s32 @!p0 $0x1BF5;
	p2 =	por !p2, p0  }
0x20: {  	[sflag:s8] =	ssyncset.s32 @!p0 $0xFFFFF086;
	s6 =	sadd.s32 @!p0 s3, s7;
	s7 =	simm.s32 @!p0 $0x108  }
0x21: {  	s3 =	sadd.s32 s3, s9;
	s6 =	sadd.s32 @!p0 $0x88, s6;
	s7 =	simm.s32 @p2 $0x1082  }
0x22: {  	[simem:s7], [sflag:s8] =	dma.local @!p0 [hbm:s6], $0xF7A  }
0x23: {  	s9 =	sor.u32 $0xD0000000, s2;
	s6 =	simm.s32 $0x108;
	_ =	swait.ge @!p0 [sflag:s8], $0x0  }
0x24: {  	s3 =	sadd.s32 $0x88, s3;
	s6 =	simm.s32 @!p1 $0x1082;
	[sflag:s4] =	ssyncset.s32 $0xFFFFF086  }
0x25: {  	[simem:s6], [sflag:s4] =	dma.local [hbm:s3], $0xF7A  }
0x26: {  	[smem:$0x3F80] =	sst s1;
	(tag) =	ssettag s2;
	_ =	strace s9  }
0x27: {  	s1 =	sld [smem:$0x3F90]  }
0x28: {  	s2 =	sld [smem:$0x3F91]  }
0x29: {  	s4 =	sld [smem:$0x3F93]  }
0x2a: {  	p0 =	seq.s32 s5, $0x0;
	s5 =	sld [smem:$0x3F94]  }
0x2b: {  	s6 =	sld [smem:$0x3F95]  }
0x2c: {  	s7 =	sld [smem:$0x3F96]  }
0x2d: {  	s3 =	simm.s32 $0x108;
	s8 =	sld [smem:$0x3F97]  }
0x2e: {  	s3 =	simm.s32 @!p0 $0x1082;
	s9 =	sld [smem:$0x3F98]  }
0x2f: {  	lr =	sadd.s32 s0, s3;
	s0 =	sld [smem:$0x3F8F]  }
0x30: {  	s3 =	sld [smem:$0x3F92]  }
0x31: {  	[smem:$0x3F9B] =	sst s10  }
0x32: {  	s10 =	sld [smem:$0x3F99];
	_ =	sdelay $0x3  }
0x33: {  	p0 =	seq.s32 s10, $0x1;
	s10 =	sld [smem:$0x3F9B];
	_ =	sdelay $0x3  }
0x34: {  	[smem:$0x3F9B] =	sst s10  }
0x35: {  	s10 =	sld [smem:$0x3F9A];
	_ =	sdelay $0x3  }
0x36: {  	p1 =	seq.s32 s10, $0x1;
	s10 =	sld [smem:$0x3F9B];
	_ =	sdelay $0x3  }
0x37: {  	[smem:$0x3F9B] =	sst s10  }
0x38: {  	s10 =	sld [smem:$0x3F9C]  }
0x39: {  	_ = 	snop;
	(pc) =	sbr.ind lr, $3  }
0x3a: {  	_ = 	snop  }
0x3b: {  	_ = 	snop  }
0x3c: {  	p2 =	seq.s32 s10, $0x1;
	s10 =	sld [smem:$0x3F9B]  }
0x3d: {  	_ =	shalt  }
0x3e: {  	_ =	shalt  }
0x3f: {  	_ =	shalt  }
0x40: {  	_ =	shalt  }
0x41: {  	_ =	shalt  }
0x42: {  	_ =	shalt  }
0x43: {  	_ =	shalt  }
0x44: {  	_ =	shalt  }
0x45: {  	_ =	shalt  }
0x46: {  	_ =	shalt  }
0x47: {  	_ =	shalt  }
0x48: {  	_ =	shalt  }
0x49: {  	_ =	shalt  }
0x4a: {  	_ =	shalt  }
0x4b: {  	_ =	shalt  }
0x4c: {  	_ =	shalt  }
0x4d: {  	_ =	shalt  }
0x4e: {  	_ =	shalt  }
0x4f: {  	_ =	shalt  }
0x50: {  	_ =	shalt  }
0x51: {  	_ =	shalt  }
0x52: {  	_ =	shalt  }
0x53: {  	_ =	shalt  }
0x54: {  	_ =	shalt  }
0x55: {  	_ =	shalt  }
0x56: {  	_ =	shalt  }
0x57: {  	_ =	shalt  }
0x58: {  	_ =	shalt  }
0x59: {  	_ =	shalt  }
0x5a: {  	_ =	shalt  }
0x5b: {  	_ =	shalt  }
0x5c: {  	_ =	shalt  }
0x5d: {  	_ =	shalt  }
0x5e: {  	_ =	shalt  }
0x5f: {  	_ =	shalt  }
0x60: {  	_ =	shalt  }
0x61: {  	_ =	shalt  }
0x62: {  	_ =	shalt  }
0x63: {  	_ =	shalt  }
0x64: {  	_ =	shalt  }
0x65: {  	_ =	shalt  }
0x66: {  	_ =	shalt  }
0x67: {  	_ =	shalt  }
0x68: {  	_ =	shalt  }
0x69: {  	_ =	shalt  }
0x6a: {  	_ =	shalt  }
0x6b: {  	_ =	shalt  }
0x6c: {  	_ =	shalt  }
0x6d: {  	_ =	shalt  }
0x6e: {  	_ =	shalt  }
0x6f: {  	_ =	shalt  }
0x70: {  	_ =	shalt  }
0x71: {  	_ =	shalt  }
0x72: {  	_ =	shalt  }
0x73: {  	_ =	shalt  }
0x74: {  	_ =	shalt  }
0x75: {  	_ =	shalt  }
0x76: {  	_ =	shalt  }
0x77: {  	_ =	shalt  }
0x78: {  	_ =	shalt  }
0x79: {  	_ =	shalt  }
0x7a: {  	_ =	shalt  }
0x7b: {  	_ =	shalt  }
0x7c: {  	_ =	shalt  }
0x7d: {  	_ =	shalt  }
0x7e: {  	_ =	shalt  }
0x7f: {  	_ =	shalt  }
0x80: {  	_ =	shalt  }
0x81: {  	_ =	shalt  }
0x82: {  	_ =	shalt  }
0x83: {  	_ =	shalt  }
0x84: {  	_ =	shalt  }
0x85: {  	_ =	shalt  }
0x86: {  	_ =	shalt  }
0x87: {  	_ =	shalt  }
.Lfunc_end0:
.L_simem_size_0:
called_computation_lowered:
.L_overlay_start_0:
0x88: {  	s2 =	sld [smem:$0x3FD9]  }
0x89: {  	s3 =	sld [smem:$0x3FFE];
	_ =	sdelay $0x1  }
0x8a: {  	s1 =	srdreg.scid  }
0x8b: {  	s0 =	sand.u32 $0x1, s1  }
0x8c: {  	s16 =	sshll.u32 s0, $0xA;
	s2 =	sadd.s32 s3, s2  }
0x8d: {  	s2 =	sadd.s32 s2, s16  }
0x8e: {  	[smem:$0x3FA7] =	sst s2  }
0x8f: {  	_ = 	snop  }
0x90: {  	(tm) =	ssettm $0x1  }
0x91: {  	s17 =	sld [smem:$0x3FFB];
	_ =	sdelay $0x3  }
0x92: {  	_ =	strace s17  }
0x93: {  	s2 =	sld [smem:$0x3FFC];
	_ =	sdelay $0x3  }
0x94: {  	_ =	strace s2  }
0x95: {  	s2 =	sld [smem:$0x3FFD];
	_ =	sdelay $0x3  }
0x96: {  	_ =	strace s2  }
0x97: {  	_ =	strace $0x8FFFFFFF  }
0x98: {  	s18 =	sld [smem:$0x3FDB];
	_ =	sdelay $0x1  }
0x99: {  	s19 =	simm.s32 $_scs_section_size  }
0x9a: {  	s4 =	simm.s32 $_size__tile_overlayer_lowered;
	s5 =	simm.s32 $_tile_overlayer_lowered  }
0x9b: {  	s22 =	simm.s32 $0x1BFF;
	s21 =	sshll.u32 s5, $0x1;
	s2 =	sadd.s32 s19, s18  }
0x9c: {  	s6 =	simm.s32 $0x0;
	s20 =	sshll.u32 s4, $0x1;
	s4 =	sadd.s32 s21, s2  }
0x9d: {  	[timem:s6], [sflag:s22] =	dma.local [hbm:s4], s20  }
0x9e: {  	_ =	swait.ge [sflag:s22], s20  }
0x9f: {  	s3 =	ssub.s32 $0x0, s20;
	[sflag:s22] =	ssyncset.done $0x0  }
0xa0: {  	[sflag:s22] =	ssyncadd.s32 s3;
	_ =	sdelay $0x1  }
0xa1: {  	s23 =	simm.s32 $0x1B8B  }
0xa2: {  	_ =	swait.ge [sflag:s23], $0x1  }
0xa3: {  	[sflag:s23] =	ssyncset.done $0x0  }
0xa4: {  	s25 =	simm.s32 $0x1B8E;
	s24 =	sld [smem:$0x3FFE];
	[sflag:s23] =	ssyncadd.s32 $0xFFFFFFFF  }
0xa5: {  	s26 =	simm.s32 $execute0_lowered;
	[smem:$0x3FD2] =	sst s25  }
0xa6: {  	s4 =	sshll.u32 s26, $0x1;
	_ =	strace $0x80000046;
	[dreg:$0x1] =	wrdreg $0xFFFFFFFF  }
0xa7: {  	s28 =	simm.s32 $_size_execute0_lowered;
	s2 =	sadd.s32 s2, s4;
	[dreg:$0x0] =	wrdreg $0x0  }
0xa8: {  	s4 =	sshll.u32 s28, $0x1;
	[dreg:$0x2] =	wrdreg s2  }
0xa9: {  	[dreg:$0x3] =	wrdreg s4  }
0xaa: {  	[dreg:$0x4] =	wrdreg $0xC0  }
0xab: {  	_ =	task [dreg:s6], $0x5FFFF  }
0xac: {  	[dreg:$0x1] =	wrdreg $0xFFFFFFFF  }
0xad: {  	[dreg:$0x0] =	wrdreg $0x60  }
0xae: {  	[dreg:$0x2] =	wrdreg s24  }
0xaf: {  	[dreg:$0x3] =	wrdreg $0x9  }
0xb0: {  	_ =	task.clear_ibuf [dreg:s6], $0x4FFFF;
	_ =	strace $0x90000046  }
0xb1: {  	s29 =	simm.s32 $0x9;
	_ =	strace $0x80000048  }
0xb2: {  	_ =	swait.ge [sflag:s29], $0x1  }
0xb3: {  	[sflag:s29] =	ssyncadd.s32 $0xFFFFFFFF  }
0xb4: {  	_ =	strace $0x90000048  }
0xb5: {  	_ =	sfence  }
0xb6: {  	s30 =	sld [smem:$0x0];
	_ =	sdelay $0x2  }
0xb7: {  	s31 =	sshll.u32 s1, $0xD;
	s1 =	sshrl.u32 s1, $0x2  }
0xb8: {  	s3 =	sand.u32 $0x4000, s31;
	s1 =	sadd.s32 s1, s30  }
0xb9: {  	s0 =	sor.u32 s3, s0;
	s1 =	sshll.u32 s1, $0x11  }
0xba: {  	s0 =	sor.u32 s1, s0  }
0xbb: {  	s0 =	sadd.s32 $0x8F2B, s0  }
0xbc: {  	[sflag:s0] =	ssyncadd.remote.s32 $0x1  }
0xbd: {  	_ =	sfence.sel $0xFFFF  }
0xbe: {  	[dreg:$0x0] =	wrdreg $0xFFFFFFFF;
	(pc) =	sbr.abs _section_cstart, $3  }
0xbf: {  	[dreg:$0x1] =	wrdreg $0xFFFFFFFF  }
0xc0: {  	_ =	task.clear_ibuf [dreg:s6], $0x2FFFF;
	_ =	strace $0x9FFFFFFF  }
0xc1: {  	(tm) =	ssettm $0x7FFFFFFF  }
tec
execute0_lowered:
.L_overlay_start_1:
0x0: {  	(tag) =	ssettag $0x1  }
0x1: {  	s5 =	rddreg [dreg:$0x0];
	s2 =	srdreg.scid  }
0x2: {  	s0 =	rddreg [dreg:$0x1];
	s1 =	stileid.u32  }
0x3: {  	s11 =	simm.s32 $0x80;
	s12 =	simm.s32 $0x2800;
	s13 =	simm.s32 $0x6800  }
0x4: {  	s14 =	simm.s32 $0x1;
	s15 =	simm.s32 $0x2;
	s16 =	simm.s32 $0x0  }
0x5: {  	s4 =	sand.u32 $0x1, s2;
	s2 =	simm.s32 $0x0;
	s3 =	sshll.u32 s1, $0x8  }
0x6: {  	s29 =	sshll.u32 s1, $0xF;
	p0 =	seq.s32 s1, $0x0;
	s6 =	sshll.u32 s4, $0x7  }
0x7: {  	[smem:$0x7FF] =	sst s2;
	s7 =	sshll.u32 s4, $0xE;
	s30 =	ssub.s32 $0x2, s4  }
0x8: {  	s4 =	simm.s32 $0x28;
	s3 =	sor.u32 s6, s3;
	_ =	strace $0x80000047  }
0x9: {  	s6 =	sor.u32 s7, s29;
	s9 =	sshrl.u32 s30, $0x1;
	s4 =	simm.s32 @!p0 $0x27  }
0xa: {  	s3 =	sshrl.u32 s3, $0x3;
	s6 =	sshrl.u32 s6, $0x3;
	s31 =	ssub.s32 s30, s9  }
0xb: {  	s8 =	sadd.s32 s3, s5;
	s3 =	sadd.s32 $0x18000, s5;
	s10 =	sadd.s32 s6, s5  }
0xc: {  	s5 =	smax.u32 s31, $0x1;
	s6 =	sadd.s32 $0xE000, s8;
	s7 =	sadd.s32 $0x13000, s8  }
0xd: {  	s8 =	sadd.s32 $0x2B0200, s10;
	s9 =	sadd.s32 $0x3F200, s10;
	s10 =	simm.s32 $0x3  }
.LBB2_1:
0xe: {  	p0 =	sne.s32 s4, $0x1  }
.Ltmp0:
0xf: {  	_ = 	snop;
	(pc) =	sbr.rel @!p0 .LBB2_5-.Ltmp0, $4  }
0x10: {  	_ = 	snop  }
0x11: {  	s17 =	simm.s32 $0x1400  }
0x12: {  	s18 =	sadd.s32 $0xFFFFFFFF, s4;
	p1 =	por $0x0, $0x0;
	s23 =	smov.u32 s6  }
0x13: {  	s21 =	simm.s32 $0x0;
	s22 =	smov.u32 s7;
	s20 =	simm.s32 $0x1400  }
0x14: {  	s19 =	simm.s32 $0x0  }
0x15: {  	[tilespmem:s2], [sflag:$0x3] =	stream.linear.gather [hbm4b:s7+s19], $0x80, $0x38;
	[tilespmem:$0xA800] =	vst v63  }
0x16: {  	p2 =	sne.s32 s18, $0x1;
	_ =	swait.ge [sflag:s10], $0x80  }
.Ltmp1:
0x17: {  	[sflag:s10] =	ssyncset.done $0x0;
	(pc) =	sbr.rel @!p2 .LBB2_3-.Ltmp1, $4  }
0x18: {  	s24 =	sadd.s32 $0xFFFFFFFF, s18;
	s20 =	simm.s32 $0x1480;
	[sflag:s10] =	ssyncadd.s32 $0xFFFFFF80  }
0x19: {  	[tilespmem:s17], [sflag:$0x3] =	stream.linear.gather [hbm4b:s6+s19], $0x80, $0x38;
	[tilespmem:$0xA800] =	vst v63  }
0x1a: {  	s22 =	sadd.s32 $0x200, s7;
	s21 =	simm.s32 $0x80;
	_ =	swait.ge [sflag:s10], $0x80  }
0x1b: {  	p1 =	por $0x1, $0x1;
	s23 =	smov.u32 s6;
	[sflag:s10] =	ssyncset.done $0x0  }
.LBB2_4:
0x1c: {  	[sflag:s10] =	ssyncadd.s32 $0xFFFFFF80;
	s23 =	sadd.s32 $0x200, s23  }
0x1d: {  	[tilespmem:s21], [sflag:$0x3] =	stream.linear.gather [hbm4b:s22+s19], $0x80, $0x38;
	[tilespmem:$0xA800] =	vst v63  }
0x1e: {  	p2 =	sne.s32 s24, $0x1;
	s24 =	sadd.s32 $0xFFFFFFFF, s24;
	_ =	swait.ge [sflag:s10], $0x80  }
.Ltmp2:
0x1f: {  	[sflag:s10] =	ssyncset.done $0x0;
	(pc) =	sbr.rel @p2 .LBB2_4-.Ltmp2, $4  }
0x20: {  	[sflag:s10] =	ssyncadd.s32 $0xFFFFFF80  }
0x21: {  	[tilespmem:s20], [sflag:$0x3] =	stream.linear.gather [hbm4b:s23+s19], $0x80, $0x38;
	[tilespmem:$0xA800] =	vst v63  }
0x22: {  	s20 =	sadd.s32 $0x80, s20;
	_ =	swait.ge [sflag:s10], $0x80  }
0x23: {  	s22 =	sadd.s32 $0x200, s22;
	s21 =	sadd.s32 $0x80, s21;
	[sflag:s10] =	ssyncset.done $0x0  }
.LBB2_5:
0x24: {  	s19 =	simm.s32 $0x0;
	[sflag:s10] =	ssyncadd.s32 @p1 $0xFFFFFF80  }
0x25: {  	[tilespmem:s21], [sflag:$0x3] =	stream.linear.gather [hbm4b:s22+s19], $0x80, $0x38;
	[tilespmem:$0xA800] =	vst v63  }
0x26: {  	_ =	swait.ge [sflag:s10], $0x80  }
0x27: {  	s21 =	sadd.s32 @p1 $0x200, s23;
	s22 =	smov.u32 s6;
	[sflag:s10] =	ssyncset.done $0x0  }
0x28: {  	s22 =	smov.u32 @p1 s21;
	[sflag:s10] =	ssyncadd.s32 $0xFFFFFF80  }
0x29: {  	[tilespmem:s20], [sflag:$0x3] =	stream.linear.gather [hbm4b:s22+s19], $0x80, $0x38;
	[tilespmem:$0xA800] =	vst v63  }
0x2a: {  	_ =	swait.ge [sflag:s10], $0x80  }
0x2b: {  	[sflag:s10] =	ssyncset.done $0x0  }
0x2c: {  	[sflag:s10] =	ssyncadd.s32 $0xFFFFFF80  }
0x2d: {  	[tilespmem:s12], [sflag:$0x1] =	stream.indirect.gather [hbm4b:s3+s11], $0x80, s19, s11, $0xb8;
	[tilespmem:$0xA800] =	vst v63  }
0x2e: {  	_ = 	snop  }
0x2f: {  	[tilespmem:s13], [sflag:$0x2] =	stream.indirect.gather [hbm4b:s3+s11], $0x80, s17, s11, $0xb8;
	[tilespmem:$0xA800] =	vst v63  }
0x30: {  	_ =	swait.ge [sflag:s14], $0x4000  }
0x31: {  	[sflag:s14] =	ssyncset.done $0x0  }
0x32: {  	[sflag:s14] =	ssyncadd.s32 $0xFFFFC000  }
0x33: {  	_ =	swait.ge [sflag:s15], $0x4000  }
0x34: {  	[sflag:s15] =	ssyncset.done $0x0  }
0x35: {  	[sflag:s15] =	ssyncadd.s32 $0xFFFFC000  }
0x36: {  	[hbm4b:s9+s2] =	stream.linear.scatter [tilespmem:s12], [sflag:$0x3], $0x4000, $0x38;
	[tilespmem:$0xA800] =	vst v63  }
0x37: {  	_ =	swait.ge [sflag:s10], $0x4000  }
.Ltmp3:
0x38: {  	[sflag:s10] =	ssyncset.done $0x0;
	(pc) =	sbr.rel @!p0 .LBB2_7-.Ltmp3, $4  }
0x39: {  	[sflag:s10] =	ssyncadd.s32 $0xFFFFC000  }
0x3a: {  	[hbm4b:s8+s2] =	stream.linear.scatter [tilespmem:s13], [sflag:$0x3], $0x4000, $0x38;
	[tilespmem:$0xA800] =	vst v63  }
0x3b: {  	_ =	swait.ge [sflag:s10], $0x4000  }
0x3c: {  	s21 =	sadd.s32 $0x10000, s9;
	s20 =	sadd.s32 $0x10000, s8;
	[sflag:s10] =	ssyncset.done $0x0  }
.LBB2_6:
0x3d: {  	[sflag:s10] =	ssyncadd.s32 $0xFFFFC000;
	s19 =	sadd.s32 $0x80, s19;
	s17 =	sadd.s32 $0x80, s17  }
0x3e: {  	[tilespmem:s12], [sflag:$0x1] =	stream.indirect.gather [hbm4b:s3+s11], $0x80, s19, s11, $0xb8;
	[tilespmem:$0xA800] =	vst v63  }
0x3f: {  	p0 =	sne.s32 s18, $0x1;
	s18 =	sadd.s32 $0xFFFFFFFF, s18  }
0x40: {  	[tilespmem:s13], [sflag:$0x2] =	stream.indirect.gather [hbm4b:s3+s11], $0x80, s17, s11, $0xb8;
	[tilespmem:$0xA800] =	vst v63  }
0x41: {  	_ =	swait.ge [sflag:s14], $0x4000  }
0x42: {  	[sflag:s14] =	ssyncset.done $0x0  }
0x43: {  	[sflag:s14] =	ssyncadd.s32 $0xFFFFC000  }
0x44: {  	_ =	swait.ge [sflag:s15], $0x4000  }
0x45: {  	[sflag:s15] =	ssyncset.done $0x0  }
0x46: {  	[sflag:s15] =	ssyncadd.s32 $0xFFFFC000  }
0x47: {  	[hbm4b:s21+s2] =	stream.linear.scatter [tilespmem:s12], [sflag:$0x3], $0x4000, $0x38;
	[tilespmem:$0xA800] =	vst v63  }
0x48: {  	_ =	swait.ge [sflag:s10], $0x4000  }
.Ltmp4:
0x49: {  	[sflag:s10] =	ssyncset.done $0x0;
	(pc) =	sbr.rel @p0 .LBB2_6-.Ltmp4, $4  }
0x4a: {  	[sflag:s10] =	ssyncadd.s32 $0xFFFFC000  }
0x4b: {  	[hbm4b:s20+s2] =	stream.linear.scatter [tilespmem:s13], [sflag:$0x3], $0x4000, $0x38;
	[tilespmem:$0xA800] =	vst v63  }
0x4c: {  	_ =	swait.ge [sflag:s10], $0x4000  }
0x4d: {  	s21 =	sadd.s32 $0x10000, s21;
	s20 =	sadd.s32 $0x10000, s20;
	[sflag:s10] =	ssyncset.done $0x0  }
.LBB2_7:
0x4e: {  	s16 =	sadd.s32 $0x1, s16  }
0x4f: {  	p0 =	sne.s32 s16, s5  }
.Ltmp5:
0x50: {  	_ = 	snop;
	(pc) =	sbr.rel @p0 .LBB2_1-.Ltmp5, $4  }
.Ltmp6:
0x51: {  	_ = 	snop;
	(pc) =	sbr.rel @!p0 .LBB2_8-.Ltmp6, $4  }
0x52: {  	_ = 	snop  }
0x53: {  	_ = 	snop  }
0x54: {  	[sflag:s10] =	ssyncadd.s32 $0xFFFFC000  }
0x55: {  	_ = 	snop  }
.LBB2_3:
.Ltmp7:
0x56: {  	(pc) =	sbr.rel .LBB2_5-.Ltmp7, $2  }
0x57: {  	_ =	sdelay $0x2  }
0x58: {  	s23 =	smov.u32 s6  }
.LBB2_8:
0x59: {  	_ =	sfence.sel $0x180000  }
0x5a: {  	[bflag:$0x0] =	sbarrier.arrive $0xFFFF  }
0x5b: {  	p0 =	sne.s32 s1, $0x0;
	_ =	strace $0x90000047  }
0x5c: {  	s0 =	sadd.s32 @!p0 $0x100000, s0;
	[bflag:$0x2] =	sbarrier.arrive $0xFFFF  }
0x5d: {  	[sflag:s0] =	ssyncadd.tile.s32 @!p0 $0x1;
	_ =	shalt  }
.Lfunc_end2:
_tile_overlayer_lowered:
.L_overlay_start_2:
0x5e: {  	(tag) =	ssettag $0x2  }
0x5f: {  	s0 =	rddreg [dreg:$0x0];
	s2 =	stileid.u32  }
0x60: {  	s1 =	rddreg [dreg:$0x1];
	p0 =	sne.s32 s2, $0x0  }
0x61: {  	s3 =	rddreg [dreg:$0x2];
	[bflag:$0x3] =	sbarrier.arrive $0xFFFF;
	s2 =	simm.s32 @!p0 $0x1C03  }
0x62: {  	[timem:s3], [sflag:s2] =	dma.local @!p0 [hbm:s0], s1  }
0x63: {  	s0 =	simm.s32 @!p0 $0x3  }
0x64: {  	_ =	swait.ge @!p0 [sflag:s0], s1  }
0x65: {  	s1 =	ssub.s32 @!p0 $0x0, s1;
	[sflag:s0] =	ssyncset.done @!p0 $0x0  }
0x66: {  	[sflag:s0] =	ssyncadd.s32 @!p0 s1  }
0x67: {  	[bflag:$0x3] =	sbarrier.arrive $0xFFFF  }
0x68: {  	_ =	shalt  }

// kernel: kernel.28.cloned.1.call-start
scs
__scs_entry_jumppad:
0x0: {  	(pc) =	sbr.rel $0x88, $3  }
0x1: {  	(tag) =	ssettag $0x0;
	lr =	simm.s32 $0x1  }
0x2: {  	[smem:$0x3F80] =	sst lr;
	_ =	strace $0xD0000000  }
0x3: {  	_ = 	snop  }
0x4: {  	_ = 	snop  }
0x5: {  	_ = 	snop  }
0x6: {  	_ = 	snop  }
0x7: {  	_ = 	snop  }
__scs_overlays_trampoline_lowered:
0x8: {  	[smem:$0x3F8F] =	sst s0  }
0x9: {  	[smem:$0x3F90] =	sst s1  }
0xa: {  	[smem:$0x3F91] =	sst s2  }
0xb: {  	[smem:$0x3F92] =	sst s3  }
0xc: {  	[smem:$0x3F93] =	sst s4  }
0xd: {  	[smem:$0x3F94] =	sst s5  }
0xe: {  	[smem:$0x3F95] =	sst s6  }
0xf: {  	[smem:$0x3F96] =	sst s7  }
0x10: {  	[smem:$0x3F97] =	sst s8  }
0x11: {  	[smem:$0x3F98] =	sst s9;
	s0 =	simm.s32 @!p0 $0x0  }
0x12: {  	s1 =	sld [smem:$0x3F7E];
	s0 =	simm.s32 @p0 $0x1  }
0x13: {  	[smem:$0x3F99] =	sst s0;
	s0 =	simm.s32 @!p1 $0x0  }
0x14: {  	s2 =	sld [smem:$0x3F7D];
	s0 =	simm.s32 @p1 $0x1  }
0x15: {  	[smem:$0x3F9A] =	sst s0;
	s0 =	simm.s32 @!p2 $0x0  }
0x16: {  	s3 =	sld [smem:$0x3FDB];
	s0 =	simm.s32 @p2 $0x1  }
0x17: {  	s4 =	simm.s32 $0x1BF5;
	[smem:$0x3F9C] =	sst s0  }
0x18: {  	s0 =	sld [smem:$0x3F7F];
	_ =	swait.ge [sflag:s4], $0x0  }
0x19: {  	s7 =	sld [smem:$0x3F80]  }
0x1a: {  	s8 =	sadd.s32 $0xFFFFE003, lr  }
0x1b: {  	s9 =	sadd.s32 $0xFFFFFEF7, lr;
	s5 =	simm.s32 $0xFFFFFFFF;
	p2 =	slt.u32 s8, $0xFFFFF086  }
0x1c: {  	p1 =	slt.u32 s9, $0xF7A;
	s5 =	simm.s32 @!p2 $0x0  }
0x1d: {  	s5 =	simm.s32 @p1 $0x1;
	p0 =	seq.s32 s7, s2  }
0x1e: {  	s7 =	smul.u32 @!p0 $0xF7A, s2;
	p2 =	seq.s32 @!p0 s5, $0x0  }
0x1f: {  	s9 =	smul.u32 $0xF7A, s1;
	s8 =	simm.s32 @!p0 $0x1BF5;
	p2 =	por !p2, p0  }
0x20: {  	[sflag:s8] =	ssyncset.s32 @!p0 $0xFFFFF086;
	s6 =	sadd.s32 @!p0 s3, s7;
	s7 =	simm.s32 @!p0 $0x108  }
0x21: {  	s3 =	sadd.s32 s3, s9;
	s6 =	sadd.s32 @!p0 $0x88, s6;
	s7 =	simm.s32 @p2 $0x1082  }
0x22: {  	[simem:s7], [sflag:s8] =	dma.local @!p0 [hbm:s6], $0xF7A  }
0x23: {  	s9 =	sor.u32 $0xD0000000, s2;
	s6 =	simm.s32 $0x108;
	_ =	swait.ge @!p0 [sflag:s8], $0x0  }
0x24: {  	s3 =	sadd.s32 $0x88, s3;
	s6 =	simm.s32 @!p1 $0x1082;
	[sflag:s4] =	ssyncset.s32 $0xFFFFF086  }
0x25: {  	[simem:s6], [sflag:s4] =	dma.local [hbm:s3], $0xF7A  }
0x26: {  	[smem:$0x3F80] =	sst s1;
	(tag) =	ssettag s2;
	_ =	strace s9  }
0x27: {  	s1 =	sld [smem:$0x3F90]  }
0x28: {  	s2 =	sld [smem:$0x3F91]  }
0x29: {  	s4 =	sld [smem:$0x3F93]  }
0x2a: {  	p0 =	seq.s32 s5, $0x0;
	s5 =	sld [smem:$0x3F94]  }
0x2b: {  	s6 =	sld [smem:$0x3F95]  }
0x2c: {  	s7 =	sld [smem:$0x3F96]  }
0x2d: {  	s3 =	simm.s32 $0x108;
	s8 =	sld [smem:$0x3F97]  }
0x2e: {  	s3 =	simm.s32 @!p0 $0x1082;
	s9 =	sld [smem:$0x3F98]  }
0x2f: {  	lr =	sadd.s32 s0, s3;
	s0 =	sld [smem:$0x3F8F]  }
0x30: {  	s3 =	sld [smem:$0x3F92]  }
0x31: {  	[smem:$0x3F9B] =	sst s10  }
0x32: {  	s10 =	sld [smem:$0x3F99];
	_ =	sdelay $0x3  }
0x33: {  	p0 =	seq.s32 s10, $0x1;
	s10 =	sld [smem:$0x3F9B];
	_ =	sdelay $0x3  }
0x34: {  	[smem:$0x3F9B] =	sst s10  }
0x35: {  	s10 =	sld [smem:$0x3F9A];
	_ =	sdelay $0x3  }
0x36: {  	p1 =	seq.s32 s10, $0x1;
	s10 =	sld [smem:$0x3F9B];
	_ =	sdelay $0x3  }
0x37: {  	[smem:$0x3F9B] =	sst s10  }
0x38: {  	s10 =	sld [smem:$0x3F9C]  }
0x39: {  	_ = 	snop;
	(pc) =	sbr.ind lr, $3  }
0x3a: {  	_ = 	snop  }
0x3b: {  	_ = 	snop  }
0x3c: {  	p2 =	seq.s32 s10, $0x1;
	s10 =	sld [smem:$0x3F9B]  }
0x3d: {  	_ =	shalt  }
0x3e: {  	_ =	shalt  }
0x3f: {  	_ =	shalt  }
0x40: {  	_ =	shalt  }
0x41: {  	_ =	shalt  }
0x42: {  	_ =	shalt  }
0x43: {  	_ =	shalt  }
0x44: {  	_ =	shalt  }
0x45: {  	_ =	shalt  }
0x46: {  	_ =	shalt  }
0x47: {  	_ =	shalt  }
0x48: {  	_ =	shalt  }
0x49: {  	_ =	shalt  }
0x4a: {  	_ =	shalt  }
0x4b: {  	_ =	shalt  }
0x4c: {  	_ =	shalt  }
0x4d: {  	_ =	shalt  }
0x4e: {  	_ =	shalt  }
0x4f: {  	_ =	shalt  }
0x50: {  	_ =	shalt  }
0x51: {  	_ =	shalt  }
0x52: {  	_ =	shalt  }
0x53: {  	_ =	shalt  }
0x54: {  	_ =	shalt  }
0x55: {  	_ =	shalt  }
0x56: {  	_ =	shalt  }
0x57: {  	_ =	shalt  }
0x58: {  	_ =	shalt  }
0x59: {  	_ =	shalt  }
0x5a: {  	_ =	shalt  }
0x5b: {  	_ =	shalt  }
0x5c: {  	_ =	shalt  }
0x5d: {  	_ =	shalt  }
0x5e: {  	_ =	shalt  }
0x5f: {  	_ =	shalt  }
0x60: {  	_ =	shalt  }
0x61: {  	_ =	shalt  }
0x62: {  	_ =	shalt  }
0x63: {  	_ =	shalt  }
0x64: {  	_ =	shalt  }
0x65: {  	_ =	shalt  }
0x66: {  	_ =	shalt  }
0x67: {  	_ =	shalt  }
0x68: {  	_ =	shalt  }
0x69: {  	_ =	shalt  }
0x6a: {  	_ =	shalt  }
0x6b: {  	_ =	shalt  }
0x6c: {  	_ =	shalt  }
0x6d: {  	_ =	shalt  }
0x6e: {  	_ =	shalt  }
0x6f: {  	_ =	shalt  }
0x70: {  	_ =	shalt  }
0x71: {  	_ =	shalt  }
0x72: {  	_ =	shalt  }
0x73: {  	_ =	shalt  }
0x74: {  	_ =	shalt  }
0x75: {  	_ =	shalt  }
0x76: {  	_ =	shalt  }
0x77: {  	_ =	shalt  }
0x78: {  	_ =	shalt  }
0x79: {  	_ =	shalt  }
0x7a: {  	_ =	shalt  }
0x7b: {  	_ =	shalt  }
0x7c: {  	_ =	shalt  }
0x7d: {  	_ =	shalt  }
0x7e: {  	_ =	shalt  }
0x7f: {  	_ =	shalt  }
0x80: {  	_ =	shalt  }
0x81: {  	_ =	shalt  }
0x82: {  	_ =	shalt  }
0x83: {  	_ =	shalt  }
0x84: {  	_ =	shalt  }
0x85: {  	_ =	shalt  }
0x86: {  	_ =	shalt  }
0x87: {  	_ =	shalt  }
.Lfunc_end0:
.L_simem_size_0:
called_computation.1_lowered:
.L_overlay_start_0:
0x88: {  	s2 =	sld [smem:$0x3FD9]  }
0x89: {  	s3 =	sld [smem:$0x3FFE];
	_ =	sdelay $0x1  }
0x8a: {  	s1 =	srdreg.scid  }
0x8b: {  	s0 =	sand.u32 $0x1, s1  }
0x8c: {  	s16 =	sshll.u32 s0, $0xA;
	s2 =	sadd.s32 s3, s2  }
0x8d: {  	s2 =	sadd.s32 s2, s16  }
0x8e: {  	[smem:$0x3FA7] =	sst s2  }
0x8f: {  	_ = 	snop  }
0x90: {  	(tm) =	ssettm $0x1  }
0x91: {  	s17 =	sld [smem:$0x3FFB];
	_ =	sdelay $0x3  }
0x92: {  	_ =	strace s17  }
0x93: {  	s2 =	sld [smem:$0x3FFC];
	_ =	sdelay $0x3  }
0x94: {  	_ =	strace s2  }
0x95: {  	s2 =	sld [smem:$0x3FFD];
	_ =	sdelay $0x3  }
0x96: {  	_ =	strace s2  }
0x97: {  	_ =	strace $0x8FFFFFFF  }
0x98: {  	s18 =	sld [smem:$0x3FDB];
	_ =	sdelay $0x1  }
0x99: {  	s19 =	simm.s32 $_scs_section_size  }
0x9a: {  	s4 =	simm.s32 $_size__tile_overlayer_lowered;
	s5 =	simm.s32 $_tile_overlayer_lowered  }
0x9b: {  	s22 =	simm.s32 $0x1BFF;
	s21 =	sshll.u32 s5, $0x1;
	s2 =	sadd.s32 s19, s18  }
0x9c: {  	s6 =	simm.s32 $0x0;
	s20 =	sshll.u32 s4, $0x1;
	s4 =	sadd.s32 s21, s2  }
0x9d: {  	[timem:s6], [sflag:s22] =	dma.local [hbm:s4], s20  }
0x9e: {  	_ =	swait.ge [sflag:s22], s20  }
0x9f: {  	s3 =	ssub.s32 $0x0, s20;
	[sflag:s22] =	ssyncset.done $0x0  }
0xa0: {  	[sflag:s22] =	ssyncadd.s32 s3;
	_ =	sdelay $0x1  }
0xa1: {  	s23 =	simm.s32 $0x1B8B  }
0xa2: {  	_ =	swait.ge [sflag:s23], $0x1  }
0xa3: {  	[sflag:s23] =	ssyncset.done $0x0  }
0xa4: {  	s25 =	simm.s32 $0x1B8E;
	s24 =	sld [smem:$0x3FFE];
	[sflag:s23] =	ssyncadd.s32 $0xFFFFFFFF  }
0xa5: {  	s26 =	simm.s32 $execute0_lowered;
	[smem:$0x3FD2] =	sst s25  }
0xa6: {  	s4 =	sshll.u32 s26, $0x1;
	_ =	strace $0x80000049;
	[dreg:$0x1] =	wrdreg $0xFFFFFFFF  }
0xa7: {  	s28 =	simm.s32 $_size_execute0_lowered;
	s2 =	sadd.s32 s2, s4;
	[dreg:$0x0] =	wrdreg $0x0  }
0xa8: {  	s4 =	sshll.u32 s28, $0x1;
	[dreg:$0x2] =	wrdreg s2  }
0xa9: {  	[dreg:$0x3] =	wrdreg s4  }
0xaa: {  	[dreg:$0x4] =	wrdreg $0xC0  }
0xab: {  	_ =	task [dreg:s6], $0x5FFFF  }
0xac: {  	[dreg:$0x1] =	wrdreg $0xFFFFFFFF  }
0xad: {  	[dreg:$0x0] =	wrdreg $0x60  }
0xae: {  	[dreg:$0x2] =	wrdreg s24  }
0xaf: {  	[dreg:$0x3] =	wrdreg $0x54000  }
0xb0: {  	[dreg:$0x4] =	wrdreg $0x9  }
0xb1: {  	_ =	task.clear_ibuf [dreg:s6], $0x5FFFF;
	_ =	strace $0x90000049  }
0xb2: {  	s29 =	simm.s32 $0x9;
	_ =	strace $0x8000004B  }
0xb3: {  	_ =	swait.ge [sflag:s29], $0x1  }
0xb4: {  	[sflag:s29] =	ssyncadd.s32 $0xFFFFFFFF  }
0xb5: {  	_ =	strace $0x9000004B  }
0xb6: {  	_ =	sfence  }
0xb7: {  	s30 =	sld [smem:$0x0];
	_ =	sdelay $0x2  }
0xb8: {  	s31 =	sshll.u32 s1, $0xD;
	s1 =	sshrl.u32 s1, $0x2  }
0xb9: {  	s3 =	sand.u32 $0x4000, s31;
	s1 =	sadd.s32 s1, s30  }
0xba: {  	s0 =	sor.u32 s3, s0;
	s1 =	sshll.u32 s1, $0x11  }
0xbb: {  	s0 =	sor.u32 s1, s0  }
0xbc: {  	s0 =	sadd.s32 $0x8F2B, s0  }
0xbd: {  	[sflag:s0] =	ssyncadd.remote.s32 $0x1  }
0xbe: {  	_ =	sfence.sel $0xFFFF  }
0xbf: {  	[dreg:$0x0] =	wrdreg $0xFFFFFFFF;
	(pc) =	sbr.abs _section_cstart, $3  }
0xc0: {  	[dreg:$0x1] =	wrdreg $0xFFFFFFFF  }
0xc1: {  	_ =	task.clear_ibuf [dreg:s6], $0x2FFFF;
	_ =	strace $0x9FFFFFFF  }
0xc2: {  	(tm) =	ssettm $0x7FFFFFFF  }
0xc3: {  	_ =	shalt  }
tec
execute0_lowered:
.L_overlay_start_1:
0x0: {  	(tag) =	ssettag $0x1  }
0x1: {  	s5 =	rddreg [dreg:$0x0]  }
0x2: {  	s2 =	rddreg [dreg:$0x1]  }
0x3: {  	s3 =	srdreg.scid;
	s1 =	stileid.u32  }
0x4: {  	s0 =	rddreg [dreg:$0x2];
	s15 =	simm.s32 $0x1400;
	s16 =	simm.s32 $0x1  }
0x5: {  	s17 =	simm.s32 $0x80;
	s18 =	simm.s32 $0x0;
	s6 =	sand.u32 $0x1, s3  }
0x6: {  	s4 =	sshll.u32 s1, $0x8;
	s8 =	sshll.u32 s1, $0xF;
	s3 =	simm.s32 $0x0  }
0x7: {  	s28 =	smul.u32 $0x4F000, s1;
	s11 =	sadd.s32 $0x41A00, s5;
	p0 =	seq.s32 s1, $0x0  }
0x8: {  	s13 =	smul.u32 $0x13C00, s1;
	s7 =	sshll.u32 s6, $0x7;
	s9 =	sshll.u32 s6, $0xE  }
0x9: {  	[smem:$0x7FF] =	sst s3;
	s26 =	ssub.s32 $0x2, s6;
	s6 =	smul.u32 $0x138800, s6  }
0xa: {  	s4 =	sor.u32 s7, s4;
	s24 =	sor.u32 s9, s8;
	_ =	strace $0x8000004A  }
0xb: {  	s12 =	sshrl.u32 s26, $0x1;
	s29 =	sshrl.u32 s28, $0x2;
	s4 =	sshrl.u32 s4, $0x3  }
0xc: {  	s7 =	sshrl.u32 s24, $0x3;
	s12 =	ssub.s32 s26, s12;
	s14 =	sadd.s32 s29, s2  }
0xd: {  	s30 =	sadd.s32 s13, s6;
	s6 =	sshrl.u32 s6, $0x3;
	s13 =	sadd.s32 $0x128400, s2  }
0xe: {  	s25 =	sadd.s32 s4, s5;
	s10 =	sadd.s32 s7, s5;
	s4 =	sadd.s32 $0x3F200, s5  }
0xf: {  	s5 =	simm.s32 $0x28;
	s7 =	sshrl.u32 s30, $0x3;
	s31 =	sadd.s32 s11, s6  }
0x10: {  	s8 =	smax.u32 s12, $0x1;
	s5 =	simm.s32 @!p0 $0x27;
	s6 =	sadd.s32 s11, s7  }
0x11: {  	s7 =	sadd.s32 $0x25080, s31;
	p0 =	seq.s32 s1, $0xF;
	s9 =	sadd.s32 $0x13000, s25  }
0x12: {  	s10 =	sadd.s32 $0x521200, s10;
	s12 =	sshll.u32 @!p0 s1, $0x6;
	s11 =	sshrl.u32 @p0 s13, $0x3  }
0x13: {  	s13 =	sshrl.u32 @!p0 s14, $0x3;
	s14 =	simm.s32 $0x2;
	s12 =	sor.u32 @!p0 $0x1C02, s12  }
.LBB2_1:
0x14: {  	s19 =	simm.s32 @p0 $0x1FC2  }
0x15: {  	[spmem:s11], [sflag:s19] =	dma.local @p0 [hbm:s4], $0x2080  }
0x16: {  	s19 =	simm.s32 @p0 $0x2  }
0x17: {  	_ =	swait.ge @p0 [sflag:s19], $0x2080  }
0x18: {  	[sflag:s19] =	ssyncset.done @p0 $0x0  }
0x19: {  	[sflag:s19] =	ssyncadd.s32 @p0 $0xFFFFDF80;
	s19 =	simm.s32 @!p0 $0x2  }
0x1a: {  	[spmem:s13], [sflag:s12] =	dma.local @!p0 [hbm:s4], $0x2780  }
0x1b: {  	p1 =	sne.s32 s5, $0x1;
	_ =	swait.ge @!p0 [sflag:s19], $0x2780  }
.Ltmp0:
0x1c: {  	[sflag:s19] =	ssyncset.done @!p0 $0x0;
	(pc) =	sbr.rel @!p1 .LBB2_3-.Ltmp0, $4  }
0x1d: {  	[sflag:s19] =	ssyncadd.s32 @!p0 $0xFFFFD880  }
0x1e: {  	[tilespmem:s3], [sflag:$0x2] =	stream.linear.gather [hbm4b:s9+s3], $0x80, $0x38;
	[tilespmem:$0x18C80] =	vst v63  }
0x1f: {  	s20 =	smov.u32 s9;
	_ =	swait.ge [sflag:s14], $0x80  }
0x20: {  	s21 =	simm.s32 $0x0;
	s19 =	sadd.s32 $0xFFFFFFFF, s5;
	[sflag:s14] =	ssyncset.done $0x0  }
.LBB2_2:
0x21: {  	[sflag:s14] =	ssyncadd.s32 $0xFFFFFF80  }
0x22: {  	s20 =	sadd.s32 $0x200, s20;
	s21 =	sadd.s32 $0x80, s21;
	p2 =	sne.s32 s19, $0x1  }
.Ltmp1:
0x23: {  	s19 =	sadd.s32 $0xFFFFFFFF, s19;
	(pc) =	sbr.rel @p2 .LBB2_2-.Ltmp1, $4  }
0x24: {  	_ = 	snop  }
0x25: {  	[tilespmem:s21], [sflag:$0x2] =	stream.linear.gather [hbm4b:s20+s3], $0x80, $0x38;
	[tilespmem:$0x18C80] =	vst v63  }
0x26: {  	_ =	swait.ge [sflag:s14], $0x80  }
0x27: {  	[sflag:s14] =	ssyncset.done $0x0  }
.LBB2_3:
0x28: {  	[sflag:s14] =	ssyncadd.s32 $0xFFFFFF80  }
0x29: {  	[bflag:$0x0] =	sbarrier.arrive $0xFFFF  }
0x2a: {  	[tilespmem:s15], [sflag:$0x1] =	stream.linear.gather [hbm4b:s10+s3], $0x4000, $0x38;
	[tilespmem:$0x18C80] =	vst v63  }
0x2b: {  	_ =	swait.ge [sflag:s16], $0x4000  }
.Ltmp2:
0x2c: {  	[sflag:s16] =	ssyncset.done $0x0;
	(pc) =	sbr.rel @!p1 .LBB2_5-.Ltmp2, $4  }
0x2d: {  	s19 =	simm.s32 $0x0;
	[sflag:s16] =	ssyncadd.s32 $0xFFFFC000  }
0x2e: {  	[spmem:s2] =	stream.indirect.scatter.add.f32 [tilespmem:s15], [sflag:$0x2], $0x80, s19, s17, $0xb8;
	[tilespmem:$0x18C80] =	vst v63  }
0x2f: {  	_ =	swait.ge [sflag:s14], $0x4000  }
0x30: {  	s20 =	sadd.s32 $0xFFFFFFFF, s5;
	s21 =	smov.u32 s10;
	[sflag:s14] =	ssyncset.done $0x0  }
.LBB2_4:
0x31: {  	[sflag:s14] =	ssyncadd.s32 $0xFFFFC000;
	s19 =	sadd.s32 $0x80, s19;
	s21 =	sadd.s32 $0x10000, s21  }
0x32: {  	[tilespmem:s15], [sflag:$0x1] =	stream.linear.gather [hbm4b:s21+s3], $0x4000, $0x38;
	[tilespmem:$0x18C80] =	vst v63  }
0x33: {  	p1 =	sne.s32 s20, $0x1;
	s20 =	sadd.s32 $0xFFFFFFFF, s20;
	_ =	swait.ge [sflag:s16], $0x4000  }
.Ltmp3:
0x34: {  	[sflag:s16] =	ssyncset.done $0x0;
	(pc) =	sbr.rel @p1 .LBB2_4-.Ltmp3, $4  }
0x35: {  	[sflag:s16] =	ssyncadd.s32 $0xFFFFC000  }
0x36: {  	[spmem:s2] =	stream.indirect.scatter.add.f32 [tilespmem:s15], [sflag:$0x2], $0x80, s19, s17, $0xb8;
	[tilespmem:$0x18C80] =	vst v63  }
0x37: {  	_ =	swait.ge [sflag:s14], $0x4000  }
0x38: {  	[sflag:s14] =	ssyncset.done $0x0  }
.LBB2_5:
0x39: {  	[sflag:s14] =	ssyncadd.s32 $0xFFFFC000  }
0x3a: {  	s19 =	simm.s32 @p0 $0x1FC2;
	[bflag:$0x0] =	sbarrier.arrive $0xFFFF  }
0x3b: {  	[hbm:s7], [sflag:s19] =	dma.local @p0 [spmem:s11], $0x2080  }
0x3c: {  	s19 =	simm.s32 @p0 $0x2  }
0x3d: {  	s18 =	sadd.s32 $0x1, s18;
	_ =	swait.ge @p0 [sflag:s19], $0x2080  }
0x3e: {  	p1 =	sne.s32 s18, s8;
	[sflag:s19] =	ssyncset.done @p0 $0x0  }
.Ltmp4:
0x3f: {  	[sflag:s19] =	ssyncadd.s32 @p0 $0xFFFFDF80;
	s19 =	simm.s32 @!p0 $0x2;
	(pc) =	sbr.rel @p1 .LBB2_1-.Ltmp4, $4  }
0x40: {  	[hbm:s6], [sflag:s12] =	dma.local @!p0 [spmem:s13], $0x2780  }
0x41: {  	_ =	swait.ge @!p0 [sflag:s19], $0x2780  }
0x42: {  	[sflag:s19] =	ssyncset.done @!p0 $0x0  }
0x43: {  	[sflag:s19] =	ssyncadd.s32 @!p0 $0xFFFFD880  }
0x44: {  	_ =	sfence.sel $0x180000  }
0x45: {  	[bflag:$0x0] =	sbarrier.arrive $0xFFFF  }
0x46: {  	p0 =	sne.s32 s1, $0x0;
	_ =	strace $0x9000004A  }
0x47: {  	s0 =	sadd.s32 @!p0 $0x100000, s0;
	[bflag:$0x2] =	sbarrier.arrive $0xFFFF  }
0x48: {  	[sflag:s0] =	ssyncadd.tile.s32 @!p0 $0x1;
	_ =	shalt  }
.Lfunc_end2:
_tile_overlayer_lowered:
.L_overlay_start_2:
0x49: {  	(tag) =	ssettag $0x2  }
0x4a: {  	s0 =	rddreg [dreg:$0x0];
	s2 =	stileid.u32  }
0x4b: {  	s1 =	rddreg [dreg:$0x1];
	p0 =	sne.s32 s2, $0x0  }
0x4c: {  	s3 =	rddreg [dreg:$0x2];
	[bflag:$0x3] =	sbarrier.arrive $0xFFFF;
	s2 =	simm.s32 @!p0 $0x1C02  }
0x4d: {  	[timem:s3], [sflag:s2] =	dma.local @!p0 [hbm:s0], s1  }
0x4e: {  	s0 =	simm.s32 @!p0 $0x2  }
0x4f: {  	_ =	swait.ge @!p0 [sflag:s0], s1  }
0x50: {  	s1 =	ssub.s32 @!p0 $0x0, s1;
	[sflag:s0] =	ssyncset.done @!p0 $0x0  }
0x51: {  	[sflag:s0] =	ssyncadd.s32 @!p0 s1  }
0x52: {  	[bflag:$0x3] =	sbarrier.arrive $0xFFFF  }
0x53: {  	_ =	shalt  }

// kernel: kernel.31.cloned.1.call-start
scs
__scs_entry_jumppad:
0x0: {  	(pc) =	sbr.rel $0x88, $3  }
0x1: {  	(tag) =	ssettag $0x0;
	lr =	simm.s32 $0x1  }
0x2: {  	[smem:$0x3F80] =	sst lr;
	_ =	strace $0xD0000000  }
0x3: {  	_ = 	snop  }
0x4: {  	_ = 	snop  }
0x5: {  	_ = 	snop  }
0x6: {  	_ = 	snop  }
0x7: {  	_ = 	snop  }
__scs_overlays_trampoline_lowered:
0x8: {  	[smem:$0x3F8F] =	sst s0  }
0x9: {  	[smem:$0x3F90] =	sst s1  }
0xa: {  	[smem:$0x3F91] =	sst s2  }
0xb: {  	[smem:$0x3F92] =	sst s3  }
0xc: {  	[smem:$0x3F93] =	sst s4  }
0xd: {  	[smem:$0x3F94] =	sst s5  }
0xe: {  	[smem:$0x3F95] =	sst s6  }
0xf: {  	[smem:$0x3F96] =	sst s7  }
0x10: {  	[smem:$0x3F97] =	sst s8  }
0x11: {  	[smem:$0x3F98] =	sst s9;
	s0 =	simm.s32 @!p0 $0x0  }
0x12: {  	s1 =	sld [smem:$0x3F7E];
	s0 =	simm.s32 @p0 $0x1  }
0x13: {  	[smem:$0x3F99] =	sst s0;
	s0 =	simm.s32 @!p1 $0x0  }
0x14: {  	s2 =	sld [smem:$0x3F7D];
	s0 =	simm.s32 @p1 $0x1  }
0x15: {  	[smem:$0x3F9A] =	sst s0;
	s0 =	simm.s32 @!p2 $0x0  }
0x16: {  	s3 =	sld [smem:$0x3FDB];
	s0 =	simm.s32 @p2 $0x1  }
0x17: {  	s4 =	simm.s32 $0x1BF5;
	[smem:$0x3F9C] =	sst s0  }
0x18: {  	s0 =	sld [smem:$0x3F7F];
	_ =	swait.ge [sflag:s4], $0x0  }
0x19: {  	s7 =	sld [smem:$0x3F80]  }
0x1a: {  	s8 =	sadd.s32 $0xFFFFE003, lr  }
0x1b: {  	s9 =	sadd.s32 $0xFFFFFEF7, lr;
	s5 =	simm.s32 $0xFFFFFFFF;
	p2 =	slt.u32 s8, $0xFFFFF086  }
0x1c: {  	p1 =	slt.u32 s9, $0xF7A;
	s5 =	simm.s32 @!p2 $0x0  }
0x1d: {  	s5 =	simm.s32 @p1 $0x1;
	p0 =	seq.s32 s7, s2  }
0x1e: {  	s7 =	smul.u32 @!p0 $0xF7A, s2;
	p2 =	seq.s32 @!p0 s5, $0x0  }
0x1f: {  	s9 =	smul.u32 $0xF7A, s1;
	s8 =	simm.s32 @!p0 $0x1BF5;
	p2 =	por !p2, p0  }
0x20: {  	[sflag:s8] =	ssyncset.s32 @!p0 $0xFFFFF086;
	s6 =	sadd.s32 @!p0 s3, s7;
	s7 =	simm.s32 @!p0 $0x108  }
0x21: {  	s3 =	sadd.s32 s3, s9;
	s6 =	sadd.s32 @!p0 $0x88, s6;
	s7 =	simm.s32 @p2 $0x1082  }
0x22: {  	[simem:s7], [sflag:s8] =	dma.local @!p0 [hbm:s6], $0xF7A  }
0x23: {  	s9 =	sor.u32 $0xD0000000, s2;
	s6 =	simm.s32 $0x108;
	_ =	swait.ge @!p0 [sflag:s8], $0x0  }
0x24: {  	s3 =	sadd.s32 $0x88, s3;
	s6 =	simm.s32 @!p1 $0x1082;
	[sflag:s4] =	ssyncset.s32 $0xFFFFF086  }
0x25: {  	[simem:s6], [sflag:s4] =	dma.local [hbm:s3], $0xF7A  }
0x26: {  	[smem:$0x3F80] =	sst s1;
	(tag) =	ssettag s2;
	_ =	strace s9  }
0x27: {  	s1 =	sld [smem:$0x3F90]  }
0x28: {  	s2 =	sld [smem:$0x3F91]  }
0x29: {  	s4 =	sld [smem:$0x3F93]  }
0x2a: {  	p0 =	seq.s32 s5, $0x0;
	s5 =	sld [smem:$0x3F94]  }
0x2b: {  	s6 =	sld [smem:$0x3F95]  }
0x2c: {  	s7 =	sld [smem:$0x3F96]  }
0x2d: {  	s3 =	simm.s32 $0x108;
	s8 =	sld [smem:$0x3F97]  }
0x2e: {  	s3 =	simm.s32 @!p0 $0x1082;
	s9 =	sld [smem:$0x3F98]  }
0x2f: {  	lr =	sadd.s32 s0, s3;
	s0 =	sld [smem:$0x3F8F]  }
0x30: {  	s3 =	sld [smem:$0x3F92]  }
0x31: {  	[smem:$0x3F9B] =	sst s10  }
0x32: {  	s10 =	sld [smem:$0x3F99];
	_ =	sdelay $0x3  }
0x33: {  	p0 =	seq.s32 s10, $0x1;
	s10 =	sld [smem:$0x3F9B];
	_ =	sdelay $0x3  }
0x34: {  	[smem:$0x3F9B] =	sst s10  }
0x35: {  	s10 =	sld [smem:$0x3F9A];
	_ =	sdelay $0x3  }
0x36: {  	p1 =	seq.s32 s10, $0x1;
	s10 =	sld [smem:$0x3F9B];
	_ =	sdelay $0x3  }
0x37: {  	[smem:$0x3F9B] =	sst s10  }
0x38: {  	s10 =	sld [smem:$0x3F9C]  }
0x39: {  	_ = 	snop;
	(pc) =	sbr.ind lr, $3  }
0x3a: {  	_ = 	snop  }
0x3b: {  	_ = 	snop  }
0x3c: {  	p2 =	seq.s32 s10, $0x1;
	s10 =	sld [smem:$0x3F9B]  }
0x3d: {  	_ =	shalt  }
0x3e: {  	_ =	shalt  }
0x3f: {  	_ =	shalt  }
0x40: {  	_ =	shalt  }
0x41: {  	_ =	shalt  }
0x42: {  	_ =	shalt  }
0x43: {  	_ =	shalt  }
0x44: {  	_ =	shalt  }
0x45: {  	_ =	shalt  }
0x46: {  	_ =	shalt  }
0x47: {  	_ =	shalt  }
0x48: {  	_ =	shalt  }
0x49: {  	_ =	shalt  }
0x4a: {  	_ =	shalt  }
0x4b: {  	_ =	shalt  }
0x4c: {  	_ =	shalt  }
0x4d: {  	_ =	shalt  }
0x4e: {  	_ =	shalt  }
0x4f: {  	_ =	shalt  }
0x50: {  	_ =	shalt  }
0x51: {  	_ =	shalt  }
0x52: {  	_ =	shalt  }
0x53: {  	_ =	shalt  }
0x54: {  	_ =	shalt  }
0x55: {  	_ =	shalt  }
0x56: {  	_ =	shalt  }
0x57: {  	_ =	shalt  }
0x58: {  	_ =	shalt  }
0x59: {  	_ =	shalt  }
0x5a: {  	_ =	shalt  }
0x5b: {  	_ =	shalt  }
0x5c: {  	_ =	shalt  }
0x5d: {  	_ =	shalt  }
0x5e: {  	_ =	shalt  }
0x5f: {  	_ =	shalt  }
0x60: {  	_ =	shalt  }
0x61: {  	_ =	shalt  }
0x62: {  	_ =	shalt  }
0x63: {  	_ =	shalt  }
0x64: {  	_ =	shalt  }
0x65: {  	_ =	shalt  }
0x66: {  	_ =	shalt  }
0x67: {  	_ =	shalt  }
0x68: {  	_ =	shalt  }
0x69: {  	_ =	shalt  }
0x6a: {  	_ =	shalt  }
0x6b: {  	_ =	shalt  }
0x6c: {  	_ =	shalt  }
0x6d: {  	_ =	shalt  }
0x6e: {  	_ =	shalt  }
0x6f: {  	_ =	shalt  }
0x70: {  	_ =	shalt  }
0x71: {  	_ =	shalt  }
0x72: {  	_ =	shalt  }
0x73: {  	_ =	shalt  }
0x74: {  	_ =	shalt  }
0x75: {  	_ =	shalt  }
0x76: {  	_ =	shalt  }
0x77: {  	_ =	shalt  }
0x78: {  	_ =	shalt  }
0x79: {  	_ =	shalt  }
0x7a: {  	_ =	shalt  }
0x7b: {  	_ =	shalt  }
0x7c: {  	_ =	shalt  }
0x7d: {  	_ =	shalt  }
0x7e: {  	_ =	shalt  }
0x7f: {  	_ =	shalt  }
0x80: {  	_ =	shalt  }
0x81: {  	_ =	shalt  }
0x82: {  	_ =	shalt  }
0x83: {  	_ =	shalt  }
0x84: {  	_ =	shalt  }
0x85: {  	_ =	shalt  }
0x86: {  	_ =	shalt  }
0x87: {  	_ =	shalt  }
.Lfunc_end0:
.L_simem_size_0:
called_computation.2_lowered:
.L_overlay_start_0:
0x88: {  	s2 =	sld [smem:$0x3FD9]  }
0x89: {  	s3 =	sld [smem:$0x3FFE];
	_ =	sdelay $0x1  }
0x8a: {  	s1 =	srdreg.scid  }
0x8b: {  	s0 =	sand.u32 $0x1, s1  }
0x8c: {  	s16 =	sshll.u32 s0, $0xA;
	s2 =	sadd.s32 s3, s2  }
0x8d: {  	s2 =	sadd.s32 s2, s16  }
0x8e: {  	[smem:$0x3FA7] =	sst s2  }
0x8f: {  	_ = 	snop  }
0x90: {  	(tm) =	ssettm $0x1  }
0x91: {  	s17 =	sld [smem:$0x3FFB];
	_ =	sdelay $0x3  }
0x92: {  	_ =	strace s17  }
0x93: {  	s2 =	sld [smem:$0x3FFC];
	_ =	sdelay $0x3  }
0x94: {  	_ =	strace s2  }
0x95: {  	s2 =	sld [smem:$0x3FFD];
	_ =	sdelay $0x3  }
0x96: {  	_ =	strace s2  }
0x97: {  	_ =	strace $0x8FFFFFFF  }
0x98: {  	s18 =	sld [smem:$0x3FDB];
	_ =	sdelay $0x1  }
0x99: {  	s19 =	simm.s32 $_scs_section_size  }
0x9a: {  	s4 =	simm.s32 $_size__tile_overlayer_lowered;
	s5 =	simm.s32 $_tile_overlayer_lowered  }
0x9b: {  	s22 =	simm.s32 $0x1BFF;
	s21 =	sshll.u32 s5, $0x1;
	s2 =	sadd.s32 s19, s18  }
0x9c: {  	s6 =	simm.s32 $0x0;
	s20 =	sshll.u32 s4, $0x1;
	s4 =	sadd.s32 s21, s2  }
0x9d: {  	[timem:s6], [sflag:s22] =	dma.local [hbm:s4], s20  }
0x9e: {  	_ =	swait.ge [sflag:s22], s20  }
0x9f: {  	s3 =	ssub.s32 $0x0, s20;
	[sflag:s22] =	ssyncset.done $0x0  }
0xa0: {  	[sflag:s22] =	ssyncadd.s32 s3;
	_ =	sdelay $0x1  }
0xa1: {  	s23 =	simm.s32 $0x1B8B  }
0xa2: {  	_ =	swait.ge [sflag:s23], $0x1  }
0xa3: {  	[sflag:s23] =	ssyncset.done $0x0  }
0xa4: {  	s25 =	simm.s32 $0x1B8E;
	s24 =	sld [smem:$0x3FFE];
	[sflag:s23] =	ssyncadd.s32 $0xFFFFFFFF  }
0xa5: {  	s26 =	simm.s32 $execute0_lowered;
	[smem:$0x3FD2] =	sst s25  }
0xa6: {  	s4 =	sshll.u32 s26, $0x1;
	_ =	strace $0x8000004C;
	[dreg:$0x1] =	wrdreg $0xFFFFFFFF  }
0xa7: {  	s28 =	simm.s32 $_size_execute0_lowered;
	s2 =	sadd.s32 s2, s4;
	[dreg:$0x0] =	wrdreg $0x0  }
0xa8: {  	s4 =	sshll.u32 s28, $0x1;
	[dreg:$0x2] =	wrdreg s2  }
0xa9: {  	[dreg:$0x3] =	wrdreg s4  }
0xaa: {  	[dreg:$0x4] =	wrdreg $0xC0  }
0xab: {  	_ =	task [dreg:s6], $0x5FFFF  }
0xac: {  	[dreg:$0x1] =	wrdreg $0xFFFFFFFF  }
0xad: {  	[dreg:$0x0] =	wrdreg $0x60  }
0xae: {  	[dreg:$0x2] =	wrdreg s24  }
0xaf: {  	[dreg:$0x3] =	wrdreg $0x9  }
0xb0: {  	_ =	task.clear_ibuf [dreg:s6], $0x4FFFF;
	_ =	strace $0x9000004C  }
0xb1: {  	s29 =	simm.s32 $0x9;
	_ =	strace $0x8000004E  }
0xb2: {  	_ =	swait.ge [sflag:s29], $0x1  }
0xb3: {  	[sflag:s29] =	ssyncadd.s32 $0xFFFFFFFF  }
0xb4: {  	_ =	strace $0x9000004E  }
0xb5: {  	_ =	sfence  }
0xb6: {  	s30 =	sld [smem:$0x0];
	_ =	sdelay $0x2  }
0xb7: {  	s31 =	sshll.u32 s1, $0xD;
	s1 =	sshrl.u32 s1, $0x2  }
0xb8: {  	s3 =	sand.u32 $0x4000, s31;
	s1 =	sadd.s32 s1, s30  }
0xb9: {  	s0 =	sor.u32 s3, s0;
	s1 =	sshll.u32 s1, $0x11  }
0xba: {  	s0 =	sor.u32 s1, s0  }
0xbb: {  	s0 =	sadd.s32 $0x8F2B, s0  }
0xbc: {  	[sflag:s0] =	ssyncadd.remote.s32 $0x1  }
0xbd: {  	_ =	sfence.sel $0xFFFF  }
0xbe: {  	[dreg:$0x0] =	wrdreg $0xFFFFFFFF;
	(pc) =	sbr.abs _section_cstart, $3  }
0xbf: {  	[dreg:$0x1] =	wrdreg $0xFFFFFFFF  }
0xc0: {  	_ =	task.clear_ibuf [dreg:s6], $0x2FFFF;
	_ =	strace $0x9FFFFFFF  }
0xc1: {  	(tm) =	ssettm $0x7FFFFFFF  }
tec
execute0_lowered:
.L_overlay_start_1:
0x0: {  	(tag) =	ssettag $0x1  }
0x1: {  	s5 =	rddreg [dreg:$0x0];
	s2 =	srdreg.scid  }
0x2: {  	s0 =	rddreg [dreg:$0x1];
	s1 =	stileid.u32  }
0x3: {  	s11 =	simm.s32 $0x80;
	s12 =	simm.s32 $0x2800;
	s13 =	simm.s32 $0x6800  }
0x4: {  	s14 =	simm.s32 $0x1;
	s15 =	simm.s32 $0x2;
	s16 =	simm.s32 $0x0  }
0x5: {  	s4 =	sand.u32 $0x1, s2;
	s2 =	simm.s32 $0x0;
	s3 =	sshll.u32 s1, $0x8  }
0x6: {  	s29 =	sshll.u32 s1, $0xF;
	p0 =	seq.s32 s1, $0x0;
	s6 =	sshll.u32 s4, $0x7  }
0x7: {  	[smem:$0x7FF] =	sst s2;
	s7 =	sshll.u32 s4, $0xE;
	s30 =	ssub.s32 $0x2, s4  }
0x8: {  	s4 =	simm.s32 $0x28;
	s3 =	sor.u32 s6, s3;
	_ =	strace $0x8000004D  }
0x9: {  	s6 =	sor.u32 s7, s29;
	s9 =	sshrl.u32 s30, $0x1;
	s4 =	simm.s32 @!p0 $0x27  }
0xa: {  	s3 =	sshrl.u32 s3, $0x3;
	s6 =	sshrl.u32 s6, $0x3;
	s31 =	ssub.s32 s30, s9  }
0xb: {  	s8 =	sadd.s32 s3, s5;
	s3 =	sadd.s32 $0x18000, s5;
	s10 =	sadd.s32 s6, s5  }
0xc: {  	s5 =	smax.u32 s31, $0x1;
	s6 =	sadd.s32 $0xE000, s8;
	s7 =	sadd.s32 $0x13000, s8  }
0xd: {  	s8 =	sadd.s32 $0x792200, s10;
	s9 =	sadd.s32 $0x41A00, s10;
	s10 =	simm.s32 $0x3  }
.LBB2_1:
0xe: {  	p0 =	sne.s32 s4, $0x1  }
.Ltmp0:
0xf: {  	_ = 	snop;
	(pc) =	sbr.rel @!p0 .LBB2_5-.Ltmp0, $4  }
0x10: {  	_ = 	snop  }
0x11: {  	s17 =	simm.s32 $0x1400  }
0x12: {  	s18 =	sadd.s32 $0xFFFFFFFF, s4;
	p1 =	por $0x0, $0x0;
	s23 =	smov.u32 s6  }
0x13: {  	s21 =	simm.s32 $0x0;
	s22 =	smov.u32 s7;
	s20 =	simm.s32 $0x1400  }
0x14: {  	s19 =	simm.s32 $0x0  }
0x15: {  	[tilespmem:s2], [sflag:$0x3] =	stream.linear.gather [hbm4b:s7+s19], $0x80, $0x38;
	[tilespmem:$0xA800] =	vst v63  }
0x16: {  	p2 =	sne.s32 s18, $0x1;
	_ =	swait.ge [sflag:s10], $0x80  }
.Ltmp1:
0x17: {  	[sflag:s10] =	ssyncset.done $0x0;
	(pc) =	sbr.rel @!p2 .LBB2_3-.Ltmp1, $4  }
0x18: {  	s24 =	sadd.s32 $0xFFFFFFFF, s18;
	s20 =	simm.s32 $0x1480;
	[sflag:s10] =	ssyncadd.s32 $0xFFFFFF80  }
0x19: {  	[tilespmem:s17], [sflag:$0x3] =	stream.linear.gather [hbm4b:s6+s19], $0x80, $0x38;
	[tilespmem:$0xA800] =	vst v63  }
0x1a: {  	s22 =	sadd.s32 $0x200, s7;
	s21 =	simm.s32 $0x80;
	_ =	swait.ge [sflag:s10], $0x80  }
0x1b: {  	p1 =	por $0x1, $0x1;
	s23 =	smov.u32 s6;
	[sflag:s10] =	ssyncset.done $0x0  }
.LBB2_4:
0x1c: {  	[sflag:s10] =	ssyncadd.s32 $0xFFFFFF80;
	s23 =	sadd.s32 $0x200, s23  }
0x1d: {  	[tilespmem:s21], [sflag:$0x3] =	stream.linear.gather [hbm4b:s22+s19], $0x80, $0x38;
	[tilespmem:$0xA800] =	vst v63  }
0x1e: {  	p2 =	sne.s32 s24, $0x1;
	s24 =	sadd.s32 $0xFFFFFFFF, s24;
	_ =	swait.ge [sflag:s10], $0x80  }
.Ltmp2:
0x1f: {  	[sflag:s10] =	ssyncset.done $0x0;
	(pc) =	sbr.rel @p2 .LBB2_4-.Ltmp2, $4  }
0x20: {  	[sflag:s10] =	ssyncadd.s32 $0xFFFFFF80  }
0x21: {  	[tilespmem:s20], [sflag:$0x3] =	stream.linear.gather [hbm4b:s23+s19], $0x80, $0x38;
	[tilespmem:$0xA800] =	vst v63  }
0x22: {  	s20 =	sadd.s32 $0x80, s20;
	_ =	swait.ge [sflag:s10], $0x80  }
0x23: {  	s22 =	sadd.s32 $0x200, s22;
	s21 =	sadd.s32 $0x80, s21;
	[sflag:s10] =	ssyncset.done $0x0  }
.LBB2_5:
0x24: {  	s19 =	simm.s32 $0x0;
	[sflag:s10] =	ssyncadd.s32 @p1 $0xFFFFFF80  }
0x25: {  	[tilespmem:s21], [sflag:$0x3] =	stream.linear.gather [hbm4b:s22+s19], $0x80, $0x38;
	[tilespmem:$0xA800] =	vst v63  }
0x26: {  	_ =	swait.ge [sflag:s10], $0x80  }
0x27: {  	s21 =	sadd.s32 @p1 $0x200, s23;
	s22 =	smov.u32 s6;
	[sflag:s10] =	ssyncset.done $0x0  }
0x28: {  	s22 =	smov.u32 @p1 s21;
	[sflag:s10] =	ssyncadd.s32 $0xFFFFFF80  }
0x29: {  	[tilespmem:s20], [sflag:$0x3] =	stream.linear.gather [hbm4b:s22+s19], $0x80, $0x38;
	[tilespmem:$0xA800] =	vst v63  }
0x2a: {  	_ =	swait.ge [sflag:s10], $0x80  }
0x2b: {  	[sflag:s10] =	ssyncset.done $0x0  }
0x2c: {  	[sflag:s10] =	ssyncadd.s32 $0xFFFFFF80  }
0x2d: {  	[tilespmem:s12], [sflag:$0x1] =	stream.indirect.gather [hbm4b:s3+s11], $0x80, s19, s11, $0xb8;
	[tilespmem:$0xA800] =	vst v63  }
0x2e: {  	_ = 	snop  }
0x2f: {  	[tilespmem:s13], [sflag:$0x2] =	stream.indirect.gather [hbm4b:s3+s11], $0x80, s17, s11, $0xb8;
	[tilespmem:$0xA800] =	vst v63  }
0x30: {  	_ =	swait.ge [sflag:s14], $0x4000  }
0x31: {  	[sflag:s14] =	ssyncset.done $0x0  }
0x32: {  	[sflag:s14] =	ssyncadd.s32 $0xFFFFC000  }
0x33: {  	_ =	swait.ge [sflag:s15], $0x4000  }
0x34: {  	[sflag:s15] =	ssyncset.done $0x0  }
0x35: {  	[sflag:s15] =	ssyncadd.s32 $0xFFFFC000  }
0x36: {  	[hbm4b:s9+s2] =	stream.linear.scatter [tilespmem:s12], [sflag:$0x3], $0x4000, $0x38;
	[tilespmem:$0xA800] =	vst v63  }
0x37: {  	_ =	swait.ge [sflag:s10], $0x4000  }
.Ltmp3:
0x38: {  	[sflag:s10] =	ssyncset.done $0x0;
	(pc) =	sbr.rel @!p0 .LBB2_7-.Ltmp3, $4  }
0x39: {  	[sflag:s10] =	ssyncadd.s32 $0xFFFFC000  }
0x3a: {  	[hbm4b:s8+s2] =	stream.linear.scatter [tilespmem:s13], [sflag:$0x3], $0x4000, $0x38;
	[tilespmem:$0xA800] =	vst v63  }
0x3b: {  	_ =	swait.ge [sflag:s10], $0x4000  }
0x3c: {  	s21 =	sadd.s32 $0x10000, s9;
	s20 =	sadd.s32 $0x10000, s8;
	[sflag:s10] =	ssyncset.done $0x0  }
.LBB2_6:
0x3d: {  	[sflag:s10] =	ssyncadd.s32 $0xFFFFC000;
	s19 =	sadd.s32 $0x80, s19;
	s17 =	sadd.s32 $0x80, s17  }
0x3e: {  	[tilespmem:s12], [sflag:$0x1] =	stream.indirect.gather [hbm4b:s3+s11], $0x80, s19, s11, $0xb8;
	[tilespmem:$0xA800] =	vst v63  }
0x3f: {  	p0 =	sne.s32 s18, $0x1;
	s18 =	sadd.s32 $0xFFFFFFFF, s18  }
0x40: {  	[tilespmem:s13], [sflag:$0x2] =	stream.indirect.gather [hbm4b:s3+s11], $0x80, s17, s11, $0xb8;
	[tilespmem:$0xA800] =	vst v63  }
0x41: {  	_ =	swait.ge [sflag:s14], $0x4000  }
0x42: {  	[sflag:s14] =	ssyncset.done $0x0  }
0x43: {  	[sflag:s14] =	ssyncadd.s32 $0xFFFFC000  }
0x44: {  	_ =	swait.ge [sflag:s15], $0x4000  }
0x45: {  	[sflag:s15] =	ssyncset.done $0x0  }
0x46: {  	[sflag:s15] =	ssyncadd.s32 $0xFFFFC000  }
0x47: {  	[hbm4b:s21+s2] =	stream.linear.scatter [tilespmem:s12], [sflag:$0x3], $0x4000, $0x38;
	[tilespmem:$0xA800] =	vst v63  }
0x48: {  	_ =	swait.ge [sflag:s10], $0x4000  }
.Ltmp4:
0x49: {  	[sflag:s10] =	ssyncset.done $0x0;
	(pc) =	sbr.rel @p0 .LBB2_6-.Ltmp4, $4  }
0x4a: {  	[sflag:s10] =	ssyncadd.s32 $0xFFFFC000  }
0x4b: {  	[hbm4b:s20+s2] =	stream.linear.scatter [tilespmem:s13], [sflag:$0x3], $0x4000, $0x38;
	[tilespmem:$0xA800] =	vst v63  }
0x4c: {  	_ =	swait.ge [sflag:s10], $0x4000  }
0x4d: {  	s21 =	sadd.s32 $0x10000, s21;
	s20 =	sadd.s32 $0x10000, s20;
	[sflag:s10] =	ssyncset.done $0x0  }
.LBB2_7:
0x4e: {  	s16 =	sadd.s32 $0x1, s16  }
0x4f: {  	p0 =	sne.s32 s16, s5  }
.Ltmp5:
0x50: {  	_ = 	snop;
	(pc) =	sbr.rel @p0 .LBB2_1-.Ltmp5, $4  }
.Ltmp6:
0x51: {  	_ = 	snop;
	(pc) =	sbr.rel @!p0 .LBB2_8-.Ltmp6, $4  }
0x52: {  	_ = 	snop  }
0x53: {  	_ = 	snop  }
0x54: {  	[sflag:s10] =	ssyncadd.s32 $0xFFFFC000  }
0x55: {  	_ = 	snop  }
.LBB2_3:
.Ltmp7:
0x56: {  	(pc) =	sbr.rel .LBB2_5-.Ltmp7, $2  }
0x57: {  	_ =	sdelay $0x2  }
0x58: {  	s23 =	smov.u32 s6  }
.LBB2_8:
0x59: {  	_ =	sfence.sel $0x180000  }
0x5a: {  	[bflag:$0x0] =	sbarrier.arrive $0xFFFF  }
0x5b: {  	p0 =	sne.s32 s1, $0x0;
	_ =	strace $0x9000004D  }
0x5c: {  	s0 =	sadd.s32 @!p0 $0x100000, s0;
	[bflag:$0x2] =	sbarrier.arrive $0xFFFF  }
0x5d: {  	[sflag:s0] =	ssyncadd.tile.s32 @!p0 $0x1;
	_ =	shalt  }
.Lfunc_end2:
_tile_overlayer_lowered:
.L_overlay_start_2:
0x5e: {  	(tag) =	ssettag $0x2  }
0x5f: {  	s0 =	rddreg [dreg:$0x0];
	s2 =	stileid.u32  }
0x60: {  	s1 =	rddreg [dreg:$0x1];
	p0 =	sne.s32 s2, $0x0  }
0x61: {  	s3 =	rddreg [dreg:$0x2];
	[bflag:$0x3] =	sbarrier.arrive $0xFFFF;
	s2 =	simm.s32 @!p0 $0x1C03  }
0x62: {  	[timem:s3], [sflag:s2] =	dma.local @!p0 [hbm:s0], s1  }
0x63: {  	s0 =	simm.s32 @!p0 $0x3  }
0x64: {  	_ =	swait.ge @!p0 [sflag:s0], s1  }
0x65: {  	s1 =	ssub.s32 @!p0 $0x0, s1;
	[sflag:s0] =	ssyncset.done @!p0 $0x0  }
0x66: {  	[sflag:s0] =	ssyncadd.s32 @!p0 s1  }
0x67: {  	[bflag:$0x3] =	sbarrier.arrive $0xFFFF  }
0x68: {  	_ =	shalt  }

// kernel: kernel.34.cloned.1.call-start
scs
__scs_entry_jumppad:
0x0: {  	(pc) =	sbr.rel $0x88, $3  }
0x1: {  	(tag) =	ssettag $0x0;
	lr =	simm.s32 $0x1  }
0x2: {  	[smem:$0x3F80] =	sst lr;
	_ =	strace $0xD0000000  }
0x3: {  	_ = 	snop  }
0x4: {  	_ = 	snop  }
0x5: {  	_ = 	snop  }
0x6: {  	_ = 	snop  }
0x7: {  	_ = 	snop  }
__scs_overlays_trampoline_lowered:
0x8: {  	[smem:$0x3F8F] =	sst s0  }
0x9: {  	[smem:$0x3F90] =	sst s1  }
0xa: {  	[smem:$0x3F91] =	sst s2  }
0xb: {  	[smem:$0x3F92] =	sst s3  }
0xc: {  	[smem:$0x3F93] =	sst s4  }
0xd: {  	[smem:$0x3F94] =	sst s5  }
0xe: {  	[smem:$0x3F95] =	sst s6  }
0xf: {  	[smem:$0x3F96] =	sst s7  }
0x10: {  	[smem:$0x3F97] =	sst s8  }
0x11: {  	[smem:$0x3F98] =	sst s9;
	s0 =	simm.s32 @!p0 $0x0  }
0x12: {  	s1 =	sld [smem:$0x3F7E];
	s0 =	simm.s32 @p0 $0x1  }
0x13: {  	[smem:$0x3F99] =	sst s0;
	s0 =	simm.s32 @!p1 $0x0  }
0x14: {  	s2 =	sld [smem:$0x3F7D];
	s0 =	simm.s32 @p1 $0x1  }
0x15: {  	[smem:$0x3F9A] =	sst s0;
	s0 =	simm.s32 @!p2 $0x0  }
0x16: {  	s3 =	sld [smem:$0x3FDB];
	s0 =	simm.s32 @p2 $0x1  }
0x17: {  	s4 =	simm.s32 $0x1BF5;
	[smem:$0x3F9C] =	sst s0  }
0x18: {  	s0 =	sld [smem:$0x3F7F];
	_ =	swait.ge [sflag:s4], $0x0  }
0x19: {  	s7 =	sld [smem:$0x3F80]  }
0x1a: {  	s8 =	sadd.s32 $0xFFFFE003, lr  }
0x1b: {  	s9 =	sadd.s32 $0xFFFFFEF7, lr;
	s5 =	simm.s32 $0xFFFFFFFF;
	p2 =	slt.u32 s8, $0xFFFFF086  }
0x1c: {  	p1 =	slt.u32 s9, $0xF7A;
	s5 =	simm.s32 @!p2 $0x0  }
0x1d: {  	s5 =	simm.s32 @p1 $0x1;
	p0 =	seq.s32 s7, s2  }
0x1e: {  	s7 =	smul.u32 @!p0 $0xF7A, s2;
	p2 =	seq.s32 @!p0 s5, $0x0  }
0x1f: {  	s9 =	smul.u32 $0xF7A, s1;
	s8 =	simm.s32 @!p0 $0x1BF5;
	p2 =	por !p2, p0  }
0x20: {  	[sflag:s8] =	ssyncset.s32 @!p0 $0xFFFFF086;
	s6 =	sadd.s32 @!p0 s3, s7;
	s7 =	simm.s32 @!p0 $0x108  }
0x21: {  	s3 =	sadd.s32 s3, s9;
	s6 =	sadd.s32 @!p0 $0x88, s6;
	s7 =	simm.s32 @p2 $0x1082  }
0x22: {  	[simem:s7], [sflag:s8] =	dma.local @!p0 [hbm:s6], $0xF7A  }
0x23: {  	s9 =	sor.u32 $0xD0000000, s2;
	s6 =	simm.s32 $0x108;
	_ =	swait.ge @!p0 [sflag:s8], $0x0  }
0x24: {  	s3 =	sadd.s32 $0x88, s3;
	s6 =	simm.s32 @!p1 $0x1082;
	[sflag:s4] =	ssyncset.s32 $0xFFFFF086  }
0x25: {  	[simem:s6], [sflag:s4] =	dma.local [hbm:s3], $0xF7A  }
0x26: {  	[smem:$0x3F80] =	sst s1;
	(tag) =	ssettag s2;
	_ =	strace s9  }
0x27: {  	s1 =	sld [smem:$0x3F90]  }
0x28: {  	s2 =	sld [smem:$0x3F91]  }
0x29: {  	s4 =	sld [smem:$0x3F93]  }
0x2a: {  	p0 =	seq.s32 s5, $0x0;
	s5 =	sld [smem:$0x3F94]  }
0x2b: {  	s6 =	sld [smem:$0x3F95]  }
0x2c: {  	s7 =	sld [smem:$0x3F96]  }
0x2d: {  	s3 =	simm.s32 $0x108;
	s8 =	sld [smem:$0x3F97]  }
0x2e: {  	s3 =	simm.s32 @!p0 $0x1082;
	s9 =	sld [smem:$0x3F98]  }
0x2f: {  	lr =	sadd.s32 s0, s3;
	s0 =	sld [smem:$0x3F8F]  }
0x30: {  	s3 =	sld [smem:$0x3F92]  }
0x31: {  	[smem:$0x3F9B] =	sst s10  }
0x32: {  	s10 =	sld [smem:$0x3F99];
	_ =	sdelay $0x3  }
0x33: {  	p0 =	seq.s32 s10, $0x1;
	s10 =	sld [smem:$0x3F9B];
	_ =	sdelay $0x3  }
0x34: {  	[smem:$0x3F9B] =	sst s10  }
0x35: {  	s10 =	sld [smem:$0x3F9A];
	_ =	sdelay $0x3  }
0x36: {  	p1 =	seq.s32 s10, $0x1;
	s10 =	sld [smem:$0x3F9B];
	_ =	sdelay $0x3  }
0x37: {  	[smem:$0x3F9B] =	sst s10  }
0x38: {  	s10 =	sld [smem:$0x3F9C]  }
0x39: {  	_ = 	snop;
	(pc) =	sbr.ind lr, $3  }
0x3a: {  	_ = 	snop  }
0x3b: {  	_ = 	snop  }
0x3c: {  	p2 =	seq.s32 s10, $0x1;
	s10 =	sld [smem:$0x3F9B]  }
0x3d: {  	_ =	shalt  }
0x3e: {  	_ =	shalt  }
0x3f: {  	_ =	shalt  }
0x40: {  	_ =	shalt  }
0x41: {  	_ =	shalt  }
0x42: {  	_ =	shalt  }
0x43: {  	_ =	shalt  }
0x44: {  	_ =	shalt  }
0x45: {  	_ =	shalt  }
0x46: {  	_ =	shalt  }
0x47: {  	_ =	shalt  }
0x48: {  	_ =	shalt  }
0x49: {  	_ =	shalt  }
0x4a: {  	_ =	shalt  }
0x4b: {  	_ =	shalt  }
0x4c: {  	_ =	shalt  }
0x4d: {  	_ =	shalt  }
0x4e: {  	_ =	shalt  }
0x4f: {  	_ =	shalt  }
0x50: {  	_ =	shalt  }
0x51: {  	_ =	shalt  }
0x52: {  	_ =	shalt  }
0x53: {  	_ =	shalt  }
0x54: {  	_ =	shalt  }
0x55: {  	_ =	shalt  }
0x56: {  	_ =	shalt  }
0x57: {  	_ =	shalt  }
0x58: {  	_ =	shalt  }
0x59: {  	_ =	shalt  }
0x5a: {  	_ =	shalt  }
0x5b: {  	_ =	shalt  }
0x5c: {  	_ =	shalt  }
0x5d: {  	_ =	shalt  }
0x5e: {  	_ =	shalt  }
0x5f: {  	_ =	shalt  }
0x60: {  	_ =	shalt  }
0x61: {  	_ =	shalt  }
0x62: {  	_ =	shalt  }
0x63: {  	_ =	shalt  }
0x64: {  	_ =	shalt  }
0x65: {  	_ =	shalt  }
0x66: {  	_ =	shalt  }
0x67: {  	_ =	shalt  }
0x68: {  	_ =	shalt  }
0x69: {  	_ =	shalt  }
0x6a: {  	_ =	shalt  }
0x6b: {  	_ =	shalt  }
0x6c: {  	_ =	shalt  }
0x6d: {  	_ =	shalt  }
0x6e: {  	_ =	shalt  }
0x6f: {  	_ =	shalt  }
0x70: {  	_ =	shalt  }
0x71: {  	_ =	shalt  }
0x72: {  	_ =	shalt  }
0x73: {  	_ =	shalt  }
0x74: {  	_ =	shalt  }
0x75: {  	_ =	shalt  }
0x76: {  	_ =	shalt  }
0x77: {  	_ =	shalt  }
0x78: {  	_ =	shalt  }
0x79: {  	_ =	shalt  }
0x7a: {  	_ =	shalt  }
0x7b: {  	_ =	shalt  }
0x7c: {  	_ =	shalt  }
0x7d: {  	_ =	shalt  }
0x7e: {  	_ =	shalt  }
0x7f: {  	_ =	shalt  }
0x80: {  	_ =	shalt  }
0x81: {  	_ =	shalt  }
0x82: {  	_ =	shalt  }
0x83: {  	_ =	shalt  }
0x84: {  	_ =	shalt  }
0x85: {  	_ =	shalt  }
0x86: {  	_ =	shalt  }
0x87: {  	_ =	shalt  }
.Lfunc_end0:
.L_simem_size_0:
called_computation.3_lowered:
.L_overlay_start_0:
0x88: {  	s2 =	sld [smem:$0x3FD9]  }
0x89: {  	s3 =	sld [smem:$0x3FFE];
	_ =	sdelay $0x1  }
0x8a: {  	s1 =	srdreg.scid  }
0x8b: {  	s0 =	sand.u32 $0x1, s1  }
0x8c: {  	s16 =	sshll.u32 s0, $0xA;
	s2 =	sadd.s32 s3, s2  }
0x8d: {  	s2 =	sadd.s32 s2, s16  }
0x8e: {  	[smem:$0x3FA7] =	sst s2  }
0x8f: {  	_ = 	snop  }
0x90: {  	(tm) =	ssettm $0x1  }
0x91: {  	s17 =	sld [smem:$0x3FFB];
	_ =	sdelay $0x3  }
0x92: {  	_ =	strace s17  }
0x93: {  	s2 =	sld [smem:$0x3FFC];
	_ =	sdelay $0x3  }
0x94: {  	_ =	strace s2  }
0x95: {  	s2 =	sld [smem:$0x3FFD];
	_ =	sdelay $0x3  }
0x96: {  	_ =	strace s2  }
0x97: {  	_ =	strace $0x8FFFFFFF  }
0x98: {  	s18 =	sld [smem:$0x3FDB];
	_ =	sdelay $0x1  }
0x99: {  	s19 =	simm.s32 $_scs_section_size  }
0x9a: {  	s4 =	simm.s32 $_size__tile_overlayer_lowered;
	s5 =	simm.s32 $_tile_overlayer_lowered  }
0x9b: {  	s22 =	simm.s32 $0x1BFF;
	s21 =	sshll.u32 s5, $0x1;
	s2 =	sadd.s32 s19, s18  }
0x9c: {  	s6 =	simm.s32 $0x0;
	s20 =	sshll.u32 s4, $0x1;
	s4 =	sadd.s32 s21, s2  }
0x9d: {  	[timem:s6], [sflag:s22] =	dma.local [hbm:s4], s20  }
0x9e: {  	_ =	swait.ge [sflag:s22], s20  }
0x9f: {  	s3 =	ssub.s32 $0x0, s20;
	[sflag:s22] =	ssyncset.done $0x0  }
0xa0: {  	[sflag:s22] =	ssyncadd.s32 s3;
	_ =	sdelay $0x1  }
0xa1: {  	s23 =	simm.s32 $0x1B8B  }
0xa2: {  	_ =	swait.ge [sflag:s23], $0x1  }
0xa3: {  	[sflag:s23] =	ssyncset.done $0x0  }
0xa4: {  	s25 =	simm.s32 $0x1B8E;
	s24 =	sld [smem:$0x3FFE];
	[sflag:s23] =	ssyncadd.s32 $0xFFFFFFFF  }
0xa5: {  	s26 =	simm.s32 $execute0_lowered;
	[smem:$0x3FD2] =	sst s25  }
0xa6: {  	s4 =	sshll.u32 s26, $0x1;
	_ =	strace $0x8000004F;
	[dreg:$0x1] =	wrdreg $0xFFFFFFFF  }
0xa7: {  	s28 =	simm.s32 $_size_execute0_lowered;
	s2 =	sadd.s32 s2, s4;
	[dreg:$0x0] =	wrdreg $0x0  }
0xa8: {  	s4 =	sshll.u32 s28, $0x1;
	[dreg:$0x2] =	wrdreg s2  }
0xa9: {  	[dreg:$0x3] =	wrdreg s4  }
0xaa: {  	[dreg:$0x4] =	wrdreg $0xC0  }
0xab: {  	_ =	task [dreg:s6], $0x5FFFF  }
0xac: {  	[dreg:$0x1] =	wrdreg $0xFFFFFFFF  }
0xad: {  	[dreg:$0x0] =	wrdreg $0x60  }
0xae: {  	[dreg:$0x2] =	wrdreg s24  }
0xaf: {  	[dreg:$0x3] =	wrdreg $0x54000  }
0xb0: {  	[dreg:$0x4] =	wrdreg $0x9  }
0xb1: {  	_ =	task.clear_ibuf [dreg:s6], $0x5FFFF;
	_ =	strace $0x9000004F  }
0xb2: {  	s29 =	simm.s32 $0x9;
	_ =	strace $0x80000051  }
0xb3: {  	_ =	swait.ge [sflag:s29], $0x1  }
0xb4: {  	[sflag:s29] =	ssyncadd.s32 $0xFFFFFFFF  }
0xb5: {  	_ =	strace $0x90000051  }
0xb6: {  	_ =	sfence  }
0xb7: {  	s30 =	sld [smem:$0x0];
	_ =	sdelay $0x2  }
0xb8: {  	s31 =	sshll.u32 s1, $0xD;
	s1 =	sshrl.u32 s1, $0x2  }
0xb9: {  	s3 =	sand.u32 $0x4000, s31;
	s1 =	sadd.s32 s1, s30  }
0xba: {  	s0 =	sor.u32 s3, s0;
	s1 =	sshll.u32 s1, $0x11  }
0xbb: {  	s0 =	sor.u32 s1, s0  }
0xbc: {  	s0 =	sadd.s32 $0x8F2B, s0  }
0xbd: {  	[sflag:s0] =	ssyncadd.remote.s32 $0x1  }
0xbe: {  	_ =	sfence.sel $0xFFFF  }
0xbf: {  	[dreg:$0x0] =	wrdreg $0xFFFFFFFF;
	(pc) =	sbr.abs _section_cstart, $3  }
0xc0: {  	[dreg:$0x1] =	wrdreg $0xFFFFFFFF  }
0xc1: {  	_ =	task.clear_ibuf [dreg:s6], $0x2FFFF;
	_ =	strace $0x9FFFFFFF  }
0xc2: {  	(tm) =	ssettm $0x7FFFFFFF  }
0xc3: {  	_ =	shalt  }
tec
execute0_lowered:
.L_overlay_start_1:
0x0: {  	(tag) =	ssettag $0x1  }
0x1: {  	s5 =	rddreg [dreg:$0x0]  }
0x2: {  	s2 =	rddreg [dreg:$0x1]  }
0x3: {  	s3 =	srdreg.scid;
	s1 =	stileid.u32  }
0x4: {  	s0 =	rddreg [dreg:$0x2];
	s15 =	simm.s32 $0x1400;
	s16 =	simm.s32 $0x1  }
0x5: {  	s17 =	simm.s32 $0x80;
	s18 =	simm.s32 $0x0;
	s6 =	sand.u32 $0x1, s3  }
0x6: {  	s4 =	sshll.u32 s1, $0x8;
	s8 =	sshll.u32 s1, $0xF;
	s3 =	simm.s32 $0x0  }
0x7: {  	s28 =	smul.u32 $0x4F000, s1;
	s11 =	sadd.s32 $0x41A00, s5;
	p0 =	seq.s32 s1, $0x0  }
0x8: {  	s13 =	smul.u32 $0x13C00, s1;
	s7 =	sshll.u32 s6, $0x7;
	s9 =	sshll.u32 s6, $0xE  }
0x9: {  	[smem:$0x7FF] =	sst s3;
	s26 =	ssub.s32 $0x2, s6;
	s6 =	smul.u32 $0x138800, s6  }
0xa: {  	s4 =	sor.u32 s7, s4;
	s24 =	sor.u32 s9, s8;
	_ =	strace $0x80000050  }
0xb: {  	s12 =	sshrl.u32 s26, $0x1;
	s29 =	sshrl.u32 s28, $0x2;
	s4 =	sshrl.u32 s4, $0x3  }
0xc: {  	s7 =	sshrl.u32 s24, $0x3;
	s12 =	ssub.s32 s26, s12;
	s14 =	sadd.s32 s29, s2  }
0xd: {  	s30 =	sadd.s32 s13, s6;
	s6 =	sshrl.u32 s6, $0x3;
	s13 =	sadd.s32 $0x128400, s2  }
0xe: {  	s25 =	sadd.s32 s4, s5;
	s10 =	sadd.s32 s7, s5;
	s4 =	sadd.s32 $0x3F200, s5  }
0xf: {  	s5 =	simm.s32 $0x28;
	s7 =	sshrl.u32 s30, $0x3;
	s31 =	sadd.s32 s11, s6  }
0x10: {  	s8 =	smax.u32 s12, $0x1;
	s5 =	simm.s32 @!p0 $0x27;
	s6 =	sadd.s32 s11, s7  }
0x11: {  	s7 =	sadd.s32 $0x25080, s31;
	p0 =	seq.s32 s1, $0xF;
	s9 =	sadd.s32 $0x13000, s25  }
0x12: {  	s10 =	sadd.s32 $0xA03200, s10;
	s12 =	sshll.u32 @!p0 s1, $0x6;
	s11 =	sshrl.u32 @p0 s13, $0x3  }
0x13: {  	s13 =	sshrl.u32 @!p0 s14, $0x3;
	s14 =	simm.s32 $0x2;
	s12 =	sor.u32 @!p0 $0x1C02, s12  }
.LBB2_1:
0x14: {  	s19 =	simm.s32 @p0 $0x1FC2  }
0x15: {  	[spmem:s11], [sflag:s19] =	dma.local @p0 [hbm:s4], $0x2080  }
0x16: {  	s19 =	simm.s32 @p0 $0x2  }
0x17: {  	_ =	swait.ge @p0 [sflag:s19], $0x2080  }
0x18: {  	[sflag:s19] =	ssyncset.done @p0 $0x0  }
0x19: {  	[sflag:s19] =	ssyncadd.s32 @p0 $0xFFFFDF80;
	s19 =	simm.s32 @!p0 $0x2  }
0x1a: {  	[spmem:s13], [sflag:s12] =	dma.local @!p0 [hbm:s4], $0x2780  }
0x1b: {  	p1 =	sne.s32 s5, $0x1;
	_ =	swait.ge @!p0 [sflag:s19], $0x2780  }
.Ltmp0:
0x1c: {  	[sflag:s19] =	ssyncset.done @!p0 $0x0;
	(pc) =	sbr.rel @!p1 .LBB2_3-.Ltmp0, $4  }
0x1d: {  	[sflag:s19] =	ssyncadd.s32 @!p0 $0xFFFFD880  }
0x1e: {  	[tilespmem:s3], [sflag:$0x2] =	stream.linear.gather [hbm4b:s9+s3], $0x80, $0x38;
	[tilespmem:$0x18C80] =	vst v63  }
0x1f: {  	s20 =	smov.u32 s9;
	_ =	swait.ge [sflag:s14], $0x80  }
0x20: {  	s21 =	simm.s32 $0x0;
	s19 =	sadd.s32 $0xFFFFFFFF, s5;
	[sflag:s14] =	ssyncset.done $0x0  }
.LBB2_2:
0x21: {  	[sflag:s14] =	ssyncadd.s32 $0xFFFFFF80  }
0x22: {  	s20 =	sadd.s32 $0x200, s20;
	s21 =	sadd.s32 $0x80, s21;
	p2 =	sne.s32 s19, $0x1  }
.Ltmp1:
0x23: {  	s19 =	sadd.s32 $0xFFFFFFFF, s19;
	(pc) =	sbr.rel @p2 .LBB2_2-.Ltmp1, $4  }
0x24: {  	_ = 	snop  }
0x25: {  	[tilespmem:s21], [sflag:$0x2] =	stream.linear.gather [hbm4b:s20+s3], $0x80, $0x38;
	[tilespmem:$0x18C80] =	vst v63  }
0x26: {  	_ =	swait.ge [sflag:s14], $0x80  }
0x27: {  	[sflag:s14] =	ssyncset.done $0x0  }
.LBB2_3:
0x28: {  	[sflag:s14] =	ssyncadd.s32 $0xFFFFFF80  }
0x29: {  	[bflag:$0x0] =	sbarrier.arrive $0xFFFF  }
0x2a: {  	[tilespmem:s15], [sflag:$0x1] =	stream.linear.gather [hbm4b:s10+s3], $0x4000, $0x38;
	[tilespmem:$0x18C80] =	vst v63  }
0x2b: {  	_ =	swait.ge [sflag:s16], $0x4000  }
.Ltmp2:
0x2c: {  	[sflag:s16] =	ssyncset.done $0x0;
	(pc) =	sbr.rel @!p1 .LBB2_5-.Ltmp2, $4  }
0x2d: {  	s19 =	simm.s32 $0x0;
	[sflag:s16] =	ssyncadd.s32 $0xFFFFC000  }
0x2e: {  	[spmem:s2] =	stream.indirect.scatter.add.f32 [tilespmem:s15], [sflag:$0x2], $0x80, s19, s17, $0xb8;
	[tilespmem:$0x18C80] =	vst v63  }
0x2f: {  	_ =	swait.ge [sflag:s14], $0x4000  }
0x30: {  	s20 =	sadd.s32 $0xFFFFFFFF, s5;
	s21 =	smov.u32 s10;
	[sflag:s14] =	ssyncset.done $0x0  }
.LBB2_4:
0x31: {  	[sflag:s14] =	ssyncadd.s32 $0xFFFFC000;
	s19 =	sadd.s32 $0x80, s19;
	s21 =	sadd.s32 $0x10000, s21  }
0x32: {  	[tilespmem:s15], [sflag:$0x1] =	stream.linear.gather [hbm4b:s21+s3], $0x4000, $0x38;
	[tilespmem:$0x18C80] =	vst v63  }
0x33: {  	p1 =	sne.s32 s20, $0x1;
	s20 =	sadd.s32 $0xFFFFFFFF, s20;
	_ =	swait.ge [sflag:s16], $0x4000  }
.Ltmp3:
0x34: {  	[sflag:s16] =	ssyncset.done $0x0;
	(pc) =	sbr.rel @p1 .LBB2_4-.Ltmp3, $4  }
0x35: {  	[sflag:s16] =	ssyncadd.s32 $0xFFFFC000  }
0x36: {  	[spmem:s2] =	stream.indirect.scatter.add.f32 [tilespmem:s15], [sflag:$0x2], $0x80, s19, s17, $0xb8;
	[tilespmem:$0x18C80] =	vst v63  }
0x37: {  	_ =	swait.ge [sflag:s14], $0x4000  }
0x38: {  	[sflag:s14] =	ssyncset.done $0x0  }
.LBB2_5:
0x39: {  	[sflag:s14] =	ssyncadd.s32 $0xFFFFC000  }
0x3a: {  	s19 =	simm.s32 @p0 $0x1FC2;
	[bflag:$0x0] =	sbarrier.arrive $0xFFFF  }
0x3b: {  	[hbm:s7], [sflag:s19] =	dma.local @p0 [spmem:s11], $0x2080  }
0x3c: {  	s19 =	simm.s32 @p0 $0x2  }
0x3d: {  	s18 =	sadd.s32 $0x1, s18;
	_ =	swait.ge @p0 [sflag:s19], $0x2080  }
0x3e: {  	p1 =	sne.s32 s18, s8;
	[sflag:s19] =	ssyncset.done @p0 $0x0  }
.Ltmp4:
0x3f: {  	[sflag:s19] =	ssyncadd.s32 @p0 $0xFFFFDF80;
	s19 =	simm.s32 @!p0 $0x2;
	(pc) =	sbr.rel @p1 .LBB2_1-.Ltmp4, $4  }
0x40: {  	[hbm:s6], [sflag:s12] =	dma.local @!p0 [spmem:s13], $0x2780  }
0x41: {  	_ =	swait.ge @!p0 [sflag:s19], $0x2780  }
0x42: {  	[sflag:s19] =	ssyncset.done @!p0 $0x0  }
0x43: {  	[sflag:s19] =	ssyncadd.s32 @!p0 $0xFFFFD880  }
0x44: {  	_ =	sfence.sel $0x180000  }
0x45: {  	[bflag:$0x0] =	sbarrier.arrive $0xFFFF  }
0x46: {  	p0 =	sne.s32 s1, $0x0;
	_ =	strace $0x90000050  }
0x47: {  	s0 =	sadd.s32 @!p0 $0x100000, s0;
	[bflag:$0x2] =	sbarrier.arrive $0xFFFF  }
0x48: {  	[sflag:s0] =	ssyncadd.tile.s32 @!p0 $0x1;
	_ =	shalt  }
.Lfunc_end2:
_tile_overlayer_lowered:
.L_overlay_start_2:
0x49: {  	(tag) =	ssettag $0x2  }
0x4a: {  	s0 =	rddreg [dreg:$0x0];
	s2 =	stileid.u32  }
0x4b: {  	s1 =	rddreg [dreg:$0x1];
	p0 =	sne.s32 s2, $0x0  }
0x4c: {  	s3 =	rddreg [dreg:$0x2];
	[bflag:$0x3] =	sbarrier.arrive $0xFFFF;
	s2 =	simm.s32 @!p0 $0x1C02  }
0x4d: {  	[timem:s3], [sflag:s2] =	dma.local @!p0 [hbm:s0], s1  }
0x4e: {  	s0 =	simm.s32 @!p0 $0x2  }
0x4f: {  	_ =	swait.ge @!p0 [sflag:s0], s1  }
0x50: {  	s1 =	ssub.s32 @!p0 $0x0, s1;
	[sflag:s0] =	ssyncset.done @!p0 $0x0  }
0x51: {  	[sflag:s0] =	ssyncadd.s32 @!p0 s1  }
0x52: {  	[bflag:$0x3] =	sbarrier.arrive $0xFFFF  }
0x53: {  	_ =	shalt  }

// kernel: kernel.37.cloned.1.call-start
scs
__scs_entry_jumppad:
0x0: {  	(pc) =	sbr.rel $0x88, $3  }
0x1: {  	(tag) =	ssettag $0x0;
	lr =	simm.s32 $0x1  }
0x2: {  	[smem:$0x3F80] =	sst lr;
	_ =	strace $0xD0000000  }
0x3: {  	_ = 	snop  }
0x4: {  	_ = 	snop  }
0x5: {  	_ = 	snop  }
0x6: {  	_ = 	snop  }
0x7: {  	_ = 	snop  }
__scs_overlays_trampoline_lowered:
0x8: {  	[smem:$0x3F8F] =	sst s0  }
0x9: {  	[smem:$0x3F90] =	sst s1  }
0xa: {  	[smem:$0x3F91] =	sst s2  }
0xb: {  	[smem:$0x3F92] =	sst s3  }
0xc: {  	[smem:$0x3F93] =	sst s4  }
0xd: {  	[smem:$0x3F94] =	sst s5  }
0xe: {  	[smem:$0x3F95] =	sst s6  }
0xf: {  	[smem:$0x3F96] =	sst s7  }
0x10: {  	[smem:$0x3F97] =	sst s8  }
0x11: {  	[smem:$0x3F98] =	sst s9;
	s0 =	simm.s32 @!p0 $0x0  }
0x12: {  	s1 =	sld [smem:$0x3F7E];
	s0 =	simm.s32 @p0 $0x1  }
0x13: {  	[smem:$0x3F99] =	sst s0;
	s0 =	simm.s32 @!p1 $0x0  }
0x14: {  	s2 =	sld [smem:$0x3F7D];
	s0 =	simm.s32 @p1 $0x1  }
0x15: {  	[smem:$0x3F9A] =	sst s0;
	s0 =	simm.s32 @!p2 $0x0  }
0x16: {  	s3 =	sld [smem:$0x3FDB];
	s0 =	simm.s32 @p2 $0x1  }
0x17: {  	s4 =	simm.s32 $0x1BF5;
	[smem:$0x3F9C] =	sst s0  }
0x18: {  	s0 =	sld [smem:$0x3F7F];
	_ =	swait.ge [sflag:s4], $0x0  }
0x19: {  	s7 =	sld [smem:$0x3F80]  }
0x1a: {  	s8 =	sadd.s32 $0xFFFFE003, lr  }
0x1b: {  	s9 =	sadd.s32 $0xFFFFFEF7, lr;
	s5 =	simm.s32 $0xFFFFFFFF;
	p2 =	slt.u32 s8, $0xFFFFF086  }
0x1c: {  	p1 =	slt.u32 s9, $0xF7A;
	s5 =	simm.s32 @!p2 $0x0  }
0x1d: {  	s5 =	simm.s32 @p1 $0x1;
	p0 =	seq.s32 s7, s2  }
0x1e: {  	s7 =	smul.u32 @!p0 $0xF7A, s2;
	p2 =	seq.s32 @!p0 s5, $0x0  }
0x1f: {  	s9 =	smul.u32 $0xF7A, s1;
	s8 =	simm.s32 @!p0 $0x1BF5;
	p2 =	por !p2, p0  }
0x20: {  	[sflag:s8] =	ssyncset.s32 @!p0 $0xFFFFF086;
	s6 =	sadd.s32 @!p0 s3, s7;
	s7 =	simm.s32 @!p0 $0x108  }
0x21: {  	s3 =	sadd.s32 s3, s9;
	s6 =	sadd.s32 @!p0 $0x88, s6;
	s7 =	simm.s32 @p2 $0x1082  }
0x22: {  	[simem:s7], [sflag:s8] =	dma.local @!p0 [hbm:s6], $0xF7A  }
0x23: {  	s9 =	sor.u32 $0xD0000000, s2;
	s6 =	simm.s32 $0x108;
	_ =	swait.ge @!p0 [sflag:s8], $0x0  }
0x24: {  	s3 =	sadd.s32 $0x88, s3;
	s6 =	simm.s32 @!p1 $0x1082;
	[sflag:s4] =	ssyncset.s32 $0xFFFFF086  }
0x25: {  	[simem:s6], [sflag:s4] =	dma.local [hbm:s3], $0xF7A  }
0x26: {  	[smem:$0x3F80] =	sst s1;
	(tag) =	ssettag s2;
	_ =	strace s9  }
0x27: {  	s1 =	sld [smem:$0x3F90]  }
0x28: {  	s2 =	sld [smem:$0x3F91]  }
0x29: {  	s4 =	sld [smem:$0x3F93]  }
0x2a: {  	p0 =	seq.s32 s5, $0x0;
	s5 =	sld [smem:$0x3F94]  }
0x2b: {  	s6 =	sld [smem:$0x3F95]  }
0x2c: {  	s7 =	sld [smem:$0x3F96]  }
0x2d: {  	s3 =	simm.s32 $0x108;
	s8 =	sld [smem:$0x3F97]  }
0x2e: {  	s3 =	simm.s32 @!p0 $0x1082;
	s9 =	sld [smem:$0x3F98]  }
0x2f: {  	lr =	sadd.s32 s0, s3;
	s0 =	sld [smem:$0x3F8F]  }
0x30: {  	s3 =	sld [smem:$0x3F92]  }
0x31: {  	[smem:$0x3F9B] =	sst s10  }
0x32: {  	s10 =	sld [smem:$0x3F99];
	_ =	sdelay $0x3  }
0x33: {  	p0 =	seq.s32 s10, $0x1;
	s10 =	sld [smem:$0x3F9B];
	_ =	sdelay $0x3  }
0x34: {  	[smem:$0x3F9B] =	sst s10  }
0x35: {  	s10 =	sld [smem:$0x3F9A];
	_ =	sdelay $0x3  }
0x36: {  	p1 =	seq.s32 s10, $0x1;
	s10 =	sld [smem:$0x3F9B];
	_ =	sdelay $0x3  }
0x37: {  	[smem:$0x3F9B] =	sst s10  }
0x38: {  	s10 =	sld [smem:$0x3F9C]  }
0x39: {  	_ = 	snop;
	(pc) =	sbr.ind lr, $3  }
0x3a: {  	_ = 	snop  }
0x3b: {  	_ = 	snop  }
0x3c: {  	p2 =	seq.s32 s10, $0x1;
	s10 =	sld [smem:$0x3F9B]  }
0x3d: {  	_ =	shalt  }
0x3e: {  	_ =	shalt  }
0x3f: {  	_ =	shalt  }
0x40: {  	_ =	shalt  }
0x41: {  	_ =	shalt  }
0x42: {  	_ =	shalt  }
0x43: {  	_ =	shalt  }
0x44: {  	_ =	shalt  }
0x45: {  	_ =	shalt  }
0x46: {  	_ =	shalt  }
0x47: {  	_ =	shalt  }
0x48: {  	_ =	shalt  }
0x49: {  	_ =	shalt  }
0x4a: {  	_ =	shalt  }
0x4b: {  	_ =	shalt  }
0x4c: {  	_ =	shalt  }
0x4d: {  	_ =	shalt  }
0x4e: {  	_ =	shalt  }
0x4f: {  	_ =	shalt  }
0x50: {  	_ =	shalt  }
0x51: {  	_ =	shalt  }
0x52: {  	_ =	shalt  }
0x53: {  	_ =	shalt  }
0x54: {  	_ =	shalt  }
0x55: {  	_ =	shalt  }
0x56: {  	_ =	shalt  }
0x57: {  	_ =	shalt  }
0x58: {  	_ =	shalt  }
0x59: {  	_ =	shalt  }
0x5a: {  	_ =	shalt  }
0x5b: {  	_ =	shalt  }
0x5c: {  	_ =	shalt  }
0x5d: {  	_ =	shalt  }
0x5e: {  	_ =	shalt  }
0x5f: {  	_ =	shalt  }
0x60: {  	_ =	shalt  }
0x61: {  	_ =	shalt  }
0x62: {  	_ =	shalt  }
0x63: {  	_ =	shalt  }
0x64: {  	_ =	shalt  }
0x65: {  	_ =	shalt  }
0x66: {  	_ =	shalt  }
0x67: {  	_ =	shalt  }
0x68: {  	_ =	shalt  }
0x69: {  	_ =	shalt  }
0x6a: {  	_ =	shalt  }
0x6b: {  	_ =	shalt  }
0x6c: {  	_ =	shalt  }
0x6d: {  	_ =	shalt  }
0x6e: {  	_ =	shalt  }
0x6f: {  	_ =	shalt  }
0x70: {  	_ =	shalt  }
0x71: {  	_ =	shalt  }
0x72: {  	_ =	shalt  }
0x73: {  	_ =	shalt  }
0x74: {  	_ =	shalt  }
0x75: {  	_ =	shalt  }
0x76: {  	_ =	shalt  }
0x77: {  	_ =	shalt  }
0x78: {  	_ =	shalt  }
0x79: {  	_ =	shalt  }
0x7a: {  	_ =	shalt  }
0x7b: {  	_ =	shalt  }
0x7c: {  	_ =	shalt  }
0x7d: {  	_ =	shalt  }
0x7e: {  	_ =	shalt  }
0x7f: {  	_ =	shalt  }
0x80: {  	_ =	shalt  }
0x81: {  	_ =	shalt  }
0x82: {  	_ =	shalt  }
0x83: {  	_ =	shalt  }
0x84: {  	_ =	shalt  }
0x85: {  	_ =	shalt  }
0x86: {  	_ =	shalt  }
0x87: {  	_ =	shalt  }
.Lfunc_end0:
.L_simem_size_0:
called_computation.4_lowered:
.L_overlay_start_0:
0x88: {  	s2 =	sld [smem:$0x3FD9]  }
0x89: {  	s3 =	sld [smem:$0x3FFE];
	_ =	sdelay $0x1  }
0x8a: {  	s1 =	srdreg.scid  }
0x8b: {  	s0 =	sand.u32 $0x1, s1  }
0x8c: {  	s16 =	sshll.u32 s0, $0xA;
	s2 =	sadd.s32 s3, s2  }
0x8d: {  	s2 =	sadd.s32 s2, s16  }
0x8e: {  	[smem:$0x3FA7] =	sst s2  }
0x8f: {  	_ = 	snop  }
0x90: {  	(tm) =	ssettm $0x1  }
0x91: {  	s17 =	sld [smem:$0x3FFB];
	_ =	sdelay $0x3  }
0x92: {  	_ =	strace s17  }
0x93: {  	s2 =	sld [smem:$0x3FFC];
	_ =	sdelay $0x3  }
0x94: {  	_ =	strace s2  }
0x95: {  	s2 =	sld [smem:$0x3FFD];
	_ =	sdelay $0x3  }
0x96: {  	_ =	strace s2  }
0x97: {  	_ =	strace $0x8FFFFFFF  }
0x98: {  	s18 =	sld [smem:$0x3FDB];
	_ =	sdelay $0x1  }
0x99: {  	s19 =	simm.s32 $_scs_section_size  }
0x9a: {  	s4 =	simm.s32 $_size__tile_overlayer_lowered;
	s5 =	simm.s32 $_tile_overlayer_lowered  }
0x9b: {  	s22 =	simm.s32 $0x1BFF;
	s21 =	sshll.u32 s5, $0x1;
	s2 =	sadd.s32 s19, s18  }
0x9c: {  	s6 =	simm.s32 $0x0;
	s20 =	sshll.u32 s4, $0x1;
	s4 =	sadd.s32 s21, s2  }
0x9d: {  	[timem:s6], [sflag:s22] =	dma.local [hbm:s4], s20  }
0x9e: {  	_ =	swait.ge [sflag:s22], s20  }
0x9f: {  	s3 =	ssub.s32 $0x0, s20;
	[sflag:s22] =	ssyncset.done $0x0  }
0xa0: {  	[sflag:s22] =	ssyncadd.s32 s3;
	_ =	sdelay $0x1  }
0xa1: {  	s23 =	simm.s32 $0x1B8B  }
0xa2: {  	_ =	swait.ge [sflag:s23], $0x1  }
0xa3: {  	[sflag:s23] =	ssyncset.done $0x0  }
0xa4: {  	s25 =	simm.s32 $0x1B8E;
	s24 =	sld [smem:$0x3FFE];
	[sflag:s23] =	ssyncadd.s32 $0xFFFFFFFF  }
0xa5: {  	s26 =	simm.s32 $execute0_lowered;
	[smem:$0x3FD2] =	sst s25  }
0xa6: {  	s4 =	sshll.u32 s26, $0x1;
	_ =	strace $0x80000052;
	[dreg:$0x1] =	wrdreg $0xFFFFFFFF  }
0xa7: {  	s28 =	simm.s32 $_size_execute0_lowered;
	s2 =	sadd.s32 s2, s4;
	[dreg:$0x0] =	wrdreg $0x0  }
0xa8: {  	s4 =	sshll.u32 s28, $0x1;
	[dreg:$0x2] =	wrdreg s2  }
0xa9: {  	[dreg:$0x3] =	wrdreg s4  }
0xaa: {  	[dreg:$0x4] =	wrdreg $0xC0  }
0xab: {  	_ =	task [dreg:s6], $0x5FFFF  }
0xac: {  	[dreg:$0x1] =	wrdreg $0xFFFFFFFF  }
0xad: {  	[dreg:$0x0] =	wrdreg $0x60  }
0xae: {  	[dreg:$0x2] =	wrdreg s24  }
0xaf: {  	[dreg:$0x3] =	wrdreg $0x9  }
0xb0: {  	_ =	task.clear_ibuf [dreg:s6], $0x4FFFF;
	_ =	strace $0x90000052  }
0xb1: {  	s29 =	simm.s32 $0x9;
	_ =	strace $0x80000054  }
0xb2: {  	_ =	swait.ge [sflag:s29], $0x1  }
0xb3: {  	[sflag:s29] =	ssyncadd.s32 $0xFFFFFFFF  }
0xb4: {  	_ =	strace $0x90000054  }
0xb5: {  	_ =	sfence  }
0xb6: {  	s30 =	sld [smem:$0x0];
	_ =	sdelay $0x2  }
0xb7: {  	s31 =	sshll.u32 s1, $0xD;
	s1 =	sshrl.u32 s1, $0x2  }
0xb8: {  	s3 =	sand.u32 $0x4000, s31;
	s1 =	sadd.s32 s1, s30  }
0xb9: {  	s0 =	sor.u32 s3, s0;
	s1 =	sshll.u32 s1, $0x11  }
0xba: {  	s0 =	sor.u32 s1, s0  }
0xbb: {  	s0 =	sadd.s32 $0x8F2B, s0  }
0xbc: {  	[sflag:s0] =	ssyncadd.remote.s32 $0x1  }
0xbd: {  	_ =	sfence.sel $0xFFFF  }
0xbe: {  	[dreg:$0x0] =	wrdreg $0xFFFFFFFF;
	(pc) =	sbr.abs _section_cstart, $3  }
0xbf: {  	[dreg:$0x1] =	wrdreg $0xFFFFFFFF  }
0xc0: {  	_ =	task.clear_ibuf [dreg:s6], $0x2FFFF;
	_ =	strace $0x9FFFFFFF  }
0xc1: {  	(tm) =	ssettm $0x7FFFFFFF  }
tec
execute0_lowered:
.L_overlay_start_1:
0x0: {  	(tag) =	ssettag $0x1  }
0x1: {  	s5 =	rddreg [dreg:$0x0];
	s2 =	srdreg.scid  }
0x2: {  	s0 =	rddreg [dreg:$0x1];
	s1 =	stileid.u32  }
0x3: {  	s11 =	simm.s32 $0x80;
	s12 =	simm.s32 $0x2800;
	s13 =	simm.s32 $0x6800  }
0x4: {  	s14 =	simm.s32 $0x1;
	s15 =	simm.s32 $0x2;
	s16 =	simm.s32 $0x0  }
0x5: {  	s4 =	sand.u32 $0x1, s2;
	s2 =	simm.s32 $0x0;
	s3 =	sshll.u32 s1, $0x8  }
0x6: {  	s29 =	sshll.u32 s1, $0xF;
	p0 =	seq.s32 s1, $0x0;
	s6 =	sshll.u32 s4, $0x7  }
0x7: {  	[smem:$0x7FF] =	sst s2;
	s7 =	sshll.u32 s4, $0xE;
	s30 =	ssub.s32 $0x2, s4  }
0x8: {  	s4 =	simm.s32 $0x28;
	s3 =	sor.u32 s6, s3;
	_ =	strace $0x80000053  }
0x9: {  	s6 =	sor.u32 s7, s29;
	s9 =	sshrl.u32 s30, $0x1;
	s4 =	simm.s32 @!p0 $0x27  }
0xa: {  	s3 =	sshrl.u32 s3, $0x3;
	s6 =	sshrl.u32 s6, $0x3;
	s31 =	ssub.s32 s30, s9  }
0xb: {  	s8 =	sadd.s32 s3, s5;
	s3 =	sadd.s32 $0x18000, s5;
	s10 =	sadd.s32 s6, s5  }
0xc: {  	s5 =	smax.u32 s31, $0x1;
	s6 =	sadd.s32 $0xE000, s8;
	s7 =	sadd.s32 $0x13000, s8  }
0xd: {  	s8 =	sadd.s32 $0x2B2A00, s10;
	s9 =	sadd.s32 $0x41A00, s10;
	s10 =	simm.s32 $0x3  }
.LBB2_1:
0xe: {  	p0 =	sne.s32 s4, $0x1  }
.Ltmp0:
0xf: {  	_ = 	snop;
	(pc) =	sbr.rel @!p0 .LBB2_5-.Ltmp0, $4  }
0x10: {  	_ = 	snop  }
0x11: {  	s17 =	simm.s32 $0x1400  }
0x12: {  	s18 =	sadd.s32 $0xFFFFFFFF, s4;
	p1 =	por $0x0, $0x0;
	s23 =	smov.u32 s6  }
0x13: {  	s21 =	simm.s32 $0x0;
	s22 =	smov.u32 s7;
	s20 =	simm.s32 $0x1400  }
0x14: {  	s19 =	simm.s32 $0x0  }
0x15: {  	[tilespmem:s2], [sflag:$0x3] =	stream.linear.gather [hbm4b:s7+s19], $0x80, $0x38;
	[tilespmem:$0xA800] =	vst v63  }
0x16: {  	p2 =	sne.s32 s18, $0x1;
	_ =	swait.ge [sflag:s10], $0x80  }
.Ltmp1:
0x17: {  	[sflag:s10] =	ssyncset.done $0x0;
	(pc) =	sbr.rel @!p2 .LBB2_3-.Ltmp1, $4  }
0x18: {  	s24 =	sadd.s32 $0xFFFFFFFF, s18;
	s20 =	simm.s32 $0x1480;
	[sflag:s10] =	ssyncadd.s32 $0xFFFFFF80  }
0x19: {  	[tilespmem:s17], [sflag:$0x3] =	stream.linear.gather [hbm4b:s6+s19], $0x80, $0x38;
	[tilespmem:$0xA800] =	vst v63  }
0x1a: {  	s22 =	sadd.s32 $0x200, s7;
	s21 =	simm.s32 $0x80;
	_ =	swait.ge [sflag:s10], $0x80  }
0x1b: {  	p1 =	por $0x1, $0x1;
	s23 =	smov.u32 s6;
	[sflag:s10] =	ssyncset.done $0x0  }
.LBB2_4:
0x1c: {  	[sflag:s10] =	ssyncadd.s32 $0xFFFFFF80;
	s23 =	sadd.s32 $0x200, s23  }
0x1d: {  	[tilespmem:s21], [sflag:$0x3] =	stream.linear.gather [hbm4b:s22+s19], $0x80, $0x38;
	[tilespmem:$0xA800] =	vst v63  }
0x1e: {  	p2 =	sne.s32 s24, $0x1;
	s24 =	sadd.s32 $0xFFFFFFFF, s24;
	_ =	swait.ge [sflag:s10], $0x80  }
.Ltmp2:
0x1f: {  	[sflag:s10] =	ssyncset.done $0x0;
	(pc) =	sbr.rel @p2 .LBB2_4-.Ltmp2, $4  }
0x20: {  	[sflag:s10] =	ssyncadd.s32 $0xFFFFFF80  }
0x21: {  	[tilespmem:s20], [sflag:$0x3] =	stream.linear.gather [hbm4b:s23+s19], $0x80, $0x38;
	[tilespmem:$0xA800] =	vst v63  }
0x22: {  	s20 =	sadd.s32 $0x80, s20;
	_ =	swait.ge [sflag:s10], $0x80  }
0x23: {  	s22 =	sadd.s32 $0x200, s22;
	s21 =	sadd.s32 $0x80, s21;
	[sflag:s10] =	ssyncset.done $0x0  }
.LBB2_5:
0x24: {  	s19 =	simm.s32 $0x0;
	[sflag:s10] =	ssyncadd.s32 @p1 $0xFFFFFF80  }
0x25: {  	[tilespmem:s21], [sflag:$0x3] =	stream.linear.gather [hbm4b:s22+s19], $0x80, $0x38;
	[tilespmem:$0xA800] =	vst v63  }
0x26: {  	_ =	swait.ge [sflag:s10], $0x80  }
0x27: {  	s21 =	sadd.s32 @p1 $0x200, s23;
	s22 =	smov.u32 s6;
	[sflag:s10] =	ssyncset.done $0x0  }
0x28: {  	s22 =	smov.u32 @p1 s21;
	[sflag:s10] =	ssyncadd.s32 $0xFFFFFF80  }
0x29: {  	[tilespmem:s20], [sflag:$0x3] =	stream.linear.gather [hbm4b:s22+s19], $0x80, $0x38;
	[tilespmem:$0xA800] =	vst v63  }
0x2a: {  	_ =	swait.ge [sflag:s10], $0x80  }
0x2b: {  	[sflag:s10] =	ssyncset.done $0x0  }
0x2c: {  	[sflag:s10] =	ssyncadd.s32 $0xFFFFFF80  }
0x2d: {  	[tilespmem:s12], [sflag:$0x1] =	stream.indirect.gather [hbm4b:s3+s11], $0x80, s19, s11, $0xb8;
	[tilespmem:$0xA800] =	vst v63  }
0x2e: {  	_ = 	snop  }
0x2f: {  	[tilespmem:s13], [sflag:$0x2] =	stream.indirect.gather [hbm4b:s3+s11], $0x80, s17, s11, $0xb8;
	[tilespmem:$0xA800] =	vst v63  }
0x30: {  	_ =	swait.ge [sflag:s14], $0x4000  }
0x31: {  	[sflag:s14] =	ssyncset.done $0x0  }
0x32: {  	[sflag:s14] =	ssyncadd.s32 $0xFFFFC000  }
0x33: {  	_ =	swait.ge [sflag:s15], $0x4000  }
0x34: {  	[sflag:s15] =	ssyncset.done $0x0  }
0x35: {  	[sflag:s15] =	ssyncadd.s32 $0xFFFFC000  }
0x36: {  	[hbm4b:s9+s2] =	stream.linear.scatter [tilespmem:s12], [sflag:$0x3], $0x4000, $0x38;
	[tilespmem:$0xA800] =	vst v63  }
0x37: {  	_ =	swait.ge [sflag:s10], $0x4000  }
.Ltmp3:
0x38: {  	[sflag:s10] =	ssyncset.done $0x0;
	(pc) =	sbr.rel @!p0 .LBB2_7-.Ltmp3, $4  }
0x39: {  	[sflag:s10] =	ssyncadd.s32 $0xFFFFC000  }
0x3a: {  	[hbm4b:s8+s2] =	stream.linear.scatter [tilespmem:s13], [sflag:$0x3], $0x4000, $0x38;
	[tilespmem:$0xA800] =	vst v63  }
0x3b: {  	_ =	swait.ge [sflag:s10], $0x4000  }
0x3c: {  	s21 =	sadd.s32 $0x10000, s9;
	s20 =	sadd.s32 $0x10000, s8;
	[sflag:s10] =	ssyncset.done $0x0  }
.LBB2_6:
0x3d: {  	[sflag:s10] =	ssyncadd.s32 $0xFFFFC000;
	s19 =	sadd.s32 $0x80, s19;
	s17 =	sadd.s32 $0x80, s17  }
0x3e: {  	[tilespmem:s12], [sflag:$0x1] =	stream.indirect.gather [hbm4b:s3+s11], $0x80, s19, s11, $0xb8;
	[tilespmem:$0xA800] =	vst v63  }
0x3f: {  	p0 =	sne.s32 s18, $0x1;
	s18 =	sadd.s32 $0xFFFFFFFF, s18  }
0x40: {  	[tilespmem:s13], [sflag:$0x2] =	stream.indirect.gather [hbm4b:s3+s11], $0x80, s17, s11, $0xb8;
	[tilespmem:$0xA800] =	vst v63  }
0x41: {  	_ =	swait.ge [sflag:s14], $0x4000  }
0x42: {  	[sflag:s14] =	ssyncset.done $0x0  }
0x43: {  	[sflag:s14] =	ssyncadd.s32 $0xFFFFC000  }
0x44: {  	_ =	swait.ge [sflag:s15], $0x4000  }
0x45: {  	[sflag:s15] =	ssyncset.done $0x0  }
0x46: {  	[sflag:s15] =	ssyncadd.s32 $0xFFFFC000  }
0x47: {  	[hbm4b:s21+s2] =	stream.linear.scatter [tilespmem:s12], [sflag:$0x3], $0x4000, $0x38;
	[tilespmem:$0xA800] =	vst v63  }
0x48: {  	_ =	swait.ge [sflag:s10], $0x4000  }
.Ltmp4:
0x49: {  	[sflag:s10] =	ssyncset.done $0x0;
	(pc) =	sbr.rel @p0 .LBB2_6-.Ltmp4, $4  }
0x4a: {  	[sflag:s10] =	ssyncadd.s32 $0xFFFFC000  }
0x4b: {  	[hbm4b:s20+s2] =	stream.linear.scatter [tilespmem:s13], [sflag:$0x3], $0x4000, $0x38;
	[tilespmem:$0xA800] =	vst v63  }
0x4c: {  	_ =	swait.ge [sflag:s10], $0x4000  }
0x4d: {  	s21 =	sadd.s32 $0x10000, s21;
	s20 =	sadd.s32 $0x10000, s20;
	[sflag:s10] =	ssyncset.done $0x0  }
.LBB2_7:
0x4e: {  	s16 =	sadd.s32 $0x1, s16  }
0x4f: {  	p0 =	sne.s32 s16, s5  }
.Ltmp5:
0x50: {  	_ = 	snop;
	(pc) =	sbr.rel @p0 .LBB2_1-.Ltmp5, $4  }
.Ltmp6:
0x51: {  	_ = 	snop;
	(pc) =	sbr.rel @!p0 .LBB2_8-.Ltmp6, $4  }
0x52: {  	_ = 	snop  }
0x53: {  	_ = 	snop  }
0x54: {  	[sflag:s10] =	ssyncadd.s32 $0xFFFFC000  }
0x55: {  	_ = 	snop  }
.LBB2_3:
.Ltmp7:
0x56: {  	(pc) =	sbr.rel .LBB2_5-.Ltmp7, $2  }
0x57: {  	_ =	sdelay $0x2  }
0x58: {  	s23 =	smov.u32 s6  }
.LBB2_8:
0x59: {  	_ =	sfence.sel $0x180000  }
0x5a: {  	[bflag:$0x0] =	sbarrier.arrive $0xFFFF  }
0x5b: {  	p0 =	sne.s32 s1, $0x0;
	_ =	strace $0x90000053  }
0x5c: {  	s0 =	sadd.s32 @!p0 $0x100000, s0;
	[bflag:$0x2] =	sbarrier.arrive $0xFFFF  }
0x5d: {  	[sflag:s0] =	ssyncadd.tile.s32 @!p0 $0x1;
	_ =	shalt  }
.Lfunc_end2:
_tile_overlayer_lowered:
.L_overlay_start_2:
0x5e: {  	(tag) =	ssettag $0x2  }
0x5f: {  	s0 =	rddreg [dreg:$0x0];
	s2 =	stileid.u32  }
0x60: {  	s1 =	rddreg [dreg:$0x1];
	p0 =	sne.s32 s2, $0x0  }
0x61: {  	s3 =	rddreg [dreg:$0x2];
	[bflag:$0x3] =	sbarrier.arrive $0xFFFF;
	s2 =	simm.s32 @!p0 $0x1C03  }
0x62: {  	[timem:s3], [sflag:s2] =	dma.local @!p0 [hbm:s0], s1  }
0x63: {  	s0 =	simm.s32 @!p0 $0x3  }
0x64: {  	_ =	swait.ge @!p0 [sflag:s0], s1  }
0x65: {  	s1 =	ssub.s32 @!p0 $0x0, s1;
	[sflag:s0] =	ssyncset.done @!p0 $0x0  }
0x66: {  	[sflag:s0] =	ssyncadd.s32 @!p0 s1  }
0x67: {  	[bflag:$0x3] =	sbarrier.arrive $0xFFFF  }
0x68: {  	_ =	shalt  }

// kernel: kernel.40.cloned.1.call-start
scs
__scs_entry_jumppad:
0x0: {  	(pc) =	sbr.rel $0x88, $3  }
0x1: {  	(tag) =	ssettag $0x0;
	lr =	simm.s32 $0x1  }
0x2: {  	[smem:$0x3F80] =	sst lr;
	_ =	strace $0xD0000000  }
0x3: {  	_ = 	snop  }
0x4: {  	_ = 	snop  }
0x5: {  	_ = 	snop  }
0x6: {  	_ = 	snop  }
0x7: {  	_ = 	snop  }
__scs_overlays_trampoline_lowered:
0x8: {  	[smem:$0x3F8F] =	sst s0  }
0x9: {  	[smem:$0x3F90] =	sst s1  }
0xa: {  	[smem:$0x3F91] =	sst s2  }
0xb: {  	[smem:$0x3F92] =	sst s3  }
0xc: {  	[smem:$0x3F93] =	sst s4  }
0xd: {  	[smem:$0x3F94] =	sst s5  }
0xe: {  	[smem:$0x3F95] =	sst s6  }
0xf: {  	[smem:$0x3F96] =	sst s7  }
0x10: {  	[smem:$0x3F97] =	sst s8  }
0x11: {  	[smem:$0x3F98] =	sst s9;
	s0 =	simm.s32 @!p0 $0x0  }
0x12: {  	s1 =	sld [smem:$0x3F7E];
	s0 =	simm.s32 @p0 $0x1  }
0x13: {  	[smem:$0x3F99] =	sst s0;
	s0 =	simm.s32 @!p1 $0x0  }
0x14: {  	s2 =	sld [smem:$0x3F7D];
	s0 =	simm.s32 @p1 $0x1  }
0x15: {  	[smem:$0x3F9A] =	sst s0;
	s0 =	simm.s32 @!p2 $0x0  }
0x16: {  	s3 =	sld [smem:$0x3FDB];
	s0 =	simm.s32 @p2 $0x1  }
0x17: {  	s4 =	simm.s32 $0x1BF5;
	[smem:$0x3F9C] =	sst s0  }
0x18: {  	s0 =	sld [smem:$0x3F7F];
	_ =	swait.ge [sflag:s4], $0x0  }
0x19: {  	s7 =	sld [smem:$0x3F80]  }
0x1a: {  	s8 =	sadd.s32 $0xFFFFE003, lr  }
0x1b: {  	s9 =	sadd.s32 $0xFFFFFEF7, lr;
	s5 =	simm.s32 $0xFFFFFFFF;
	p2 =	slt.u32 s8, $0xFFFFF086  }
0x1c: {  	p1 =	slt.u32 s9, $0xF7A;
	s5 =	simm.s32 @!p2 $0x0  }
0x1d: {  	s5 =	simm.s32 @p1 $0x1;
	p0 =	seq.s32 s7, s2  }
0x1e: {  	s7 =	smul.u32 @!p0 $0xF7A, s2;
	p2 =	seq.s32 @!p0 s5, $0x0  }
0x1f: {  	s9 =	smul.u32 $0xF7A, s1;
	s8 =	simm.s32 @!p0 $0x1BF5;
	p2 =	por !p2, p0  }
0x20: {  	[sflag:s8] =	ssyncset.s32 @!p0 $0xFFFFF086;
	s6 =	sadd.s32 @!p0 s3, s7;
	s7 =	simm.s32 @!p0 $0x108  }
0x21: {  	s3 =	sadd.s32 s3, s9;
	s6 =	sadd.s32 @!p0 $0x88, s6;
	s7 =	simm.s32 @p2 $0x1082  }
0x22: {  	[simem:s7], [sflag:s8] =	dma.local @!p0 [hbm:s6], $0xF7A  }
0x23: {  	s9 =	sor.u32 $0xD0000000, s2;
	s6 =	simm.s32 $0x108;
	_ =	swait.ge @!p0 [sflag:s8], $0x0  }
0x24: {  	s3 =	sadd.s32 $0x88, s3;
	s6 =	simm.s32 @!p1 $0x1082;
	[sflag:s4] =	ssyncset.s32 $0xFFFFF086  }
0x25: {  	[simem:s6], [sflag:s4] =	dma.local [hbm:s3], $0xF7A  }
0x26: {  	[smem:$0x3F80] =	sst s1;
	(tag) =	ssettag s2;
	_ =	strace s9  }
0x27: {  	s1 =	sld [smem:$0x3F90]  }
0x28: {  	s2 =	sld [smem:$0x3F91]  }
0x29: {  	s4 =	sld [smem:$0x3F93]  }
0x2a: {  	p0 =	seq.s32 s5, $0x0;
	s5 =	sld [smem:$0x3F94]  }
0x2b: {  	s6 =	sld [smem:$0x3F95]  }
0x2c: {  	s7 =	sld [smem:$0x3F96]  }
0x2d: {  	s3 =	simm.s32 $0x108;
	s8 =	sld [smem:$0x3F97]  }
0x2e: {  	s3 =	simm.s32 @!p0 $0x1082;
	s9 =	sld [smem:$0x3F98]  }
0x2f: {  	lr =	sadd.s32 s0, s3;
	s0 =	sld [smem:$0x3F8F]  }
0x30: {  	s3 =	sld [smem:$0x3F92]  }
0x31: {  	[smem:$0x3F9B] =	sst s10  }
0x32: {  	s10 =	sld [smem:$0x3F99];
	_ =	sdelay $0x3  }
0x33: {  	p0 =	seq.s32 s10, $0x1;
	s10 =	sld [smem:$0x3F9B];
	_ =	sdelay $0x3  }
0x34: {  	[smem:$0x3F9B] =	sst s10  }
0x35: {  	s10 =	sld [smem:$0x3F9A];
	_ =	sdelay $0x3  }
0x36: {  	p1 =	seq.s32 s10, $0x1;
	s10 =	sld [smem:$0x3F9B];
	_ =	sdelay $0x3  }
0x37: {  	[smem:$0x3F9B] =	sst s10  }
0x38: {  	s10 =	sld [smem:$0x3F9C]  }
0x39: {  	_ = 	snop;
	(pc) =	sbr.ind lr, $3  }
0x3a: {  	_ = 	snop  }
0x3b: {  	_ = 	snop  }
0x3c: {  	p2 =	seq.s32 s10, $0x1;
	s10 =	sld [smem:$0x3F9B]  }
0x3d: {  	_ =	shalt  }
0x3e: {  	_ =	shalt  }
0x3f: {  	_ =	shalt  }
0x40: {  	_ =	shalt  }
0x41: {  	_ =	shalt  }
0x42: {  	_ =	shalt  }
0x43: {  	_ =	shalt  }
0x44: {  	_ =	shalt  }
0x45: {  	_ =	shalt  }
0x46: {  	_ =	shalt  }
0x47: {  	_ =	shalt  }
0x48: {  	_ =	shalt  }
0x49: {  	_ =	shalt  }
0x4a: {  	_ =	shalt  }
0x4b: {  	_ =	shalt  }
0x4c: {  	_ =	shalt  }
0x4d: {  	_ =	shalt  }
0x4e: {  	_ =	shalt  }
0x4f: {  	_ =	shalt  }
0x50: {  	_ =	shalt  }
0x51: {  	_ =	shalt  }
0x52: {  	_ =	shalt  }
0x53: {  	_ =	shalt  }
0x54: {  	_ =	shalt  }
0x55: {  	_ =	shalt  }
0x56: {  	_ =	shalt  }
0x57: {  	_ =	shalt  }
0x58: {  	_ =	shalt  }
0x59: {  	_ =	shalt  }
0x5a: {  	_ =	shalt  }
0x5b: {  	_ =	shalt  }
0x5c: {  	_ =	shalt  }
0x5d: {  	_ =	shalt  }
0x5e: {  	_ =	shalt  }
0x5f: {  	_ =	shalt  }
0x60: {  	_ =	shalt  }
0x61: {  	_ =	shalt  }
0x62: {  	_ =	shalt  }
0x63: {  	_ =	shalt  }
0x64: {  	_ =	shalt  }
0x65: {  	_ =	shalt  }
0x66: {  	_ =	shalt  }
0x67: {  	_ =	shalt  }
0x68: {  	_ =	shalt  }
0x69: {  	_ =	shalt  }
0x6a: {  	_ =	shalt  }
0x6b: {  	_ =	shalt  }
0x6c: {  	_ =	shalt  }
0x6d: {  	_ =	shalt  }
0x6e: {  	_ =	shalt  }
0x6f: {  	_ =	shalt  }
0x70: {  	_ =	shalt  }
0x71: {  	_ =	shalt  }
0x72: {  	_ =	shalt  }
0x73: {  	_ =	shalt  }
0x74: {  	_ =	shalt  }
0x75: {  	_ =	shalt  }
0x76: {  	_ =	shalt  }
0x77: {  	_ =	shalt  }
0x78: {  	_ =	shalt  }
0x79: {  	_ =	shalt  }
0x7a: {  	_ =	shalt  }
0x7b: {  	_ =	shalt  }
0x7c: {  	_ =	shalt  }
0x7d: {  	_ =	shalt  }
0x7e: {  	_ =	shalt  }
0x7f: {  	_ =	shalt  }
0x80: {  	_ =	shalt  }
0x81: {  	_ =	shalt  }
0x82: {  	_ =	shalt  }
0x83: {  	_ =	shalt  }
0x84: {  	_ =	shalt  }
0x85: {  	_ =	shalt  }
0x86: {  	_ =	shalt  }
0x87: {  	_ =	shalt  }
.Lfunc_end0:
.L_simem_size_0:
called_computation.5_lowered:
.L_overlay_start_0:
0x88: {  	s2 =	sld [smem:$0x3FD9]  }
0x89: {  	s3 =	sld [smem:$0x3FFE];
	_ =	sdelay $0x1  }
0x8a: {  	s1 =	srdreg.scid  }
0x8b: {  	s0 =	sand.u32 $0x1, s1  }
0x8c: {  	s16 =	sshll.u32 s0, $0xA;
	s2 =	sadd.s32 s3, s2  }
0x8d: {  	s2 =	sadd.s32 s2, s16  }
0x8e: {  	[smem:$0x3FA7] =	sst s2  }
0x8f: {  	_ = 	snop  }
0x90: {  	(tm) =	ssettm $0x1  }
0x91: {  	s17 =	sld [smem:$0x3FFB];
	_ =	sdelay $0x3  }
0x92: {  	_ =	strace s17  }
0x93: {  	s2 =	sld [smem:$0x3FFC];
	_ =	sdelay $0x3  }
0x94: {  	_ =	strace s2  }
0x95: {  	s2 =	sld [smem:$0x3FFD];
	_ =	sdelay $0x3  }
0x96: {  	_ =	strace s2  }
0x97: {  	_ =	strace $0x8FFFFFFF  }
0x98: {  	s18 =	sld [smem:$0x3FDB];
	_ =	sdelay $0x1  }
0x99: {  	s19 =	simm.s32 $_scs_section_size  }
0x9a: {  	s4 =	simm.s32 $_size__tile_overlayer_lowered;
	s5 =	simm.s32 $_tile_overlayer_lowered  }
0x9b: {  	s22 =	simm.s32 $0x1BFF;
	s21 =	sshll.u32 s5, $0x1;
	s2 =	sadd.s32 s19, s18  }
0x9c: {  	s6 =	simm.s32 $0x0;
	s20 =	sshll.u32 s4, $0x1;
	s4 =	sadd.s32 s21, s2  }
0x9d: {  	[timem:s6], [sflag:s22] =	dma.local [hbm:s4], s20  }
0x9e: {  	_ =	swait.ge [sflag:s22], s20  }
0x9f: {  	s3 =	ssub.s32 $0x0, s20;
	[sflag:s22] =	ssyncset.done $0x0  }
0xa0: {  	[sflag:s22] =	ssyncadd.s32 s3;
	_ =	sdelay $0x1  }
0xa1: {  	s23 =	simm.s32 $0x1B8B  }
0xa2: {  	_ =	swait.ge [sflag:s23], $0x1  }
0xa3: {  	[sflag:s23] =	ssyncset.done $0x0  }
0xa4: {  	s25 =	simm.s32 $0x1B8E;
	s24 =	sld [smem:$0x3FFE];
	[sflag:s23] =	ssyncadd.s32 $0xFFFFFFFF  }
0xa5: {  	s26 =	simm.s32 $execute0_lowered;
	[smem:$0x3FD2] =	sst s25  }
0xa6: {  	s4 =	sshll.u32 s26, $0x1;
	_ =	strace $0x80000055;
	[dreg:$0x1] =	wrdreg $0xFFFFFFFF  }
0xa7: {  	s28 =	simm.s32 $_size_execute0_lowered;
	s2 =	sadd.s32 s2, s4;
	[dreg:$0x0] =	wrdreg $0x0  }
0xa8: {  	s4 =	sshll.u32 s28, $0x1;
	[dreg:$0x2] =	wrdreg s2  }
0xa9: {  	[dreg:$0x3] =	wrdreg s4  }
0xaa: {  	[dreg:$0x4] =	wrdreg $0xC0  }
0xab: {  	_ =	task [dreg:s6], $0x5FFFF  }
0xac: {  	[dreg:$0x1] =	wrdreg $0xFFFFFFFF  }
0xad: {  	[dreg:$0x0] =	wrdreg $0x60  }
0xae: {  	[dreg:$0x2] =	wrdreg s24  }
0xaf: {  	[dreg:$0x3] =	wrdreg $0x54000  }
0xb0: {  	[dreg:$0x4] =	wrdreg $0x9  }
0xb1: {  	_ =	task.clear_ibuf [dreg:s6], $0x5FFFF;
	_ =	strace $0x90000055  }
0xb2: {  	s29 =	simm.s32 $0x9;
	_ =	strace $0x80000057  }
0xb3: {  	_ =	swait.ge [sflag:s29], $0x1  }
0xb4: {  	[sflag:s29] =	ssyncadd.s32 $0xFFFFFFFF  }
0xb5: {  	_ =	strace $0x90000057  }
0xb6: {  	_ =	sfence  }
0xb7: {  	s30 =	sld [smem:$0x0];
	_ =	sdelay $0x2  }
0xb8: {  	s31 =	sshll.u32 s1, $0xD;
	s1 =	sshrl.u32 s1, $0x2  }
0xb9: {  	s3 =	sand.u32 $0x4000, s31;
	s1 =	sadd.s32 s1, s30  }
0xba: {  	s0 =	sor.u32 s3, s0;
	s1 =	sshll.u32 s1, $0x11  }
0xbb: {  	s0 =	sor.u32 s1, s0  }
0xbc: {  	s0 =	sadd.s32 $0x8F2B, s0  }
0xbd: {  	[sflag:s0] =	ssyncadd.remote.s32 $0x1  }
0xbe: {  	_ =	sfence.sel $0xFFFF  }
0xbf: {  	[dreg:$0x0] =	wrdreg $0xFFFFFFFF;
	(pc) =	sbr.abs _section_cstart, $3  }
0xc0: {  	[dreg:$0x1] =	wrdreg $0xFFFFFFFF  }
0xc1: {  	_ =	task.clear_ibuf [dreg:s6], $0x2FFFF;
	_ =	strace $0x9FFFFFFF  }
0xc2: {  	(tm) =	ssettm $0x7FFFFFFF  }
0xc3: {  	_ =	shalt  }
tec
execute0_lowered:
.L_overlay_start_1:
0x0: {  	(tag) =	ssettag $0x1  }
0x1: {  	s5 =	rddreg [dreg:$0x0]  }
0x2: {  	s2 =	rddreg [dreg:$0x1]  }
0x3: {  	s3 =	srdreg.scid;
	s1 =	stileid.u32  }
0x4: {  	s0 =	rddreg [dreg:$0x2];
	s15 =	simm.s32 $0x1400;
	s16 =	simm.s32 $0x1  }
0x5: {  	s17 =	simm.s32 $0x80;
	s18 =	simm.s32 $0x0;
	s6 =	sand.u32 $0x1, s3  }
0x6: {  	s4 =	sshll.u32 s1, $0x8;
	s8 =	sshll.u32 s1, $0xF;
	s3 =	simm.s32 $0x0  }
0x7: {  	s28 =	smul.u32 $0x4F000, s1;
	s11 =	sadd.s32 $0x41A00, s5;
	p0 =	seq.s32 s1, $0x0  }
0x8: {  	s13 =	smul.u32 $0x13C00, s1;
	s7 =	sshll.u32 s6, $0x7;
	s9 =	sshll.u32 s6, $0xE  }
0x9: {  	[smem:$0x7FF] =	sst s3;
	s26 =	ssub.s32 $0x2, s6;
	s6 =	smul.u32 $0x138800, s6  }
0xa: {  	s4 =	sor.u32 s7, s4;
	s24 =	sor.u32 s9, s8;
	_ =	strace $0x80000056  }
0xb: {  	s12 =	sshrl.u32 s26, $0x1;
	s29 =	sshrl.u32 s28, $0x2;
	s4 =	sshrl.u32 s4, $0x3  }
0xc: {  	s7 =	sshrl.u32 s24, $0x3;
	s12 =	ssub.s32 s26, s12;
	s14 =	sadd.s32 s29, s2  }
0xd: {  	s30 =	sadd.s32 s13, s6;
	s6 =	sshrl.u32 s6, $0x3;
	s13 =	sadd.s32 $0x128400, s2  }
0xe: {  	s25 =	sadd.s32 s4, s5;
	s10 =	sadd.s32 s7, s5;
	s4 =	sadd.s32 $0x3F200, s5  }
0xf: {  	s5 =	simm.s32 $0x28;
	s7 =	sshrl.u32 s30, $0x3;
	s31 =	sadd.s32 s11, s6  }
0x10: {  	s8 =	smax.u32 s12, $0x1;
	s5 =	simm.s32 @!p0 $0x27;
	s6 =	sadd.s32 s11, s7  }
0x11: {  	s7 =	sadd.s32 $0x25080, s31;
	p0 =	seq.s32 s1, $0xF;
	s9 =	sadd.s32 $0x13000, s25  }
0x12: {  	s10 =	sadd.s32 $0x523A00, s10;
	s12 =	sshll.u32 @!p0 s1, $0x6;
	s11 =	sshrl.u32 @p0 s13, $0x3  }
0x13: {  	s13 =	sshrl.u32 @!p0 s14, $0x3;
	s14 =	simm.s32 $0x2;
	s12 =	sor.u32 @!p0 $0x1C02, s12  }
.LBB2_1:
0x14: {  	s19 =	simm.s32 @p0 $0x1FC2  }
0x15: {  	[spmem:s11], [sflag:s19] =	dma.local @p0 [hbm:s4], $0x2080  }
0x16: {  	s19 =	simm.s32 @p0 $0x2  }
0x17: {  	_ =	swait.ge @p0 [sflag:s19], $0x2080  }
0x18: {  	[sflag:s19] =	ssyncset.done @p0 $0x0  }
0x19: {  	[sflag:s19] =	ssyncadd.s32 @p0 $0xFFFFDF80;
	s19 =	simm.s32 @!p0 $0x2  }
0x1a: {  	[spmem:s13], [sflag:s12] =	dma.local @!p0 [hbm:s4], $0x2780  }
0x1b: {  	p1 =	sne.s32 s5, $0x1;
	_ =	swait.ge @!p0 [sflag:s19], $0x2780  }
.Ltmp0:
0x1c: {  	[sflag:s19] =	ssyncset.done @!p0 $0x0;
	(pc) =	sbr.rel @!p1 .LBB2_3-.Ltmp0, $4  }
0x1d: {  	[sflag:s19] =	ssyncadd.s32 @!p0 $0xFFFFD880  }
0x1e: {  	[tilespmem:s3], [sflag:$0x2] =	stream.linear.gather [hbm4b:s9+s3], $0x80, $0x38;
	[tilespmem:$0x18C80] =	vst v63  }
0x1f: {  	s20 =	smov.u32 s9;
	_ =	swait.ge [sflag:s14], $0x80  }
0x20: {  	s21 =	simm.s32 $0x0;
	s19 =	sadd.s32 $0xFFFFFFFF, s5;
	[sflag:s14] =	ssyncset.done $0x0  }
.LBB2_2:
0x21: {  	[sflag:s14] =	ssyncadd.s32 $0xFFFFFF80  }
0x22: {  	s20 =	sadd.s32 $0x200, s20;
	s21 =	sadd.s32 $0x80, s21;
	p2 =	sne.s32 s19, $0x1  }
.Ltmp1:
0x23: {  	s19 =	sadd.s32 $0xFFFFFFFF, s19;
	(pc) =	sbr.rel @p2 .LBB2_2-.Ltmp1, $4  }
0x24: {  	_ = 	snop  }
0x25: {  	[tilespmem:s21], [sflag:$0x2] =	stream.linear.gather [hbm4b:s20+s3], $0x80, $0x38;
	[tilespmem:$0x18C80] =	vst v63  }
0x26: {  	_ =	swait.ge [sflag:s14], $0x80  }
0x27: {  	[sflag:s14] =	ssyncset.done $0x0  }
.LBB2_3:
0x28: {  	[sflag:s14] =	ssyncadd.s32 $0xFFFFFF80  }
0x29: {  	[bflag:$0x0] =	sbarrier.arrive $0xFFFF  }
0x2a: {  	[tilespmem:s15], [sflag:$0x1] =	stream.linear.gather [hbm4b:s10+s3], $0x4000, $0x38;
	[tilespmem:$0x18C80] =	vst v63  }
0x2b: {  	_ =	swait.ge [sflag:s16], $0x4000  }
.Ltmp2:
0x2c: {  	[sflag:s16] =	ssyncset.done $0x0;
	(pc) =	sbr.rel @!p1 .LBB2_5-.Ltmp2, $4  }
0x2d: {  	s19 =	simm.s32 $0x0;
	[sflag:s16] =	ssyncadd.s32 $0xFFFFC000  }
0x2e: {  	[spmem:s2] =	stream.indirect.scatter.add.f32 [tilespmem:s15], [sflag:$0x2], $0x80, s19, s17, $0xb8;
	[tilespmem:$0x18C80] =	vst v63  }
0x2f: {  	_ =	swait.ge [sflag:s14], $0x4000  }
0x30: {  	s20 =	sadd.s32 $0xFFFFFFFF, s5;
	s21 =	smov.u32 s10;
	[sflag:s14] =	ssyncset.done $0x0  }
.LBB2_4:
0x31: {  	[sflag:s14] =	ssyncadd.s32 $0xFFFFC000;
	s19 =	sadd.s32 $0x80, s19;
	s21 =	sadd.s32 $0x10000, s21  }
0x32: {  	[tilespmem:s15], [sflag:$0x1] =	stream.linear.gather [hbm4b:s21+s3], $0x4000, $0x38;
	[tilespmem:$0x18C80] =	vst v63  }
0x33: {  	p1 =	sne.s32 s20, $0x1;
	s20 =	sadd.s32 $0xFFFFFFFF, s20;
	_ =	swait.ge [sflag:s16], $0x4000  }
.Ltmp3:
0x34: {  	[sflag:s16] =	ssyncset.done $0x0;
	(pc) =	sbr.rel @p1 .LBB2_4-.Ltmp3, $4  }
0x35: {  	[sflag:s16] =	ssyncadd.s32 $0xFFFFC000  }
0x36: {  	[spmem:s2] =	stream.indirect.scatter.add.f32 [tilespmem:s15], [sflag:$0x2], $0x80, s19, s17, $0xb8;
	[tilespmem:$0x18C80] =	vst v63  }
0x37: {  	_ =	swait.ge [sflag:s14], $0x4000  }
0x38: {  	[sflag:s14] =	ssyncset.done $0x0  }
.LBB2_5:
0x39: {  	[sflag:s14] =	ssyncadd.s32 $0xFFFFC000  }
0x3a: {  	s19 =	simm.s32 @p0 $0x1FC2;
	[bflag:$0x0] =	sbarrier.arrive $0xFFFF  }
0x3b: {  	[hbm:s7], [sflag:s19] =	dma.local @p0 [spmem:s11], $0x2080  }
0x3c: {  	s19 =	simm.s32 @p0 $0x2  }
0x3d: {  	s18 =	sadd.s32 $0x1, s18;
	_ =	swait.ge @p0 [sflag:s19], $0x2080  }
0x3e: {  	p1 =	sne.s32 s18, s8;
	[sflag:s19] =	ssyncset.done @p0 $0x0  }
.Ltmp4:
0x3f: {  	[sflag:s19] =	ssyncadd.s32 @p0 $0xFFFFDF80;
	s19 =	simm.s32 @!p0 $0x2;
	(pc) =	sbr.rel @p1 .LBB2_1-.Ltmp4, $4  }
0x40: {  	[hbm:s6], [sflag:s12] =	dma.local @!p0 [spmem:s13], $0x2780  }
0x41: {  	_ =	swait.ge @!p0 [sflag:s19], $0x2780  }
0x42: {  	[sflag:s19] =	ssyncset.done @!p0 $0x0  }
0x43: {  	[sflag:s19] =	ssyncadd.s32 @!p0 $0xFFFFD880  }
0x44: {  	_ =	sfence.sel $0x180000  }
0x45: {  	[bflag:$0x0] =	sbarrier.arrive $0xFFFF  }
0x46: {  	p0 =	sne.s32 s1, $0x0;
	_ =	strace $0x90000056  }
0x47: {  	s0 =	sadd.s32 @!p0 $0x100000, s0;
	[bflag:$0x2] =	sbarrier.arrive $0xFFFF  }
0x48: {  	[sflag:s0] =	ssyncadd.tile.s32 @!p0 $0x1;
	_ =	shalt  }
.Lfunc_end2:
_tile_overlayer_lowered:
.L_overlay_start_2:
0x49: {  	(tag) =	ssettag $0x2  }
0x4a: {  	s0 =	rddreg [dreg:$0x0];
	s2 =	stileid.u32  }
0x4b: {  	s1 =	rddreg [dreg:$0x1];
	p0 =	sne.s32 s2, $0x0  }
0x4c: {  	s3 =	rddreg [dreg:$0x2];
	[bflag:$0x3] =	sbarrier.arrive $0xFFFF;
	s2 =	simm.s32 @!p0 $0x1C02  }
0x4d: {  	[timem:s3], [sflag:s2] =	dma.local @!p0 [hbm:s0], s1  }
0x4e: {  	s0 =	simm.s32 @!p0 $0x2  }
0x4f: {  	_ =	swait.ge @!p0 [sflag:s0], s1  }
0x50: {  	s1 =	ssub.s32 @!p0 $0x0, s1;
	[sflag:s0] =	ssyncset.done @!p0 $0x0  }
0x51: {  	[sflag:s0] =	ssyncadd.s32 @!p0 s1  }
0x52: {  	[bflag:$0x3] =	sbarrier.arrive $0xFFFF  }
0x53: {  	_ =	shalt  }

// kernel: kernel.43.cloned.1.call-start
scs
__scs_entry_jumppad:
0x0: {  	(pc) =	sbr.rel $0x88, $3  }
0x1: {  	(tag) =	ssettag $0x0;
	lr =	simm.s32 $0x1  }
0x2: {  	[smem:$0x3F80] =	sst lr;
	_ =	strace $0xD0000000  }
0x3: {  	_ = 	snop  }
0x4: {  	_ = 	snop  }
0x5: {  	_ = 	snop  }
0x6: {  	_ = 	snop  }
0x7: {  	_ = 	snop  }
__scs_overlays_trampoline_lowered:
0x8: {  	[smem:$0x3F8F] =	sst s0  }
0x9: {  	[smem:$0x3F90] =	sst s1  }
0xa: {  	[smem:$0x3F91] =	sst s2  }
0xb: {  	[smem:$0x3F92] =	sst s3  }
0xc: {  	[smem:$0x3F93] =	sst s4  }
0xd: {  	[smem:$0x3F94] =	sst s5  }
0xe: {  	[smem:$0x3F95] =	sst s6  }
0xf: {  	[smem:$0x3F96] =	sst s7  }
0x10: {  	[smem:$0x3F97] =	sst s8  }
0x11: {  	[smem:$0x3F98] =	sst s9;
	s0 =	simm.s32 @!p0 $0x0  }
0x12: {  	s1 =	sld [smem:$0x3F7E];
	s0 =	simm.s32 @p0 $0x1  }
0x13: {  	[smem:$0x3F99] =	sst s0;
	s0 =	simm.s32 @!p1 $0x0  }
0x14: {  	s2 =	sld [smem:$0x3F7D];
	s0 =	simm.s32 @p1 $0x1  }
0x15: {  	[smem:$0x3F9A] =	sst s0;
	s0 =	simm.s32 @!p2 $0x0  }
0x16: {  	s3 =	sld [smem:$0x3FDB];
	s0 =	simm.s32 @p2 $0x1  }
0x17: {  	s4 =	simm.s32 $0x1BF5;
	[smem:$0x3F9C] =	sst s0  }
0x18: {  	s0 =	sld [smem:$0x3F7F];
	_ =	swait.ge [sflag:s4], $0x0  }
0x19: {  	s7 =	sld [smem:$0x3F80]  }
0x1a: {  	s8 =	sadd.s32 $0xFFFFE003, lr  }
0x1b: {  	s9 =	sadd.s32 $0xFFFFFEF7, lr;
	s5 =	simm.s32 $0xFFFFFFFF;
	p2 =	slt.u32 s8, $0xFFFFF086  }
0x1c: {  	p1 =	slt.u32 s9, $0xF7A;
	s5 =	simm.s32 @!p2 $0x0  }
0x1d: {  	s5 =	simm.s32 @p1 $0x1;
	p0 =	seq.s32 s7, s2  }
0x1e: {  	s7 =	smul.u32 @!p0 $0xF7A, s2;
	p2 =	seq.s32 @!p0 s5, $0x0  }
0x1f: {  	s9 =	smul.u32 $0xF7A, s1;
	s8 =	simm.s32 @!p0 $0x1BF5;
	p2 =	por !p2, p0  }
0x20: {  	[sflag:s8] =	ssyncset.s32 @!p0 $0xFFFFF086;
	s6 =	sadd.s32 @!p0 s3, s7;
	s7 =	simm.s32 @!p0 $0x108  }
0x21: {  	s3 =	sadd.s32 s3, s9;
	s6 =	sadd.s32 @!p0 $0x88, s6;
	s7 =	simm.s32 @p2 $0x1082  }
0x22: {  	[simem:s7], [sflag:s8] =	dma.local @!p0 [hbm:s6], $0xF7A  }
0x23: {  	s9 =	sor.u32 $0xD0000000, s2;
	s6 =	simm.s32 $0x108;
	_ =	swait.ge @!p0 [sflag:s8], $0x0  }
0x24: {  	s3 =	sadd.s32 $0x88, s3;
	s6 =	simm.s32 @!p1 $0x1082;
	[sflag:s4] =	ssyncset.s32 $0xFFFFF086  }
0x25: {  	[simem:s6], [sflag:s4] =	dma.local [hbm:s3], $0xF7A  }
0x26: {  	[smem:$0x3F80] =	sst s1;
	(tag) =	ssettag s2;
	_ =	strace s9  }
0x27: {  	s1 =	sld [smem:$0x3F90]  }
0x28: {  	s2 =	sld [smem:$0x3F91]  }
0x29: {  	s4 =	sld [smem:$0x3F93]  }
0x2a: {  	p0 =	seq.s32 s5, $0x0;
	s5 =	sld [smem:$0x3F94]  }
0x2b: {  	s6 =	sld [smem:$0x3F95]  }
0x2c: {  	s7 =	sld [smem:$0x3F96]  }
0x2d: {  	s3 =	simm.s32 $0x108;
	s8 =	sld [smem:$0x3F97]  }
0x2e: {  	s3 =	simm.s32 @!p0 $0x1082;
	s9 =	sld [smem:$0x3F98]  }
0x2f: {  	lr =	sadd.s32 s0, s3;
	s0 =	sld [smem:$0x3F8F]  }
0x30: {  	s3 =	sld [smem:$0x3F92]  }
0x31: {  	[smem:$0x3F9B] =	sst s10  }
0x32: {  	s10 =	sld [smem:$0x3F99];
	_ =	sdelay $0x3  }
0x33: {  	p0 =	seq.s32 s10, $0x1;
	s10 =	sld [smem:$0x3F9B];
	_ =	sdelay $0x3  }
0x34: {  	[smem:$0x3F9B] =	sst s10  }
0x35: {  	s10 =	sld [smem:$0x3F9A];
	_ =	sdelay $0x3  }
0x36: {  	p1 =	seq.s32 s10, $0x1;
	s10 =	sld [smem:$0x3F9B];
	_ =	sdelay $0x3  }
0x37: {  	[smem:$0x3F9B] =	sst s10  }
0x38: {  	s10 =	sld [smem:$0x3F9C]  }
0x39: {  	_ = 	snop;
	(pc) =	sbr.ind lr, $3  }
0x3a: {  	_ = 	snop  }
0x3b: {  	_ = 	snop  }
0x3c: {  	p2 =	seq.s32 s10, $0x1;
	s10 =	sld [smem:$0x3F9B]  }
0x3d: {  	_ =	shalt  }
0x3e: {  	_ =	shalt  }
0x3f: {  	_ =	shalt  }
0x40: {  	_ =	shalt  }
0x41: {  	_ =	shalt  }
0x42: {  	_ =	shalt  }
0x43: {  	_ =	shalt  }
0x44: {  	_ =	shalt  }
0x45: {  	_ =	shalt  }
0x46: {  	_ =	shalt  }
0x47: {  	_ =	shalt  }
0x48: {  	_ =	shalt  }
0x49: {  	_ =	shalt  }
0x4a: {  	_ =	shalt  }
0x4b: {  	_ =	shalt  }
0x4c: {  	_ =	shalt  }
0x4d: {  	_ =	shalt  }
0x4e: {  	_ =	shalt  }
0x4f: {  	_ =	shalt  }
0x50: {  	_ =	shalt  }
0x51: {  	_ =	shalt  }
0x52: {  	_ =	shalt  }
0x53: {  	_ =	shalt  }
0x54: {  	_ =	shalt  }
0x55: {  	_ =	shalt  }
0x56: {  	_ =	shalt  }
0x57: {  	_ =	shalt  }
0x58: {  	_ =	shalt  }
0x59: {  	_ =	shalt  }
0x5a: {  	_ =	shalt  }
0x5b: {  	_ =	shalt  }
0x5c: {  	_ =	shalt  }
0x5d: {  	_ =	shalt  }
0x5e: {  	_ =	shalt  }
0x5f: {  	_ =	shalt  }
0x60: {  	_ =	shalt  }
0x61: {  	_ =	shalt  }
0x62: {  	_ =	shalt  }
0x63: {  	_ =	shalt  }
0x64: {  	_ =	shalt  }
0x65: {  	_ =	shalt  }
0x66: {  	_ =	shalt  }
0x67: {  	_ =	shalt  }
0x68: {  	_ =	shalt  }
0x69: {  	_ =	shalt  }
0x6a: {  	_ =	shalt  }
0x6b: {  	_ =	shalt  }
0x6c: {  	_ =	shalt  }
0x6d: {  	_ =	shalt  }
0x6e: {  	_ =	shalt  }
0x6f: {  	_ =	shalt  }
0x70: {  	_ =	shalt  }
0x71: {  	_ =	shalt  }
0x72: {  	_ =	shalt  }
0x73: {  	_ =	shalt  }
0x74: {  	_ =	shalt  }
0x75: {  	_ =	shalt  }
0x76: {  	_ =	shalt  }
0x77: {  	_ =	shalt  }
0x78: {  	_ =	shalt  }
0x79: {  	_ =	shalt  }
0x7a: {  	_ =	shalt  }
0x7b: {  	_ =	shalt  }
0x7c: {  	_ =	shalt  }
0x7d: {  	_ =	shalt  }
0x7e: {  	_ =	shalt  }
0x7f: {  	_ =	shalt  }
0x80: {  	_ =	shalt  }
0x81: {  	_ =	shalt  }
0x82: {  	_ =	shalt  }
0x83: {  	_ =	shalt  }
0x84: {  	_ =	shalt  }
0x85: {  	_ =	shalt  }
0x86: {  	_ =	shalt  }
0x87: {  	_ =	shalt  }
.Lfunc_end0:
.L_simem_size_0:
called_computation.6_lowered:
.L_overlay_start_0:
0x88: {  	s2 =	sld [smem:$0x3FD9]  }
0x89: {  	s3 =	sld [smem:$0x3FFE];
	_ =	sdelay $0x1  }
0x8a: {  	s1 =	srdreg.scid  }
0x8b: {  	s0 =	sand.u32 $0x1, s1  }
0x8c: {  	s16 =	sshll.u32 s0, $0xA;
	s2 =	sadd.s32 s3, s2  }
0x8d: {  	s2 =	sadd.s32 s2, s16  }
0x8e: {  	[smem:$0x3FA7] =	sst s2  }
0x8f: {  	_ = 	snop  }
0x90: {  	(tm) =	ssettm $0x1  }
0x91: {  	s17 =	sld [smem:$0x3FFB];
	_ =	sdelay $0x3  }
0x92: {  	_ =	strace s17  }
0x93: {  	s2 =	sld [smem:$0x3FFC];
	_ =	sdelay $0x3  }
0x94: {  	_ =	strace s2  }
0x95: {  	s2 =	sld [smem:$0x3FFD];
	_ =	sdelay $0x3  }
0x96: {  	_ =	strace s2  }
0x97: {  	_ =	strace $0x8FFFFFFF  }
0x98: {  	s18 =	sld [smem:$0x3FDB];
	_ =	sdelay $0x1  }
0x99: {  	s19 =	simm.s32 $_scs_section_size  }
0x9a: {  	s4 =	simm.s32 $_size__tile_overlayer_lowered;
	s5 =	simm.s32 $_tile_overlayer_lowered  }
0x9b: {  	s22 =	simm.s32 $0x1BFF;
	s21 =	sshll.u32 s5, $0x1;
	s2 =	sadd.s32 s19, s18  }
0x9c: {  	s6 =	simm.s32 $0x0;
	s20 =	sshll.u32 s4, $0x1;
	s4 =	sadd.s32 s21, s2  }
0x9d: {  	[timem:s6], [sflag:s22] =	dma.local [hbm:s4], s20  }
0x9e: {  	_ =	swait.ge [sflag:s22], s20  }
0x9f: {  	s3 =	ssub.s32 $0x0, s20;
	[sflag:s22] =	ssyncset.done $0x0  }
0xa0: {  	[sflag:s22] =	ssyncadd.s32 s3;
	_ =	sdelay $0x1  }
0xa1: {  	s23 =	simm.s32 $0x1B8B  }
0xa2: {  	_ =	swait.ge [sflag:s23], $0x1  }
0xa3: {  	[sflag:s23] =	ssyncset.done $0x0  }
0xa4: {  	s25 =	simm.s32 $0x1B8E;
	s24 =	sld [smem:$0x3FFE];
	[sflag:s23] =	ssyncadd.s32 $0xFFFFFFFF  }
0xa5: {  	s26 =	simm.s32 $execute0_lowered;
	[smem:$0x3FD2] =	sst s25  }
0xa6: {  	s4 =	sshll.u32 s26, $0x1;
	_ =	strace $0x80000058;
	[dreg:$0x1] =	wrdreg $0xFFFFFFFF  }
0xa7: {  	s28 =	simm.s32 $_size_execute0_lowered;
	s2 =	sadd.s32 s2, s4;
	[dreg:$0x0] =	wrdreg $0x0  }
0xa8: {  	s4 =	sshll.u32 s28, $0x1;
	[dreg:$0x2] =	wrdreg s2  }
0xa9: {  	[dreg:$0x3] =	wrdreg s4  }
0xaa: {  	[dreg:$0x4] =	wrdreg $0xC0  }
0xab: {  	_ =	task [dreg:s6], $0x5FFFF  }
0xac: {  	[dreg:$0x1] =	wrdreg $0xFFFFFFFF  }
0xad: {  	[dreg:$0x0] =	wrdreg $0x60  }
0xae: {  	[dreg:$0x2] =	wrdreg s24  }
0xaf: {  	[dreg:$0x3] =	wrdreg $0x9  }
0xb0: {  	_ =	task.clear_ibuf [dreg:s6], $0x4FFFF;
	_ =	strace $0x90000058  }
0xb1: {  	s29 =	simm.s32 $0x9;
	_ =	strace $0x8000005A  }
0xb2: {  	_ =	swait.ge [sflag:s29], $0x1  }
0xb3: {  	[sflag:s29] =	ssyncadd.s32 $0xFFFFFFFF  }
0xb4: {  	_ =	strace $0x9000005A  }
0xb5: {  	_ =	sfence  }
0xb6: {  	s30 =	sld [smem:$0x0];
	_ =	sdelay $0x2  }
0xb7: {  	s31 =	sshll.u32 s1, $0xD;
	s1 =	sshrl.u32 s1, $0x2  }
0xb8: {  	s3 =	sand.u32 $0x4000, s31;
	s1 =	sadd.s32 s1, s30  }
0xb9: {  	s0 =	sor.u32 s3, s0;
	s1 =	sshll.u32 s1, $0x11  }
0xba: {  	s0 =	sor.u32 s1, s0  }
0xbb: {  	s0 =	sadd.s32 $0x8F2B, s0  }
0xbc: {  	[sflag:s0] =	ssyncadd.remote.s32 $0x1  }
0xbd: {  	_ =	sfence.sel $0xFFFF  }
0xbe: {  	[dreg:$0x0] =	wrdreg $0xFFFFFFFF;
	(pc) =	sbr.abs _section_cstart, $3  }
0xbf: {  	[dreg:$0x1] =	wrdreg $0xFFFFFFFF  }
0xc0: {  	_ =	task.clear_ibuf [dreg:s6], $0x2FFFF;
	_ =	strace $0x9FFFFFFF  }
0xc1: {  	(tm) =	ssettm $0x7FFFFFFF  }
tec
execute0_lowered:
.L_overlay_start_1:
0x0: {  	(tag) =	ssettag $0x1  }
0x1: {  	s5 =	rddreg [dreg:$0x0];
	s2 =	srdreg.scid  }
0x2: {  	s0 =	rddreg [dreg:$0x1];
	s1 =	stileid.u32  }
0x3: {  	s11 =	simm.s32 $0x80;
	s12 =	simm.s32 $0x2800;
	s13 =	simm.s32 $0x6800  }
0x4: {  	s14 =	simm.s32 $0x1;
	s15 =	simm.s32 $0x2;
	s16 =	simm.s32 $0x0  }
0x5: {  	s4 =	sand.u32 $0x1, s2;
	s2 =	simm.s32 $0x0;
	s3 =	sshll.u32 s1, $0x8  }
0x6: {  	s29 =	sshll.u32 s1, $0xF;
	p0 =	seq.s32 s1, $0x0;
	s6 =	sshll.u32 s4, $0x7  }
0x7: {  	[smem:$0x7FF] =	sst s2;
	s7 =	sshll.u32 s4, $0xE;
	s30 =	ssub.s32 $0x2, s4  }
0x8: {  	s4 =	simm.s32 $0x28;
	s3 =	sor.u32 s6, s3;
	_ =	strace $0x80000059  }
0x9: {  	s6 =	sor.u32 s7, s29;
	s9 =	sshrl.u32 s30, $0x1;
	s4 =	simm.s32 @!p0 $0x27  }
0xa: {  	s3 =	sshrl.u32 s3, $0x3;
	s6 =	sshrl.u32 s6, $0x3;
	s31 =	ssub.s32 s30, s9  }
0xb: {  	s8 =	sadd.s32 s3, s5;
	s3 =	sadd.s32 $0x18000, s5;
	s10 =	sadd.s32 s6, s5  }
0xc: {  	s5 =	smax.u32 s31, $0x1;
	s6 =	sadd.s32 $0xE000, s8;
	s7 =	sadd.s32 $0x13000, s8  }
0xd: {  	s8 =	sadd.s32 $0x2B2A00, s10;
	s9 =	sadd.s32 $0x41A00, s10;
	s10 =	simm.s32 $0x3  }
.LBB2_1:
0xe: {  	p0 =	sne.s32 s4, $0x1  }
.Ltmp0:
0xf: {  	_ = 	snop;
	(pc) =	sbr.rel @!p0 .LBB2_5-.Ltmp0, $4  }
0x10: {  	_ = 	snop  }
0x11: {  	s17 =	simm.s32 $0x1400  }
0x12: {  	s18 =	sadd.s32 $0xFFFFFFFF, s4;
	p1 =	por $0x0, $0x0;
	s23 =	smov.u32 s6  }
0x13: {  	s21 =	simm.s32 $0x0;
	s22 =	smov.u32 s7;
	s20 =	simm.s32 $0x1400  }
0x14: {  	s19 =	simm.s32 $0x0  }
0x15: {  	[tilespmem:s2], [sflag:$0x3] =	stream.linear.gather [hbm4b:s7+s19], $0x80, $0x38;
	[tilespmem:$0xA800] =	vst v63  }
0x16: {  	p2 =	sne.s32 s18, $0x1;
	_ =	swait.ge [sflag:s10], $0x80  }
.Ltmp1:
0x17: {  	[sflag:s10] =	ssyncset.done $0x0;
	(pc) =	sbr.rel @!p2 .LBB2_3-.Ltmp1, $4  }
0x18: {  	s24 =	sadd.s32 $0xFFFFFFFF, s18;
	s20 =	simm.s32 $0x1480;
	[sflag:s10] =	ssyncadd.s32 $0xFFFFFF80  }
0x19: {  	[tilespmem:s17], [sflag:$0x3] =	stream.linear.gather [hbm4b:s6+s19], $0x80, $0x38;
	[tilespmem:$0xA800] =	vst v63  }
0x1a: {  	s22 =	sadd.s32 $0x200, s7;
	s21 =	simm.s32 $0x80;
	_ =	swait.ge [sflag:s10], $0x80  }
0x1b: {  	p1 =	por $0x1, $0x1;
	s23 =	smov.u32 s6;
	[sflag:s10] =	ssyncset.done $0x0  }
.LBB2_4:
0x1c: {  	[sflag:s10] =	ssyncadd.s32 $0xFFFFFF80;
	s23 =	sadd.s32 $0x200, s23  }
0x1d: {  	[tilespmem:s21], [sflag:$0x3] =	stream.linear.gather [hbm4b:s22+s19], $0x80, $0x38;
	[tilespmem:$0xA800] =	vst v63  }
0x1e: {  	p2 =	sne.s32 s24, $0x1;
	s24 =	sadd.s32 $0xFFFFFFFF, s24;
	_ =	swait.ge [sflag:s10], $0x80  }
.Ltmp2:
0x1f: {  	[sflag:s10] =	ssyncset.done $0x0;
	(pc) =	sbr.rel @p2 .LBB2_4-.Ltmp2, $4  }
0x20: {  	[sflag:s10] =	ssyncadd.s32 $0xFFFFFF80  }
0x21: {  	[tilespmem:s20], [sflag:$0x3] =	stream.linear.gather [hbm4b:s23+s19], $0x80, $0x38;
	[tilespmem:$0xA800] =	vst v63  }
0x22: {  	s20 =	sadd.s32 $0x80, s20;
	_ =	swait.ge [sflag:s10], $0x80  }
0x23: {  	s22 =	sadd.s32 $0x200, s22;
	s21 =	sadd.s32 $0x80, s21;
	[sflag:s10] =	ssyncset.done $0x0  }
.LBB2_5:
0x24: {  	s19 =	simm.s32 $0x0;
	[sflag:s10] =	ssyncadd.s32 @p1 $0xFFFFFF80  }
0x25: {  	[tilespmem:s21], [sflag:$0x3] =	stream.linear.gather [hbm4b:s22+s19], $0x80, $0x38;
	[tilespmem:$0xA800] =	vst v63  }
0x26: {  	_ =	swait.ge [sflag:s10], $0x80  }
0x27: {  	s21 =	sadd.s32 @p1 $0x200, s23;
	s22 =	smov.u32 s6;
	[sflag:s10] =	ssyncset.done $0x0  }
0x28: {  	s22 =	smov.u32 @p1 s21;
	[sflag:s10] =	ssyncadd.s32 $0xFFFFFF80  }
0x29: {  	[tilespmem:s20], [sflag:$0x3] =	stream.linear.gather [hbm4b:s22+s19], $0x80, $0x38;
	[tilespmem:$0xA800] =	vst v63  }
0x2a: {  	_ =	swait.ge [sflag:s10], $0x80  }
0x2b: {  	[sflag:s10] =	ssyncset.done $0x0  }
0x2c: {  	[sflag:s10] =	ssyncadd.s32 $0xFFFFFF80  }
0x2d: {  	[tilespmem:s12], [sflag:$0x1] =	stream.indirect.gather [hbm4b:s3+s11], $0x80, s19, s11, $0xb8;
	[tilespmem:$0xA800] =	vst v63  }
0x2e: {  	_ = 	snop  }
0x2f: {  	[tilespmem:s13], [sflag:$0x2] =	stream.indirect.gather [hbm4b:s3+s11], $0x80, s17, s11, $0xb8;
	[tilespmem:$0xA800] =	vst v63  }
0x30: {  	_ =	swait.ge [sflag:s14], $0x4000  }
0x31: {  	[sflag:s14] =	ssyncset.done $0x0  }
0x32: {  	[sflag:s14] =	ssyncadd.s32 $0xFFFFC000  }
0x33: {  	_ =	swait.ge [sflag:s15], $0x4000  }
0x34: {  	[sflag:s15] =	ssyncset.done $0x0  }
0x35: {  	[sflag:s15] =	ssyncadd.s32 $0xFFFFC000  }
0x36: {  	[hbm4b:s9+s2] =	stream.linear.scatter [tilespmem:s12], [sflag:$0x3], $0x4000, $0x38;
	[tilespmem:$0xA800] =	vst v63  }
0x37: {  	_ =	swait.ge [sflag:s10], $0x4000  }
.Ltmp3:
0x38: {  	[sflag:s10] =	ssyncset.done $0x0;
	(pc) =	sbr.rel @!p0 .LBB2_7-.Ltmp3, $4  }
0x39: {  	[sflag:s10] =	ssyncadd.s32 $0xFFFFC000  }
0x3a: {  	[hbm4b:s8+s2] =	stream.linear.scatter [tilespmem:s13], [sflag:$0x3], $0x4000, $0x38;
	[tilespmem:$0xA800] =	vst v63  }
0x3b: {  	_ =	swait.ge [sflag:s10], $0x4000  }
0x3c: {  	s21 =	sadd.s32 $0x10000, s9;
	s20 =	sadd.s32 $0x10000, s8;
	[sflag:s10] =	ssyncset.done $0x0  }
.LBB2_6:
0x3d: {  	[sflag:s10] =	ssyncadd.s32 $0xFFFFC000;
	s19 =	sadd.s32 $0x80, s19;
	s17 =	sadd.s32 $0x80, s17  }
0x3e: {  	[tilespmem:s12], [sflag:$0x1] =	stream.indirect.gather [hbm4b:s3+s11], $0x80, s19, s11, $0xb8;
	[tilespmem:$0xA800] =	vst v63  }
0x3f: {  	p0 =	sne.s32 s18, $0x1;
	s18 =	sadd.s32 $0xFFFFFFFF, s18  }
0x40: {  	[tilespmem:s13], [sflag:$0x2] =	stream.indirect.gather [hbm4b:s3+s11], $0x80, s17, s11, $0xb8;
	[tilespmem:$0xA800] =	vst v63  }
0x41: {  	_ =	swait.ge [sflag:s14], $0x4000  }
0x42: {  	[sflag:s14] =	ssyncset.done $0x0  }
0x43: {  	[sflag:s14] =	ssyncadd.s32 $0xFFFFC000  }
0x44: {  	_ =	swait.ge [sflag:s15], $0x4000  }
0x45: {  	[sflag:s15] =	ssyncset.done $0x0  }
0x46: {  	[sflag:s15] =	ssyncadd.s32 $0xFFFFC000  }
0x47: {  	[hbm4b:s21+s2] =	stream.linear.scatter [tilespmem:s12], [sflag:$0x3], $0x4000, $0x38;
	[tilespmem:$0xA800] =	vst v63  }
0x48: {  	_ =	swait.ge [sflag:s10], $0x4000  }
.Ltmp4:
0x49: {  	[sflag:s10] =	ssyncset.done $0x0;
	(pc) =	sbr.rel @p0 .LBB2_6-.Ltmp4, $4  }
0x4a: {  	[sflag:s10] =	ssyncadd.s32 $0xFFFFC000  }
0x4b: {  	[hbm4b:s20+s2] =	stream.linear.scatter [tilespmem:s13], [sflag:$0x3], $0x4000, $0x38;
	[tilespmem:$0xA800] =	vst v63  }
0x4c: {  	_ =	swait.ge [sflag:s10], $0x4000  }
0x4d: {  	s21 =	sadd.s32 $0x10000, s21;
	s20 =	sadd.s32 $0x10000, s20;
	[sflag:s10] =	ssyncset.done $0x0  }
.LBB2_7:
0x4e: {  	s16 =	sadd.s32 $0x1, s16  }
0x4f: {  	p0 =	sne.s32 s16, s5  }
.Ltmp5:
0x50: {  	_ = 	snop;
	(pc) =	sbr.rel @p0 .LBB2_1-.Ltmp5, $4  }
.Ltmp6:
0x51: {  	_ = 	snop;
	(pc) =	sbr.rel @!p0 .LBB2_8-.Ltmp6, $4  }
0x52: {  	_ = 	snop  }
0x53: {  	_ = 	snop  }
0x54: {  	[sflag:s10] =	ssyncadd.s32 $0xFFFFC000  }
0x55: {  	_ = 	snop  }
.LBB2_3:
.Ltmp7:
0x56: {  	(pc) =	sbr.rel .LBB2_5-.Ltmp7, $2  }
0x57: {  	_ =	sdelay $0x2  }
0x58: {  	s23 =	smov.u32 s6  }
.LBB2_8:
0x59: {  	_ =	sfence.sel $0x180000  }
0x5a: {  	[bflag:$0x0] =	sbarrier.arrive $0xFFFF  }
0x5b: {  	p0 =	sne.s32 s1, $0x0;
	_ =	strace $0x90000059  }
0x5c: {  	s0 =	sadd.s32 @!p0 $0x100000, s0;
	[bflag:$0x2] =	sbarrier.arrive $0xFFFF  }
0x5d: {  	[sflag:s0] =	ssyncadd.tile.s32 @!p0 $0x1;
	_ =	shalt  }
.Lfunc_end2:
_tile_overlayer_lowered:
.L_overlay_start_2:
0x5e: {  	(tag) =	ssettag $0x2  }
0x5f: {  	s0 =	rddreg [dreg:$0x0];
	s2 =	stileid.u32  }
0x60: {  	s1 =	rddreg [dreg:$0x1];
	p0 =	sne.s32 s2, $0x0  }
0x61: {  	s3 =	rddreg [dreg:$0x2];
	[bflag:$0x3] =	sbarrier.arrive $0xFFFF;
	s2 =	simm.s32 @!p0 $0x1C03  }
0x62: {  	[timem:s3], [sflag:s2] =	dma.local @!p0 [hbm:s0], s1  }
0x63: {  	s0 =	simm.s32 @!p0 $0x3  }
0x64: {  	_ =	swait.ge @!p0 [sflag:s0], s1  }
0x65: {  	s1 =	ssub.s32 @!p0 $0x0, s1;
	[sflag:s0] =	ssyncset.done @!p0 $0x0  }
0x66: {  	[sflag:s0] =	ssyncadd.s32 @!p0 s1  }
0x67: {  	[bflag:$0x3] =	sbarrier.arrive $0xFFFF  }
0x68: {  	_ =	shalt  }

// kernel: kernel.46.cloned.1.call-start
scs
__scs_entry_jumppad:
0x0: {  	(pc) =	sbr.rel $0x88, $3  }
0x1: {  	(tag) =	ssettag $0x0;
	lr =	simm.s32 $0x1  }
0x2: {  	[smem:$0x3F80] =	sst lr;
	_ =	strace $0xD0000000  }
0x3: {  	_ = 	snop  }
0x4: {  	_ = 	snop  }
0x5: {  	_ = 	snop  }
0x6: {  	_ = 	snop  }
0x7: {  	_ = 	snop  }
__scs_overlays_trampoline_lowered:
0x8: {  	[smem:$0x3F8F] =	sst s0  }
0x9: {  	[smem:$0x3F90] =	sst s1  }
0xa: {  	[smem:$0x3F91] =	sst s2  }
0xb: {  	[smem:$0x3F92] =	sst s3  }
0xc: {  	[smem:$0x3F93] =	sst s4  }
0xd: {  	[smem:$0x3F94] =	sst s5  }
0xe: {  	[smem:$0x3F95] =	sst s6  }
0xf: {  	[smem:$0x3F96] =	sst s7  }
0x10: {  	[smem:$0x3F97] =	sst s8  }
0x11: {  	[smem:$0x3F98] =	sst s9;
	s0 =	simm.s32 @!p0 $0x0  }
0x12: {  	s1 =	sld [smem:$0x3F7E];
	s0 =	simm.s32 @p0 $0x1  }
0x13: {  	[smem:$0x3F99] =	sst s0;
	s0 =	simm.s32 @!p1 $0x0  }
0x14: {  	s2 =	sld [smem:$0x3F7D];
	s0 =	simm.s32 @p1 $0x1  }
0x15: {  	[smem:$0x3F9A] =	sst s0;
	s0 =	simm.s32 @!p2 $0x0  }
0x16: {  	s3 =	sld [smem:$0x3FDB];
	s0 =	simm.s32 @p2 $0x1  }
0x17: {  	s4 =	simm.s32 $0x1BF5;
	[smem:$0x3F9C] =	sst s0  }
0x18: {  	s0 =	sld [smem:$0x3F7F];
	_ =	swait.ge [sflag:s4], $0x0  }
0x19: {  	s7 =	sld [smem:$0x3F80]  }
0x1a: {  	s8 =	sadd.s32 $0xFFFFE003, lr  }
0x1b: {  	s9 =	sadd.s32 $0xFFFFFEF7, lr;
	s5 =	simm.s32 $0xFFFFFFFF;
	p2 =	slt.u32 s8, $0xFFFFF086  }
0x1c: {  	p1 =	slt.u32 s9, $0xF7A;
	s5 =	simm.s32 @!p2 $0x0  }
0x1d: {  	s5 =	simm.s32 @p1 $0x1;
	p0 =	seq.s32 s7, s2  }
0x1e: {  	s7 =	smul.u32 @!p0 $0xF7A, s2;
	p2 =	seq.s32 @!p0 s5, $0x0  }
0x1f: {  	s9 =	smul.u32 $0xF7A, s1;
	s8 =	simm.s32 @!p0 $0x1BF5;
	p2 =	por !p2, p0  }
0x20: {  	[sflag:s8] =	ssyncset.s32 @!p0 $0xFFFFF086;
	s6 =	sadd.s32 @!p0 s3, s7;
	s7 =	simm.s32 @!p0 $0x108  }
0x21: {  	s3 =	sadd.s32 s3, s9;
	s6 =	sadd.s32 @!p0 $0x88, s6;
	s7 =	simm.s32 @p2 $0x1082  }
0x22: {  	[simem:s7], [sflag:s8] =	dma.local @!p0 [hbm:s6], $0xF7A  }
0x23: {  	s9 =	sor.u32 $0xD0000000, s2;
	s6 =	simm.s32 $0x108;
	_ =	swait.ge @!p0 [sflag:s8], $0x0  }
0x24: {  	s3 =	sadd.s32 $0x88, s3;
	s6 =	simm.s32 @!p1 $0x1082;
	[sflag:s4] =	ssyncset.s32 $0xFFFFF086  }
0x25: {  	[simem:s6], [sflag:s4] =	dma.local [hbm:s3], $0xF7A  }
0x26: {  	[smem:$0x3F80] =	sst s1;
	(tag) =	ssettag s2;
	_ =	strace s9  }
0x27: {  	s1 =	sld [smem:$0x3F90]  }
0x28: {  	s2 =	sld [smem:$0x3F91]  }
0x29: {  	s4 =	sld [smem:$0x3F93]  }
0x2a: {  	p0 =	seq.s32 s5, $0x0;
	s5 =	sld [smem:$0x3F94]  }
0x2b: {  	s6 =	sld [smem:$0x3F95]  }
0x2c: {  	s7 =	sld [smem:$0x3F96]  }
0x2d: {  	s3 =	simm.s32 $0x108;
	s8 =	sld [smem:$0x3F97]  }
0x2e: {  	s3 =	simm.s32 @!p0 $0x1082;
	s9 =	sld [smem:$0x3F98]  }
0x2f: {  	lr =	sadd.s32 s0, s3;
	s0 =	sld [smem:$0x3F8F]  }
0x30: {  	s3 =	sld [smem:$0x3F92]  }
0x31: {  	[smem:$0x3F9B] =	sst s10  }
0x32: {  	s10 =	sld [smem:$0x3F99];
	_ =	sdelay $0x3  }
0x33: {  	p0 =	seq.s32 s10, $0x1;
	s10 =	sld [smem:$0x3F9B];
	_ =	sdelay $0x3  }
0x34: {  	[smem:$0x3F9B] =	sst s10  }
0x35: {  	s10 =	sld [smem:$0x3F9A];
	_ =	sdelay $0x3  }
0x36: {  	p1 =	seq.s32 s10, $0x1;
	s10 =	sld [smem:$0x3F9B];
	_ =	sdelay $0x3  }
0x37: {  	[smem:$0x3F9B] =	sst s10  }
0x38: {  	s10 =	sld [smem:$0x3F9C]  }
0x39: {  	_ = 	snop;
	(pc) =	sbr.ind lr, $3  }
0x3a: {  	_ = 	snop  }
0x3b: {  	_ = 	snop  }
0x3c: {  	p2 =	seq.s32 s10, $0x1;
	s10 =	sld [smem:$0x3F9B]  }
0x3d: {  	_ =	shalt  }
0x3e: {  	_ =	shalt  }
0x3f: {  	_ =	shalt  }
0x40: {  	_ =	shalt  }
0x41: {  	_ =	shalt  }
0x42: {  	_ =	shalt  }
0x43: {  	_ =	shalt  }
0x44: {  	_ =	shalt  }
0x45: {  	_ =	shalt  }
0x46: {  	_ =	shalt  }
0x47: {  	_ =	shalt  }
0x48: {  	_ =	shalt  }
0x49: {  	_ =	shalt  }
0x4a: {  	_ =	shalt  }
0x4b: {  	_ =	shalt  }
0x4c: {  	_ =	shalt  }
0x4d: {  	_ =	shalt  }
0x4e: {  	_ =	shalt  }
0x4f: {  	_ =	shalt  }
0x50: {  	_ =	shalt  }
0x51: {  	_ =	shalt  }
0x52: {  	_ =	shalt  }
0x53: {  	_ =	shalt  }
0x54: {  	_ =	shalt  }
0x55: {  	_ =	shalt  }
0x56: {  	_ =	shalt  }
0x57: {  	_ =	shalt  }
0x58: {  	_ =	shalt  }
0x59: {  	_ =	shalt  }
0x5a: {  	_ =	shalt  }
0x5b: {  	_ =	shalt  }
0x5c: {  	_ =	shalt  }
0x5d: {  	_ =	shalt  }
0x5e: {  	_ =	shalt  }
0x5f: {  	_ =	shalt  }
0x60: {  	_ =	shalt  }
0x61: {  	_ =	shalt  }
0x62: {  	_ =	shalt  }
0x63: {  	_ =	shalt  }
0x64: {  	_ =	shalt  }
0x65: {  	_ =	shalt  }
0x66: {  	_ =	shalt  }
0x67: {  	_ =	shalt  }
0x68: {  	_ =	shalt  }
0x69: {  	_ =	shalt  }
0x6a: {  	_ =	shalt  }
0x6b: {  	_ =	shalt  }
0x6c: {  	_ =	shalt  }
0x6d: {  	_ =	shalt  }
0x6e: {  	_ =	shalt  }
0x6f: {  	_ =	shalt  }
0x70: {  	_ =	shalt  }
0x71: {  	_ =	shalt  }
0x72: {  	_ =	shalt  }
0x73: {  	_ =	shalt  }
0x74: {  	_ =	shalt  }
0x75: {  	_ =	shalt  }
0x76: {  	_ =	shalt  }
0x77: {  	_ =	shalt  }
0x78: {  	_ =	shalt  }
0x79: {  	_ =	shalt  }
0x7a: {  	_ =	shalt  }
0x7b: {  	_ =	shalt  }
0x7c: {  	_ =	shalt  }
0x7d: {  	_ =	shalt  }
0x7e: {  	_ =	shalt  }
0x7f: {  	_ =	shalt  }
0x80: {  	_ =	shalt  }
0x81: {  	_ =	shalt  }
0x82: {  	_ =	shalt  }
0x83: {  	_ =	shalt  }
0x84: {  	_ =	shalt  }
0x85: {  	_ =	shalt  }
0x86: {  	_ =	shalt  }
0x87: {  	_ =	shalt  }
.Lfunc_end0:
.L_simem_size_0:
called_computation.7_lowered:
.L_overlay_start_0:
0x88: {  	s2 =	sld [smem:$0x3FD9]  }
0x89: {  	s3 =	sld [smem:$0x3FFE];
	_ =	sdelay $0x1  }
0x8a: {  	s1 =	srdreg.scid  }
0x8b: {  	s0 =	sand.u32 $0x1, s1  }
0x8c: {  	s16 =	sshll.u32 s0, $0xA;
	s2 =	sadd.s32 s3, s2  }
0x8d: {  	s2 =	sadd.s32 s2, s16  }
0x8e: {  	[smem:$0x3FA7] =	sst s2  }
0x8f: {  	_ = 	snop  }
0x90: {  	(tm) =	ssettm $0x1  }
0x91: {  	s17 =	sld [smem:$0x3FFB];
	_ =	sdelay $0x3  }
0x92: {  	_ =	strace s17  }
0x93: {  	s2 =	sld [smem:$0x3FFC];
	_ =	sdelay $0x3  }
0x94: {  	_ =	strace s2  }
0x95: {  	s2 =	sld [smem:$0x3FFD];
	_ =	sdelay $0x3  }
0x96: {  	_ =	strace s2  }
0x97: {  	_ =	strace $0x8FFFFFFF  }
0x98: {  	s18 =	sld [smem:$0x3FDB];
	_ =	sdelay $0x1  }
0x99: {  	s19 =	simm.s32 $_scs_section_size  }
0x9a: {  	s4 =	simm.s32 $_size__tile_overlayer_lowered;
	s5 =	simm.s32 $_tile_overlayer_lowered  }
0x9b: {  	s22 =	simm.s32 $0x1BFF;
	s21 =	sshll.u32 s5, $0x1;
	s2 =	sadd.s32 s19, s18  }
0x9c: {  	s6 =	simm.s32 $0x0;
	s20 =	sshll.u32 s4, $0x1;
	s4 =	sadd.s32 s21, s2  }
0x9d: {  	[timem:s6], [sflag:s22] =	dma.local [hbm:s4], s20  }
0x9e: {  	_ =	swait.ge [sflag:s22], s20  }
0x9f: {  	s3 =	ssub.s32 $0x0, s20;
	[sflag:s22] =	ssyncset.done $0x0  }
0xa0: {  	[sflag:s22] =	ssyncadd.s32 s3;
	_ =	sdelay $0x1  }
0xa1: {  	s23 =	simm.s32 $0x1B8B  }
0xa2: {  	_ =	swait.ge [sflag:s23], $0x1  }
0xa3: {  	[sflag:s23] =	ssyncset.done $0x0  }
0xa4: {  	s25 =	simm.s32 $0x1B8E;
	s24 =	sld [smem:$0x3FFE];
	[sflag:s23] =	ssyncadd.s32 $0xFFFFFFFF  }
0xa5: {  	s26 =	simm.s32 $execute0_lowered;
	[smem:$0x3FD2] =	sst s25  }
0xa6: {  	s4 =	sshll.u32 s26, $0x1;
	_ =	strace $0x8000005B;
	[dreg:$0x1] =	wrdreg $0xFFFFFFFF  }
0xa7: {  	s28 =	simm.s32 $_size_execute0_lowered;
	s2 =	sadd.s32 s2, s4;
	[dreg:$0x0] =	wrdreg $0x0  }
0xa8: {  	s4 =	sshll.u32 s28, $0x1;
	[dreg:$0x2] =	wrdreg s2  }
0xa9: {  	[dreg:$0x3] =	wrdreg s4  }
0xaa: {  	[dreg:$0x4] =	wrdreg $0xC0  }
0xab: {  	_ =	task [dreg:s6], $0x5FFFF  }
0xac: {  	[dreg:$0x1] =	wrdreg $0xFFFFFFFF  }
0xad: {  	[dreg:$0x0] =	wrdreg $0x60  }
0xae: {  	[dreg:$0x2] =	wrdreg s24  }
0xaf: {  	[dreg:$0x3] =	wrdreg $0x54000  }
0xb0: {  	[dreg:$0x4] =	wrdreg $0x9  }
0xb1: {  	_ =	task.clear_ibuf [dreg:s6], $0x5FFFF;
	_ =	strace $0x9000005B  }
0xb2: {  	s29 =	simm.s32 $0x9;
	_ =	strace $0x8000005D  }
0xb3: {  	_ =	swait.ge [sflag:s29], $0x1  }
0xb4: {  	[sflag:s29] =	ssyncadd.s32 $0xFFFFFFFF  }
0xb5: {  	_ =	strace $0x9000005D  }
0xb6: {  	_ =	sfence  }
0xb7: {  	s30 =	sld [smem:$0x0];
	_ =	sdelay $0x2  }
0xb8: {  	s31 =	sshll.u32 s1, $0xD;
	s1 =	sshrl.u32 s1, $0x2  }
0xb9: {  	s3 =	sand.u32 $0x4000, s31;
	s1 =	sadd.s32 s1, s30  }
0xba: {  	s0 =	sor.u32 s3, s0;
	s1 =	sshll.u32 s1, $0x11  }
0xbb: {  	s0 =	sor.u32 s1, s0  }
0xbc: {  	s0 =	sadd.s32 $0x8F2B, s0  }
0xbd: {  	[sflag:s0] =	ssyncadd.remote.s32 $0x1  }
0xbe: {  	_ =	sfence.sel $0xFFFF  }
0xbf: {  	[dreg:$0x0] =	wrdreg $0xFFFFFFFF;
	(pc) =	sbr.abs _section_cstart, $3  }
0xc0: {  	[dreg:$0x1] =	wrdreg $0xFFFFFFFF  }
0xc1: {  	_ =	task.clear_ibuf [dreg:s6], $0x2FFFF;
	_ =	strace $0x9FFFFFFF  }
0xc2: {  	(tm) =	ssettm $0x7FFFFFFF  }
0xc3: {  	_ =	shalt  }
tec
execute0_lowered:
.L_overlay_start_1:
0x0: {  	(tag) =	ssettag $0x1  }
0x1: {  	s5 =	rddreg [dreg:$0x0]  }
0x2: {  	s2 =	rddreg [dreg:$0x1]  }
0x3: {  	s3 =	srdreg.scid;
	s1 =	stileid.u32  }
0x4: {  	s0 =	rddreg [dreg:$0x2];
	s15 =	simm.s32 $0x1400;
	s16 =	simm.s32 $0x1  }
0x5: {  	s17 =	simm.s32 $0x80;
	s18 =	simm.s32 $0x0;
	s6 =	sand.u32 $0x1, s3  }
0x6: {  	s4 =	sshll.u32 s1, $0x8;
	s8 =	sshll.u32 s1, $0xF;
	s3 =	simm.s32 $0x0  }
0x7: {  	s28 =	smul.u32 $0x4F000, s1;
	s11 =	sadd.s32 $0x41A00, s5;
	p0 =	seq.s32 s1, $0x0  }
0x8: {  	s13 =	smul.u32 $0x13C00, s1;
	s7 =	sshll.u32 s6, $0x7;
	s9 =	sshll.u32 s6, $0xE  }
0x9: {  	[smem:$0x7FF] =	sst s3;
	s26 =	ssub.s32 $0x2, s6;
	s6 =	smul.u32 $0x138800, s6  }
0xa: {  	s4 =	sor.u32 s7, s4;
	s24 =	sor.u32 s9, s8;
	_ =	strace $0x8000005C  }
0xb: {  	s12 =	sshrl.u32 s26, $0x1;
	s29 =	sshrl.u32 s28, $0x2;
	s4 =	sshrl.u32 s4, $0x3  }
0xc: {  	s7 =	sshrl.u32 s24, $0x3;
	s12 =	ssub.s32 s26, s12;
	s14 =	sadd.s32 s29, s2  }
0xd: {  	s30 =	sadd.s32 s13, s6;
	s6 =	sshrl.u32 s6, $0x3;
	s13 =	sadd.s32 $0x128400, s2  }
0xe: {  	s25 =	sadd.s32 s4, s5;
	s10 =	sadd.s32 s7, s5;
	s4 =	sadd.s32 $0x3F200, s5  }
0xf: {  	s5 =	simm.s32 $0x28;
	s7 =	sshrl.u32 s30, $0x3;
	s31 =	sadd.s32 s11, s6  }
0x10: {  	s8 =	smax.u32 s12, $0x1;
	s5 =	simm.s32 @!p0 $0x27;
	s6 =	sadd.s32 s11, s7  }
0x11: {  	s7 =	sadd.s32 $0x25080, s31;
	p0 =	seq.s32 s1, $0xF;
	s9 =	sadd.s32 $0x13000, s25  }
0x12: {  	s10 =	sadd.s32 $0x794A00, s10;
	s12 =	sshll.u32 @!p0 s1, $0x6;
	s11 =	sshrl.u32 @p0 s13, $0x3  }
0x13: {  	s13 =	sshrl.u32 @!p0 s14, $0x3;
	s14 =	simm.s32 $0x2;
	s12 =	sor.u32 @!p0 $0x1C02, s12  }
.LBB2_1:
0x14: {  	s19 =	simm.s32 @p0 $0x1FC2  }
0x15: {  	[spmem:s11], [sflag:s19] =	dma.local @p0 [hbm:s4], $0x2080  }
0x16: {  	s19 =	simm.s32 @p0 $0x2  }
0x17: {  	_ =	swait.ge @p0 [sflag:s19], $0x2080  }
0x18: {  	[sflag:s19] =	ssyncset.done @p0 $0x0  }
0x19: {  	[sflag:s19] =	ssyncadd.s32 @p0 $0xFFFFDF80;
	s19 =	simm.s32 @!p0 $0x2  }
0x1a: {  	[spmem:s13], [sflag:s12] =	dma.local @!p0 [hbm:s4], $0x2780  }
0x1b: {  	p1 =	sne.s32 s5, $0x1;
	_ =	swait.ge @!p0 [sflag:s19], $0x2780  }
.Ltmp0:
0x1c: {  	[sflag:s19] =	ssyncset.done @!p0 $0x0;
	(pc) =	sbr.rel @!p1 .LBB2_3-.Ltmp0, $4  }
0x1d: {  	[sflag:s19] =	ssyncadd.s32 @!p0 $0xFFFFD880  }
0x1e: {  	[tilespmem:s3], [sflag:$0x2] =	stream.linear.gather [hbm4b:s9+s3], $0x80, $0x38;
	[tilespmem:$0x18C80] =	vst v63  }
0x1f: {  	s20 =	smov.u32 s9;
	_ =	swait.ge [sflag:s14], $0x80  }
0x20: {  	s21 =	simm.s32 $0x0;
	s19 =	sadd.s32 $0xFFFFFFFF, s5;
	[sflag:s14] =	ssyncset.done $0x0  }
.LBB2_2:
0x21: {  	[sflag:s14] =	ssyncadd.s32 $0xFFFFFF80  }
0x22: {  	s20 =	sadd.s32 $0x200, s20;
	s21 =	sadd.s32 $0x80, s21;
	p2 =	sne.s32 s19, $0x1  }
.Ltmp1:
0x23: {  	s19 =	sadd.s32 $0xFFFFFFFF, s19;
	(pc) =	sbr.rel @p2 .LBB2_2-.Ltmp1, $4  }
0x24: {  	_ = 	snop  }
0x25: {  	[tilespmem:s21], [sflag:$0x2] =	stream.linear.gather [hbm4b:s20+s3], $0x80, $0x38;
	[tilespmem:$0x18C80] =	vst v63  }
0x26: {  	_ =	swait.ge [sflag:s14], $0x80  }
0x27: {  	[sflag:s14] =	ssyncset.done $0x0  }
.LBB2_3:
0x28: {  	[sflag:s14] =	ssyncadd.s32 $0xFFFFFF80  }
0x29: {  	[bflag:$0x0] =	sbarrier.arrive $0xFFFF  }
0x2a: {  	[tilespmem:s15], [sflag:$0x1] =	stream.linear.gather [hbm4b:s10+s3], $0x4000, $0x38;
	[tilespmem:$0x18C80] =	vst v63  }
0x2b: {  	_ =	swait.ge [sflag:s16], $0x4000  }
.Ltmp2:
0x2c: {  	[sflag:s16] =	ssyncset.done $0x0;
	(pc) =	sbr.rel @!p1 .LBB2_5-.Ltmp2, $4  }
0x2d: {  	s19 =	simm.s32 $0x0;
	[sflag:s16] =	ssyncadd.s32 $0xFFFFC000  }
0x2e: {  	[spmem:s2] =	stream.indirect.scatter.add.f32 [tilespmem:s15], [sflag:$0x2], $0x80, s19, s17, $0xb8;
	[tilespmem:$0x18C80] =	vst v63  }
0x2f: {  	_ =	swait.ge [sflag:s14], $0x4000  }
0x30: {  	s20 =	sadd.s32 $0xFFFFFFFF, s5;
	s21 =	smov.u32 s10;
	[sflag:s14] =	ssyncset.done $0x0  }
.LBB2_4:
0x31: {  	[sflag:s14] =	ssyncadd.s32 $0xFFFFC000;
	s19 =	sadd.s32 $0x80, s19;
	s21 =	sadd.s32 $0x10000, s21  }
0x32: {  	[tilespmem:s15], [sflag:$0x1] =	stream.linear.gather [hbm4b:s21+s3], $0x4000, $0x38;
	[tilespmem:$0x18C80] =	vst v63  }
0x33: {  	p1 =	sne.s32 s20, $0x1;
	s20 =	sadd.s32 $0xFFFFFFFF, s20;
	_ =	swait.ge [sflag:s16], $0x4000  }
.Ltmp3:
0x34: {  	[sflag:s16] =	ssyncset.done $0x0;
	(pc) =	sbr.rel @p1 .LBB2_4-.Ltmp3, $4  }
0x35: {  	[sflag:s16] =	ssyncadd.s32 $0xFFFFC000  }
0x36: {  	[spmem:s2] =	stream.indirect.scatter.add.f32 [tilespmem:s15], [sflag:$0x2], $0x80, s19, s17, $0xb8;
	[tilespmem:$0x18C80] =	vst v63  }
0x37: {  	_ =	swait.ge [sflag:s14], $0x4000  }
0x38: {  	[sflag:s14] =	ssyncset.done $0x0  }
.LBB2_5:
0x39: {  	[sflag:s14] =	ssyncadd.s32 $0xFFFFC000  }
0x3a: {  	s19 =	simm.s32 @p0 $0x1FC2;
	[bflag:$0x0] =	sbarrier.arrive $0xFFFF  }
0x3b: {  	[hbm:s7], [sflag:s19] =	dma.local @p0 [spmem:s11], $0x2080  }
0x3c: {  	s19 =	simm.s32 @p0 $0x2  }
0x3d: {  	s18 =	sadd.s32 $0x1, s18;
	_ =	swait.ge @p0 [sflag:s19], $0x2080  }
0x3e: {  	p1 =	sne.s32 s18, s8;
	[sflag:s19] =	ssyncset.done @p0 $0x0  }
.Ltmp4:
0x3f: {  	[sflag:s19] =	ssyncadd.s32 @p0 $0xFFFFDF80;
	s19 =	simm.s32 @!p0 $0x2;
	(pc) =	sbr.rel @p1 .LBB2_1-.Ltmp4, $4  }
0x40: {  	[hbm:s6], [sflag:s12] =	dma.local @!p0 [spmem:s13], $0x2780  }
0x41: {  	_ =	swait.ge @!p0 [sflag:s19], $0x2780  }
0x42: {  	[sflag:s19] =	ssyncset.done @!p0 $0x0  }
0x43: {  	[sflag:s19] =	ssyncadd.s32 @!p0 $0xFFFFD880  }
0x44: {  	_ =	sfence.sel $0x180000  }
0x45: {  	[bflag:$0x0] =	sbarrier.arrive $0xFFFF  }
0x46: {  	p0 =	sne.s32 s1, $0x0;
	_ =	strace $0x9000005C  }
0x47: {  	s0 =	sadd.s32 @!p0 $0x100000, s0;
	[bflag:$0x2] =	sbarrier.arrive $0xFFFF  }
0x48: {  	[sflag:s0] =	ssyncadd.tile.s32 @!p0 $0x1;
	_ =	shalt  }
.Lfunc_end2:
_tile_overlayer_lowered:
.L_overlay_start_2:
0x49: {  	(tag) =	ssettag $0x2  }
0x4a: {  	s0 =	rddreg [dreg:$0x0];
	s2 =	stileid.u32  }
0x4b: {  	s1 =	rddreg [dreg:$0x1];
	p0 =	sne.s32 s2, $0x0  }
0x4c: {  	s3 =	rddreg [dreg:$0x2];
	[bflag:$0x3] =	sbarrier.arrive $0xFFFF;
	s2 =	simm.s32 @!p0 $0x1C02  }
0x4d: {  	[timem:s3], [sflag:s2] =	dma.local @!p0 [hbm:s0], s1  }
0x4e: {  	s0 =	simm.s32 @!p0 $0x2  }
0x4f: {  	_ =	swait.ge @!p0 [sflag:s0], s1  }
0x50: {  	s1 =	ssub.s32 @!p0 $0x0, s1;
	[sflag:s0] =	ssyncset.done @!p0 $0x0  }
0x51: {  	[sflag:s0] =	ssyncadd.s32 @!p0 s1  }
0x52: {  	[bflag:$0x3] =	sbarrier.arrive $0xFFFF  }
0x53: {  	_ =	shalt  }

// kernel: kernel.49.cloned.1.call-start
scs
__scs_entry_jumppad:
0x0: {  	(pc) =	sbr.rel $0x88, $3  }
0x1: {  	(tag) =	ssettag $0x0;
	lr =	simm.s32 $0x1  }
0x2: {  	[smem:$0x3F80] =	sst lr;
	_ =	strace $0xD0000000  }
0x3: {  	_ = 	snop  }
0x4: {  	_ = 	snop  }
0x5: {  	_ = 	snop  }
0x6: {  	_ = 	snop  }
0x7: {  	_ = 	snop  }
__scs_overlays_trampoline_lowered:
0x8: {  	[smem:$0x3F8F] =	sst s0  }
0x9: {  	[smem:$0x3F90] =	sst s1  }
0xa: {  	[smem:$0x3F91] =	sst s2  }
0xb: {  	[smem:$0x3F92] =	sst s3  }
0xc: {  	[smem:$0x3F93] =	sst s4  }
0xd: {  	[smem:$0x3F94] =	sst s5  }
0xe: {  	[smem:$0x3F95] =	sst s6  }
0xf: {  	[smem:$0x3F96] =	sst s7  }
0x10: {  	[smem:$0x3F97] =	sst s8  }
0x11: {  	[smem:$0x3F98] =	sst s9;
	s0 =	simm.s32 @!p0 $0x0  }
0x12: {  	s1 =	sld [smem:$0x3F7E];
	s0 =	simm.s32 @p0 $0x1  }
0x13: {  	[smem:$0x3F99] =	sst s0;
	s0 =	simm.s32 @!p1 $0x0  }
0x14: {  	s2 =	sld [smem:$0x3F7D];
	s0 =	simm.s32 @p1 $0x1  }
0x15: {  	[smem:$0x3F9A] =	sst s0;
	s0 =	simm.s32 @!p2 $0x0  }
0x16: {  	s3 =	sld [smem:$0x3FDB];
	s0 =	simm.s32 @p2 $0x1  }
0x17: {  	s4 =	simm.s32 $0x1BF5;
	[smem:$0x3F9C] =	sst s0  }
0x18: {  	s0 =	sld [smem:$0x3F7F];
	_ =	swait.ge [sflag:s4], $0x0  }
0x19: {  	s7 =	sld [smem:$0x3F80]  }
0x1a: {  	s8 =	sadd.s32 $0xFFFFE003, lr  }
0x1b: {  	s9 =	sadd.s32 $0xFFFFFEF7, lr;
	s5 =	simm.s32 $0xFFFFFFFF;
	p2 =	slt.u32 s8, $0xFFFFF086  }
0x1c: {  	p1 =	slt.u32 s9, $0xF7A;
	s5 =	simm.s32 @!p2 $0x0  }
0x1d: {  	s5 =	simm.s32 @p1 $0x1;
	p0 =	seq.s32 s7, s2  }
0x1e: {  	s7 =	smul.u32 @!p0 $0xF7A, s2;
	p2 =	seq.s32 @!p0 s5, $0x0  }
0x1f: {  	s9 =	smul.u32 $0xF7A, s1;
	s8 =	simm.s32 @!p0 $0x1BF5;
	p2 =	por !p2, p0  }
0x20: {  	[sflag:s8] =	ssyncset.s32 @!p0 $0xFFFFF086;
	s6 =	sadd.s32 @!p0 s3, s7;
	s7 =	simm.s32 @!p0 $0x108  }
0x21: {  	s3 =	sadd.s32 s3, s9;
	s6 =	sadd.s32 @!p0 $0x88, s6;
	s7 =	simm.s32 @p2 $0x1082  }
0x22: {  	[simem:s7], [sflag:s8] =	dma.local @!p0 [hbm:s6], $0xF7A  }
0x23: {  	s9 =	sor.u32 $0xD0000000, s2;
	s6 =	simm.s32 $0x108;
	_ =	swait.ge @!p0 [sflag:s8], $0x0  }
0x24: {  	s3 =	sadd.s32 $0x88, s3;
	s6 =	simm.s32 @!p1 $0x1082;
	[sflag:s4] =	ssyncset.s32 $0xFFFFF086  }
0x25: {  	[simem:s6], [sflag:s4] =	dma.local [hbm:s3], $0xF7A  }
0x26: {  	[smem:$0x3F80] =	sst s1;
	(tag) =	ssettag s2;
	_ =	strace s9  }
0x27: {  	s1 =	sld [smem:$0x3F90]  }
0x28: {  	s2 =	sld [smem:$0x3F91]  }
0x29: {  	s4 =	sld [smem:$0x3F93]  }
0x2a: {  	p0 =	seq.s32 s5, $0x0;
	s5 =	sld [smem:$0x3F94]  }
0x2b: {  	s6 =	sld [smem:$0x3F95]  }
0x2c: {  	s7 =	sld [smem:$0x3F96]  }
0x2d: {  	s3 =	simm.s32 $0x108;
	s8 =	sld [smem:$0x3F97]  }
0x2e: {  	s3 =	simm.s32 @!p0 $0x1082;
	s9 =	sld [smem:$0x3F98]  }
0x2f: {  	lr =	sadd.s32 s0, s3;
	s0 =	sld [smem:$0x3F8F]  }
0x30: {  	s3 =	sld [smem:$0x3F92]  }
0x31: {  	[smem:$0x3F9B] =	sst s10  }
0x32: {  	s10 =	sld [smem:$0x3F99];
	_ =	sdelay $0x3  }
0x33: {  	p0 =	seq.s32 s10, $0x1;
	s10 =	sld [smem:$0x3F9B];
	_ =	sdelay $0x3  }
0x34: {  	[smem:$0x3F9B] =	sst s10  }
0x35: {  	s10 =	sld [smem:$0x3F9A];
	_ =	sdelay $0x3  }
0x36: {  	p1 =	seq.s32 s10, $0x1;
	s10 =	sld [smem:$0x3F9B];
	_ =	sdelay $0x3  }
0x37: {  	[smem:$0x3F9B] =	sst s10  }
0x38: {  	s10 =	sld [smem:$0x3F9C]  }
0x39: {  	_ = 	snop;
	(pc) =	sbr.ind lr, $3  }
0x3a: {  	_ = 	snop  }
0x3b: {  	_ = 	snop  }
0x3c: {  	p2 =	seq.s32 s10, $0x1;
	s10 =	sld [smem:$0x3F9B]  }
0x3d: {  	_ =	shalt  }
0x3e: {  	_ =	shalt  }
0x3f: {  	_ =	shalt  }
0x40: {  	_ =	shalt  }
0x41: {  	_ =	shalt  }
0x42: {  	_ =	shalt  }
0x43: {  	_ =	shalt  }
0x44: {  	_ =	shalt  }
0x45: {  	_ =	shalt  }
0x46: {  	_ =	shalt  }
0x47: {  	_ =	shalt  }
0x48: {  	_ =	shalt  }
0x49: {  	_ =	shalt  }
0x4a: {  	_ =	shalt  }
0x4b: {  	_ =	shalt  }
0x4c: {  	_ =	shalt  }
0x4d: {  	_ =	shalt  }
0x4e: {  	_ =	shalt  }
0x4f: {  	_ =	shalt  }
0x50: {  	_ =	shalt  }
0x51: {  	_ =	shalt  }
0x52: {  	_ =	shalt  }
0x53: {  	_ =	shalt  }
0x54: {  	_ =	shalt  }
0x55: {  	_ =	shalt  }
0x56: {  	_ =	shalt  }
0x57: {  	_ =	shalt  }
0x58: {  	_ =	shalt  }
0x59: {  	_ =	shalt  }
0x5a: {  	_ =	shalt  }
0x5b: {  	_ =	shalt  }
0x5c: {  	_ =	shalt  }
0x5d: {  	_ =	shalt  }
0x5e: {  	_ =	shalt  }
0x5f: {  	_ =	shalt  }
0x60: {  	_ =	shalt  }
0x61: {  	_ =	shalt  }
0x62: {  	_ =	shalt  }
0x63: {  	_ =	shalt  }
0x64: {  	_ =	shalt  }
0x65: {  	_ =	shalt  }
0x66: {  	_ =	shalt  }
0x67: {  	_ =	shalt  }
0x68: {  	_ =	shalt  }
0x69: {  	_ =	shalt  }
0x6a: {  	_ =	shalt  }
0x6b: {  	_ =	shalt  }
0x6c: {  	_ =	shalt  }
0x6d: {  	_ =	shalt  }
0x6e: {  	_ =	shalt  }
0x6f: {  	_ =	shalt  }
0x70: {  	_ =	shalt  }
0x71: {  	_ =	shalt  }
0x72: {  	_ =	shalt  }
0x73: {  	_ =	shalt  }
0x74: {  	_ =	shalt  }
0x75: {  	_ =	shalt  }
0x76: {  	_ =	shalt  }
0x77: {  	_ =	shalt  }
0x78: {  	_ =	shalt  }
0x79: {  	_ =	shalt  }
0x7a: {  	_ =	shalt  }
0x7b: {  	_ =	shalt  }
0x7c: {  	_ =	shalt  }
0x7d: {  	_ =	shalt  }
0x7e: {  	_ =	shalt  }
0x7f: {  	_ =	shalt  }
0x80: {  	_ =	shalt  }
0x81: {  	_ =	shalt  }
0x82: {  	_ =	shalt  }
0x83: {  	_ =	shalt  }
0x84: {  	_ =	shalt  }
0x85: {  	_ =	shalt  }
0x86: {  	_ =	shalt  }
0x87: {  	_ =	shalt  }
.Lfunc_end0:
.L_simem_size_0:
called_computation.8_lowered:
.L_overlay_start_0:
0x88: {  	s2 =	sld [smem:$0x3FD9]  }
0x89: {  	s3 =	sld [smem:$0x3FFE];
	_ =	sdelay $0x1  }
0x8a: {  	s1 =	srdreg.scid  }
0x8b: {  	s0 =	sand.u32 $0x1, s1  }
0x8c: {  	s16 =	sshll.u32 s0, $0xA;
	s2 =	sadd.s32 s3, s2  }
0x8d: {  	s2 =	sadd.s32 s2, s16  }
0x8e: {  	[smem:$0x3FA7] =	sst s2  }
0x8f: {  	_ = 	snop  }
0x90: {  	(tm) =	ssettm $0x1  }
0x91: {  	s17 =	sld [smem:$0x3FFB];
	_ =	sdelay $0x3  }
0x92: {  	_ =	strace s17  }
0x93: {  	s2 =	sld [smem:$0x3FFC];
	_ =	sdelay $0x3  }
0x94: {  	_ =	strace s2  }
0x95: {  	s2 =	sld [smem:$0x3FFD];
	_ =	sdelay $0x3  }
0x96: {  	_ =	strace s2  }
0x97: {  	_ =	strace $0x8FFFFFFF  }
0x98: {  	s18 =	sld [smem:$0x3FDB];
	_ =	sdelay $0x1  }
0x99: {  	s19 =	simm.s32 $_scs_section_size  }
0x9a: {  	s4 =	simm.s32 $_size__tile_overlayer_lowered;
	s5 =	simm.s32 $_tile_overlayer_lowered  }
0x9b: {  	s22 =	simm.s32 $0x1BFF;
	s21 =	sshll.u32 s5, $0x1;
	s2 =	sadd.s32 s19, s18  }
0x9c: {  	s6 =	simm.s32 $0x0;
	s20 =	sshll.u32 s4, $0x1;
	s4 =	sadd.s32 s21, s2  }
0x9d: {  	[timem:s6], [sflag:s22] =	dma.local [hbm:s4], s20  }
0x9e: {  	_ =	swait.ge [sflag:s22], s20  }
0x9f: {  	s3 =	ssub.s32 $0x0, s20;
	[sflag:s22] =	ssyncset.done $0x0  }
0xa0: {  	[sflag:s22] =	ssyncadd.s32 s3;
	_ =	sdelay $0x1  }
0xa1: {  	s23 =	simm.s32 $0x1B8B  }
0xa2: {  	_ =	swait.ge [sflag:s23], $0x1  }
0xa3: {  	[sflag:s23] =	ssyncset.done $0x0  }
0xa4: {  	s25 =	simm.s32 $0x1B8E;
	s24 =	sld [smem:$0x3FFE];
	[sflag:s23] =	ssyncadd.s32 $0xFFFFFFFF  }
0xa5: {  	s26 =	simm.s32 $execute0_lowered;
	[smem:$0x3FD2] =	sst s25  }
0xa6: {  	s4 =	sshll.u32 s26, $0x1;
	_ =	strace $0x8000005E;
	[dreg:$0x1] =	wrdreg $0xFFFFFFFF  }
0xa7: {  	s28 =	simm.s32 $_size_execute0_lowered;
	s2 =	sadd.s32 s2, s4;
	[dreg:$0x0] =	wrdreg $0x0  }
0xa8: {  	s4 =	sshll.u32 s28, $0x1;
	[dreg:$0x2] =	wrdreg s2  }
0xa9: {  	[dreg:$0x3] =	wrdreg s4  }
0xaa: {  	[dreg:$0x4] =	wrdreg $0xC0  }
0xab: {  	_ =	task [dreg:s6], $0x5FFFF  }
0xac: {  	[dreg:$0x1] =	wrdreg $0xFFFFFFFF  }
0xad: {  	[dreg:$0x0] =	wrdreg $0x60  }
0xae: {  	[dreg:$0x2] =	wrdreg s24  }
0xaf: {  	[dreg:$0x3] =	wrdreg $0x9  }
0xb0: {  	_ =	task.clear_ibuf [dreg:s6], $0x4FFFF;
	_ =	strace $0x9000005E  }
0xb1: {  	s29 =	simm.s32 $0x9;
	_ =	strace $0x80000060  }
0xb2: {  	_ =	swait.ge [sflag:s29], $0x1  }
0xb3: {  	[sflag:s29] =	ssyncadd.s32 $0xFFFFFFFF  }
0xb4: {  	_ =	strace $0x90000060  }
0xb5: {  	_ =	sfence  }
0xb6: {  	s30 =	sld [smem:$0x0];
	_ =	sdelay $0x2  }
0xb7: {  	s31 =	sshll.u32 s1, $0xD;
	s1 =	sshrl.u32 s1, $0x2  }
0xb8: {  	s3 =	sand.u32 $0x4000, s31;
	s1 =	sadd.s32 s1, s30  }
0xb9: {  	s0 =	sor.u32 s3, s0;
	s1 =	sshll.u32 s1, $0x11  }
0xba: {  	s0 =	sor.u32 s1, s0  }
0xbb: {  	s0 =	sadd.s32 $0x8F2B, s0  }
0xbc: {  	[sflag:s0] =	ssyncadd.remote.s32 $0x1  }
0xbd: {  	_ =	sfence.sel $0xFFFF  }
0xbe: {  	[dreg:$0x0] =	wrdreg $0xFFFFFFFF;
	(pc) =	sbr.abs _section_cstart, $3  }
0xbf: {  	[dreg:$0x1] =	wrdreg $0xFFFFFFFF  }
0xc0: {  	_ =	task.clear_ibuf [dreg:s6], $0x2FFFF;
	_ =	strace $0x9FFFFFFF  }
0xc1: {  	(tm) =	ssettm $0x7FFFFFFF  }
tec
execute0_lowered:
.L_overlay_start_1:
0x0: {  	(tag) =	ssettag $0x1  }
0x1: {  	s5 =	rddreg [dreg:$0x0];
	s2 =	srdreg.scid  }
0x2: {  	s0 =	rddreg [dreg:$0x1];
	s1 =	stileid.u32  }
0x3: {  	s11 =	simm.s32 $0x80;
	s12 =	simm.s32 $0x2800;
	s13 =	simm.s32 $0x6800  }
0x4: {  	s14 =	simm.s32 $0x1;
	s15 =	simm.s32 $0x2;
	s16 =	simm.s32 $0x0  }
0x5: {  	s4 =	sand.u32 $0x1, s2;
	s2 =	simm.s32 $0x0;
	s3 =	sshll.u32 s1, $0x8  }
0x6: {  	s29 =	sshll.u32 s1, $0xF;
	p0 =	seq.s32 s1, $0x0;
	s6 =	sshll.u32 s4, $0x7  }
0x7: {  	[smem:$0x7FF] =	sst s2;
	s7 =	sshll.u32 s4, $0xE;
	s30 =	ssub.s32 $0x2, s4  }
0x8: {  	s4 =	simm.s32 $0x28;
	s3 =	sor.u32 s6, s3;
	_ =	strace $0x8000005F  }
0x9: {  	s6 =	sor.u32 s7, s29;
	s9 =	sshrl.u32 s30, $0x1;
	s4 =	simm.s32 @!p0 $0x27  }
0xa: {  	s3 =	sshrl.u32 s3, $0x3;
	s6 =	sshrl.u32 s6, $0x3;
	s31 =	ssub.s32 s30, s9  }
0xb: {  	s8 =	sadd.s32 s3, s5;
	s3 =	sadd.s32 $0x18000, s5;
	s10 =	sadd.s32 s6, s5  }
0xc: {  	s5 =	smax.u32 s31, $0x1;
	s6 =	sadd.s32 $0xE000, s8;
	s7 =	sadd.s32 $0x13000, s8  }
0xd: {  	s8 =	sadd.s32 $0x2B2A00, s10;
	s9 =	sadd.s32 $0x41A00, s10;
	s10 =	simm.s32 $0x3  }
.LBB2_1:
0xe: {  	p0 =	sne.s32 s4, $0x1  }
.Ltmp0:
0xf: {  	_ = 	snop;
	(pc) =	sbr.rel @!p0 .LBB2_5-.Ltmp0, $4  }
0x10: {  	_ = 	snop  }
0x11: {  	s17 =	simm.s32 $0x1400  }
0x12: {  	s18 =	sadd.s32 $0xFFFFFFFF, s4;
	p1 =	por $0x0, $0x0;
	s23 =	smov.u32 s6  }
0x13: {  	s21 =	simm.s32 $0x0;
	s22 =	smov.u32 s7;
	s20 =	simm.s32 $0x1400  }
0x14: {  	s19 =	simm.s32 $0x0  }
0x15: {  	[tilespmem:s2], [sflag:$0x3] =	stream.linear.gather [hbm4b:s7+s19], $0x80, $0x38;
	[tilespmem:$0xA800] =	vst v63  }
0x16: {  	p2 =	sne.s32 s18, $0x1;
	_ =	swait.ge [sflag:s10], $0x80  }
.Ltmp1:
0x17: {  	[sflag:s10] =	ssyncset.done $0x0;
	(pc) =	sbr.rel @!p2 .LBB2_3-.Ltmp1, $4  }
0x18: {  	s24 =	sadd.s32 $0xFFFFFFFF, s18;
	s20 =	simm.s32 $0x1480;
	[sflag:s10] =	ssyncadd.s32 $0xFFFFFF80  }
0x19: {  	[tilespmem:s17], [sflag:$0x3] =	stream.linear.gather [hbm4b:s6+s19], $0x80, $0x38;
	[tilespmem:$0xA800] =	vst v63  }
0x1a: {  	s22 =	sadd.s32 $0x200, s7;
	s21 =	simm.s32 $0x80;
	_ =	swait.ge [sflag:s10], $0x80  }
0x1b: {  	p1 =	por $0x1, $0x1;
	s23 =	smov.u32 s6;
	[sflag:s10] =	ssyncset.done $0x0  }
.LBB2_4:
0x1c: {  	[sflag:s10] =	ssyncadd.s32 $0xFFFFFF80;
	s23 =	sadd.s32 $0x200, s23  }
0x1d: {  	[tilespmem:s21], [sflag:$0x3] =	stream.linear.gather [hbm4b:s22+s19], $0x80, $0x38;
	[tilespmem:$0xA800] =	vst v63  }
0x1e: {  	p2 =	sne.s32 s24, $0x1;
	s24 =	sadd.s32 $0xFFFFFFFF, s24;
	_ =	swait.ge [sflag:s10], $0x80  }
.Ltmp2:
0x1f: {  	[sflag:s10] =	ssyncset.done $0x0;
	(pc) =	sbr.rel @p2 .LBB2_4-.Ltmp2, $4  }
0x20: {  	[sflag:s10] =	ssyncadd.s32 $0xFFFFFF80  }
0x21: {  	[tilespmem:s20], [sflag:$0x3] =	stream.linear.gather [hbm4b:s23+s19], $0x80, $0x38;
	[tilespmem:$0xA800] =	vst v63  }
0x22: {  	s20 =	sadd.s32 $0x80, s20;
	_ =	swait.ge [sflag:s10], $0x80  }
0x23: {  	s22 =	sadd.s32 $0x200, s22;
	s21 =	sadd.s32 $0x80, s21;
	[sflag:s10] =	ssyncset.done $0x0  }
.LBB2_5:
0x24: {  	s19 =	simm.s32 $0x0;
	[sflag:s10] =	ssyncadd.s32 @p1 $0xFFFFFF80  }
0x25: {  	[tilespmem:s21], [sflag:$0x3] =	stream.linear.gather [hbm4b:s22+s19], $0x80, $0x38;
	[tilespmem:$0xA800] =	vst v63  }
0x26: {  	_ =	swait.ge [sflag:s10], $0x80  }
0x27: {  	s21 =	sadd.s32 @p1 $0x200, s23;
	s22 =	smov.u32 s6;
	[sflag:s10] =	ssyncset.done $0x0  }
0x28: {  	s22 =	smov.u32 @p1 s21;
	[sflag:s10] =	ssyncadd.s32 $0xFFFFFF80  }
0x29: {  	[tilespmem:s20], [sflag:$0x3] =	stream.linear.gather [hbm4b:s22+s19], $0x80, $0x38;
	[tilespmem:$0xA800] =	vst v63  }
0x2a: {  	_ =	swait.ge [sflag:s10], $0x80  }
0x2b: {  	[sflag:s10] =	ssyncset.done $0x0  }
0x2c: {  	[sflag:s10] =	ssyncadd.s32 $0xFFFFFF80  }
0x2d: {  	[tilespmem:s12], [sflag:$0x1] =	stream.indirect.gather [hbm4b:s3+s11], $0x80, s19, s11, $0xb8;
	[tilespmem:$0xA800] =	vst v63  }
0x2e: {  	_ = 	snop  }
0x2f: {  	[tilespmem:s13], [sflag:$0x2] =	stream.indirect.gather [hbm4b:s3+s11], $0x80, s17, s11, $0xb8;
	[tilespmem:$0xA800] =	vst v63  }
0x30: {  	_ =	swait.ge [sflag:s14], $0x4000  }
0x31: {  	[sflag:s14] =	ssyncset.done $0x0  }
0x32: {  	[sflag:s14] =	ssyncadd.s32 $0xFFFFC000  }
0x33: {  	_ =	swait.ge [sflag:s15], $0x4000  }
0x34: {  	[sflag:s15] =	ssyncset.done $0x0  }
0x35: {  	[sflag:s15] =	ssyncadd.s32 $0xFFFFC000  }
0x36: {  	[hbm4b:s9+s2] =	stream.linear.scatter [tilespmem:s12], [sflag:$0x3], $0x4000, $0x38;
	[tilespmem:$0xA800] =	vst v63  }
0x37: {  	_ =	swait.ge [sflag:s10], $0x4000  }
.Ltmp3:
0x38: {  	[sflag:s10] =	ssyncset.done $0x0;
	(pc) =	sbr.rel @!p0 .LBB2_7-.Ltmp3, $4  }
0x39: {  	[sflag:s10] =	ssyncadd.s32 $0xFFFFC000  }
0x3a: {  	[hbm4b:s8+s2] =	stream.linear.scatter [tilespmem:s13], [sflag:$0x3], $0x4000, $0x38;
	[tilespmem:$0xA800] =	vst v63  }
0x3b: {  	_ =	swait.ge [sflag:s10], $0x4000  }
0x3c: {  	s21 =	sadd.s32 $0x10000, s9;
	s20 =	sadd.s32 $0x10000, s8;
	[sflag:s10] =	ssyncset.done $0x0  }
.LBB2_6:
0x3d: {  	[sflag:s10] =	ssyncadd.s32 $0xFFFFC000;
	s19 =	sadd.s32 $0x80, s19;
	s17 =	sadd.s32 $0x80, s17  }
0x3e: {  	[tilespmem:s12], [sflag:$0x1] =	stream.indirect.gather [hbm4b:s3+s11], $0x80, s19, s11, $0xb8;
	[tilespmem:$0xA800] =	vst v63  }
0x3f: {  	p0 =	sne.s32 s18, $0x1;
	s18 =	sadd.s32 $0xFFFFFFFF, s18  }
0x40: {  	[tilespmem:s13], [sflag:$0x2] =	stream.indirect.gather [hbm4b:s3+s11], $0x80, s17, s11, $0xb8;
	[tilespmem:$0xA800] =	vst v63  }
0x41: {  	_ =	swait.ge [sflag:s14], $0x4000  }
0x42: {  	[sflag:s14] =	ssyncset.done $0x0  }
0x43: {  	[sflag:s14] =	ssyncadd.s32 $0xFFFFC000  }
0x44: {  	_ =	swait.ge [sflag:s15], $0x4000  }
0x45: {  	[sflag:s15] =	ssyncset.done $0x0  }
0x46: {  	[sflag:s15] =	ssyncadd.s32 $0xFFFFC000  }
0x47: {  	[hbm4b:s21+s2] =	stream.linear.scatter [tilespmem:s12], [sflag:$0x3], $0x4000, $0x38;
	[tilespmem:$0xA800] =	vst v63  }
0x48: {  	_ =	swait.ge [sflag:s10], $0x4000  }
.Ltmp4:
0x49: {  	[sflag:s10] =	ssyncset.done $0x0;
	(pc) =	sbr.rel @p0 .LBB2_6-.Ltmp4, $4  }
0x4a: {  	[sflag:s10] =	ssyncadd.s32 $0xFFFFC000  }
0x4b: {  	[hbm4b:s20+s2] =	stream.linear.scatter [tilespmem:s13], [sflag:$0x3], $0x4000, $0x38;
	[tilespmem:$0xA800] =	vst v63  }
0x4c: {  	_ =	swait.ge [sflag:s10], $0x4000  }
0x4d: {  	s21 =	sadd.s32 $0x10000, s21;
	s20 =	sadd.s32 $0x10000, s20;
	[sflag:s10] =	ssyncset.done $0x0  }
.LBB2_7:
0x4e: {  	s16 =	sadd.s32 $0x1, s16  }
0x4f: {  	p0 =	sne.s32 s16, s5  }
.Ltmp5:
0x50: {  	_ = 	snop;
	(pc) =	sbr.rel @p0 .LBB2_1-.Ltmp5, $4  }
.Ltmp6:
0x51: {  	_ = 	snop;
	(pc) =	sbr.rel @!p0 .LBB2_8-.Ltmp6, $4  }
0x52: {  	_ = 	snop  }
0x53: {  	_ = 	snop  }
0x54: {  	[sflag:s10] =	ssyncadd.s32 $0xFFFFC000  }
0x55: {  	_ = 	snop  }
.LBB2_3:
.Ltmp7:
0x56: {  	(pc) =	sbr.rel .LBB2_5-.Ltmp7, $2  }
0x57: {  	_ =	sdelay $0x2  }
0x58: {  	s23 =	smov.u32 s6  }
.LBB2_8:
0x59: {  	_ =	sfence.sel $0x180000  }
0x5a: {  	[bflag:$0x0] =	sbarrier.arrive $0xFFFF  }
0x5b: {  	p0 =	sne.s32 s1, $0x0;
	_ =	strace $0x9000005F  }
0x5c: {  	s0 =	sadd.s32 @!p0 $0x100000, s0;
	[bflag:$0x2] =	sbarrier.arrive $0xFFFF  }
0x5d: {  	[sflag:s0] =	ssyncadd.tile.s32 @!p0 $0x1;
	_ =	shalt  }
.Lfunc_end2:
_tile_overlayer_lowered:
.L_overlay_start_2:
0x5e: {  	(tag) =	ssettag $0x2  }
0x5f: {  	s0 =	rddreg [dreg:$0x0];
	s2 =	stileid.u32  }
0x60: {  	s1 =	rddreg [dreg:$0x1];
	p0 =	sne.s32 s2, $0x0  }
0x61: {  	s3 =	rddreg [dreg:$0x2];
	[bflag:$0x3] =	sbarrier.arrive $0xFFFF;
	s2 =	simm.s32 @!p0 $0x1C03  }
0x62: {  	[timem:s3], [sflag:s2] =	dma.local @!p0 [hbm:s0], s1  }
0x63: {  	s0 =	simm.s32 @!p0 $0x3  }
0x64: {  	_ =	swait.ge @!p0 [sflag:s0], s1  }
0x65: {  	s1 =	ssub.s32 @!p0 $0x0, s1;
	[sflag:s0] =	ssyncset.done @!p0 $0x0  }
0x66: {  	[sflag:s0] =	ssyncadd.s32 @!p0 s1  }
0x67: {  	[bflag:$0x3] =	sbarrier.arrive $0xFFFF  }
0x68: {  	_ =	shalt  }

// kernel: kernel.52.cloned.1.call-start
scs
__scs_entry_jumppad:
0x0: {  	(pc) =	sbr.rel $0x88, $3  }
0x1: {  	(tag) =	ssettag $0x0;
	lr =	simm.s32 $0x1  }
0x2: {  	[smem:$0x3F80] =	sst lr;
	_ =	strace $0xD0000000  }
0x3: {  	_ = 	snop  }
0x4: {  	_ = 	snop  }
0x5: {  	_ = 	snop  }
0x6: {  	_ = 	snop  }
0x7: {  	_ = 	snop  }
__scs_overlays_trampoline_lowered:
0x8: {  	[smem:$0x3F8F] =	sst s0  }
0x9: {  	[smem:$0x3F90] =	sst s1  }
0xa: {  	[smem:$0x3F91] =	sst s2  }
0xb: {  	[smem:$0x3F92] =	sst s3  }
0xc: {  	[smem:$0x3F93] =	sst s4  }
0xd: {  	[smem:$0x3F94] =	sst s5  }
0xe: {  	[smem:$0x3F95] =	sst s6  }
0xf: {  	[smem:$0x3F96] =	sst s7  }
0x10: {  	[smem:$0x3F97] =	sst s8  }
0x11: {  	[smem:$0x3F98] =	sst s9;
	s0 =	simm.s32 @!p0 $0x0  }
0x12: {  	s1 =	sld [smem:$0x3F7E];
	s0 =	simm.s32 @p0 $0x1  }
0x13: {  	[smem:$0x3F99] =	sst s0;
	s0 =	simm.s32 @!p1 $0x0  }
0x14: {  	s2 =	sld [smem:$0x3F7D];
	s0 =	simm.s32 @p1 $0x1  }
0x15: {  	[smem:$0x3F9A] =	sst s0;
	s0 =	simm.s32 @!p2 $0x0  }
0x16: {  	s3 =	sld [smem:$0x3FDB];
	s0 =	simm.s32 @p2 $0x1  }
0x17: {  	s4 =	simm.s32 $0x1BF5;
	[smem:$0x3F9C] =	sst s0  }
0x18: {  	s0 =	sld [smem:$0x3F7F];
	_ =	swait.ge [sflag:s4], $0x0  }
0x19: {  	s7 =	sld [smem:$0x3F80]  }
0x1a: {  	s8 =	sadd.s32 $0xFFFFE003, lr  }
0x1b: {  	s9 =	sadd.s32 $0xFFFFFEF7, lr;
	s5 =	simm.s32 $0xFFFFFFFF;
	p2 =	slt.u32 s8, $0xFFFFF086  }
0x1c: {  	p1 =	slt.u32 s9, $0xF7A;
	s5 =	simm.s32 @!p2 $0x0  }
0x1d: {  	s5 =	simm.s32 @p1 $0x1;
	p0 =	seq.s32 s7, s2  }
0x1e: {  	s7 =	smul.u32 @!p0 $0xF7A, s2;
	p2 =	seq.s32 @!p0 s5, $0x0  }
0x1f: {  	s9 =	smul.u32 $0xF7A, s1;
	s8 =	simm.s32 @!p0 $0x1BF5;
	p2 =	por !p2, p0  }
0x20: {  	[sflag:s8] =	ssyncset.s32 @!p0 $0xFFFFF086;
	s6 =	sadd.s32 @!p0 s3, s7;
	s7 =	simm.s32 @!p0 $0x108  }
0x21: {  	s3 =	sadd.s32 s3, s9;
	s6 =	sadd.s32 @!p0 $0x88, s6;
	s7 =	simm.s32 @p2 $0x1082  }
0x22: {  	[simem:s7], [sflag:s8] =	dma.local @!p0 [hbm:s6], $0xF7A  }
0x23: {  	s9 =	sor.u32 $0xD0000000, s2;
	s6 =	simm.s32 $0x108;
	_ =	swait.ge @!p0 [sflag:s8], $0x0  }
0x24: {  	s3 =	sadd.s32 $0x88, s3;
	s6 =	simm.s32 @!p1 $0x1082;
	[sflag:s4] =	ssyncset.s32 $0xFFFFF086  }
0x25: {  	[simem:s6], [sflag:s4] =	dma.local [hbm:s3], $0xF7A  }
0x26: {  	[smem:$0x3F80] =	sst s1;
	(tag) =	ssettag s2;
	_ =	strace s9  }
0x27: {  	s1 =	sld [smem:$0x3F90]  }
0x28: {  	s2 =	sld [smem:$0x3F91]  }
0x29: {  	s4 =	sld [smem:$0x3F93]  }
0x2a: {  	p0 =	seq.s32 s5, $0x0;
	s5 =	sld [smem:$0x3F94]  }
0x2b: {  	s6 =	sld [smem:$0x3F95]  }
0x2c: {  	s7 =	sld [smem:$0x3F96]  }
0x2d: {  	s3 =	simm.s32 $0x108;
	s8 =	sld [smem:$0x3F97]  }
0x2e: {  	s3 =	simm.s32 @!p0 $0x1082;
	s9 =	sld [smem:$0x3F98]  }
0x2f: {  	lr =	sadd.s32 s0, s3;
	s0 =	sld [smem:$0x3F8F]  }
0x30: {  	s3 =	sld [smem:$0x3F92]  }
0x31: {  	[smem:$0x3F9B] =	sst s10  }
0x32: {  	s10 =	sld [smem:$0x3F99];
	_ =	sdelay $0x3  }
0x33: {  	p0 =	seq.s32 s10, $0x1;
	s10 =	sld [smem:$0x3F9B];
	_ =	sdelay $0x3  }
0x34: {  	[smem:$0x3F9B] =	sst s10  }
0x35: {  	s10 =	sld [smem:$0x3F9A];
	_ =	sdelay $0x3  }
0x36: {  	p1 =	seq.s32 s10, $0x1;
	s10 =	sld [smem:$0x3F9B];
	_ =	sdelay $0x3  }
0x37: {  	[smem:$0x3F9B] =	sst s10  }
0x38: {  	s10 =	sld [smem:$0x3F9C]  }
0x39: {  	_ = 	snop;
	(pc) =	sbr.ind lr, $3  }
0x3a: {  	_ = 	snop  }
0x3b: {  	_ = 	snop  }
0x3c: {  	p2 =	seq.s32 s10, $0x1;
	s10 =	sld [smem:$0x3F9B]  }
0x3d: {  	_ =	shalt  }
0x3e: {  	_ =	shalt  }
0x3f: {  	_ =	shalt  }
0x40: {  	_ =	shalt  }
0x41: {  	_ =	shalt  }
0x42: {  	_ =	shalt  }
0x43: {  	_ =	shalt  }
0x44: {  	_ =	shalt  }
0x45: {  	_ =	shalt  }
0x46: {  	_ =	shalt  }
0x47: {  	_ =	shalt  }
0x48: {  	_ =	shalt  }
0x49: {  	_ =	shalt  }
0x4a: {  	_ =	shalt  }
0x4b: {  	_ =	shalt  }
0x4c: {  	_ =	shalt  }
0x4d: {  	_ =	shalt  }
0x4e: {  	_ =	shalt  }
0x4f: {  	_ =	shalt  }
0x50: {  	_ =	shalt  }
0x51: {  	_ =	shalt  }
0x52: {  	_ =	shalt  }
0x53: {  	_ =	shalt  }
0x54: {  	_ =	shalt  }
0x55: {  	_ =	shalt  }
0x56: {  	_ =	shalt  }
0x57: {  	_ =	shalt  }
0x58: {  	_ =	shalt  }
0x59: {  	_ =	shalt  }
0x5a: {  	_ =	shalt  }
0x5b: {  	_ =	shalt  }
0x5c: {  	_ =	shalt  }
0x5d: {  	_ =	shalt  }
0x5e: {  	_ =	shalt  }
0x5f: {  	_ =	shalt  }
0x60: {  	_ =	shalt  }
0x61: {  	_ =	shalt  }
0x62: {  	_ =	shalt  }
0x63: {  	_ =	shalt  }
0x64: {  	_ =	shalt  }
0x65: {  	_ =	shalt  }
0x66: {  	_ =	shalt  }
0x67: {  	_ =	shalt  }
0x68: {  	_ =	shalt  }
0x69: {  	_ =	shalt  }
0x6a: {  	_ =	shalt  }
0x6b: {  	_ =	shalt  }
0x6c: {  	_ =	shalt  }
0x6d: {  	_ =	shalt  }
0x6e: {  	_ =	shalt  }
0x6f: {  	_ =	shalt  }
0x70: {  	_ =	shalt  }
0x71: {  	_ =	shalt  }
0x72: {  	_ =	shalt  }
0x73: {  	_ =	shalt  }
0x74: {  	_ =	shalt  }
0x75: {  	_ =	shalt  }
0x76: {  	_ =	shalt  }
0x77: {  	_ =	shalt  }
0x78: {  	_ =	shalt  }
0x79: {  	_ =	shalt  }
0x7a: {  	_ =	shalt  }
0x7b: {  	_ =	shalt  }
0x7c: {  	_ =	shalt  }
0x7d: {  	_ =	shalt  }
0x7e: {  	_ =	shalt  }
0x7f: {  	_ =	shalt  }
0x80: {  	_ =	shalt  }
0x81: {  	_ =	shalt  }
0x82: {  	_ =	shalt  }
0x83: {  	_ =	shalt  }
0x84: {  	_ =	shalt  }
0x85: {  	_ =	shalt  }
0x86: {  	_ =	shalt  }
0x87: {  	_ =	shalt  }
.Lfunc_end0:
.L_simem_size_0:
called_computation.9_lowered:
.L_overlay_start_0:
0x88: {  	s2 =	sld [smem:$0x3FD9]  }
0x89: {  	s3 =	sld [smem:$0x3FFE];
	_ =	sdelay $0x1  }
0x8a: {  	s1 =	srdreg.scid  }
0x8b: {  	s0 =	sand.u32 $0x1, s1  }
0x8c: {  	s16 =	sshll.u32 s0, $0xA;
	s2 =	sadd.s32 s3, s2  }
0x8d: {  	s2 =	sadd.s32 s2, s16  }
0x8e: {  	[smem:$0x3FA7] =	sst s2  }
0x8f: {  	_ = 	snop  }
0x90: {  	(tm) =	ssettm $0x1  }
0x91: {  	s17 =	sld [smem:$0x3FFB];
	_ =	sdelay $0x3  }
0x92: {  	_ =	strace s17  }
0x93: {  	s2 =	sld [smem:$0x3FFC];
	_ =	sdelay $0x3  }
0x94: {  	_ =	strace s2  }
0x95: {  	s2 =	sld [smem:$0x3FFD];
	_ =	sdelay $0x3  }
0x96: {  	_ =	strace s2  }
0x97: {  	_ =	strace $0x8FFFFFFF  }
0x98: {  	s18 =	sld [smem:$0x3FDB];
	_ =	sdelay $0x1  }
0x99: {  	s19 =	simm.s32 $_scs_section_size  }
0x9a: {  	s4 =	simm.s32 $_size__tile_overlayer_lowered;
	s5 =	simm.s32 $_tile_overlayer_lowered  }
0x9b: {  	s22 =	simm.s32 $0x1BFF;
	s21 =	sshll.u32 s5, $0x1;
	s2 =	sadd.s32 s19, s18  }
0x9c: {  	s6 =	simm.s32 $0x0;
	s20 =	sshll.u32 s4, $0x1;
	s4 =	sadd.s32 s21, s2  }
0x9d: {  	[timem:s6], [sflag:s22] =	dma.local [hbm:s4], s20  }
0x9e: {  	_ =	swait.ge [sflag:s22], s20  }
0x9f: {  	s3 =	ssub.s32 $0x0, s20;
	[sflag:s22] =	ssyncset.done $0x0  }
0xa0: {  	[sflag:s22] =	ssyncadd.s32 s3;
	_ =	sdelay $0x1  }
0xa1: {  	s23 =	simm.s32 $0x1B8B  }
0xa2: {  	_ =	swait.ge [sflag:s23], $0x1  }
0xa3: {  	[sflag:s23] =	ssyncset.done $0x0  }
0xa4: {  	s25 =	simm.s32 $0x1B8E;
	s24 =	sld [smem:$0x3FFE];
	[sflag:s23] =	ssyncadd.s32 $0xFFFFFFFF  }
0xa5: {  	s26 =	simm.s32 $execute0_lowered;
	[smem:$0x3FD2] =	sst s25  }
0xa6: {  	s4 =	sshll.u32 s26, $0x1;
	_ =	strace $0x80000061;
	[dreg:$0x1] =	wrdreg $0xFFFFFFFF  }
0xa7: {  	s28 =	simm.s32 $_size_execute0_lowered;
	s2 =	sadd.s32 s2, s4;
	[dreg:$0x0] =	wrdreg $0x0  }
0xa8: {  	s4 =	sshll.u32 s28, $0x1;
	[dreg:$0x2] =	wrdreg s2  }
0xa9: {  	[dreg:$0x3] =	wrdreg s4  }
0xaa: {  	[dreg:$0x4] =	wrdreg $0xC0  }
0xab: {  	_ =	task [dreg:s6], $0x5FFFF  }
0xac: {  	[dreg:$0x1] =	wrdreg $0xFFFFFFFF  }
0xad: {  	[dreg:$0x0] =	wrdreg $0x60  }
0xae: {  	[dreg:$0x2] =	wrdreg s24  }
0xaf: {  	[dreg:$0x3] =	wrdreg $0x54000  }
0xb0: {  	[dreg:$0x4] =	wrdreg $0x9  }
0xb1: {  	_ =	task.clear_ibuf [dreg:s6], $0x5FFFF;
	_ =	strace $0x90000061  }
0xb2: {  	s29 =	simm.s32 $0x9;
	_ =	strace $0x80000063  }
0xb3: {  	_ =	swait.ge [sflag:s29], $0x1  }
0xb4: {  	[sflag:s29] =	ssyncadd.s32 $0xFFFFFFFF  }
0xb5: {  	_ =	strace $0x90000063  }
0xb6: {  	_ =	sfence  }
0xb7: {  	s30 =	sld [smem:$0x0];
	_ =	sdelay $0x2  }
0xb8: {  	s31 =	sshll.u32 s1, $0xD;
	s1 =	sshrl.u32 s1, $0x2  }
0xb9: {  	s3 =	sand.u32 $0x4000, s31;
	s1 =	sadd.s32 s1, s30  }
0xba: {  	s0 =	sor.u32 s3, s0;
	s1 =	sshll.u32 s1, $0x11  }
0xbb: {  	s0 =	sor.u32 s1, s0  }
0xbc: {  	s0 =	sadd.s32 $0x8F2B, s0  }
0xbd: {  	[sflag:s0] =	ssyncadd.remote.s32 $0x1  }
0xbe: {  	_ =	sfence.sel $0xFFFF  }
0xbf: {  	[dreg:$0x0] =	wrdreg $0xFFFFFFFF;
	(pc) =	sbr.abs _section_cstart, $3  }
0xc0: {  	[dreg:$0x1] =	wrdreg $0xFFFFFFFF  }
0xc1: {  	_ =	task.clear_ibuf [dreg:s6], $0x2FFFF;
	_ =	strace $0x9FFFFFFF  }
0xc2: {  	(tm) =	ssettm $0x7FFFFFFF  }
0xc3: {  	_ =	shalt  }
tec
execute0_lowered:
.L_overlay_start_1:
0x0: {  	(tag) =	ssettag $0x1  }
0x1: {  	s5 =	rddreg [dreg:$0x0]  }
0x2: {  	s2 =	rddreg [dreg:$0x1]  }
0x3: {  	s3 =	srdreg.scid;
	s1 =	stileid.u32  }
0x4: {  	s0 =	rddreg [dreg:$0x2];
	s15 =	simm.s32 $0x1400;
	s16 =	simm.s32 $0x1  }
0x5: {  	s17 =	simm.s32 $0x80;
	s18 =	simm.s32 $0x0;
	s6 =	sand.u32 $0x1, s3  }
0x6: {  	s4 =	sshll.u32 s1, $0x8;
	s8 =	sshll.u32 s1, $0xF;
	s3 =	simm.s32 $0x0  }
0x7: {  	s28 =	smul.u32 $0x4F000, s1;
	s11 =	sadd.s32 $0x41A00, s5;
	p0 =	seq.s32 s1, $0x0  }
0x8: {  	s13 =	smul.u32 $0x13C00, s1;
	s7 =	sshll.u32 s6, $0x7;
	s9 =	sshll.u32 s6, $0xE  }
0x9: {  	[smem:$0x7FF] =	sst s3;
	s26 =	ssub.s32 $0x2, s6;
	s6 =	smul.u32 $0x138800, s6  }
0xa: {  	s4 =	sor.u32 s7, s4;
	s24 =	sor.u32 s9, s8;
	_ =	strace $0x80000062  }
0xb: {  	s12 =	sshrl.u32 s26, $0x1;
	s29 =	sshrl.u32 s28, $0x2;
	s4 =	sshrl.u32 s4, $0x3  }
0xc: {  	s7 =	sshrl.u32 s24, $0x3;
	s12 =	ssub.s32 s26, s12;
	s14 =	sadd.s32 s29, s2  }
0xd: {  	s30 =	sadd.s32 s13, s6;
	s6 =	sshrl.u32 s6, $0x3;
	s13 =	sadd.s32 $0x128400, s2  }
0xe: {  	s25 =	sadd.s32 s4, s5;
	s10 =	sadd.s32 s7, s5;
	s4 =	sadd.s32 $0x3F200, s5  }
0xf: {  	s5 =	simm.s32 $0x28;
	s7 =	sshrl.u32 s30, $0x3;
	s31 =	sadd.s32 s11, s6  }
0x10: {  	s8 =	smax.u32 s12, $0x1;
	s5 =	simm.s32 @!p0 $0x27;
	s6 =	sadd.s32 s11, s7  }
0x11: {  	s7 =	sadd.s32 $0x25080, s31;
	p0 =	seq.s32 s1, $0xF;
	s9 =	sadd.s32 $0x13000, s25  }
0x12: {  	s10 =	sadd.s32 $0x523A00, s10;
	s12 =	sshll.u32 @!p0 s1, $0x6;
	s11 =	sshrl.u32 @p0 s13, $0x3  }
0x13: {  	s13 =	sshrl.u32 @!p0 s14, $0x3;
	s14 =	simm.s32 $0x2;
	s12 =	sor.u32 @!p0 $0x1C02, s12  }
.LBB2_1:
0x14: {  	s19 =	simm.s32 @p0 $0x1FC2  }
0x15: {  	[spmem:s11], [sflag:s19] =	dma.local @p0 [hbm:s4], $0x2080  }
0x16: {  	s19 =	simm.s32 @p0 $0x2  }
0x17: {  	_ =	swait.ge @p0 [sflag:s19], $0x2080  }
0x18: {  	[sflag:s19] =	ssyncset.done @p0 $0x0  }
0x19: {  	[sflag:s19] =	ssyncadd.s32 @p0 $0xFFFFDF80;
	s19 =	simm.s32 @!p0 $0x2  }
0x1a: {  	[spmem:s13], [sflag:s12] =	dma.local @!p0 [hbm:s4], $0x2780  }
0x1b: {  	p1 =	sne.s32 s5, $0x1;
	_ =	swait.ge @!p0 [sflag:s19], $0x2780  }
.Ltmp0:
0x1c: {  	[sflag:s19] =	ssyncset.done @!p0 $0x0;
	(pc) =	sbr.rel @!p1 .LBB2_3-.Ltmp0, $4  }
0x1d: {  	[sflag:s19] =	ssyncadd.s32 @!p0 $0xFFFFD880  }
0x1e: {  	[tilespmem:s3], [sflag:$0x2] =	stream.linear.gather [hbm4b:s9+s3], $0x80, $0x38;
	[tilespmem:$0x18C80] =	vst v63  }
0x1f: {  	s20 =	smov.u32 s9;
	_ =	swait.ge [sflag:s14], $0x80  }
0x20: {  	s21 =	simm.s32 $0x0;
	s19 =	sadd.s32 $0xFFFFFFFF, s5;
	[sflag:s14] =	ssyncset.done $0x0  }
.LBB2_2:
0x21: {  	[sflag:s14] =	ssyncadd.s32 $0xFFFFFF80  }
0x22: {  	s20 =	sadd.s32 $0x200, s20;
	s21 =	sadd.s32 $0x80, s21;
	p2 =	sne.s32 s19, $0x1  }
.Ltmp1:
0x23: {  	s19 =	sadd.s32 $0xFFFFFFFF, s19;
	(pc) =	sbr.rel @p2 .LBB2_2-.Ltmp1, $4  }
0x24: {  	_ = 	snop  }
0x25: {  	[tilespmem:s21], [sflag:$0x2] =	stream.linear.gather [hbm4b:s20+s3], $0x80, $0x38;
	[tilespmem:$0x18C80] =	vst v63  }
0x26: {  	_ =	swait.ge [sflag:s14], $0x80  }
0x27: {  	[sflag:s14] =	ssyncset.done $0x0  }
.LBB2_3:
0x28: {  	[sflag:s14] =	ssyncadd.s32 $0xFFFFFF80  }
0x29: {  	[bflag:$0x0] =	sbarrier.arrive $0xFFFF  }
0x2a: {  	[tilespmem:s15], [sflag:$0x1] =	stream.linear.gather [hbm4b:s10+s3], $0x4000, $0x38;
	[tilespmem:$0x18C80] =	vst v63  }
0x2b: {  	_ =	swait.ge [sflag:s16], $0x4000  }
.Ltmp2:
0x2c: {  	[sflag:s16] =	ssyncset.done $0x0;
	(pc) =	sbr.rel @!p1 .LBB2_5-.Ltmp2, $4  }
0x2d: {  	s19 =	simm.s32 $0x0;
	[sflag:s16] =	ssyncadd.s32 $0xFFFFC000  }
0x2e: {  	[spmem:s2] =	stream.indirect.scatter.add.f32 [tilespmem:s15], [sflag:$0x2], $0x80, s19, s17, $0xb8;
	[tilespmem:$0x18C80] =	vst v63  }
0x2f: {  	_ =	swait.ge [sflag:s14], $0x4000  }
0x30: {  	s20 =	sadd.s32 $0xFFFFFFFF, s5;
	s21 =	smov.u32 s10;
	[sflag:s14] =	ssyncset.done $0x0  }
.LBB2_4:
0x31: {  	[sflag:s14] =	ssyncadd.s32 $0xFFFFC000;
	s19 =	sadd.s32 $0x80, s19;
	s21 =	sadd.s32 $0x10000, s21  }
0x32: {  	[tilespmem:s15], [sflag:$0x1] =	stream.linear.gather [hbm4b:s21+s3], $0x4000, $0x38;
	[tilespmem:$0x18C80] =	vst v63  }
0x33: {  	p1 =	sne.s32 s20, $0x1;
	s20 =	sadd.s32 $0xFFFFFFFF, s20;
	_ =	swait.ge [sflag:s16], $0x4000  }
.Ltmp3:
0x34: {  	[sflag:s16] =	ssyncset.done $0x0;
	(pc) =	sbr.rel @p1 .LBB2_4-.Ltmp3, $4  }
0x35: {  	[sflag:s16] =	ssyncadd.s32 $0xFFFFC000  }
0x36: {  	[spmem:s2] =	stream.indirect.scatter.add.f32 [tilespmem:s15], [sflag:$0x2], $0x80, s19, s17, $0xb8;
	[tilespmem:$0x18C80] =	vst v63  }
0x37: {  	_ =	swait.ge [sflag:s14], $0x4000  }
0x38: {  	[sflag:s14] =	ssyncset.done $0x0  }
.LBB2_5:
0x39: {  	[sflag:s14] =	ssyncadd.s32 $0xFFFFC000  }
0x3a: {  	s19 =	simm.s32 @p0 $0x1FC2;
	[bflag:$0x0] =	sbarrier.arrive $0xFFFF  }
0x3b: {  	[hbm:s7], [sflag:s19] =	dma.local @p0 [spmem:s11], $0x2080  }
0x3c: {  	s19 =	simm.s32 @p0 $0x2  }
0x3d: {  	s18 =	sadd.s32 $0x1, s18;
	_ =	swait.ge @p0 [sflag:s19], $0x2080  }
0x3e: {  	p1 =	sne.s32 s18, s8;
	[sflag:s19] =	ssyncset.done @p0 $0x0  }
.Ltmp4:
0x3f: {  	[sflag:s19] =	ssyncadd.s32 @p0 $0xFFFFDF80;
	s19 =	simm.s32 @!p0 $0x2;
	(pc) =	sbr.rel @p1 .LBB2_1-.Ltmp4, $4  }
0x40: {  	[hbm:s6], [sflag:s12] =	dma.local @!p0 [spmem:s13], $0x2780  }
0x41: {  	_ =	swait.ge @!p0 [sflag:s19], $0x2780  }
0x42: {  	[sflag:s19] =	ssyncset.done @!p0 $0x0  }
0x43: {  	[sflag:s19] =	ssyncadd.s32 @!p0 $0xFFFFD880  }
0x44: {  	_ =	sfence.sel $0x180000  }
0x45: {  	[bflag:$0x0] =	sbarrier.arrive $0xFFFF  }
0x46: {  	p0 =	sne.s32 s1, $0x0;
	_ =	strace $0x90000062  }
0x47: {  	s0 =	sadd.s32 @!p0 $0x100000, s0;
	[bflag:$0x2] =	sbarrier.arrive $0xFFFF  }
0x48: {  	[sflag:s0] =	ssyncadd.tile.s32 @!p0 $0x1;
	_ =	shalt  }
.Lfunc_end2:
_tile_overlayer_lowered:
.L_overlay_start_2:
0x49: {  	(tag) =	ssettag $0x2  }
0x4a: {  	s0 =	rddreg [dreg:$0x0];
	s2 =	stileid.u32  }
0x4b: {  	s1 =	rddreg [dreg:$0x1];
	p0 =	sne.s32 s2, $0x0  }
0x4c: {  	s3 =	rddreg [dreg:$0x2];
	[bflag:$0x3] =	sbarrier.arrive $0xFFFF;
	s2 =	simm.s32 @!p0 $0x1C02  }
0x4d: {  	[timem:s3], [sflag:s2] =	dma.local @!p0 [hbm:s0], s1  }
0x4e: {  	s0 =	simm.s32 @!p0 $0x2  }
0x4f: {  	_ =	swait.ge @!p0 [sflag:s0], s1  }
0x50: {  	s1 =	ssub.s32 @!p0 $0x0, s1;
	[sflag:s0] =	ssyncset.done @!p0 $0x0  }
0x51: {  	[sflag:s0] =	ssyncadd.s32 @!p0 s1  }
0x52: {  	[bflag:$0x3] =	sbarrier.arrive $0xFFFF  }
0x53: {  	_ =	shalt  }

</sc_bundles>
